<compile_context>
chip_gen: v7x
topology: tpu7x:2x2x1
jax: 0.10.2.dev20260603
libtpu: 0.0.44.dev20260713+nightly
codegen_flags: <defaults>
</compile_context>

<pallas_src>
import functools

import jax
import jax.numpy as jnp
from jax import lax
from jax.experimental import pallas as pl
from jax.experimental.pallas import tpu as pltpu
from jax.experimental.pallas import tpu_sc as plsc

SEQ = 8192
D_EMB = 768
NUM_CORES = 2
NUM_SUBCORES = 16
LANES = 16
NW = NUM_CORES * NUM_SUBCORES
ROWS_PER_W = SEQ // NW
CHUNK = 16
NCHUNK = ROWS_PER_W // CHUNK
NCOL = D_EMB // LANES
NTOK = 3
NPOS = 5
AHEAD = 2

_mesh = plsc.VectorSubcoreMesh(core_axis_name="c", subcore_axis_name="s")

_scratch = (
    [pltpu.VMEM((ROWS_PER_W,), jnp.int32)]
    + [pltpu.VMEM((CHUNK, D_EMB), jnp.float32) for _ in range(NTOK + NPOS)]
    + [pltpu.SemaphoreType.DMA for _ in range(NTOK + 2 * NPOS)]
)


@functools.partial(
    pl.kernel,
    mesh=_mesh,
    out_type=jax.ShapeDtypeStruct((SEQ, D_EMB), jnp.float32),
    scratch_types=_scratch,
)
def _embed(emb_hbm, pos_hbm, idx_hbm, out_hbm, idx_v, *bufs):
    tok = bufs[0:NTOK]
    pos = bufs[NTOK:NTOK + NPOS]
    sg = bufs[NTOK + NPOS:2 * NTOK + NPOS]
    sp = bufs[2 * NTOK + NPOS:2 * NTOK + 2 * NPOS]
    so = bufs[2 * NTOK + 2 * NPOS:2 * NTOK + 3 * NPOS]

    wid = lax.axis_index("s") * NUM_CORES + lax.axis_index("c")
    base = wid * ROWS_PER_W

    def issue_gather(ci):
        b = ci % NTOK
        return pltpu.async_copy(
            emb_hbm.at[idx_v.at[pl.ds(ci * CHUNK, CHUNK)]], tok[b], sg[b])

    def issue_pos(ci):
        b = ci % NPOS
        return pltpu.async_copy(
            pos_hbm.at[pl.ds(base + ci * CHUNK, CHUNK)], pos[b], sp[b])

    pq = {ci: issue_pos(ci) for ci in range(AHEAD)}
    pltpu.sync_copy(idx_hbm.at[pl.ds(base, ROWS_PER_W)], idx_v)
    gq = {ci: issue_gather(ci) for ci in range(AHEAD)}
    oq = {}

    for ci in range(NCHUNK):
        bt = ci % NTOK
        bp = ci % NPOS
        gq.pop(ci).wait()
        pq.pop(ci).wait()
        if ci + AHEAD < NCHUNK:
            gq[ci + AHEAD] = issue_gather(ci + AHEAD)
            if ci + AHEAD - NPOS in oq:
                oq.pop(ci + AHEAD - NPOS).wait()
            pq[ci + AHEAD] = issue_pos(ci + AHEAD)
        pb = pos[bp]
        tb = tok[bt]

        def col_body(c, _):
            s = pl.ds(c * LANES, LANES)
            for r in range(CHUNK):
                plsc.addupdate(pb.at[r, s], tb[r, s])
            return 0

        lax.fori_loop(0, NCOL, col_body, 0)
        oq[ci] = pltpu.async_copy(
            pb, out_hbm.at[pl.ds(base + ci * CHUNK, CHUNK)], so[bp])
    for ci in sorted(oq):
        oq[ci].wait()


def kernel(x, embedding, positional):
    return _embed(embedding, positional, x)

# --- scband reference (transcript-rebuilt; emitter-appended) ---
"""Pipeline reference for scband-gpt2-encoder-36610301231501 (READ-ONLY COPY).

The authoritative reference and input builder live on the scoring server;
editing this copy changes nothing except your own understanding.
"""

import jax, jax.numpy as jnp
import numpy as np

VOCAB = 50257
D_EMB = 768
MAX_POS = 8192
SEQ = 8192


def setup_inputs(seed: int = 0) -> dict:
    key = jax.random.key(seed)
    k_x, k_emb, k_pos = jax.random.split(key, 3)
    x = jax.random.randint(k_x, (SEQ,), 0, VOCAB, dtype=jnp.int64 if jax.config.jax_enable_x64 else jnp.int32).astype(jnp.int32)
    embedding = jax.random.normal(k_emb, (VOCAB, D_EMB), dtype=jnp.float32) * 0.02
    positional = jax.random.normal(k_pos, (MAX_POS, D_EMB), dtype=jnp.float32) * 0.02
    return {"x": x, "embedding": embedding, "positional": positional}


def reference(x, embedding, positional):
    # token embedding lookup (gather)
    tok = jnp.take(embedding, x, axis=0)
    # positional embedding lookup via arange(seq_len)
    indices = jnp.arange(x.shape[0])
    pos = jnp.take(positional, indices, axis=0)
    out = tok + pos
    # dropout with p=0.0 is identity
    return out

if __name__ == "__main__":
    import jax
    _d = setup_inputs()
    print(jax.jit(kernel)(*tuple(_d.values())))

</pallas_src>

<mosaic_0001>
#map = affine_map<(d0, d1) -> (0, 0)>
#map1 = affine_map<(d0, d1) -> (0)>
module attributes {stable_mosaic.version = 14 : i64} {
  func.func @_embed(%arg0: i32, %arg1: i32, %arg2: memref<50257x768xf32, #tpu.memory_space<hbm>>, %arg3: memref<8192x768xf32, #tpu.memory_space<hbm>>, %arg4: memref<8192xi32, #tpu.memory_space<hbm>>, %arg5: memref<8192x768xf32, #tpu.memory_space<hbm>>, %arg6: memref<256xi32, #tpu.memory_space<vmem>>, %arg7: memref<16x768xf32, #tpu.memory_space<vmem>>, %arg8: memref<16x768xf32, #tpu.memory_space<vmem>>, %arg9: memref<16x768xf32, #tpu.memory_space<vmem>>, %arg10: memref<16x768xf32, #tpu.memory_space<vmem>>, %arg11: memref<16x768xf32, #tpu.memory_space<vmem>>, %arg12: memref<16x768xf32, #tpu.memory_space<vmem>>, %arg13: memref<16x768xf32, #tpu.memory_space<vmem>>, %arg14: memref<16x768xf32, #tpu.memory_space<vmem>>, %arg15: memref<!tpu.dma_semaphore, #tpu.memory_space<semaphore_mem>>, %arg16: memref<!tpu.dma_semaphore, #tpu.memory_space<semaphore_mem>>, %arg17: memref<!tpu.dma_semaphore, #tpu.memory_space<semaphore_mem>>, %arg18: memref<!tpu.dma_semaphore, #tpu.memory_space<semaphore_mem>>, %arg19: memref<!tpu.dma_semaphore, #tpu.memory_space<semaphore_mem>>, %arg20: memref<!tpu.dma_semaphore, #tpu.memory_space<semaphore_mem>>, %arg21: memref<!tpu.dma_semaphore, #tpu.memory_space<semaphore_mem>>, %arg22: memref<!tpu.dma_semaphore, #tpu.memory_space<semaphore_mem>>, %arg23: memref<!tpu.dma_semaphore, #tpu.memory_space<semaphore_mem>>, %arg24: memref<!tpu.dma_semaphore, #tpu.memory_space<semaphore_mem>>, %arg25: memref<!tpu.dma_semaphore, #tpu.memory_space<semaphore_mem>>, %arg26: memref<!tpu.dma_semaphore, #tpu.memory_space<semaphore_mem>>, %arg27: memref<!tpu.dma_semaphore, #tpu.memory_space<semaphore_mem>>) attributes {dimension_semantics = [#tpu.dimension_semantics<core_parallel>, #tpu.dimension_semantics<subcore_parallel>], iteration_bounds = array<i64: 2, 16>, scalar_prefetch = 0 : i64, scratch_operands = 22 : i64, tpu.core_type = #tpu.core_type<sc_vector_subcore>, window_params = [{transform_indices = #map}, {transform_indices = #map}, {transform_indices = #map1}, {transform_indices = #map}]} {
    %mul3A = arith.constant 2 : i32
    %mul3A_0 = arith.muli %arg1, %mul3A : i32
    %add3A = arith.addi %mul3A_0, %arg0 : i32
    %mul3A_1 = arith.constant 256 : i32
    %mul3A_2 = arith.muli %add3A, %mul3A_1 : i32
    %add3A_3 = arith.constant 0 : i32
    %add3A_4 = arith.addi %mul3A_2, %add3A_3 : i32
    %dma_start3A = arith.constant 0 : i32
    %dma_start3A_5 = tpu.memref_slice %arg3[%add3A_4, %dma_start3A] : memref<8192x768xf32, #tpu.memory_space<hbm>> -> memref<16x768xf32, #tpu.memory_space<hbm>>
    %dma_start3A_6 = arith.constant 0 : i32
    %dma_start3A_7 = tpu.memref_slice %arg3[%add3A_4, %dma_start3A_6] : memref<8192x768xf32, #tpu.memory_space<hbm>> -> memref<16x768xf32, #tpu.memory_space<hbm>>
    tpu.enqueue_dma source(%dma_start3A_7 : memref<16x768xf32, #tpu.memory_space<hbm>>) target(%arg10 : memref<16x768xf32, #tpu.memory_space<vmem>>) target_semaphore(%arg18 : memref<!tpu.dma_semaphore, #tpu.memory_space<semaphore_mem>>)
    %add3A_8 = arith.constant 16 : i32
    %add3A_9 = arith.addi %mul3A_2, %add3A_8 : i32
    %dma_start3A_10 = arith.constant 0 : i32
    %dma_start3A_11 = tpu.memref_slice %arg3[%add3A_9, %dma_start3A_10] : memref<8192x768xf32, #tpu.memory_space<hbm>> -> memref<16x768xf32, #tpu.memory_space<hbm>>
    %dma_start3A_12 = arith.constant 0 : i32
    %dma_start3A_13 = tpu.memref_slice %arg3[%add3A_9, %dma_start3A_12] : memref<8192x768xf32, #tpu.memory_space<hbm>> -> memref<16x768xf32, #tpu.memory_space<hbm>>
    tpu.enqueue_dma source(%dma_start3A_13 : memref<16x768xf32, #tpu.memory_space<hbm>>) target(%arg11 : memref<16x768xf32, #tpu.memory_space<vmem>>) target_semaphore(%arg19 : memref<!tpu.dma_semaphore, #tpu.memory_space<semaphore_mem>>)
    "tpu.region"() ({
      %run_scoped3A = tpu.sem_alloc : memref<!tpu.dma_semaphore, #tpu.memory_space<semaphore_mem>>
      %dma_start3A_592 = tpu.memref_slice %arg4[%mul3A_2] : memref<8192xi32, #tpu.memory_space<hbm>> -> memref<256xi32, #tpu.memory_space<hbm>>
      %dma_start3A_593 = tpu.memref_slice %arg4[%mul3A_2] : memref<8192xi32, #tpu.memory_space<hbm>> -> memref<256xi32, #tpu.memory_space<hbm>>
      tpu.enqueue_dma source(%dma_start3A_593 : memref<256xi32, #tpu.memory_space<hbm>>) target(%arg6 : memref<256xi32, #tpu.memory_space<vmem>>) target_semaphore(%run_scoped3A : memref<!tpu.dma_semaphore, #tpu.memory_space<semaphore_mem>>)
      %dma_wait3A_594 = tpu.memref_slice %arg4[%mul3A_2] : memref<8192xi32, #tpu.memory_space<hbm>> -> memref<256xi32, #tpu.memory_space<hbm>>
      %dma_wait3A_595 = tpu.memref_slice %arg4[%mul3A_2] : memref<8192xi32, #tpu.memory_space<hbm>> -> memref<256xi32, #tpu.memory_space<hbm>>
      tpu.wait_dma2 semaphore(%run_scoped3A : memref<!tpu.dma_semaphore, #tpu.memory_space<semaphore_mem>>) src(%dma_wait3A_595 : memref<256xi32, #tpu.memory_space<hbm>>) dst(%arg6 : memref<256xi32, #tpu.memory_space<vmem>>)
      tpu.yield
    }) : () -> ()
    %dma_start3A_14 = arith.constant 0 : i32
    %dma_start3A_15 = tpu.memref_slice %arg6[%dma_start3A_14] : memref<256xi32, #tpu.memory_space<vmem>> -> memref<16xi32, #tpu.memory_space<vmem>>
    %dma_start3A_16 = arith.constant 0 : i32
    %dma_start3A_17 = arith.constant 0 : i32
    %dma_start3A_18 = tpu.memref_slice %arg2[%dma_start3A_16, %dma_start3A_17] : memref<50257x768xf32, #tpu.memory_space<hbm>> -> memref<50257x768xf32, #tpu.memory_space<hbm>>
    tpu.enqueue_indirect_dma source(%dma_start3A_18 : memref<50257x768xf32, #tpu.memory_space<hbm>>) target(%arg7 : memref<16x768xf32, #tpu.memory_space<vmem>>) offsets(%dma_start3A_15 : memref<16xi32, #tpu.memory_space<vmem>>) semaphore(%arg15 : memref<!tpu.dma_semaphore, #tpu.memory_space<semaphore_mem>>)
    %dma_start3A_19 = arith.constant 16 : i32
    %dma_start3A_20 = tpu.memref_slice %arg6[%dma_start3A_19] : memref<256xi32, #tpu.memory_space<vmem>> -> memref<16xi32, #tpu.memory_space<vmem>>
    %dma_start3A_21 = arith.constant 0 : i32
    %dma_start3A_22 = arith.constant 0 : i32
    %dma_start3A_23 = tpu.memref_slice %arg2[%dma_start3A_21, %dma_start3A_22] : memref<50257x768xf32, #tpu.memory_space<hbm>> -> memref<50257x768xf32, #tpu.memory_space<hbm>>
    tpu.enqueue_indirect_dma source(%dma_start3A_23 : memref<50257x768xf32, #tpu.memory_space<hbm>>) target(%arg8 : memref<16x768xf32, #tpu.memory_space<vmem>>) offsets(%dma_start3A_20 : memref<16xi32, #tpu.memory_space<vmem>>) semaphore(%arg16 : memref<!tpu.dma_semaphore, #tpu.memory_space<semaphore_mem>>)
    %dma_wait3A = arith.constant 0 : i32
    %dma_wait3A_24 = tpu.memref_slice %arg6[%dma_wait3A] : memref<256xi32, #tpu.memory_space<vmem>> -> memref<16xi32, #tpu.memory_space<vmem>>
    %dma_wait3A_25 = arith.constant 0 : i32
    %dma_wait3A_26 = arith.constant 0 : i32
    %dma_wait3A_27 = tpu.memref_slice %arg2[%dma_wait3A_25, %dma_wait3A_26] : memref<50257x768xf32, #tpu.memory_space<hbm>> -> memref<50257x768xf32, #tpu.memory_space<hbm>>
    tpu.wait_indirect_dma semaphore(%arg15 : memref<!tpu.dma_semaphore, #tpu.memory_space<semaphore_mem>>) src(%dma_wait3A_27 : memref<50257x768xf32, #tpu.memory_space<hbm>>) dst(%arg7 : memref<16x768xf32, #tpu.memory_space<vmem>>)
    %dma_wait3A_28 = arith.constant 0 : i32
    %dma_wait3A_29 = tpu.memref_slice %arg3[%add3A_4, %dma_wait3A_28] : memref<8192x768xf32, #tpu.memory_space<hbm>> -> memref<16x768xf32, #tpu.memory_space<hbm>>
    %dma_wait3A_30 = arith.constant 0 : i32
    %dma_wait3A_31 = tpu.memref_slice %arg3[%add3A_4, %dma_wait3A_30] : memref<8192x768xf32, #tpu.memory_space<hbm>> -> memref<16x768xf32, #tpu.memory_space<hbm>>
    tpu.wait_dma2 semaphore(%arg18 : memref<!tpu.dma_semaphore, #tpu.memory_space<semaphore_mem>>) src(%dma_wait3A_31 : memref<16x768xf32, #tpu.memory_space<hbm>>) dst(%arg10 : memref<16x768xf32, #tpu.memory_space<vmem>>)
    %dma_start3A_32 = arith.constant 32 : i32
    %dma_start3A_33 = tpu.memref_slice %arg6[%dma_start3A_32] : memref<256xi32, #tpu.memory_space<vmem>> -> memref<16xi32, #tpu.memory_space<vmem>>
    %dma_start3A_34 = arith.constant 0 : i32
    %dma_start3A_35 = arith.constant 0 : i32
    %dma_start3A_36 = tpu.memref_slice %arg2[%dma_start3A_34, %dma_start3A_35] : memref<50257x768xf32, #tpu.memory_space<hbm>> -> memref<50257x768xf32, #tpu.memory_space<hbm>>
    tpu.enqueue_indirect_dma source(%dma_start3A_36 : memref<50257x768xf32, #tpu.memory_space<hbm>>) target(%arg9 : memref<16x768xf32, #tpu.memory_space<vmem>>) offsets(%dma_start3A_33 : memref<16xi32, #tpu.memory_space<vmem>>) semaphore(%arg17 : memref<!tpu.dma_semaphore, #tpu.memory_space<semaphore_mem>>)
    %add3A_37 = arith.constant 32 : i32
    %add3A_38 = arith.addi %mul3A_2, %add3A_37 : i32
    %dma_start3A_39 = arith.constant 0 : i32
    %dma_start3A_40 = tpu.memref_slice %arg3[%add3A_38, %dma_start3A_39] : memref<8192x768xf32, #tpu.memory_space<hbm>> -> memref<16x768xf32, #tpu.memory_space<hbm>>
    %dma_start3A_41 = arith.constant 0 : i32
    %dma_start3A_42 = tpu.memref_slice %arg3[%add3A_38, %dma_start3A_41] : memref<8192x768xf32, #tpu.memory_space<hbm>> -> memref<16x768xf32, #tpu.memory_space<hbm>>
    tpu.enqueue_dma source(%dma_start3A_42 : memref<16x768xf32, #tpu.memory_space<hbm>>) target(%arg12 : memref<16x768xf32, #tpu.memory_space<vmem>>) target_semaphore(%arg20 : memref<!tpu.dma_semaphore, #tpu.memory_space<semaphore_mem>>)
    %scan3A = arith.constant 0 : i32
    %scan3A_43 = arith.constant 0 : i32
    %scan3A_44 = arith.constant 48 : i32
    %scan3A_45 = arith.addi %scan3A_43, %scan3A_44 : i32
    %scan3A_46 = arith.constant 1 : i32
    %scan3A_47 = scf.for %scan3A_592 = %scan3A_43 to %scan3A_45 step %scan3A_46 iter_args(%scan3A_593 = %scan3A) -> (i32)  : i32 {
      %mul3A_594 = arith.constant 16 : i32
      %mul3A_595 = arith.muli %scan3A_592, %mul3A_594 : i32
      %get3A = arith.constant 0 : i32
      %get3A_596 = arith.index_cast %get3A : i32 to index
      %get3A_597 = arith.index_cast %mul3A_595 : i32 to index
      %get3A_598 = tpu.vector_load %arg7[%get3A_596, %get3A_597] {strides = array<i32>} : memref<16x768xf32, #tpu.memory_space<vmem>>, vector<1x16xf32>,
      %get3A_599 = vector.shape_cast %get3A_598 : vector<1x16xf32> to vector<16xf32>
      %swap3A = arith.constant 0 : i32
      %swap3A_600 = arith.index_cast %swap3A : i32 to index
      %swap3A_601 = arith.index_cast %mul3A_595 : i32 to index
      %swap3A_602 = tpu.vector_load %arg10[%swap3A_600, %swap3A_601] {strides = array<i32>} : memref<16x768xf32, #tpu.memory_space<vmem>>, vector<1x16xf32>,
      %swap3A_603 = vector.shape_cast %swap3A_602 : vector<1x16xf32> to vector<16xf32>
      %swap3A_604 = vector.shape_cast %get3A_599 : vector<16xf32> to vector<1x16xf32>
      tpu.vector_store %arg10[%swap3A_600, %swap3A_601], %swap3A_604 {add = true, strides = array<i32>} : memref<16x768xf32, #tpu.memory_space<vmem>>, vector<1x16xf32>,
      %get3A_605 = arith.constant 1 : i32
      %get3A_606 = arith.index_cast %get3A_605 : i32 to index
      %get3A_607 = arith.index_cast %mul3A_595 : i32 to index
      %get3A_608 = tpu.vector_load %arg7[%get3A_606, %get3A_607] {strides = array<i32>} : memref<16x768xf32, #tpu.memory_space<vmem>>, vector<1x16xf32>,
      %get3A_609 = vector.shape_cast %get3A_608 : vector<1x16xf32> to vector<16xf32>
      %swap3A_610 = arith.constant 1 : i32
      %swap3A_611 = arith.index_cast %swap3A_610 : i32 to index
      %swap3A_612 = arith.index_cast %mul3A_595 : i32 to index
      %swap3A_613 = tpu.vector_load %arg10[%swap3A_611, %swap3A_612] {strides = array<i32>} : memref<16x768xf32, #tpu.memory_space<vmem>>, vector<1x16xf32>,
      %swap3A_614 = vector.shape_cast %swap3A_613 : vector<1x16xf32> to vector<16xf32>
      %swap3A_615 = vector.shape_cast %get3A_609 : vector<16xf32> to vector<1x16xf32>
      tpu.vector_store %arg10[%swap3A_611, %swap3A_612], %swap3A_615 {add = true, strides = array<i32>} : memref<16x768xf32, #tpu.memory_space<vmem>>, vector<1x16xf32>,
      %get3A_616 = arith.constant 2 : i32
      %get3A_617 = arith.index_cast %get3A_616 : i32 to index
      %get3A_618 = arith.index_cast %mul3A_595 : i32 to index
      %get3A_619 = tpu.vector_load %arg7[%get3A_617, %get3A_618] {strides = array<i32>} : memref<16x768xf32, #tpu.memory_space<vmem>>, vector<1x16xf32>,
      %get3A_620 = vector.shape_cast %get3A_619 : vector<1x16xf32> to vector<16xf32>
      %swap3A_621 = arith.constant 2 : i32
      %swap3A_622 = arith.index_cast %swap3A_621 : i32 to index
      %swap3A_623 = arith.index_cast %mul3A_595 : i32 to index
      %swap3A_624 = tpu.vector_load %arg10[%swap3A_622, %swap3A_623] {strides = array<i32>} : memref<16x768xf32, #tpu.memory_space<vmem>>, vector<1x16xf32>,
      %swap3A_625 = vector.shape_cast %swap3A_624 : vector<1x16xf32> to vector<16xf32>
      %swap3A_626 = vector.shape_cast %get3A_620 : vector<16xf32> to vector<1x16xf32>
      tpu.vector_store %arg10[%swap3A_622, %swap3A_623], %swap3A_626 {add = true, strides = array<i32>} : memref<16x768xf32, #tpu.memory_space<vmem>>, vector<1x16xf32>,
      %get3A_627 = arith.constant 3 : i32
      %get3A_628 = arith.index_cast %get3A_627 : i32 to index
      %get3A_629 = arith.index_cast %mul3A_595 : i32 to index
      %get3A_630 = tpu.vector_load %arg7[%get3A_628, %get3A_629] {strides = array<i32>} : memref<16x768xf32, #tpu.memory_space<vmem>>, vector<1x16xf32>,
      %get3A_631 = vector.shape_cast %get3A_630 : vector<1x16xf32> to vector<16xf32>
      %swap3A_632 = arith.constant 3 : i32
      %swap3A_633 = arith.index_cast %swap3A_632 : i32 to index
      %swap3A_634 = arith.index_cast %mul3A_595 : i32 to index
      %swap3A_635 = tpu.vector_load %arg10[%swap3A_633, %swap3A_634] {strides = array<i32>} : memref<16x768xf32, #tpu.memory_space<vmem>>, vector<1x16xf32>,
      %swap3A_636 = vector.shape_cast %swap3A_635 : vector<1x16xf32> to vector<16xf32>
      %swap3A_637 = vector.shape_cast %get3A_631 : vector<16xf32> to vector<1x16xf32>
      tpu.vector_store %arg10[%swap3A_633, %swap3A_634], %swap3A_637 {add = true, strides = array<i32>} : memref<16x768xf32, #tpu.memory_space<vmem>>, vector<1x16xf32>,
      %get3A_638 = arith.constant 4 : i32
      %get3A_639 = arith.index_cast %get3A_638 : i32 to index
      %get3A_640 = arith.index_cast %mul3A_595 : i32 to index
      %get3A_641 = tpu.vector_load %arg7[%get3A_639, %get3A_640] {strides = array<i32>} : memref<16x768xf32, #tpu.memory_space<vmem>>, vector<1x16xf32>,
      %get3A_642 = vector.shape_cast %get3A_641 : vector<1x16xf32> to vector<16xf32>
      %swap3A_643 = arith.constant 4 : i32
      %swap3A_644 = arith.index_cast %swap3A_643 : i32 to index
      %swap3A_645 = arith.index_cast %mul3A_595 : i32 to index
      %swap3A_646 = tpu.vector_load %arg10[%swap3A_644, %swap3A_645] {strides = array<i32>} : memref<16x768xf32, #tpu.memory_space<vmem>>, vector<1x16xf32>,
      %swap3A_647 = vector.shape_cast %swap3A_646 : vector<1x16xf32> to vector<16xf32>
      %swap3A_648 = vector.shape_cast %get3A_642 : vector<16xf32> to vector<1x16xf32>
      tpu.vector_store %arg10[%swap3A_644, %swap3A_645], %swap3A_648 {add = true, strides = array<i32>} : memref<16x768xf32, #tpu.memory_space<vmem>>, vector<1x16xf32>,
      %get3A_649 = arith.constant 5 : i32
      %get3A_650 = arith.index_cast %get3A_649 : i32 to index
      %get3A_651 = arith.index_cast %mul3A_595 : i32 to index
      %get3A_652 = tpu.vector_load %arg7[%get3A_650, %get3A_651] {strides = array<i32>} : memref<16x768xf32, #tpu.memory_space<vmem>>, vector<1x16xf32>,
      %get3A_653 = vector.shape_cast %get3A_652 : vector<1x16xf32> to vector<16xf32>
      %swap3A_654 = arith.constant 5 : i32
      %swap3A_655 = arith.index_cast %swap3A_654 : i32 to index
      %swap3A_656 = arith.index_cast %mul3A_595 : i32 to index
      %swap3A_657 = tpu.vector_load %arg10[%swap3A_655, %swap3A_656] {strides = array<i32>} : memref<16x768xf32, #tpu.memory_space<vmem>>, vector<1x16xf32>,
      %swap3A_658 = vector.shape_cast %swap3A_657 : vector<1x16xf32> to vector<16xf32>
      %swap3A_659 = vector.shape_cast %get3A_653 : vector<16xf32> to vector<1x16xf32>
      tpu.vector_store %arg10[%swap3A_655, %swap3A_656], %swap3A_659 {add = true, strides = array<i32>} : memref<16x768xf32, #tpu.memory_space<vmem>>, vector<1x16xf32>,
      %get3A_660 = arith.constant 6 : i32
      %get3A_661 = arith.index_cast %get3A_660 : i32 to index
      %get3A_662 = arith.index_cast %mul3A_595 : i32 to index
      %get3A_663 = tpu.vector_load %arg7[%get3A_661, %get3A_662] {strides = array<i32>} : memref<16x768xf32, #tpu.memory_space<vmem>>, vector<1x16xf32>,
      %get3A_664 = vector.shape_cast %get3A_663 : vector<1x16xf32> to vector<16xf32>
      %swap3A_665 = arith.constant 6 : i32
      %swap3A_666 = arith.index_cast %swap3A_665 : i32 to index
      %swap3A_667 = arith.index_cast %mul3A_595 : i32 to index
      %swap3A_668 = tpu.vector_load %arg10[%swap3A_666, %swap3A_667] {strides = array<i32>} : memref<16x768xf32, #tpu.memory_space<vmem>>, vector<1x16xf32>,
      %swap3A_669 = vector.shape_cast %swap3A_668 : vector<1x16xf32> to vector<16xf32>
      %swap3A_670 = vector.shape_cast %get3A_664 : vector<16xf32> to vector<1x16xf32>
      tpu.vector_store %arg10[%swap3A_666, %swap3A_667], %swap3A_670 {add = true, strides = array<i32>} : memref<16x768xf32, #tpu.memory_space<vmem>>, vector<1x16xf32>,
      %get3A_671 = arith.constant 7 : i32
      %get3A_672 = arith.index_cast %get3A_671 : i32 to index
      %get3A_673 = arith.index_cast %mul3A_595 : i32 to index
      %get3A_674 = tpu.vector_load %arg7[%get3A_672, %get3A_673] {strides = array<i32>} : memref<16x768xf32, #tpu.memory_space<vmem>>, vector<1x16xf32>,
      %get3A_675 = vector.shape_cast %get3A_674 : vector<1x16xf32> to vector<16xf32>
      %swap3A_676 = arith.constant 7 : i32
      %swap3A_677 = arith.index_cast %swap3A_676 : i32 to index
      %swap3A_678 = arith.index_cast %mul3A_595 : i32 to index
      %swap3A_679 = tpu.vector_load %arg10[%swap3A_677, %swap3A_678] {strides = array<i32>} : memref<16x768xf32, #tpu.memory_space<vmem>>, vector<1x16xf32>,
      %swap3A_680 = vector.shape_cast %swap3A_679 : vector<1x16xf32> to vector<16xf32>
      %swap3A_681 = vector.shape_cast %get3A_675 : vector<16xf32> to vector<1x16xf32>
      tpu.vector_store %arg10[%swap3A_677, %swap3A_678], %swap3A_681 {add = true, strides = array<i32>} : memref<16x768xf32, #tpu.memory_space<vmem>>, vector<1x16xf32>,
      %get3A_682 = arith.constant 8 : i32
      %get3A_683 = arith.index_cast %get3A_682 : i32 to index
      %get3A_684 = arith.index_cast %mul3A_595 : i32 to index
      %get3A_685 = tpu.vector_load %arg7[%get3A_683, %get3A_684] {strides = array<i32>} : memref<16x768xf32, #tpu.memory_space<vmem>>, vector<1x16xf32>,
      %get3A_686 = vector.shape_cast %get3A_685 : vector<1x16xf32> to vector<16xf32>
      %swap3A_687 = arith.constant 8 : i32
      %swap3A_688 = arith.index_cast %swap3A_687 : i32 to index
      %swap3A_689 = arith.index_cast %mul3A_595 : i32 to index
      %swap3A_690 = tpu.vector_load %arg10[%swap3A_688, %swap3A_689] {strides = array<i32>} : memref<16x768xf32, #tpu.memory_space<vmem>>, vector<1x16xf32>,
      %swap3A_691 = vector.shape_cast %swap3A_690 : vector<1x16xf32> to vector<16xf32>
      %swap3A_692 = vector.shape_cast %get3A_686 : vector<16xf32> to vector<1x16xf32>
      tpu.vector_store %arg10[%swap3A_688, %swap3A_689], %swap3A_692 {add = true, strides = array<i32>} : memref<16x768xf32, #tpu.memory_space<vmem>>, vector<1x16xf32>,
      %get3A_693 = arith.constant 9 : i32
      %get3A_694 = arith.index_cast %get3A_693 : i32 to index
      %get3A_695 = arith.index_cast %mul3A_595 : i32 to index
      %get3A_696 = tpu.vector_load %arg7[%get3A_694, %get3A_695] {strides = array<i32>} : memref<16x768xf32, #tpu.memory_space<vmem>>, vector<1x16xf32>,
      %get3A_697 = vector.shape_cast %get3A_696 : vector<1x16xf32> to vector<16xf32>
      %swap3A_698 = arith.constant 9 : i32
      %swap3A_699 = arith.index_cast %swap3A_698 : i32 to index
      %swap3A_700 = arith.index_cast %mul3A_595 : i32 to index
      %swap3A_701 = tpu.vector_load %arg10[%swap3A_699, %swap3A_700] {strides = array<i32>} : memref<16x768xf32, #tpu.memory_space<vmem>>, vector<1x16xf32>,
      %swap3A_702 = vector.shape_cast %swap3A_701 : vector<1x16xf32> to vector<16xf32>
      %swap3A_703 = vector.shape_cast %get3A_697 : vector<16xf32> to vector<1x16xf32>
      tpu.vector_store %arg10[%swap3A_699, %swap3A_700], %swap3A_703 {add = true, strides = array<i32>} : memref<16x768xf32, #tpu.memory_space<vmem>>, vector<1x16xf32>,
      %get3A_704 = arith.constant 10 : i32
      %get3A_705 = arith.index_cast %get3A_704 : i32 to index
      %get3A_706 = arith.index_cast %mul3A_595 : i32 to index
      %get3A_707 = tpu.vector_load %arg7[%get3A_705, %get3A_706] {strides = array<i32>} : memref<16x768xf32, #tpu.memory_space<vmem>>, vector<1x16xf32>,
      %get3A_708 = vector.shape_cast %get3A_707 : vector<1x16xf32> to vector<16xf32>
      %swap3A_709 = arith.constant 10 : i32
      %swap3A_710 = arith.index_cast %swap3A_709 : i32 to index
      %swap3A_711 = arith.index_cast %mul3A_595 : i32 to index
      %swap3A_712 = tpu.vector_load %arg10[%swap3A_710, %swap3A_711] {strides = array<i32>} : memref<16x768xf32, #tpu.memory_space<vmem>>, vector<1x16xf32>,
      %swap3A_713 = vector.shape_cast %swap3A_712 : vector<1x16xf32> to vector<16xf32>
      %swap3A_714 = vector.shape_cast %get3A_708 : vector<16xf32> to vector<1x16xf32>
      tpu.vector_store %arg10[%swap3A_710, %swap3A_711], %swap3A_714 {add = true, strides = array<i32>} : memref<16x768xf32, #tpu.memory_space<vmem>>, vector<1x16xf32>,
      %get3A_715 = arith.constant 11 : i32
      %get3A_716 = arith.index_cast %get3A_715 : i32 to index
      %get3A_717 = arith.index_cast %mul3A_595 : i32 to index
      %get3A_718 = tpu.vector_load %arg7[%get3A_716, %get3A_717] {strides = array<i32>} : memref<16x768xf32, #tpu.memory_space<vmem>>, vector<1x16xf32>,
      %get3A_719 = vector.shape_cast %get3A_718 : vector<1x16xf32> to vector<16xf32>
      %swap3A_720 = arith.constant 11 : i32
      %swap3A_721 = arith.index_cast %swap3A_720 : i32 to index
      %swap3A_722 = arith.index_cast %mul3A_595 : i32 to index
      %swap3A_723 = tpu.vector_load %arg10[%swap3A_721, %swap3A_722] {strides = array<i32>} : memref<16x768xf32, #tpu.memory_space<vmem>>, vector<1x16xf32>,
      %swap3A_724 = vector.shape_cast %swap3A_723 : vector<1x16xf32> to vector<16xf32>
      %swap3A_725 = vector.shape_cast %get3A_719 : vector<16xf32> to vector<1x16xf32>
      tpu.vector_store %arg10[%swap3A_721, %swap3A_722], %swap3A_725 {add = true, strides = array<i32>} : memref<16x768xf32, #tpu.memory_space<vmem>>, vector<1x16xf32>,
      %get3A_726 = arith.constant 12 : i32
      %get3A_727 = arith.index_cast %get3A_726 : i32 to index
      %get3A_728 = arith.index_cast %mul3A_595 : i32 to index
      %get3A_729 = tpu.vector_load %arg7[%get3A_727, %get3A_728] {strides = array<i32>} : memref<16x768xf32, #tpu.memory_space<vmem>>, vector<1x16xf32>,
      %get3A_730 = vector.shape_cast %get3A_729 : vector<1x16xf32> to vector<16xf32>
      %swap3A_731 = arith.constant 12 : i32
      %swap3A_732 = arith.index_cast %swap3A_731 : i32 to index
      %swap3A_733 = arith.index_cast %mul3A_595 : i32 to index
      %swap3A_734 = tpu.vector_load %arg10[%swap3A_732, %swap3A_733] {strides = array<i32>} : memref<16x768xf32, #tpu.memory_space<vmem>>, vector<1x16xf32>,
      %swap3A_735 = vector.shape_cast %swap3A_734 : vector<1x16xf32> to vector<16xf32>
      %swap3A_736 = vector.shape_cast %get3A_730 : vector<16xf32> to vector<1x16xf32>
      tpu.vector_store %arg10[%swap3A_732, %swap3A_733], %swap3A_736 {add = true, strides = array<i32>} : memref<16x768xf32, #tpu.memory_space<vmem>>, vector<1x16xf32>,
      %get3A_737 = arith.constant 13 : i32
      %get3A_738 = arith.index_cast %get3A_737 : i32 to index
      %get3A_739 = arith.index_cast %mul3A_595 : i32 to index
      %get3A_740 = tpu.vector_load %arg7[%get3A_738, %get3A_739] {strides = array<i32>} : memref<16x768xf32, #tpu.memory_space<vmem>>, vector<1x16xf32>,
      %get3A_741 = vector.shape_cast %get3A_740 : vector<1x16xf32> to vector<16xf32>
      %swap3A_742 = arith.constant 13 : i32
      %swap3A_743 = arith.index_cast %swap3A_742 : i32 to index
      %swap3A_744 = arith.index_cast %mul3A_595 : i32 to index
      %swap3A_745 = tpu.vector_load %arg10[%swap3A_743, %swap3A_744] {strides = array<i32>} : memref<16x768xf32, #tpu.memory_space<vmem>>, vector<1x16xf32>,
      %swap3A_746 = vector.shape_cast %swap3A_745 : vector<1x16xf32> to vector<16xf32>
      %swap3A_747 = vector.shape_cast %get3A_741 : vector<16xf32> to vector<1x16xf32>
      tpu.vector_store %arg10[%swap3A_743, %swap3A_744], %swap3A_747 {add = true, strides = array<i32>} : memref<16x768xf32, #tpu.memory_space<vmem>>, vector<1x16xf32>,
      %get3A_748 = arith.constant 14 : i32
      %get3A_749 = arith.index_cast %get3A_748 : i32 to index
      %get3A_750 = arith.index_cast %mul3A_595 : i32 to index
      %get3A_751 = tpu.vector_load %arg7[%get3A_749, %get3A_750] {strides = array<i32>} : memref<16x768xf32, #tpu.memory_space<vmem>>, vector<1x16xf32>,
      %get3A_752 = vector.shape_cast %get3A_751 : vector<1x16xf32> to vector<16xf32>
      %swap3A_753 = arith.constant 14 : i32
      %swap3A_754 = arith.index_cast %swap3A_753 : i32 to index
      %swap3A_755 = arith.index_cast %mul3A_595 : i32 to index
      %swap3A_756 = tpu.vector_load %arg10[%swap3A_754, %swap3A_755] {strides = array<i32>} : memref<16x768xf32, #tpu.memory_space<vmem>>, vector<1x16xf32>,
      %swap3A_757 = vector.shape_cast %swap3A_756 : vector<1x16xf32> to vector<16xf32>
      %swap3A_758 = vector.shape_cast %get3A_752 : vector<16xf32> to vector<1x16xf32>
      tpu.vector_store %arg10[%swap3A_754, %swap3A_755], %swap3A_758 {add = true, strides = array<i32>} : memref<16x768xf32, #tpu.memory_space<vmem>>, vector<1x16xf32>,
      %get3A_759 = arith.constant 15 : i32
      %get3A_760 = arith.index_cast %get3A_759 : i32 to index
      %get3A_761 = arith.index_cast %mul3A_595 : i32 to index
      %get3A_762 = tpu.vector_load %arg7[%get3A_760, %get3A_761] {strides = array<i32>} : memref<16x768xf32, #tpu.memory_space<vmem>>, vector<1x16xf32>,
      %get3A_763 = vector.shape_cast %get3A_762 : vector<1x16xf32> to vector<16xf32>
      %swap3A_764 = arith.constant 15 : i32
      %swap3A_765 = arith.index_cast %swap3A_764 : i32 to index
      %swap3A_766 = arith.index_cast %mul3A_595 : i32 to index
      %swap3A_767 = tpu.vector_load %arg10[%swap3A_765, %swap3A_766] {strides = array<i32>} : memref<16x768xf32, #tpu.memory_space<vmem>>, vector<1x16xf32>,
      %swap3A_768 = vector.shape_cast %swap3A_767 : vector<1x16xf32> to vector<16xf32>
      %swap3A_769 = vector.shape_cast %get3A_763 : vector<16xf32> to vector<1x16xf32>
      tpu.vector_store %arg10[%swap3A_765, %swap3A_766], %swap3A_769 {add = true, strides = array<i32>} : memref<16x768xf32, #tpu.memory_space<vmem>>, vector<1x16xf32>,
      %scan3A_770 = arith.constant 0 : i32
      scf.yield %scan3A_770 : i32
    }
    %scan3A_48 = arith.constant 48 : i32
    %add3A_49 = arith.constant 0 : i32
    %add3A_50 = arith.addi %mul3A_2, %add3A_49 : i32
    %dma_start3A_51 = arith.constant 0 : i32
    %dma_start3A_52 = tpu.memref_slice %arg5[%add3A_50, %dma_start3A_51] : memref<8192x768xf32, #tpu.memory_space<hbm>> -> memref<16x768xf32, #tpu.memory_space<hbm>>
    %dma_start3A_53 = arith.constant 0 : i32
    %dma_start3A_54 = tpu.memref_slice %arg5[%add3A_50, %dma_start3A_53] : memref<8192x768xf32, #tpu.memory_space<hbm>> -> memref<16x768xf32, #tpu.memory_space<hbm>>
    tpu.enqueue_dma source(%arg10 : memref<16x768xf32, #tpu.memory_space<vmem>>) target(%dma_start3A_54 : memref<16x768xf32, #tpu.memory_space<hbm>>) target_semaphore(%arg23 : memref<!tpu.dma_semaphore, #tpu.memory_space<semaphore_mem>>)
    %dma_wait3A_55 = arith.constant 16 : i32
    %dma_wait3A_56 = tpu.memref_slice %arg6[%dma_wait3A_55] : memref<256xi32, #tpu.memory_space<vmem>> -> memref<16xi32, #tpu.memory_space<vmem>>
    %dma_wait3A_57 = arith.constant 0 : i32
    %dma_wait3A_58 = arith.constant 0 : i32
    %dma_wait3A_59 = tpu.memref_slice %arg2[%dma_wait3A_57, %dma_wait3A_58] : memref<50257x768xf32, #tpu.memory_space<hbm>> -> memref<50257x768xf32, #tpu.memory_space<hbm>>
    tpu.wait_indirect_dma semaphore(%arg16 : memref<!tpu.dma_semaphore, #tpu.memory_space<semaphore_mem>>) src(%dma_wait3A_59 : memref<50257x768xf32, #tpu.memory_space<hbm>>) dst(%arg8 : memref<16x768xf32, #tpu.memory_space<vmem>>)
    %dma_wait3A_60 = arith.constant 0 : i32
    %dma_wait3A_61 = tpu.memref_slice %arg3[%add3A_9, %dma_wait3A_60] : memref<8192x768xf32, #tpu.memory_space<hbm>> -> memref<16x768xf32, #tpu.memory_space<hbm>>
    %dma_wait3A_62 = arith.constant 0 : i32
    %dma_wait3A_63 = tpu.memref_slice %arg3[%add3A_9, %dma_wait3A_62] : memref<8192x768xf32, #tpu.memory_space<hbm>> -> memref<16x768xf32, #tpu.memory_space<hbm>>
    tpu.wait_dma2 semaphore(%arg19 : memref<!tpu.dma_semaphore, #tpu.memory_space<semaphore_mem>>) src(%dma_wait3A_63 : memref<16x768xf32, #tpu.memory_space<hbm>>) dst(%arg11 : memref<16x768xf32, #tpu.memory_space<vmem>>)
    %dma_start3A_64 = arith.constant 48 : i32
    %dma_start3A_65 = tpu.memref_slice %arg6[%dma_start3A_64] : memref<256xi32, #tpu.memory_space<vmem>> -> memref<16xi32, #tpu.memory_space<vmem>>
    %dma_start3A_66 = arith.constant 0 : i32
    %dma_start3A_67 = arith.constant 0 : i32
    %dma_start3A_68 = tpu.memref_slice %arg2[%dma_start3A_66, %dma_start3A_67] : memref<50257x768xf32, #tpu.memory_space<hbm>> -> memref<50257x768xf32, #tpu.memory_space<hbm>>
    tpu.enqueue_indirect_dma source(%dma_start3A_68 : memref<50257x768xf32, #tpu.memory_space<hbm>>) target(%arg7 : memref<16x768xf32, #tpu.memory_space<vmem>>) offsets(%dma_start3A_65 : memref<16xi32, #tpu.memory_space<vmem>>) semaphore(%arg15 : memref<!tpu.dma_semaphore, #tpu.memory_space<semaphore_mem>>)
    %add3A_69 = arith.constant 48 : i32
    %add3A_70 = arith.addi %mul3A_2, %add3A_69 : i32
    %dma_start3A_71 = arith.constant 0 : i32
    %dma_start3A_72 = tpu.memref_slice %arg3[%add3A_70, %dma_start3A_71] : memref<8192x768xf32, #tpu.memory_space<hbm>> -> memref<16x768xf32, #tpu.memory_space<hbm>>
    %dma_start3A_73 = arith.constant 0 : i32
    %dma_start3A_74 = tpu.memref_slice %arg3[%add3A_70, %dma_start3A_73] : memref<8192x768xf32, #tpu.memory_space<hbm>> -> memref<16x768xf32, #tpu.memory_space<hbm>>
    tpu.enqueue_dma source(%dma_start3A_74 : memref<16x768xf32, #tpu.memory_space<hbm>>) target(%arg13 : memref<16x768xf32, #tpu.memory_space<vmem>>) target_semaphore(%arg21 : memref<!tpu.dma_semaphore, #tpu.memory_space<semaphore_mem>>)
    %scan3A_75 = arith.constant 0 : i32
    %scan3A_76 = arith.constant 0 : i32
    %scan3A_77 = arith.constant 48 : i32
    %scan3A_78 = arith.addi %scan3A_76, %scan3A_77 : i32
    %scan3A_79 = arith.constant 1 : i32
    %scan3A_80 = scf.for %scan3A_592 = %scan3A_76 to %scan3A_78 step %scan3A_79 iter_args(%scan3A_593 = %scan3A_75) -> (i32)  : i32 {
      %mul3A_594 = arith.constant 16 : i32
      %mul3A_595 = arith.muli %scan3A_592, %mul3A_594 : i32
      %get3A = arith.constant 0 : i32
      %get3A_596 = arith.index_cast %get3A : i32 to index
      %get3A_597 = arith.index_cast %mul3A_595 : i32 to index
      %get3A_598 = tpu.vector_load %arg8[%get3A_596, %get3A_597] {strides = array<i32>} : memref<16x768xf32, #tpu.memory_space<vmem>>, vector<1x16xf32>,
      %get3A_599 = vector.shape_cast %get3A_598 : vector<1x16xf32> to vector<16xf32>
      %swap3A = arith.constant 0 : i32
      %swap3A_600 = arith.index_cast %swap3A : i32 to index
      %swap3A_601 = arith.index_cast %mul3A_595 : i32 to index
      %swap3A_602 = tpu.vector_load %arg11[%swap3A_600, %swap3A_601] {strides = array<i32>} : memref<16x768xf32, #tpu.memory_space<vmem>>, vector<1x16xf32>,
      %swap3A_603 = vector.shape_cast %swap3A_602 : vector<1x16xf32> to vector<16xf32>
      %swap3A_604 = vector.shape_cast %get3A_599 : vector<16xf32> to vector<1x16xf32>
      tpu.vector_store %arg11[%swap3A_600, %swap3A_601], %swap3A_604 {add = true, strides = array<i32>} : memref<16x768xf32, #tpu.memory_space<vmem>>, vector<1x16xf32>,
      %get3A_605 = arith.constant 1 : i32
      %get3A_606 = arith.index_cast %get3A_605 : i32 to index
      %get3A_607 = arith.index_cast %mul3A_595 : i32 to index
      %get3A_608 = tpu.vector_load %arg8[%get3A_606, %get3A_607] {strides = array<i32>} : memref<16x768xf32, #tpu.memory_space<vmem>>, vector<1x16xf32>,
      %get3A_609 = vector.shape_cast %get3A_608 : vector<1x16xf32> to vector<16xf32>
      %swap3A_610 = arith.constant 1 : i32
      %swap3A_611 = arith.index_cast %swap3A_610 : i32 to index
      %swap3A_612 = arith.index_cast %mul3A_595 : i32 to index
      %swap3A_613 = tpu.vector_load %arg11[%swap3A_611, %swap3A_612] {strides = array<i32>} : memref<16x768xf32, #tpu.memory_space<vmem>>, vector<1x16xf32>,
      %swap3A_614 = vector.shape_cast %swap3A_613 : vector<1x16xf32> to vector<16xf32>
      %swap3A_615 = vector.shape_cast %get3A_609 : vector<16xf32> to vector<1x16xf32>
      tpu.vector_store %arg11[%swap3A_611, %swap3A_612], %swap3A_615 {add = true, strides = array<i32>} : memref<16x768xf32, #tpu.memory_space<vmem>>, vector<1x16xf32>,
      %get3A_616 = arith.constant 2 : i32
      %get3A_617 = arith.index_cast %get3A_616 : i32 to index
      %get3A_618 = arith.index_cast %mul3A_595 : i32 to index
      %get3A_619 = tpu.vector_load %arg8[%get3A_617, %get3A_618] {strides = array<i32>} : memref<16x768xf32, #tpu.memory_space<vmem>>, vector<1x16xf32>,
      %get3A_620 = vector.shape_cast %get3A_619 : vector<1x16xf32> to vector<16xf32>
      %swap3A_621 = arith.constant 2 : i32
      %swap3A_622 = arith.index_cast %swap3A_621 : i32 to index
      %swap3A_623 = arith.index_cast %mul3A_595 : i32 to index
      %swap3A_624 = tpu.vector_load %arg11[%swap3A_622, %swap3A_623] {strides = array<i32>} : memref<16x768xf32, #tpu.memory_space<vmem>>, vector<1x16xf32>,
      %swap3A_625 = vector.shape_cast %swap3A_624 : vector<1x16xf32> to vector<16xf32>
      %swap3A_626 = vector.shape_cast %get3A_620 : vector<16xf32> to vector<1x16xf32>
      tpu.vector_store %arg11[%swap3A_622, %swap3A_623], %swap3A_626 {add = true, strides = array<i32>} : memref<16x768xf32, #tpu.memory_space<vmem>>, vector<1x16xf32>,
      %get3A_627 = arith.constant 3 : i32
      %get3A_628 = arith.index_cast %get3A_627 : i32 to index
      %get3A_629 = arith.index_cast %mul3A_595 : i32 to index
      %get3A_630 = tpu.vector_load %arg8[%get3A_628, %get3A_629] {strides = array<i32>} : memref<16x768xf32, #tpu.memory_space<vmem>>, vector<1x16xf32>,
      %get3A_631 = vector.shape_cast %get3A_630 : vector<1x16xf32> to vector<16xf32>
      %swap3A_632 = arith.constant 3 : i32
      %swap3A_633 = arith.index_cast %swap3A_632 : i32 to index
      %swap3A_634 = arith.index_cast %mul3A_595 : i32 to index
      %swap3A_635 = tpu.vector_load %arg11[%swap3A_633, %swap3A_634] {strides = array<i32>} : memref<16x768xf32, #tpu.memory_space<vmem>>, vector<1x16xf32>,
      %swap3A_636 = vector.shape_cast %swap3A_635 : vector<1x16xf32> to vector<16xf32>
      %swap3A_637 = vector.shape_cast %get3A_631 : vector<16xf32> to vector<1x16xf32>
      tpu.vector_store %arg11[%swap3A_633, %swap3A_634], %swap3A_637 {add = true, strides = array<i32>} : memref<16x768xf32, #tpu.memory_space<vmem>>, vector<1x16xf32>,
      %get3A_638 = arith.constant 4 : i32
      %get3A_639 = arith.index_cast %get3A_638 : i32 to index
      %get3A_640 = arith.index_cast %mul3A_595 : i32 to index
      %get3A_641 = tpu.vector_load %arg8[%get3A_639, %get3A_640] {strides = array<i32>} : memref<16x768xf32, #tpu.memory_space<vmem>>, vector<1x16xf32>,
      %get3A_642 = vector.shape_cast %get3A_641 : vector<1x16xf32> to vector<16xf32>
      %swap3A_643 = arith.constant 4 : i32
      %swap3A_644 = arith.index_cast %swap3A_643 : i32 to index
      %swap3A_645 = arith.index_cast %mul3A_595 : i32 to index
      %swap3A_646 = tpu.vector_load %arg11[%swap3A_644, %swap3A_645] {strides = array<i32>} : memref<16x768xf32, #tpu.memory_space<vmem>>, vector<1x16xf32>,
      %swap3A_647 = vector.shape_cast %swap3A_646 : vector<1x16xf32> to vector<16xf32>
      %swap3A_648 = vector.shape_cast %get3A_642 : vector<16xf32> to vector<1x16xf32>
      tpu.vector_store %arg11[%swap3A_644, %swap3A_645], %swap3A_648 {add = true, strides = array<i32>} : memref<16x768xf32, #tpu.memory_space<vmem>>, vector<1x16xf32>,
      %get3A_649 = arith.constant 5 : i32
      %get3A_650 = arith.index_cast %get3A_649 : i32 to index
      %get3A_651 = arith.index_cast %mul3A_595 : i32 to index
      %get3A_652 = tpu.vector_load %arg8[%get3A_650, %get3A_651] {strides = array<i32>} : memref<16x768xf32, #tpu.memory_space<vmem>>, vector<1x16xf32>,
      %get3A_653 = vector.shape_cast %get3A_652 : vector<1x16xf32> to vector<16xf32>
      %swap3A_654 = arith.constant 5 : i32
      %swap3A_655 = arith.index_cast %swap3A_654 : i32 to index
      %swap3A_656 = arith.index_cast %mul3A_595 : i32 to index
      %swap3A_657 = tpu.vector_load %arg11[%swap3A_655, %swap3A_656] {strides = array<i32>} : memref<16x768xf32, #tpu.memory_space<vmem>>, vector<1x16xf32>,
      %swap3A_658 = vector.shape_cast %swap3A_657 : vector<1x16xf32> to vector<16xf32>
      %swap3A_659 = vector.shape_cast %get3A_653 : vector<16xf32> to vector<1x16xf32>
      tpu.vector_store %arg11[%swap3A_655, %swap3A_656], %swap3A_659 {add = true, strides = array<i32>} : memref<16x768xf32, #tpu.memory_space<vmem>>, vector<1x16xf32>,
      %get3A_660 = arith.constant 6 : i32
      %get3A_661 = arith.index_cast %get3A_660 : i32 to index
      %get3A_662 = arith.index_cast %mul3A_595 : i32 to index
      %get3A_663 = tpu.vector_load %arg8[%get3A_661, %get3A_662] {strides = array<i32>} : memref<16x768xf32, #tpu.memory_space<vmem>>, vector<1x16xf32>,
      %get3A_664 = vector.shape_cast %get3A_663 : vector<1x16xf32> to vector<16xf32>
      %swap3A_665 = arith.constant 6 : i32
      %swap3A_666 = arith.index_cast %swap3A_665 : i32 to index
      %swap3A_667 = arith.index_cast %mul3A_595 : i32 to index
      %swap3A_668 = tpu.vector_load %arg11[%swap3A_666, %swap3A_667] {strides = array<i32>} : memref<16x768xf32, #tpu.memory_space<vmem>>, vector<1x16xf32>,
      %swap3A_669 = vector.shape_cast %swap3A_668 : vector<1x16xf32> to vector<16xf32>
      %swap3A_670 = vector.shape_cast %get3A_664 : vector<16xf32> to vector<1x16xf32>
      tpu.vector_store %arg11[%swap3A_666, %swap3A_667], %swap3A_670 {add = true, strides = array<i32>} : memref<16x768xf32, #tpu.memory_space<vmem>>, vector<1x16xf32>,
      %get3A_671 = arith.constant 7 : i32
      %get3A_672 = arith.index_cast %get3A_671 : i32 to index
      %get3A_673 = arith.index_cast %mul3A_595 : i32 to index
      %get3A_674 = tpu.vector_load %arg8[%get3A_672, %get3A_673] {strides = array<i32>} : memref<16x768xf32, #tpu.memory_space<vmem>>, vector<1x16xf32>,
      %get3A_675 = vector.shape_cast %get3A_674 : vector<1x16xf32> to vector<16xf32>
      %swap3A_676 = arith.constant 7 : i32
      %swap3A_677 = arith.index_cast %swap3A_676 : i32 to index
      %swap3A_678 = arith.index_cast %mul3A_595 : i32 to index
      %swap3A_679 = tpu.vector_load %arg11[%swap3A_677, %swap3A_678] {strides = array<i32>} : memref<16x768xf32, #tpu.memory_space<vmem>>, vector<1x16xf32>,
      %swap3A_680 = vector.shape_cast %swap3A_679 : vector<1x16xf32> to vector<16xf32>
      %swap3A_681 = vector.shape_cast %get3A_675 : vector<16xf32> to vector<1x16xf32>
      tpu.vector_store %arg11[%swap3A_677, %swap3A_678], %swap3A_681 {add = true, strides = array<i32>} : memref<16x768xf32, #tpu.memory_space<vmem>>, vector<1x16xf32>,
      %get3A_682 = arith.constant 8 : i32
      %get3A_683 = arith.index_cast %get3A_682 : i32 to index
      %get3A_684 = arith.index_cast %mul3A_595 : i32 to index
      %get3A_685 = tpu.vector_load %arg8[%get3A_683, %get3A_684] {strides = array<i32>} : memref<16x768xf32, #tpu.memory_space<vmem>>, vector<1x16xf32>,
      %get3A_686 = vector.shape_cast %get3A_685 : vector<1x16xf32> to vector<16xf32>
      %swap3A_687 = arith.constant 8 : i32
      %swap3A_688 = arith.index_cast %swap3A_687 : i32 to index
      %swap3A_689 = arith.index_cast %mul3A_595 : i32 to index
      %swap3A_690 = tpu.vector_load %arg11[%swap3A_688, %swap3A_689] {strides = array<i32>} : memref<16x768xf32, #tpu.memory_space<vmem>>, vector<1x16xf32>,
      %swap3A_691 = vector.shape_cast %swap3A_690 : vector<1x16xf32> to vector<16xf32>
      %swap3A_692 = vector.shape_cast %get3A_686 : vector<16xf32> to vector<1x16xf32>
      tpu.vector_store %arg11[%swap3A_688, %swap3A_689], %swap3A_692 {add = true, strides = array<i32>} : memref<16x768xf32, #tpu.memory_space<vmem>>, vector<1x16xf32>,
      %get3A_693 = arith.constant 9 : i32
      %get3A_694 = arith.index_cast %get3A_693 : i32 to index
      %get3A_695 = arith.index_cast %mul3A_595 : i32 to index
      %get3A_696 = tpu.vector_load %arg8[%get3A_694, %get3A_695] {strides = array<i32>} : memref<16x768xf32, #tpu.memory_space<vmem>>, vector<1x16xf32>,
      %get3A_697 = vector.shape_cast %get3A_696 : vector<1x16xf32> to vector<16xf32>
      %swap3A_698 = arith.constant 9 : i32
      %swap3A_699 = arith.index_cast %swap3A_698 : i32 to index
      %swap3A_700 = arith.index_cast %mul3A_595 : i32 to index
      %swap3A_701 = tpu.vector_load %arg11[%swap3A_699, %swap3A_700] {strides = array<i32>} : memref<16x768xf32, #tpu.memory_space<vmem>>, vector<1x16xf32>,
      %swap3A_702 = vector.shape_cast %swap3A_701 : vector<1x16xf32> to vector<16xf32>
      %swap3A_703 = vector.shape_cast %get3A_697 : vector<16xf32> to vector<1x16xf32>
      tpu.vector_store %arg11[%swap3A_699, %swap3A_700], %swap3A_703 {add = true, strides = array<i32>} : memref<16x768xf32, #tpu.memory_space<vmem>>, vector<1x16xf32>,
      %get3A_704 = arith.constant 10 : i32
      %get3A_705 = arith.index_cast %get3A_704 : i32 to index
      %get3A_706 = arith.index_cast %mul3A_595 : i32 to index
      %get3A_707 = tpu.vector_load %arg8[%get3A_705, %get3A_706] {strides = array<i32>} : memref<16x768xf32, #tpu.memory_space<vmem>>, vector<1x16xf32>,
      %get3A_708 = vector.shape_cast %get3A_707 : vector<1x16xf32> to vector<16xf32>
      %swap3A_709 = arith.constant 10 : i32
      %swap3A_710 = arith.index_cast %swap3A_709 : i32 to index
      %swap3A_711 = arith.index_cast %mul3A_595 : i32 to index
      %swap3A_712 = tpu.vector_load %arg11[%swap3A_710, %swap3A_711] {strides = array<i32>} : memref<16x768xf32, #tpu.memory_space<vmem>>, vector<1x16xf32>,
      %swap3A_713 = vector.shape_cast %swap3A_712 : vector<1x16xf32> to vector<16xf32>
      %swap3A_714 = vector.shape_cast %get3A_708 : vector<16xf32> to vector<1x16xf32>
      tpu.vector_store %arg11[%swap3A_710, %swap3A_711], %swap3A_714 {add = true, strides = array<i32>} : memref<16x768xf32, #tpu.memory_space<vmem>>, vector<1x16xf32>,
      %get3A_715 = arith.constant 11 : i32
      %get3A_716 = arith.index_cast %get3A_715 : i32 to index
      %get3A_717 = arith.index_cast %mul3A_595 : i32 to index
      %get3A_718 = tpu.vector_load %arg8[%get3A_716, %get3A_717] {strides = array<i32>} : memref<16x768xf32, #tpu.memory_space<vmem>>, vector<1x16xf32>,
      %get3A_719 = vector.shape_cast %get3A_718 : vector<1x16xf32> to vector<16xf32>
      %swap3A_720 = arith.constant 11 : i32
      %swap3A_721 = arith.index_cast %swap3A_720 : i32 to index
      %swap3A_722 = arith.index_cast %mul3A_595 : i32 to index
      %swap3A_723 = tpu.vector_load %arg11[%swap3A_721, %swap3A_722] {strides = array<i32>} : memref<16x768xf32, #tpu.memory_space<vmem>>, vector<1x16xf32>,
      %swap3A_724 = vector.shape_cast %swap3A_723 : vector<1x16xf32> to vector<16xf32>
      %swap3A_725 = vector.shape_cast %get3A_719 : vector<16xf32> to vector<1x16xf32>
      tpu.vector_store %arg11[%swap3A_721, %swap3A_722], %swap3A_725 {add = true, strides = array<i32>} : memref<16x768xf32, #tpu.memory_space<vmem>>, vector<1x16xf32>,
      %get3A_726 = arith.constant 12 : i32
      %get3A_727 = arith.index_cast %get3A_726 : i32 to index
      %get3A_728 = arith.index_cast %mul3A_595 : i32 to index
      %get3A_729 = tpu.vector_load %arg8[%get3A_727, %get3A_728] {strides = array<i32>} : memref<16x768xf32, #tpu.memory_space<vmem>>, vector<1x16xf32>,
      %get3A_730 = vector.shape_cast %get3A_729 : vector<1x16xf32> to vector<16xf32>
      %swap3A_731 = arith.constant 12 : i32
      %swap3A_732 = arith.index_cast %swap3A_731 : i32 to index
      %swap3A_733 = arith.index_cast %mul3A_595 : i32 to index
      %swap3A_734 = tpu.vector_load %arg11[%swap3A_732, %swap3A_733] {strides = array<i32>} : memref<16x768xf32, #tpu.memory_space<vmem>>, vector<1x16xf32>,
      %swap3A_735 = vector.shape_cast %swap3A_734 : vector<1x16xf32> to vector<16xf32>
      %swap3A_736 = vector.shape_cast %get3A_730 : vector<16xf32> to vector<1x16xf32>
      tpu.vector_store %arg11[%swap3A_732, %swap3A_733], %swap3A_736 {add = true, strides = array<i32>} : memref<16x768xf32, #tpu.memory_space<vmem>>, vector<1x16xf32>,
      %get3A_737 = arith.constant 13 : i32
      %get3A_738 = arith.index_cast %get3A_737 : i32 to index
      %get3A_739 = arith.index_cast %mul3A_595 : i32 to index
      %get3A_740 = tpu.vector_load %arg8[%get3A_738, %get3A_739] {strides = array<i32>} : memref<16x768xf32, #tpu.memory_space<vmem>>, vector<1x16xf32>,
      %get3A_741 = vector.shape_cast %get3A_740 : vector<1x16xf32> to vector<16xf32>
      %swap3A_742 = arith.constant 13 : i32
      %swap3A_743 = arith.index_cast %swap3A_742 : i32 to index
      %swap3A_744 = arith.index_cast %mul3A_595 : i32 to index
      %swap3A_745 = tpu.vector_load %arg11[%swap3A_743, %swap3A_744] {strides = array<i32>} : memref<16x768xf32, #tpu.memory_space<vmem>>, vector<1x16xf32>,
      %swap3A_746 = vector.shape_cast %swap3A_745 : vector<1x16xf32> to vector<16xf32>
      %swap3A_747 = vector.shape_cast %get3A_741 : vector<16xf32> to vector<1x16xf32>
      tpu.vector_store %arg11[%swap3A_743, %swap3A_744], %swap3A_747 {add = true, strides = array<i32>} : memref<16x768xf32, #tpu.memory_space<vmem>>, vector<1x16xf32>,
      %get3A_748 = arith.constant 14 : i32
      %get3A_749 = arith.index_cast %get3A_748 : i32 to index
      %get3A_750 = arith.index_cast %mul3A_595 : i32 to index
      %get3A_751 = tpu.vector_load %arg8[%get3A_749, %get3A_750] {strides = array<i32>} : memref<16x768xf32, #tpu.memory_space<vmem>>, vector<1x16xf32>,
      %get3A_752 = vector.shape_cast %get3A_751 : vector<1x16xf32> to vector<16xf32>
      %swap3A_753 = arith.constant 14 : i32
      %swap3A_754 = arith.index_cast %swap3A_753 : i32 to index
      %swap3A_755 = arith.index_cast %mul3A_595 : i32 to index
      %swap3A_756 = tpu.vector_load %arg11[%swap3A_754, %swap3A_755] {strides = array<i32>} : memref<16x768xf32, #tpu.memory_space<vmem>>, vector<1x16xf32>,
      %swap3A_757 = vector.shape_cast %swap3A_756 : vector<1x16xf32> to vector<16xf32>
      %swap3A_758 = vector.shape_cast %get3A_752 : vector<16xf32> to vector<1x16xf32>
      tpu.vector_store %arg11[%swap3A_754, %swap3A_755], %swap3A_758 {add = true, strides = array<i32>} : memref<16x768xf32, #tpu.memory_space<vmem>>, vector<1x16xf32>,
      %get3A_759 = arith.constant 15 : i32
      %get3A_760 = arith.index_cast %get3A_759 : i32 to index
      %get3A_761 = arith.index_cast %mul3A_595 : i32 to index
      %get3A_762 = tpu.vector_load %arg8[%get3A_760, %get3A_761] {strides = array<i32>} : memref<16x768xf32, #tpu.memory_space<vmem>>, vector<1x16xf32>,
      %get3A_763 = vector.shape_cast %get3A_762 : vector<1x16xf32> to vector<16xf32>
      %swap3A_764 = arith.constant 15 : i32
      %swap3A_765 = arith.index_cast %swap3A_764 : i32 to index
      %swap3A_766 = arith.index_cast %mul3A_595 : i32 to index
      %swap3A_767 = tpu.vector_load %arg11[%swap3A_765, %swap3A_766] {strides = array<i32>} : memref<16x768xf32, #tpu.memory_space<vmem>>, vector<1x16xf32>,
      %swap3A_768 = vector.shape_cast %swap3A_767 : vector<1x16xf32> to vector<16xf32>
      %swap3A_769 = vector.shape_cast %get3A_763 : vector<16xf32> to vector<1x16xf32>
      tpu.vector_store %arg11[%swap3A_765, %swap3A_766], %swap3A_769 {add = true, strides = array<i32>} : memref<16x768xf32, #tpu.memory_space<vmem>>, vector<1x16xf32>,
      %scan3A_770 = arith.constant 0 : i32
      scf.yield %scan3A_770 : i32
    }
    %scan3A_81 = arith.constant 48 : i32
    %add3A_82 = arith.constant 16 : i32
    %add3A_83 = arith.addi %mul3A_2, %add3A_82 : i32
    %dma_start3A_84 = arith.constant 0 : i32
    %dma_start3A_85 = tpu.memref_slice %arg5[%add3A_83, %dma_start3A_84] : memref<8192x768xf32, #tpu.memory_space<hbm>> -> memref<16x768xf32, #tpu.memory_space<hbm>>
    %dma_start3A_86 = arith.constant 0 : i32
    %dma_start3A_87 = tpu.memref_slice %arg5[%add3A_83, %dma_start3A_86] : memref<8192x768xf32, #tpu.memory_space<hbm>> -> memref<16x768xf32, #tpu.memory_space<hbm>>
    tpu.enqueue_dma source(%arg11 : memref<16x768xf32, #tpu.memory_space<vmem>>) target(%dma_start3A_87 : memref<16x768xf32, #tpu.memory_space<hbm>>) target_semaphore(%arg24 : memref<!tpu.dma_semaphore, #tpu.memory_space<semaphore_mem>>)
    %dma_wait3A_88 = arith.constant 32 : i32
    %dma_wait3A_89 = tpu.memref_slice %arg6[%dma_wait3A_88] : memref<256xi32, #tpu.memory_space<vmem>> -> memref<16xi32, #tpu.memory_space<vmem>>
    %dma_wait3A_90 = arith.constant 0 : i32
    %dma_wait3A_91 = arith.constant 0 : i32
    %dma_wait3A_92 = tpu.memref_slice %arg2[%dma_wait3A_90, %dma_wait3A_91] : memref<50257x768xf32, #tpu.memory_space<hbm>> -> memref<50257x768xf32, #tpu.memory_space<hbm>>
    tpu.wait_indirect_dma semaphore(%arg17 : memref<!tpu.dma_semaphore, #tpu.memory_space<semaphore_mem>>) src(%dma_wait3A_92 : memref<50257x768xf32, #tpu.memory_space<hbm>>) dst(%arg9 : memref<16x768xf32, #tpu.memory_space<vmem>>)
    %dma_wait3A_93 = arith.constant 0 : i32
    %dma_wait3A_94 = tpu.memref_slice %arg3[%add3A_38, %dma_wait3A_93] : memref<8192x768xf32, #tpu.memory_space<hbm>> -> memref<16x768xf32, #tpu.memory_space<hbm>>
    %dma_wait3A_95 = arith.constant 0 : i32
    %dma_wait3A_96 = tpu.memref_slice %arg3[%add3A_38, %dma_wait3A_95] : memref<8192x768xf32, #tpu.memory_space<hbm>> -> memref<16x768xf32, #tpu.memory_space<hbm>>
    tpu.wait_dma2 semaphore(%arg20 : memref<!tpu.dma_semaphore, #tpu.memory_space<semaphore_mem>>) src(%dma_wait3A_96 : memref<16x768xf32, #tpu.memory_space<hbm>>) dst(%arg12 : memref<16x768xf32, #tpu.memory_space<vmem>>)
    %dma_start3A_97 = arith.constant 64 : i32
    %dma_start3A_98 = tpu.memref_slice %arg6[%dma_start3A_97] : memref<256xi32, #tpu.memory_space<vmem>> -> memref<16xi32, #tpu.memory_space<vmem>>
    %dma_start3A_99 = arith.constant 0 : i32
    %dma_start3A_100 = arith.constant 0 : i32
    %dma_start3A_101 = tpu.memref_slice %arg2[%dma_start3A_99, %dma_start3A_100] : memref<50257x768xf32, #tpu.memory_space<hbm>> -> memref<50257x768xf32, #tpu.memory_space<hbm>>
    tpu.enqueue_indirect_dma source(%dma_start3A_101 : memref<50257x768xf32, #tpu.memory_space<hbm>>) target(%arg8 : memref<16x768xf32, #tpu.memory_space<vmem>>) offsets(%dma_start3A_98 : memref<16xi32, #tpu.memory_space<vmem>>) semaphore(%arg16 : memref<!tpu.dma_semaphore, #tpu.memory_space<semaphore_mem>>)
    %add3A_102 = arith.constant 64 : i32
    %add3A_103 = arith.addi %mul3A_2, %add3A_102 : i32
    %dma_start3A_104 = arith.constant 0 : i32
    %dma_start3A_105 = tpu.memref_slice %arg3[%add3A_103, %dma_start3A_104] : memref<8192x768xf32, #tpu.memory_space<hbm>> -> memref<16x768xf32, #tpu.memory_space<hbm>>
    %dma_start3A_106 = arith.constant 0 : i32
    %dma_start3A_107 = tpu.memref_slice %arg3[%add3A_103, %dma_start3A_106] : memref<8192x768xf32, #tpu.memory_space<hbm>> -> memref<16x768xf32, #tpu.memory_space<hbm>>
    tpu.enqueue_dma source(%dma_start3A_107 : memref<16x768xf32, #tpu.memory_space<hbm>>) target(%arg14 : memref<16x768xf32, #tpu.memory_space<vmem>>) target_semaphore(%arg22 : memref<!tpu.dma_semaphore, #tpu.memory_space<semaphore_mem>>)
    %scan3A_108 = arith.constant 0 : i32
    %scan3A_109 = arith.constant 0 : i32
    %scan3A_110 = arith.constant 48 : i32
    %scan3A_111 = arith.addi %scan3A_109, %scan3A_110 : i32
    %scan3A_112 = arith.constant 1 : i32
    %scan3A_113 = scf.for %scan3A_592 = %scan3A_109 to %scan3A_111 step %scan3A_112 iter_args(%scan3A_593 = %scan3A_108) -> (i32)  : i32 {
      %mul3A_594 = arith.constant 16 : i32
      %mul3A_595 = arith.muli %scan3A_592, %mul3A_594 : i32
      %get3A = arith.constant 0 : i32
      %get3A_596 = arith.index_cast %get3A : i32 to index
      %get3A_597 = arith.index_cast %mul3A_595 : i32 to index
      %get3A_598 = tpu.vector_load %arg9[%get3A_596, %get3A_597] {strides = array<i32>} : memref<16x768xf32, #tpu.memory_space<vmem>>, vector<1x16xf32>,
      %get3A_599 = vector.shape_cast %get3A_598 : vector<1x16xf32> to vector<16xf32>
      %swap3A = arith.constant 0 : i32
      %swap3A_600 = arith.index_cast %swap3A : i32 to index
      %swap3A_601 = arith.index_cast %mul3A_595 : i32 to index
      %swap3A_602 = tpu.vector_load %arg12[%swap3A_600, %swap3A_601] {strides = array<i32>} : memref<16x768xf32, #tpu.memory_space<vmem>>, vector<1x16xf32>,
      %swap3A_603 = vector.shape_cast %swap3A_602 : vector<1x16xf32> to vector<16xf32>
      %swap3A_604 = vector.shape_cast %get3A_599 : vector<16xf32> to vector<1x16xf32>
      tpu.vector_store %arg12[%swap3A_600, %swap3A_601], %swap3A_604 {add = true, strides = array<i32>} : memref<16x768xf32, #tpu.memory_space<vmem>>, vector<1x16xf32>,
      %get3A_605 = arith.constant 1 : i32
      %get3A_606 = arith.index_cast %get3A_605 : i32 to index
      %get3A_607 = arith.index_cast %mul3A_595 : i32 to index
      %get3A_608 = tpu.vector_load %arg9[%get3A_606, %get3A_607] {strides = array<i32>} : memref<16x768xf32, #tpu.memory_space<vmem>>, vector<1x16xf32>,
      %get3A_609 = vector.shape_cast %get3A_608 : vector<1x16xf32> to vector<16xf32>
      %swap3A_610 = arith.constant 1 : i32
      %swap3A_611 = arith.index_cast %swap3A_610 : i32 to index
      %swap3A_612 = arith.index_cast %mul3A_595 : i32 to index
      %swap3A_613 = tpu.vector_load %arg12[%swap3A_611, %swap3A_612] {strides = array<i32>} : memref<16x768xf32, #tpu.memory_space<vmem>>, vector<1x16xf32>,
      %swap3A_614 = vector.shape_cast %swap3A_613 : vector<1x16xf32> to vector<16xf32>
      %swap3A_615 = vector.shape_cast %get3A_609 : vector<16xf32> to vector<1x16xf32>
      tpu.vector_store %arg12[%swap3A_611, %swap3A_612], %swap3A_615 {add = true, strides = array<i32>} : memref<16x768xf32, #tpu.memory_space<vmem>>, vector<1x16xf32>,
      %get3A_616 = arith.constant 2 : i32
      %get3A_617 = arith.index_cast %get3A_616 : i32 to index
      %get3A_618 = arith.index_cast %mul3A_595 : i32 to index
      %get3A_619 = tpu.vector_load %arg9[%get3A_617, %get3A_618] {strides = array<i32>} : memref<16x768xf32, #tpu.memory_space<vmem>>, vector<1x16xf32>,
      %get3A_620 = vector.shape_cast %get3A_619 : vector<1x16xf32> to vector<16xf32>
      %swap3A_621 = arith.constant 2 : i32
      %swap3A_622 = arith.index_cast %swap3A_621 : i32 to index
      %swap3A_623 = arith.index_cast %mul3A_595 : i32 to index
      %swap3A_624 = tpu.vector_load %arg12[%swap3A_622, %swap3A_623] {strides = array<i32>} : memref<16x768xf32, #tpu.memory_space<vmem>>, vector<1x16xf32>,
      %swap3A_625 = vector.shape_cast %swap3A_624 : vector<1x16xf32> to vector<16xf32>
      %swap3A_626 = vector.shape_cast %get3A_620 : vector<16xf32> to vector<1x16xf32>
      tpu.vector_store %arg12[%swap3A_622, %swap3A_623], %swap3A_626 {add = true, strides = array<i32>} : memref<16x768xf32, #tpu.memory_space<vmem>>, vector<1x16xf32>,
      %get3A_627 = arith.constant 3 : i32
      %get3A_628 = arith.index_cast %get3A_627 : i32 to index
      %get3A_629 = arith.index_cast %mul3A_595 : i32 to index
      %get3A_630 = tpu.vector_load %arg9[%get3A_628, %get3A_629] {strides = array<i32>} : memref<16x768xf32, #tpu.memory_space<vmem>>, vector<1x16xf32>,
      %get3A_631 = vector.shape_cast %get3A_630 : vector<1x16xf32> to vector<16xf32>
      %swap3A_632 = arith.constant 3 : i32
      %swap3A_633 = arith.index_cast %swap3A_632 : i32 to index
      %swap3A_634 = arith.index_cast %mul3A_595 : i32 to index
      %swap3A_635 = tpu.vector_load %arg12[%swap3A_633, %swap3A_634] {strides = array<i32>} : memref<16x768xf32, #tpu.memory_space<vmem>>, vector<1x16xf32>,
      %swap3A_636 = vector.shape_cast %swap3A_635 : vector<1x16xf32> to vector<16xf32>
      %swap3A_637 = vector.shape_cast %get3A_631 : vector<16xf32> to vector<1x16xf32>
      tpu.vector_store %arg12[%swap3A_633, %swap3A_634], %swap3A_637 {add = true, strides = array<i32>} : memref<16x768xf32, #tpu.memory_space<vmem>>, vector<1x16xf32>,
      %get3A_638 = arith.constant 4 : i32
      %get3A_639 = arith.index_cast %get3A_638 : i32 to index
      %get3A_640 = arith.index_cast %mul3A_595 : i32 to index
      %get3A_641 = tpu.vector_load %arg9[%get3A_639, %get3A_640] {strides = array<i32>} : memref<16x768xf32, #tpu.memory_space<vmem>>, vector<1x16xf32>,
      %get3A_642 = vector.shape_cast %get3A_641 : vector<1x16xf32> to vector<16xf32>
      %swap3A_643 = arith.constant 4 : i32
      %swap3A_644 = arith.index_cast %swap3A_643 : i32 to index
      %swap3A_645 = arith.index_cast %mul3A_595 : i32 to index
      %swap3A_646 = tpu.vector_load %arg12[%swap3A_644, %swap3A_645] {strides = array<i32>} : memref<16x768xf32, #tpu.memory_space<vmem>>, vector<1x16xf32>,
      %swap3A_647 = vector.shape_cast %swap3A_646 : vector<1x16xf32> to vector<16xf32>
      %swap3A_648 = vector.shape_cast %get3A_642 : vector<16xf32> to vector<1x16xf32>
      tpu.vector_store %arg12[%swap3A_644, %swap3A_645], %swap3A_648 {add = true, strides = array<i32>} : memref<16x768xf32, #tpu.memory_space<vmem>>, vector<1x16xf32>,
      %get3A_649 = arith.constant 5 : i32
      %get3A_650 = arith.index_cast %get3A_649 : i32 to index
      %get3A_651 = arith.index_cast %mul3A_595 : i32 to index
      %get3A_652 = tpu.vector_load %arg9[%get3A_650, %get3A_651] {strides = array<i32>} : memref<16x768xf32, #tpu.memory_space<vmem>>, vector<1x16xf32>,
      %get3A_653 = vector.shape_cast %get3A_652 : vector<1x16xf32> to vector<16xf32>
      %swap3A_654 = arith.constant 5 : i32
      %swap3A_655 = arith.index_cast %swap3A_654 : i32 to index
      %swap3A_656 = arith.index_cast %mul3A_595 : i32 to index
      %swap3A_657 = tpu.vector_load %arg12[%swap3A_655, %swap3A_656] {strides = array<i32>} : memref<16x768xf32, #tpu.memory_space<vmem>>, vector<1x16xf32>,
      %swap3A_658 = vector.shape_cast %swap3A_657 : vector<1x16xf32> to vector<16xf32>
      %swap3A_659 = vector.shape_cast %get3A_653 : vector<16xf32> to vector<1x16xf32>
      tpu.vector_store %arg12[%swap3A_655, %swap3A_656], %swap3A_659 {add = true, strides = array<i32>} : memref<16x768xf32, #tpu.memory_space<vmem>>, vector<1x16xf32>,
      %get3A_660 = arith.constant 6 : i32
      %get3A_661 = arith.index_cast %get3A_660 : i32 to index
      %get3A_662 = arith.index_cast %mul3A_595 : i32 to index
      %get3A_663 = tpu.vector_load %arg9[%get3A_661, %get3A_662] {strides = array<i32>} : memref<16x768xf32, #tpu.memory_space<vmem>>, vector<1x16xf32>,
      %get3A_664 = vector.shape_cast %get3A_663 : vector<1x16xf32> to vector<16xf32>
      %swap3A_665 = arith.constant 6 : i32
      %swap3A_666 = arith.index_cast %swap3A_665 : i32 to index
      %swap3A_667 = arith.index_cast %mul3A_595 : i32 to index
      %swap3A_668 = tpu.vector_load %arg12[%swap3A_666, %swap3A_667] {strides = array<i32>} : memref<16x768xf32, #tpu.memory_space<vmem>>, vector<1x16xf32>,
      %swap3A_669 = vector.shape_cast %swap3A_668 : vector<1x16xf32> to vector<16xf32>
      %swap3A_670 = vector.shape_cast %get3A_664 : vector<16xf32> to vector<1x16xf32>
      tpu.vector_store %arg12[%swap3A_666, %swap3A_667], %swap3A_670 {add = true, strides = array<i32>} : memref<16x768xf32, #tpu.memory_space<vmem>>, vector<1x16xf32>,
      %get3A_671 = arith.constant 7 : i32
      %get3A_672 = arith.index_cast %get3A_671 : i32 to index
      %get3A_673 = arith.index_cast %mul3A_595 : i32 to index
      %get3A_674 = tpu.vector_load %arg9[%get3A_672, %get3A_673] {strides = array<i32>} : memref<16x768xf32, #tpu.memory_space<vmem>>, vector<1x16xf32>,
      %get3A_675 = vector.shape_cast %get3A_674 : vector<1x16xf32> to vector<16xf32>
      %swap3A_676 = arith.constant 7 : i32
      %swap3A_677 = arith.index_cast %swap3A_676 : i32 to index
      %swap3A_678 = arith.index_cast %mul3A_595 : i32 to index
      %swap3A_679 = tpu.vector_load %arg12[%swap3A_677, %swap3A_678] {strides = array<i32>} : memref<16x768xf32, #tpu.memory_space<vmem>>, vector<1x16xf32>,
      %swap3A_680 = vector.shape_cast %swap3A_679 : vector<1x16xf32> to vector<16xf32>
      %swap3A_681 = vector.shape_cast %get3A_675 : vector<16xf32> to vector<1x16xf32>
      tpu.vector_store %arg12[%swap3A_677, %swap3A_678], %swap3A_681 {add = true, strides = array<i32>} : memref<16x768xf32, #tpu.memory_space<vmem>>, vector<1x16xf32>,
      %get3A_682 = arith.constant 8 : i32
      %get3A_683 = arith.index_cast %get3A_682 : i32 to index
      %get3A_684 = arith.index_cast %mul3A_595 : i32 to index
      %get3A_685 = tpu.vector_load %arg9[%get3A_683, %get3A_684] {strides = array<i32>} : memref<16x768xf32, #tpu.memory_space<vmem>>, vector<1x16xf32>,
      %get3A_686 = vector.shape_cast %get3A_685 : vector<1x16xf32> to vector<16xf32>
      %swap3A_687 = arith.constant 8 : i32
      %swap3A_688 = arith.index_cast %swap3A_687 : i32 to index
      %swap3A_689 = arith.index_cast %mul3A_595 : i32 to index
      %swap3A_690 = tpu.vector_load %arg12[%swap3A_688, %swap3A_689] {strides = array<i32>} : memref<16x768xf32, #tpu.memory_space<vmem>>, vector<1x16xf32>,
      %swap3A_691 = vector.shape_cast %swap3A_690 : vector<1x16xf32> to vector<16xf32>
      %swap3A_692 = vector.shape_cast %get3A_686 : vector<16xf32> to vector<1x16xf32>
      tpu.vector_store %arg12[%swap3A_688, %swap3A_689], %swap3A_692 {add = true, strides = array<i32>} : memref<16x768xf32, #tpu.memory_space<vmem>>, vector<1x16xf32>,
      %get3A_693 = arith.constant 9 : i32
      %get3A_694 = arith.index_cast %get3A_693 : i32 to index
      %get3A_695 = arith.index_cast %mul3A_595 : i32 to index
      %get3A_696 = tpu.vector_load %arg9[%get3A_694, %get3A_695] {strides = array<i32>} : memref<16x768xf32, #tpu.memory_space<vmem>>, vector<1x16xf32>,
      %get3A_697 = vector.shape_cast %get3A_696 : vector<1x16xf32> to vector<16xf32>
      %swap3A_698 = arith.constant 9 : i32
      %swap3A_699 = arith.index_cast %swap3A_698 : i32 to index
      %swap3A_700 = arith.index_cast %mul3A_595 : i32 to index
      %swap3A_701 = tpu.vector_load %arg12[%swap3A_699, %swap3A_700] {strides = array<i32>} : memref<16x768xf32, #tpu.memory_space<vmem>>, vector<1x16xf32>,
      %swap3A_702 = vector.shape_cast %swap3A_701 : vector<1x16xf32> to vector<16xf32>
      %swap3A_703 = vector.shape_cast %get3A_697 : vector<16xf32> to vector<1x16xf32>
      tpu.vector_store %arg12[%swap3A_699, %swap3A_700], %swap3A_703 {add = true, strides = array<i32>} : memref<16x768xf32, #tpu.memory_space<vmem>>, vector<1x16xf32>,
      %get3A_704 = arith.constant 10 : i32
      %get3A_705 = arith.index_cast %get3A_704 : i32 to index
      %get3A_706 = arith.index_cast %mul3A_595 : i32 to index
      %get3A_707 = tpu.vector_load %arg9[%get3A_705, %get3A_706] {strides = array<i32>} : memref<16x768xf32, #tpu.memory_space<vmem>>, vector<1x16xf32>,
      %get3A_708 = vector.shape_cast %get3A_707 : vector<1x16xf32> to vector<16xf32>
      %swap3A_709 = arith.constant 10 : i32
      %swap3A_710 = arith.index_cast %swap3A_709 : i32 to index
      %swap3A_711 = arith.index_cast %mul3A_595 : i32 to index
      %swap3A_712 = tpu.vector_load %arg12[%swap3A_710, %swap3A_711] {strides = array<i32>} : memref<16x768xf32, #tpu.memory_space<vmem>>, vector<1x16xf32>,
      %swap3A_713 = vector.shape_cast %swap3A_712 : vector<1x16xf32> to vector<16xf32>
      %swap3A_714 = vector.shape_cast %get3A_708 : vector<16xf32> to vector<1x16xf32>
      tpu.vector_store %arg12[%swap3A_710, %swap3A_711], %swap3A_714 {add = true, strides = array<i32>} : memref<16x768xf32, #tpu.memory_space<vmem>>, vector<1x16xf32>,
      %get3A_715 = arith.constant 11 : i32
      %get3A_716 = arith.index_cast %get3A_715 : i32 to index
      %get3A_717 = arith.index_cast %mul3A_595 : i32 to index
      %get3A_718 = tpu.vector_load %arg9[%get3A_716, %get3A_717] {strides = array<i32>} : memref<16x768xf32, #tpu.memory_space<vmem>>, vector<1x16xf32>,
      %get3A_719 = vector.shape_cast %get3A_718 : vector<1x16xf32> to vector<16xf32>
      %swap3A_720 = arith.constant 11 : i32
      %swap3A_721 = arith.index_cast %swap3A_720 : i32 to index
      %swap3A_722 = arith.index_cast %mul3A_595 : i32 to index
      %swap3A_723 = tpu.vector_load %arg12[%swap3A_721, %swap3A_722] {strides = array<i32>} : memref<16x768xf32, #tpu.memory_space<vmem>>, vector<1x16xf32>,
      %swap3A_724 = vector.shape_cast %swap3A_723 : vector<1x16xf32> to vector<16xf32>
      %swap3A_725 = vector.shape_cast %get3A_719 : vector<16xf32> to vector<1x16xf32>
      tpu.vector_store %arg12[%swap3A_721, %swap3A_722], %swap3A_725 {add = true, strides = array<i32>} : memref<16x768xf32, #tpu.memory_space<vmem>>, vector<1x16xf32>,
      %get3A_726 = arith.constant 12 : i32
      %get3A_727 = arith.index_cast %get3A_726 : i32 to index
      %get3A_728 = arith.index_cast %mul3A_595 : i32 to index
      %get3A_729 = tpu.vector_load %arg9[%get3A_727, %get3A_728] {strides = array<i32>} : memref<16x768xf32, #tpu.memory_space<vmem>>, vector<1x16xf32>,
      %get3A_730 = vector.shape_cast %get3A_729 : vector<1x16xf32> to vector<16xf32>
      %swap3A_731 = arith.constant 12 : i32
      %swap3A_732 = arith.index_cast %swap3A_731 : i32 to index
      %swap3A_733 = arith.index_cast %mul3A_595 : i32 to index
      %swap3A_734 = tpu.vector_load %arg12[%swap3A_732, %swap3A_733] {strides = array<i32>} : memref<16x768xf32, #tpu.memory_space<vmem>>, vector<1x16xf32>,
      %swap3A_735 = vector.shape_cast %swap3A_734 : vector<1x16xf32> to vector<16xf32>
      %swap3A_736 = vector.shape_cast %get3A_730 : vector<16xf32> to vector<1x16xf32>
      tpu.vector_store %arg12[%swap3A_732, %swap3A_733], %swap3A_736 {add = true, strides = array<i32>} : memref<16x768xf32, #tpu.memory_space<vmem>>, vector<1x16xf32>,
      %get3A_737 = arith.constant 13 : i32
      %get3A_738 = arith.index_cast %get3A_737 : i32 to index
      %get3A_739 = arith.index_cast %mul3A_595 : i32 to index
      %get3A_740 = tpu.vector_load %arg9[%get3A_738, %get3A_739] {strides = array<i32>} : memref<16x768xf32, #tpu.memory_space<vmem>>, vector<1x16xf32>,
      %get3A_741 = vector.shape_cast %get3A_740 : vector<1x16xf32> to vector<16xf32>
      %swap3A_742 = arith.constant 13 : i32
      %swap3A_743 = arith.index_cast %swap3A_742 : i32 to index
      %swap3A_744 = arith.index_cast %mul3A_595 : i32 to index
      %swap3A_745 = tpu.vector_load %arg12[%swap3A_743, %swap3A_744] {strides = array<i32>} : memref<16x768xf32, #tpu.memory_space<vmem>>, vector<1x16xf32>,
      %swap3A_746 = vector.shape_cast %swap3A_745 : vector<1x16xf32> to vector<16xf32>
      %swap3A_747 = vector.shape_cast %get3A_741 : vector<16xf32> to vector<1x16xf32>
      tpu.vector_store %arg12[%swap3A_743, %swap3A_744], %swap3A_747 {add = true, strides = array<i32>} : memref<16x768xf32, #tpu.memory_space<vmem>>, vector<1x16xf32>,
      %get3A_748 = arith.constant 14 : i32
      %get3A_749 = arith.index_cast %get3A_748 : i32 to index
      %get3A_750 = arith.index_cast %mul3A_595 : i32 to index
      %get3A_751 = tpu.vector_load %arg9[%get3A_749, %get3A_750] {strides = array<i32>} : memref<16x768xf32, #tpu.memory_space<vmem>>, vector<1x16xf32>,
      %get3A_752 = vector.shape_cast %get3A_751 : vector<1x16xf32> to vector<16xf32>
      %swap3A_753 = arith.constant 14 : i32
      %swap3A_754 = arith.index_cast %swap3A_753 : i32 to index
      %swap3A_755 = arith.index_cast %mul3A_595 : i32 to index
      %swap3A_756 = tpu.vector_load %arg12[%swap3A_754, %swap3A_755] {strides = array<i32>} : memref<16x768xf32, #tpu.memory_space<vmem>>, vector<1x16xf32>,
      %swap3A_757 = vector.shape_cast %swap3A_756 : vector<1x16xf32> to vector<16xf32>
      %swap3A_758 = vector.shape_cast %get3A_752 : vector<16xf32> to vector<1x16xf32>
      tpu.vector_store %arg12[%swap3A_754, %swap3A_755], %swap3A_758 {add = true, strides = array<i32>} : memref<16x768xf32, #tpu.memory_space<vmem>>, vector<1x16xf32>,
      %get3A_759 = arith.constant 15 : i32
      %get3A_760 = arith.index_cast %get3A_759 : i32 to index
      %get3A_761 = arith.index_cast %mul3A_595 : i32 to index
      %get3A_762 = tpu.vector_load %arg9[%get3A_760, %get3A_761] {strides = array<i32>} : memref<16x768xf32, #tpu.memory_space<vmem>>, vector<1x16xf32>,
      %get3A_763 = vector.shape_cast %get3A_762 : vector<1x16xf32> to vector<16xf32>
      %swap3A_764 = arith.constant 15 : i32
      %swap3A_765 = arith.index_cast %swap3A_764 : i32 to index
      %swap3A_766 = arith.index_cast %mul3A_595 : i32 to index
      %swap3A_767 = tpu.vector_load %arg12[%swap3A_765, %swap3A_766] {strides = array<i32>} : memref<16x768xf32, #tpu.memory_space<vmem>>, vector<1x16xf32>,
      %swap3A_768 = vector.shape_cast %swap3A_767 : vector<1x16xf32> to vector<16xf32>
      %swap3A_769 = vector.shape_cast %get3A_763 : vector<16xf32> to vector<1x16xf32>
      tpu.vector_store %arg12[%swap3A_765, %swap3A_766], %swap3A_769 {add = true, strides = array<i32>} : memref<16x768xf32, #tpu.memory_space<vmem>>, vector<1x16xf32>,
      %scan3A_770 = arith.constant 0 : i32
      scf.yield %scan3A_770 : i32
    }
    %scan3A_114 = arith.constant 48 : i32
    %add3A_115 = arith.constant 32 : i32
    %add3A_116 = arith.addi %mul3A_2, %add3A_115 : i32
    %dma_start3A_117 = arith.constant 0 : i32
    %dma_start3A_118 = tpu.memref_slice %arg5[%add3A_116, %dma_start3A_117] : memref<8192x768xf32, #tpu.memory_space<hbm>> -> memref<16x768xf32, #tpu.memory_space<hbm>>
    %dma_start3A_119 = arith.constant 0 : i32
    %dma_start3A_120 = tpu.memref_slice %arg5[%add3A_116, %dma_start3A_119] : memref<8192x768xf32, #tpu.memory_space<hbm>> -> memref<16x768xf32, #tpu.memory_space<hbm>>
    tpu.enqueue_dma source(%arg12 : memref<16x768xf32, #tpu.memory_space<vmem>>) target(%dma_start3A_120 : memref<16x768xf32, #tpu.memory_space<hbm>>) target_semaphore(%arg25 : memref<!tpu.dma_semaphore, #tpu.memory_space<semaphore_mem>>)
    %dma_wait3A_121 = arith.constant 48 : i32
    %dma_wait3A_122 = tpu.memref_slice %arg6[%dma_wait3A_121] : memref<256xi32, #tpu.memory_space<vmem>> -> memref<16xi32, #tpu.memory_space<vmem>>
    %dma_wait3A_123 = arith.constant 0 : i32
    %dma_wait3A_124 = arith.constant 0 : i32
    %dma_wait3A_125 = tpu.memref_slice %arg2[%dma_wait3A_123, %dma_wait3A_124] : memref<50257x768xf32, #tpu.memory_space<hbm>> -> memref<50257x768xf32, #tpu.memory_space<hbm>>
    tpu.wait_indirect_dma semaphore(%arg15 : memref<!tpu.dma_semaphore, #tpu.memory_space<semaphore_mem>>) src(%dma_wait3A_125 : memref<50257x768xf32, #tpu.memory_space<hbm>>) dst(%arg7 : memref<16x768xf32, #tpu.memory_space<vmem>>)
    %dma_wait3A_126 = arith.constant 0 : i32
    %dma_wait3A_127 = tpu.memref_slice %arg3[%add3A_70, %dma_wait3A_126] : memref<8192x768xf32, #tpu.memory_space<hbm>> -> memref<16x768xf32, #tpu.memory_space<hbm>>
    %dma_wait3A_128 = arith.constant 0 : i32
    %dma_wait3A_129 = tpu.memref_slice %arg3[%add3A_70, %dma_wait3A_128] : memref<8192x768xf32, #tpu.memory_space<hbm>> -> memref<16x768xf32, #tpu.memory_space<hbm>>
    tpu.wait_dma2 semaphore(%arg21 : memref<!tpu.dma_semaphore, #tpu.memory_space<semaphore_mem>>) src(%dma_wait3A_129 : memref<16x768xf32, #tpu.memory_space<hbm>>) dst(%arg13 : memref<16x768xf32, #tpu.memory_space<vmem>>)
    %dma_start3A_130 = arith.constant 80 : i32
    %dma_start3A_131 = tpu.memref_slice %arg6[%dma_start3A_130] : memref<256xi32, #tpu.memory_space<vmem>> -> memref<16xi32, #tpu.memory_space<vmem>>
    %dma_start3A_132 = arith.constant 0 : i32
    %dma_start3A_133 = arith.constant 0 : i32
    %dma_start3A_134 = tpu.memref_slice %arg2[%dma_start3A_132, %dma_start3A_133] : memref<50257x768xf32, #tpu.memory_space<hbm>> -> memref<50257x768xf32, #tpu.memory_space<hbm>>
    tpu.enqueue_indirect_dma source(%dma_start3A_134 : memref<50257x768xf32, #tpu.memory_space<hbm>>) target(%arg9 : memref<16x768xf32, #tpu.memory_space<vmem>>) offsets(%dma_start3A_131 : memref<16xi32, #tpu.memory_space<vmem>>) semaphore(%arg17 : memref<!tpu.dma_semaphore, #tpu.memory_space<semaphore_mem>>)
    %dma_wait3A_135 = arith.constant 0 : i32
    %dma_wait3A_136 = tpu.memref_slice %arg5[%add3A_50, %dma_wait3A_135] : memref<8192x768xf32, #tpu.memory_space<hbm>> -> memref<16x768xf32, #tpu.memory_space<hbm>>
    %dma_wait3A_137 = arith.constant 0 : i32
    %dma_wait3A_138 = tpu.memref_slice %arg5[%add3A_50, %dma_wait3A_137] : memref<8192x768xf32, #tpu.memory_space<hbm>> -> memref<16x768xf32, #tpu.memory_space<hbm>>
    tpu.wait_dma2 semaphore(%arg23 : memref<!tpu.dma_semaphore, #tpu.memory_space<semaphore_mem>>) src(%arg10 : memref<16x768xf32, #tpu.memory_space<vmem>>) dst(%dma_wait3A_138 : memref<16x768xf32, #tpu.memory_space<hbm>>)
    %add3A_139 = arith.constant 80 : i32
    %add3A_140 = arith.addi %mul3A_2, %add3A_139 : i32
    %dma_start3A_141 = arith.constant 0 : i32
    %dma_start3A_142 = tpu.memref_slice %arg3[%add3A_140, %dma_start3A_141] : memref<8192x768xf32, #tpu.memory_space<hbm>> -> memref<16x768xf32, #tpu.memory_space<hbm>>
    %dma_start3A_143 = arith.constant 0 : i32
    %dma_start3A_144 = tpu.memref_slice %arg3[%add3A_140, %dma_start3A_143] : memref<8192x768xf32, #tpu.memory_space<hbm>> -> memref<16x768xf32, #tpu.memory_space<hbm>>
    tpu.enqueue_dma source(%dma_start3A_144 : memref<16x768xf32, #tpu.memory_space<hbm>>) target(%arg10 : memref<16x768xf32, #tpu.memory_space<vmem>>) target_semaphore(%arg18 : memref<!tpu.dma_semaphore, #tpu.memory_space<semaphore_mem>>)
    %scan3A_145 = arith.constant 0 : i32
    %scan3A_146 = arith.constant 0 : i32
    %scan3A_147 = arith.constant 48 : i32
    %scan3A_148 = arith.addi %scan3A_146, %scan3A_147 : i32
    %scan3A_149 = arith.constant 1 : i32
    %scan3A_150 = scf.for %scan3A_592 = %scan3A_146 to %scan3A_148 step %scan3A_149 iter_args(%scan3A_593 = %scan3A_145) -> (i32)  : i32 {
      %mul3A_594 = arith.constant 16 : i32
      %mul3A_595 = arith.muli %scan3A_592, %mul3A_594 : i32
      %get3A = arith.constant 0 : i32
      %get3A_596 = arith.index_cast %get3A : i32 to index
      %get3A_597 = arith.index_cast %mul3A_595 : i32 to index
      %get3A_598 = tpu.vector_load %arg7[%get3A_596, %get3A_597] {strides = array<i32>} : memref<16x768xf32, #tpu.memory_space<vmem>>, vector<1x16xf32>,
      %get3A_599 = vector.shape_cast %get3A_598 : vector<1x16xf32> to vector<16xf32>
      %swap3A = arith.constant 0 : i32
      %swap3A_600 = arith.index_cast %swap3A : i32 to index
      %swap3A_601 = arith.index_cast %mul3A_595 : i32 to index
      %swap3A_602 = tpu.vector_load %arg13[%swap3A_600, %swap3A_601] {strides = array<i32>} : memref<16x768xf32, #tpu.memory_space<vmem>>, vector<1x16xf32>,
      %swap3A_603 = vector.shape_cast %swap3A_602 : vector<1x16xf32> to vector<16xf32>
      %swap3A_604 = vector.shape_cast %get3A_599 : vector<16xf32> to vector<1x16xf32>
      tpu.vector_store %arg13[%swap3A_600, %swap3A_601], %swap3A_604 {add = true, strides = array<i32>} : memref<16x768xf32, #tpu.memory_space<vmem>>, vector<1x16xf32>,
      %get3A_605 = arith.constant 1 : i32
      %get3A_606 = arith.index_cast %get3A_605 : i32 to index
      %get3A_607 = arith.index_cast %mul3A_595 : i32 to index
      %get3A_608 = tpu.vector_load %arg7[%get3A_606, %get3A_607] {strides = array<i32>} : memref<16x768xf32, #tpu.memory_space<vmem>>, vector<1x16xf32>,
      %get3A_609 = vector.shape_cast %get3A_608 : vector<1x16xf32> to vector<16xf32>
      %swap3A_610 = arith.constant 1 : i32
      %swap3A_611 = arith.index_cast %swap3A_610 : i32 to index
      %swap3A_612 = arith.index_cast %mul3A_595 : i32 to index
      %swap3A_613 = tpu.vector_load %arg13[%swap3A_611, %swap3A_612] {strides = array<i32>} : memref<16x768xf32, #tpu.memory_space<vmem>>, vector<1x16xf32>,
      %swap3A_614 = vector.shape_cast %swap3A_613 : vector<1x16xf32> to vector<16xf32>
      %swap3A_615 = vector.shape_cast %get3A_609 : vector<16xf32> to vector<1x16xf32>
      tpu.vector_store %arg13[%swap3A_611, %swap3A_612], %swap3A_615 {add = true, strides = array<i32>} : memref<16x768xf32, #tpu.memory_space<vmem>>, vector<1x16xf32>,
      %get3A_616 = arith.constant 2 : i32
      %get3A_617 = arith.index_cast %get3A_616 : i32 to index
      %get3A_618 = arith.index_cast %mul3A_595 : i32 to index
      %get3A_619 = tpu.vector_load %arg7[%get3A_617, %get3A_618] {strides = array<i32>} : memref<16x768xf32, #tpu.memory_space<vmem>>, vector<1x16xf32>,
      %get3A_620 = vector.shape_cast %get3A_619 : vector<1x16xf32> to vector<16xf32>
      %swap3A_621 = arith.constant 2 : i32
      %swap3A_622 = arith.index_cast %swap3A_621 : i32 to index
      %swap3A_623 = arith.index_cast %mul3A_595 : i32 to index
      %swap3A_624 = tpu.vector_load %arg13[%swap3A_622, %swap3A_623] {strides = array<i32>} : memref<16x768xf32, #tpu.memory_space<vmem>>, vector<1x16xf32>,
      %swap3A_625 = vector.shape_cast %swap3A_624 : vector<1x16xf32> to vector<16xf32>
      %swap3A_626 = vector.shape_cast %get3A_620 : vector<16xf32> to vector<1x16xf32>
      tpu.vector_store %arg13[%swap3A_622, %swap3A_623], %swap3A_626 {add = true, strides = array<i32>} : memref<16x768xf32, #tpu.memory_space<vmem>>, vector<1x16xf32>,
      %get3A_627 = arith.constant 3 : i32
      %get3A_628 = arith.index_cast %get3A_627 : i32 to index
      %get3A_629 = arith.index_cast %mul3A_595 : i32 to index
      %get3A_630 = tpu.vector_load %arg7[%get3A_628, %get3A_629] {strides = array<i32>} : memref<16x768xf32, #tpu.memory_space<vmem>>, vector<1x16xf32>,
      %get3A_631 = vector.shape_cast %get3A_630 : vector<1x16xf32> to vector<16xf32>
      %swap3A_632 = arith.constant 3 : i32
      %swap3A_633 = arith.index_cast %swap3A_632 : i32 to index
      %swap3A_634 = arith.index_cast %mul3A_595 : i32 to index
      %swap3A_635 = tpu.vector_load %arg13[%swap3A_633, %swap3A_634] {strides = array<i32>} : memref<16x768xf32, #tpu.memory_space<vmem>>, vector<1x16xf32>,
      %swap3A_636 = vector.shape_cast %swap3A_635 : vector<1x16xf32> to vector<16xf32>
      %swap3A_637 = vector.shape_cast %get3A_631 : vector<16xf32> to vector<1x16xf32>
      tpu.vector_store %arg13[%swap3A_633, %swap3A_634], %swap3A_637 {add = true, strides = array<i32>} : memref<16x768xf32, #tpu.memory_space<vmem>>, vector<1x16xf32>,
      %get3A_638 = arith.constant 4 : i32
      %get3A_639 = arith.index_cast %get3A_638 : i32 to index
      %get3A_640 = arith.index_cast %mul3A_595 : i32 to index
      %get3A_641 = tpu.vector_load %arg7[%get3A_639, %get3A_640] {strides = array<i32>} : memref<16x768xf32, #tpu.memory_space<vmem>>, vector<1x16xf32>,
      %get3A_642 = vector.shape_cast %get3A_641 : vector<1x16xf32> to vector<16xf32>
      %swap3A_643 = arith.constant 4 : i32
      %swap3A_644 = arith.index_cast %swap3A_643 : i32 to index
      %swap3A_645 = arith.index_cast %mul3A_595 : i32 to index
      %swap3A_646 = tpu.vector_load %arg13[%swap3A_644, %swap3A_645] {strides = array<i32>} : memref<16x768xf32, #tpu.memory_space<vmem>>, vector<1x16xf32>,
      %swap3A_647 = vector.shape_cast %swap3A_646 : vector<1x16xf32> to vector<16xf32>
      %swap3A_648 = vector.shape_cast %get3A_642 : vector<16xf32> to vector<1x16xf32>
      tpu.vector_store %arg13[%swap3A_644, %swap3A_645], %swap3A_648 {add = true, strides = array<i32>} : memref<16x768xf32, #tpu.memory_space<vmem>>, vector<1x16xf32>,
      %get3A_649 = arith.constant 5 : i32
      %get3A_650 = arith.index_cast %get3A_649 : i32 to index
      %get3A_651 = arith.index_cast %mul3A_595 : i32 to index
      %get3A_652 = tpu.vector_load %arg7[%get3A_650, %get3A_651] {strides = array<i32>} : memref<16x768xf32, #tpu.memory_space<vmem>>, vector<1x16xf32>,
      %get3A_653 = vector.shape_cast %get3A_652 : vector<1x16xf32> to vector<16xf32>
      %swap3A_654 = arith.constant 5 : i32
      %swap3A_655 = arith.index_cast %swap3A_654 : i32 to index
      %swap3A_656 = arith.index_cast %mul3A_595 : i32 to index
      %swap3A_657 = tpu.vector_load %arg13[%swap3A_655, %swap3A_656] {strides = array<i32>} : memref<16x768xf32, #tpu.memory_space<vmem>>, vector<1x16xf32>,
      %swap3A_658 = vector.shape_cast %swap3A_657 : vector<1x16xf32> to vector<16xf32>
      %swap3A_659 = vector.shape_cast %get3A_653 : vector<16xf32> to vector<1x16xf32>
      tpu.vector_store %arg13[%swap3A_655, %swap3A_656], %swap3A_659 {add = true, strides = array<i32>} : memref<16x768xf32, #tpu.memory_space<vmem>>, vector<1x16xf32>,
      %get3A_660 = arith.constant 6 : i32
      %get3A_661 = arith.index_cast %get3A_660 : i32 to index
      %get3A_662 = arith.index_cast %mul3A_595 : i32 to index
      %get3A_663 = tpu.vector_load %arg7[%get3A_661, %get3A_662] {strides = array<i32>} : memref<16x768xf32, #tpu.memory_space<vmem>>, vector<1x16xf32>,
      %get3A_664 = vector.shape_cast %get3A_663 : vector<1x16xf32> to vector<16xf32>
      %swap3A_665 = arith.constant 6 : i32
      %swap3A_666 = arith.index_cast %swap3A_665 : i32 to index
      %swap3A_667 = arith.index_cast %mul3A_595 : i32 to index
      %swap3A_668 = tpu.vector_load %arg13[%swap3A_666, %swap3A_667] {strides = array<i32>} : memref<16x768xf32, #tpu.memory_space<vmem>>, vector<1x16xf32>,
      %swap3A_669 = vector.shape_cast %swap3A_668 : vector<1x16xf32> to vector<16xf32>
      %swap3A_670 = vector.shape_cast %get3A_664 : vector<16xf32> to vector<1x16xf32>
      tpu.vector_store %arg13[%swap3A_666, %swap3A_667], %swap3A_670 {add = true, strides = array<i32>} : memref<16x768xf32, #tpu.memory_space<vmem>>, vector<1x16xf32>,
      %get3A_671 = arith.constant 7 : i32
      %get3A_672 = arith.index_cast %get3A_671 : i32 to index
      %get3A_673 = arith.index_cast %mul3A_595 : i32 to index
      %get3A_674 = tpu.vector_load %arg7[%get3A_672, %get3A_673] {strides = array<i32>} : memref<16x768xf32, #tpu.memory_space<vmem>>, vector<1x16xf32>,
      %get3A_675 = vector.shape_cast %get3A_674 : vector<1x16xf32> to vector<16xf32>
      %swap3A_676 = arith.constant 7 : i32
      %swap3A_677 = arith.index_cast %swap3A_676 : i32 to index
      %swap3A_678 = arith.index_cast %mul3A_595 : i32 to index
      %swap3A_679 = tpu.vector_load %arg13[%swap3A_677, %swap3A_678] {strides = array<i32>} : memref<16x768xf32, #tpu.memory_space<vmem>>, vector<1x16xf32>,
      %swap3A_680 = vector.shape_cast %swap3A_679 : vector<1x16xf32> to vector<16xf32>
      %swap3A_681 = vector.shape_cast %get3A_675 : vector<16xf32> to vector<1x16xf32>
      tpu.vector_store %arg13[%swap3A_677, %swap3A_678], %swap3A_681 {add = true, strides = array<i32>} : memref<16x768xf32, #tpu.memory_space<vmem>>, vector<1x16xf32>,
      %get3A_682 = arith.constant 8 : i32
      %get3A_683 = arith.index_cast %get3A_682 : i32 to index
      %get3A_684 = arith.index_cast %mul3A_595 : i32 to index
      %get3A_685 = tpu.vector_load %arg7[%get3A_683, %get3A_684] {strides = array<i32>} : memref<16x768xf32, #tpu.memory_space<vmem>>, vector<1x16xf32>,
      %get3A_686 = vector.shape_cast %get3A_685 : vector<1x16xf32> to vector<16xf32>
      %swap3A_687 = arith.constant 8 : i32
      %swap3A_688 = arith.index_cast %swap3A_687 : i32 to index
      %swap3A_689 = arith.index_cast %mul3A_595 : i32 to index
      %swap3A_690 = tpu.vector_load %arg13[%swap3A_688, %swap3A_689] {strides = array<i32>} : memref<16x768xf32, #tpu.memory_space<vmem>>, vector<1x16xf32>,
      %swap3A_691 = vector.shape_cast %swap3A_690 : vector<1x16xf32> to vector<16xf32>
      %swap3A_692 = vector.shape_cast %get3A_686 : vector<16xf32> to vector<1x16xf32>
      tpu.vector_store %arg13[%swap3A_688, %swap3A_689], %swap3A_692 {add = true, strides = array<i32>} : memref<16x768xf32, #tpu.memory_space<vmem>>, vector<1x16xf32>,
      %get3A_693 = arith.constant 9 : i32
      %get3A_694 = arith.index_cast %get3A_693 : i32 to index
      %get3A_695 = arith.index_cast %mul3A_595 : i32 to index
      %get3A_696 = tpu.vector_load %arg7[%get3A_694, %get3A_695] {strides = array<i32>} : memref<16x768xf32, #tpu.memory_space<vmem>>, vector<1x16xf32>,
      %get3A_697 = vector.shape_cast %get3A_696 : vector<1x16xf32> to vector<16xf32>
      %swap3A_698 = arith.constant 9 : i32
      %swap3A_699 = arith.index_cast %swap3A_698 : i32 to index
      %swap3A_700 = arith.index_cast %mul3A_595 : i32 to index
      %swap3A_701 = tpu.vector_load %arg13[%swap3A_699, %swap3A_700] {strides = array<i32>} : memref<16x768xf32, #tpu.memory_space<vmem>>, vector<1x16xf32>,
      %swap3A_702 = vector.shape_cast %swap3A_701 : vector<1x16xf32> to vector<16xf32>
      %swap3A_703 = vector.shape_cast %get3A_697 : vector<16xf32> to vector<1x16xf32>
      tpu.vector_store %arg13[%swap3A_699, %swap3A_700], %swap3A_703 {add = true, strides = array<i32>} : memref<16x768xf32, #tpu.memory_space<vmem>>, vector<1x16xf32>,
      %get3A_704 = arith.constant 10 : i32
      %get3A_705 = arith.index_cast %get3A_704 : i32 to index
      %get3A_706 = arith.index_cast %mul3A_595 : i32 to index
      %get3A_707 = tpu.vector_load %arg7[%get3A_705, %get3A_706] {strides = array<i32>} : memref<16x768xf32, #tpu.memory_space<vmem>>, vector<1x16xf32>,
      %get3A_708 = vector.shape_cast %get3A_707 : vector<1x16xf32> to vector<16xf32>
      %swap3A_709 = arith.constant 10 : i32
      %swap3A_710 = arith.index_cast %swap3A_709 : i32 to index
      %swap3A_711 = arith.index_cast %mul3A_595 : i32 to index
      %swap3A_712 = tpu.vector_load %arg13[%swap3A_710, %swap3A_711] {strides = array<i32>} : memref<16x768xf32, #tpu.memory_space<vmem>>, vector<1x16xf32>,
      %swap3A_713 = vector.shape_cast %swap3A_712 : vector<1x16xf32> to vector<16xf32>
      %swap3A_714 = vector.shape_cast %get3A_708 : vector<16xf32> to vector<1x16xf32>
      tpu.vector_store %arg13[%swap3A_710, %swap3A_711], %swap3A_714 {add = true, strides = array<i32>} : memref<16x768xf32, #tpu.memory_space<vmem>>, vector<1x16xf32>,
      %get3A_715 = arith.constant 11 : i32
      %get3A_716 = arith.index_cast %get3A_715 : i32 to index
      %get3A_717 = arith.index_cast %mul3A_595 : i32 to index
      %get3A_718 = tpu.vector_load %arg7[%get3A_716, %get3A_717] {strides = array<i32>} : memref<16x768xf32, #tpu.memory_space<vmem>>, vector<1x16xf32>,
      %get3A_719 = vector.shape_cast %get3A_718 : vector<1x16xf32> to vector<16xf32>
      %swap3A_720 = arith.constant 11 : i32
      %swap3A_721 = arith.index_cast %swap3A_720 : i32 to index
      %swap3A_722 = arith.index_cast %mul3A_595 : i32 to index
      %swap3A_723 = tpu.vector_load %arg13[%swap3A_721, %swap3A_722] {strides = array<i32>} : memref<16x768xf32, #tpu.memory_space<vmem>>, vector<1x16xf32>,
      %swap3A_724 = vector.shape_cast %swap3A_723 : vector<1x16xf32> to vector<16xf32>
      %swap3A_725 = vector.shape_cast %get3A_719 : vector<16xf32> to vector<1x16xf32>
      tpu.vector_store %arg13[%swap3A_721, %swap3A_722], %swap3A_725 {add = true, strides = array<i32>} : memref<16x768xf32, #tpu.memory_space<vmem>>, vector<1x16xf32>,
      %get3A_726 = arith.constant 12 : i32
      %get3A_727 = arith.index_cast %get3A_726 : i32 to index
      %get3A_728 = arith.index_cast %mul3A_595 : i32 to index
      %get3A_729 = tpu.vector_load %arg7[%get3A_727, %get3A_728] {strides = array<i32>} : memref<16x768xf32, #tpu.memory_space<vmem>>, vector<1x16xf32>,
      %get3A_730 = vector.shape_cast %get3A_729 : vector<1x16xf32> to vector<16xf32>
      %swap3A_731 = arith.constant 12 : i32
      %swap3A_732 = arith.index_cast %swap3A_731 : i32 to index
      %swap3A_733 = arith.index_cast %mul3A_595 : i32 to index
      %swap3A_734 = tpu.vector_load %arg13[%swap3A_732, %swap3A_733] {strides = array<i32>} : memref<16x768xf32, #tpu.memory_space<vmem>>, vector<1x16xf32>,
      %swap3A_735 = vector.shape_cast %swap3A_734 : vector<1x16xf32> to vector<16xf32>
      %swap3A_736 = vector.shape_cast %get3A_730 : vector<16xf32> to vector<1x16xf32>
      tpu.vector_store %arg13[%swap3A_732, %swap3A_733], %swap3A_736 {add = true, strides = array<i32>} : memref<16x768xf32, #tpu.memory_space<vmem>>, vector<1x16xf32>,
      %get3A_737 = arith.constant 13 : i32
      %get3A_738 = arith.index_cast %get3A_737 : i32 to index
      %get3A_739 = arith.index_cast %mul3A_595 : i32 to index
      %get3A_740 = tpu.vector_load %arg7[%get3A_738, %get3A_739] {strides = array<i32>} : memref<16x768xf32, #tpu.memory_space<vmem>>, vector<1x16xf32>,
      %get3A_741 = vector.shape_cast %get3A_740 : vector<1x16xf32> to vector<16xf32>
      %swap3A_742 = arith.constant 13 : i32
      %swap3A_743 = arith.index_cast %swap3A_742 : i32 to index
      %swap3A_744 = arith.index_cast %mul3A_595 : i32 to index
      %swap3A_745 = tpu.vector_load %arg13[%swap3A_743, %swap3A_744] {strides = array<i32>} : memref<16x768xf32, #tpu.memory_space<vmem>>, vector<1x16xf32>,
      %swap3A_746 = vector.shape_cast %swap3A_745 : vector<1x16xf32> to vector<16xf32>
      %swap3A_747 = vector.shape_cast %get3A_741 : vector<16xf32> to vector<1x16xf32>
      tpu.vector_store %arg13[%swap3A_743, %swap3A_744], %swap3A_747 {add = true, strides = array<i32>} : memref<16x768xf32, #tpu.memory_space<vmem>>, vector<1x16xf32>,
      %get3A_748 = arith.constant 14 : i32
      %get3A_749 = arith.index_cast %get3A_748 : i32 to index
      %get3A_750 = arith.index_cast %mul3A_595 : i32 to index
      %get3A_751 = tpu.vector_load %arg7[%get3A_749, %get3A_750] {strides = array<i32>} : memref<16x768xf32, #tpu.memory_space<vmem>>, vector<1x16xf32>,
      %get3A_752 = vector.shape_cast %get3A_751 : vector<1x16xf32> to vector<16xf32>
      %swap3A_753 = arith.constant 14 : i32
      %swap3A_754 = arith.index_cast %swap3A_753 : i32 to index
      %swap3A_755 = arith.index_cast %mul3A_595 : i32 to index
      %swap3A_756 = tpu.vector_load %arg13[%swap3A_754, %swap3A_755] {strides = array<i32>} : memref<16x768xf32, #tpu.memory_space<vmem>>, vector<1x16xf32>,
      %swap3A_757 = vector.shape_cast %swap3A_756 : vector<1x16xf32> to vector<16xf32>
      %swap3A_758 = vector.shape_cast %get3A_752 : vector<16xf32> to vector<1x16xf32>
      tpu.vector_store %arg13[%swap3A_754, %swap3A_755], %swap3A_758 {add = true, strides = array<i32>} : memref<16x768xf32, #tpu.memory_space<vmem>>, vector<1x16xf32>,
      %get3A_759 = arith.constant 15 : i32
      %get3A_760 = arith.index_cast %get3A_759 : i32 to index
      %get3A_761 = arith.index_cast %mul3A_595 : i32 to index
      %get3A_762 = tpu.vector_load %arg7[%get3A_760, %get3A_761] {strides = array<i32>} : memref<16x768xf32, #tpu.memory_space<vmem>>, vector<1x16xf32>,
      %get3A_763 = vector.shape_cast %get3A_762 : vector<1x16xf32> to vector<16xf32>
      %swap3A_764 = arith.constant 15 : i32
      %swap3A_765 = arith.index_cast %swap3A_764 : i32 to index
      %swap3A_766 = arith.index_cast %mul3A_595 : i32 to index
      %swap3A_767 = tpu.vector_load %arg13[%swap3A_765, %swap3A_766] {strides = array<i32>} : memref<16x768xf32, #tpu.memory_space<vmem>>, vector<1x16xf32>,
      %swap3A_768 = vector.shape_cast %swap3A_767 : vector<1x16xf32> to vector<16xf32>
      %swap3A_769 = vector.shape_cast %get3A_763 : vector<16xf32> to vector<1x16xf32>
      tpu.vector_store %arg13[%swap3A_765, %swap3A_766], %swap3A_769 {add = true, strides = array<i32>} : memref<16x768xf32, #tpu.memory_space<vmem>>, vector<1x16xf32>,
      %scan3A_770 = arith.constant 0 : i32
      scf.yield %scan3A_770 : i32
    }
    %scan3A_151 = arith.constant 48 : i32
    %add3A_152 = arith.constant 48 : i32
    %add3A_153 = arith.addi %mul3A_2, %add3A_152 : i32
    %dma_start3A_154 = arith.constant 0 : i32
    %dma_start3A_155 = tpu.memref_slice %arg5[%add3A_153, %dma_start3A_154] : memref<8192x768xf32, #tpu.memory_space<hbm>> -> memref<16x768xf32, #tpu.memory_space<hbm>>
    %dma_start3A_156 = arith.constant 0 : i32
    %dma_start3A_157 = tpu.memref_slice %arg5[%add3A_153, %dma_start3A_156] : memref<8192x768xf32, #tpu.memory_space<hbm>> -> memref<16x768xf32, #tpu.memory_space<hbm>>
    tpu.enqueue_dma source(%arg13 : memref<16x768xf32, #tpu.memory_space<vmem>>) target(%dma_start3A_157 : memref<16x768xf32, #tpu.memory_space<hbm>>) target_semaphore(%arg26 : memref<!tpu.dma_semaphore, #tpu.memory_space<semaphore_mem>>)
    %dma_wait3A_158 = arith.constant 64 : i32
    %dma_wait3A_159 = tpu.memref_slice %arg6[%dma_wait3A_158] : memref<256xi32, #tpu.memory_space<vmem>> -> memref<16xi32, #tpu.memory_space<vmem>>
    %dma_wait3A_160 = arith.constant 0 : i32
    %dma_wait3A_161 = arith.constant 0 : i32
    %dma_wait3A_162 = tpu.memref_slice %arg2[%dma_wait3A_160, %dma_wait3A_161] : memref<50257x768xf32, #tpu.memory_space<hbm>> -> memref<50257x768xf32, #tpu.memory_space<hbm>>
    tpu.wait_indirect_dma semaphore(%arg16 : memref<!tpu.dma_semaphore, #tpu.memory_space<semaphore_mem>>) src(%dma_wait3A_162 : memref<50257x768xf32, #tpu.memory_space<hbm>>) dst(%arg8 : memref<16x768xf32, #tpu.memory_space<vmem>>)
    %dma_wait3A_163 = arith.constant 0 : i32
    %dma_wait3A_164 = tpu.memref_slice %arg3[%add3A_103, %dma_wait3A_163] : memref<8192x768xf32, #tpu.memory_space<hbm>> -> memref<16x768xf32, #tpu.memory_space<hbm>>
    %dma_wait3A_165 = arith.constant 0 : i32
    %dma_wait3A_166 = tpu.memref_slice %arg3[%add3A_103, %dma_wait3A_165] : memref<8192x768xf32, #tpu.memory_space<hbm>> -> memref<16x768xf32, #tpu.memory_space<hbm>>
    tpu.wait_dma2 semaphore(%arg22 : memref<!tpu.dma_semaphore, #tpu.memory_space<semaphore_mem>>) src(%dma_wait3A_166 : memref<16x768xf32, #tpu.memory_space<hbm>>) dst(%arg14 : memref<16x768xf32, #tpu.memory_space<vmem>>)
    %dma_start3A_167 = arith.constant 96 : i32
    %dma_start3A_168 = tpu.memref_slice %arg6[%dma_start3A_167] : memref<256xi32, #tpu.memory_space<vmem>> -> memref<16xi32, #tpu.memory_space<vmem>>
    %dma_start3A_169 = arith.constant 0 : i32
    %dma_start3A_170 = arith.constant 0 : i32
    %dma_start3A_171 = tpu.memref_slice %arg2[%dma_start3A_169, %dma_start3A_170] : memref<50257x768xf32, #tpu.memory_space<hbm>> -> memref<50257x768xf32, #tpu.memory_space<hbm>>
    tpu.enqueue_indirect_dma source(%dma_start3A_171 : memref<50257x768xf32, #tpu.memory_space<hbm>>) target(%arg7 : memref<16x768xf32, #tpu.memory_space<vmem>>) offsets(%dma_start3A_168 : memref<16xi32, #tpu.memory_space<vmem>>) semaphore(%arg15 : memref<!tpu.dma_semaphore, #tpu.memory_space<semaphore_mem>>)
    %dma_wait3A_172 = arith.constant 0 : i32
    %dma_wait3A_173 = tpu.memref_slice %arg5[%add3A_83, %dma_wait3A_172] : memref<8192x768xf32, #tpu.memory_space<hbm>> -> memref<16x768xf32, #tpu.memory_space<hbm>>
    %dma_wait3A_174 = arith.constant 0 : i32
    %dma_wait3A_175 = tpu.memref_slice %arg5[%add3A_83, %dma_wait3A_174] : memref<8192x768xf32, #tpu.memory_space<hbm>> -> memref<16x768xf32, #tpu.memory_space<hbm>>
    tpu.wait_dma2 semaphore(%arg24 : memref<!tpu.dma_semaphore, #tpu.memory_space<semaphore_mem>>) src(%arg11 : memref<16x768xf32, #tpu.memory_space<vmem>>) dst(%dma_wait3A_175 : memref<16x768xf32, #tpu.memory_space<hbm>>)
    %add3A_176 = arith.constant 96 : i32
    %add3A_177 = arith.addi %mul3A_2, %add3A_176 : i32
    %dma_start3A_178 = arith.constant 0 : i32
    %dma_start3A_179 = tpu.memref_slice %arg3[%add3A_177, %dma_start3A_178] : memref<8192x768xf32, #tpu.memory_space<hbm>> -> memref<16x768xf32, #tpu.memory_space<hbm>>
    %dma_start3A_180 = arith.constant 0 : i32
    %dma_start3A_181 = tpu.memref_slice %arg3[%add3A_177, %dma_start3A_180] : memref<8192x768xf32, #tpu.memory_space<hbm>> -> memref<16x768xf32, #tpu.memory_space<hbm>>
    tpu.enqueue_dma source(%dma_start3A_181 : memref<16x768xf32, #tpu.memory_space<hbm>>) target(%arg11 : memref<16x768xf32, #tpu.memory_space<vmem>>) target_semaphore(%arg19 : memref<!tpu.dma_semaphore, #tpu.memory_space<semaphore_mem>>)
    %scan3A_182 = arith.constant 0 : i32
    %scan3A_183 = arith.constant 0 : i32
    %scan3A_184 = arith.constant 48 : i32
    %scan3A_185 = arith.addi %scan3A_183, %scan3A_184 : i32
    %scan3A_186 = arith.constant 1 : i32
    %scan3A_187 = scf.for %scan3A_592 = %scan3A_183 to %scan3A_185 step %scan3A_186 iter_args(%scan3A_593 = %scan3A_182) -> (i32)  : i32 {
      %mul3A_594 = arith.constant 16 : i32
      %mul3A_595 = arith.muli %scan3A_592, %mul3A_594 : i32
      %get3A = arith.constant 0 : i32
      %get3A_596 = arith.index_cast %get3A : i32 to index
      %get3A_597 = arith.index_cast %mul3A_595 : i32 to index
      %get3A_598 = tpu.vector_load %arg8[%get3A_596, %get3A_597] {strides = array<i32>} : memref<16x768xf32, #tpu.memory_space<vmem>>, vector<1x16xf32>,
      %get3A_599 = vector.shape_cast %get3A_598 : vector<1x16xf32> to vector<16xf32>
      %swap3A = arith.constant 0 : i32
      %swap3A_600 = arith.index_cast %swap3A : i32 to index
      %swap3A_601 = arith.index_cast %mul3A_595 : i32 to index
      %swap3A_602 = tpu.vector_load %arg14[%swap3A_600, %swap3A_601] {strides = array<i32>} : memref<16x768xf32, #tpu.memory_space<vmem>>, vector<1x16xf32>,
      %swap3A_603 = vector.shape_cast %swap3A_602 : vector<1x16xf32> to vector<16xf32>
      %swap3A_604 = vector.shape_cast %get3A_599 : vector<16xf32> to vector<1x16xf32>
      tpu.vector_store %arg14[%swap3A_600, %swap3A_601], %swap3A_604 {add = true, strides = array<i32>} : memref<16x768xf32, #tpu.memory_space<vmem>>, vector<1x16xf32>,
      %get3A_605 = arith.constant 1 : i32
      %get3A_606 = arith.index_cast %get3A_605 : i32 to index
      %get3A_607 = arith.index_cast %mul3A_595 : i32 to index
      %get3A_608 = tpu.vector_load %arg8[%get3A_606, %get3A_607] {strides = array<i32>} : memref<16x768xf32, #tpu.memory_space<vmem>>, vector<1x16xf32>,
      %get3A_609 = vector.shape_cast %get3A_608 : vector<1x16xf32> to vector<16xf32>
      %swap3A_610 = arith.constant 1 : i32
      %swap3A_611 = arith.index_cast %swap3A_610 : i32 to index
      %swap3A_612 = arith.index_cast %mul3A_595 : i32 to index
      %swap3A_613 = tpu.vector_load %arg14[%swap3A_611, %swap3A_612] {strides = array<i32>} : memref<16x768xf32, #tpu.memory_space<vmem>>, vector<1x16xf32>,
      %swap3A_614 = vector.shape_cast %swap3A_613 : vector<1x16xf32> to vector<16xf32>
      %swap3A_615 = vector.shape_cast %get3A_609 : vector<16xf32> to vector<1x16xf32>
      tpu.vector_store %arg14[%swap3A_611, %swap3A_612], %swap3A_615 {add = true, strides = array<i32>} : memref<16x768xf32, #tpu.memory_space<vmem>>, vector<1x16xf32>,
      %get3A_616 = arith.constant 2 : i32
      %get3A_617 = arith.index_cast %get3A_616 : i32 to index
      %get3A_618 = arith.index_cast %mul3A_595 : i32 to index
      %get3A_619 = tpu.vector_load %arg8[%get3A_617, %get3A_618] {strides = array<i32>} : memref<16x768xf32, #tpu.memory_space<vmem>>, vector<1x16xf32>,
      %get3A_620 = vector.shape_cast %get3A_619 : vector<1x16xf32> to vector<16xf32>
      %swap3A_621 = arith.constant 2 : i32
      %swap3A_622 = arith.index_cast %swap3A_621 : i32 to index
      %swap3A_623 = arith.index_cast %mul3A_595 : i32 to index
      %swap3A_624 = tpu.vector_load %arg14[%swap3A_622, %swap3A_623] {strides = array<i32>} : memref<16x768xf32, #tpu.memory_space<vmem>>, vector<1x16xf32>,
      %swap3A_625 = vector.shape_cast %swap3A_624 : vector<1x16xf32> to vector<16xf32>
      %swap3A_626 = vector.shape_cast %get3A_620 : vector<16xf32> to vector<1x16xf32>
      tpu.vector_store %arg14[%swap3A_622, %swap3A_623], %swap3A_626 {add = true, strides = array<i32>} : memref<16x768xf32, #tpu.memory_space<vmem>>, vector<1x16xf32>,
      %get3A_627 = arith.constant 3 : i32
      %get3A_628 = arith.index_cast %get3A_627 : i32 to index
      %get3A_629 = arith.index_cast %mul3A_595 : i32 to index
      %get3A_630 = tpu.vector_load %arg8[%get3A_628, %get3A_629] {strides = array<i32>} : memref<16x768xf32, #tpu.memory_space<vmem>>, vector<1x16xf32>,
      %get3A_631 = vector.shape_cast %get3A_630 : vector<1x16xf32> to vector<16xf32>
      %swap3A_632 = arith.constant 3 : i32
      %swap3A_633 = arith.index_cast %swap3A_632 : i32 to index
      %swap3A_634 = arith.index_cast %mul3A_595 : i32 to index
      %swap3A_635 = tpu.vector_load %arg14[%swap3A_633, %swap3A_634] {strides = array<i32>} : memref<16x768xf32, #tpu.memory_space<vmem>>, vector<1x16xf32>,
      %swap3A_636 = vector.shape_cast %swap3A_635 : vector<1x16xf32> to vector<16xf32>
      %swap3A_637 = vector.shape_cast %get3A_631 : vector<16xf32> to vector<1x16xf32>
      tpu.vector_store %arg14[%swap3A_633, %swap3A_634], %swap3A_637 {add = true, strides = array<i32>} : memref<16x768xf32, #tpu.memory_space<vmem>>, vector<1x16xf32>,
      %get3A_638 = arith.constant 4 : i32
      %get3A_639 = arith.index_cast %get3A_638 : i32 to index
      %get3A_640 = arith.index_cast %mul3A_595 : i32 to index
      %get3A_641 = tpu.vector_load %arg8[%get3A_639, %get3A_640] {strides = array<i32>} : memref<16x768xf32, #tpu.memory_space<vmem>>, vector<1x16xf32>,
      %get3A_642 = vector.shape_cast %get3A_641 : vector<1x16xf32> to vector<16xf32>
      %swap3A_643 = arith.constant 4 : i32
      %swap3A_644 = arith.index_cast %swap3A_643 : i32 to index
      %swap3A_645 = arith.index_cast %mul3A_595 : i32 to index
      %swap3A_646 = tpu.vector_load %arg14[%swap3A_644, %swap3A_645] {strides = array<i32>} : memref<16x768xf32, #tpu.memory_space<vmem>>, vector<1x16xf32>,
      %swap3A_647 = vector.shape_cast %swap3A_646 : vector<1x16xf32> to vector<16xf32>
      %swap3A_648 = vector.shape_cast %get3A_642 : vector<16xf32> to vector<1x16xf32>
      tpu.vector_store %arg14[%swap3A_644, %swap3A_645], %swap3A_648 {add = true, strides = array<i32>} : memref<16x768xf32, #tpu.memory_space<vmem>>, vector<1x16xf32>,
      %get3A_649 = arith.constant 5 : i32
      %get3A_650 = arith.index_cast %get3A_649 : i32 to index
      %get3A_651 = arith.index_cast %mul3A_595 : i32 to index
      %get3A_652 = tpu.vector_load %arg8[%get3A_650, %get3A_651] {strides = array<i32>} : memref<16x768xf32, #tpu.memory_space<vmem>>, vector<1x16xf32>,
      %get3A_653 = vector.shape_cast %get3A_652 : vector<1x16xf32> to vector<16xf32>
      %swap3A_654 = arith.constant 5 : i32
      %swap3A_655 = arith.index_cast %swap3A_654 : i32 to index
      %swap3A_656 = arith.index_cast %mul3A_595 : i32 to index
      %swap3A_657 = tpu.vector_load %arg14[%swap3A_655, %swap3A_656] {strides = array<i32>} : memref<16x768xf32, #tpu.memory_space<vmem>>, vector<1x16xf32>,
      %swap3A_658 = vector.shape_cast %swap3A_657 : vector<1x16xf32> to vector<16xf32>
      %swap3A_659 = vector.shape_cast %get3A_653 : vector<16xf32> to vector<1x16xf32>
      tpu.vector_store %arg14[%swap3A_655, %swap3A_656], %swap3A_659 {add = true, strides = array<i32>} : memref<16x768xf32, #tpu.memory_space<vmem>>, vector<1x16xf32>,
      %get3A_660 = arith.constant 6 : i32
      %get3A_661 = arith.index_cast %get3A_660 : i32 to index
      %get3A_662 = arith.index_cast %mul3A_595 : i32 to index
      %get3A_663 = tpu.vector_load %arg8[%get3A_661, %get3A_662] {strides = array<i32>} : memref<16x768xf32, #tpu.memory_space<vmem>>, vector<1x16xf32>,
      %get3A_664 = vector.shape_cast %get3A_663 : vector<1x16xf32> to vector<16xf32>
      %swap3A_665 = arith.constant 6 : i32
      %swap3A_666 = arith.index_cast %swap3A_665 : i32 to index
      %swap3A_667 = arith.index_cast %mul3A_595 : i32 to index
      %swap3A_668 = tpu.vector_load %arg14[%swap3A_666, %swap3A_667] {strides = array<i32>} : memref<16x768xf32, #tpu.memory_space<vmem>>, vector<1x16xf32>,
      %swap3A_669 = vector.shape_cast %swap3A_668 : vector<1x16xf32> to vector<16xf32>
      %swap3A_670 = vector.shape_cast %get3A_664 : vector<16xf32> to vector<1x16xf32>
      tpu.vector_store %arg14[%swap3A_666, %swap3A_667], %swap3A_670 {add = true, strides = array<i32>} : memref<16x768xf32, #tpu.memory_space<vmem>>, vector<1x16xf32>,
      %get3A_671 = arith.constant 7 : i32
      %get3A_672 = arith.index_cast %get3A_671 : i32 to index
      %get3A_673 = arith.index_cast %mul3A_595 : i32 to index
      %get3A_674 = tpu.vector_load %arg8[%get3A_672, %get3A_673] {strides = array<i32>} : memref<16x768xf32, #tpu.memory_space<vmem>>, vector<1x16xf32>,
      %get3A_675 = vector.shape_cast %get3A_674 : vector<1x16xf32> to vector<16xf32>
      %swap3A_676 = arith.constant 7 : i32
      %swap3A_677 = arith.index_cast %swap3A_676 : i32 to index
      %swap3A_678 = arith.index_cast %mul3A_595 : i32 to index
      %swap3A_679 = tpu.vector_load %arg14[%swap3A_677, %swap3A_678] {strides = array<i32>} : memref<16x768xf32, #tpu.memory_space<vmem>>, vector<1x16xf32>,
      %swap3A_680 = vector.shape_cast %swap3A_679 : vector<1x16xf32> to vector<16xf32>
      %swap3A_681 = vector.shape_cast %get3A_675 : vector<16xf32> to vector<1x16xf32>
      tpu.vector_store %arg14[%swap3A_677, %swap3A_678], %swap3A_681 {add = true, strides = array<i32>} : memref<16x768xf32, #tpu.memory_space<vmem>>, vector<1x16xf32>,
      %get3A_682 = arith.constant 8 : i32
      %get3A_683 = arith.index_cast %get3A_682 : i32 to index
      %get3A_684 = arith.index_cast %mul3A_595 : i32 to index
      %get3A_685 = tpu.vector_load %arg8[%get3A_683, %get3A_684] {strides = array<i32>} : memref<16x768xf32, #tpu.memory_space<vmem>>, vector<1x16xf32>,
      %get3A_686 = vector.shape_cast %get3A_685 : vector<1x16xf32> to vector<16xf32>
      %swap3A_687 = arith.constant 8 : i32
      %swap3A_688 = arith.index_cast %swap3A_687 : i32 to index
      %swap3A_689 = arith.index_cast %mul3A_595 : i32 to index
      %swap3A_690 = tpu.vector_load %arg14[%swap3A_688, %swap3A_689] {strides = array<i32>} : memref<16x768xf32, #tpu.memory_space<vmem>>, vector<1x16xf32>,
      %swap3A_691 = vector.shape_cast %swap3A_690 : vector<1x16xf32> to vector<16xf32>
      %swap3A_692 = vector.shape_cast %get3A_686 : vector<16xf32> to vector<1x16xf32>
      tpu.vector_store %arg14[%swap3A_688, %swap3A_689], %swap3A_692 {add = true, strides = array<i32>} : memref<16x768xf32, #tpu.memory_space<vmem>>, vector<1x16xf32>,
      %get3A_693 = arith.constant 9 : i32
      %get3A_694 = arith.index_cast %get3A_693 : i32 to index
      %get3A_695 = arith.index_cast %mul3A_595 : i32 to index
      %get3A_696 = tpu.vector_load %arg8[%get3A_694, %get3A_695] {strides = array<i32>} : memref<16x768xf32, #tpu.memory_space<vmem>>, vector<1x16xf32>,
      %get3A_697 = vector.shape_cast %get3A_696 : vector<1x16xf32> to vector<16xf32>
      %swap3A_698 = arith.constant 9 : i32
      %swap3A_699 = arith.index_cast %swap3A_698 : i32 to index
      %swap3A_700 = arith.index_cast %mul3A_595 : i32 to index
      %swap3A_701 = tpu.vector_load %arg14[%swap3A_699, %swap3A_700] {strides = array<i32>} : memref<16x768xf32, #tpu.memory_space<vmem>>, vector<1x16xf32>,
      %swap3A_702 = vector.shape_cast %swap3A_701 : vector<1x16xf32> to vector<16xf32>
      %swap3A_703 = vector.shape_cast %get3A_697 : vector<16xf32> to vector<1x16xf32>
      tpu.vector_store %arg14[%swap3A_699, %swap3A_700], %swap3A_703 {add = true, strides = array<i32>} : memref<16x768xf32, #tpu.memory_space<vmem>>, vector<1x16xf32>,
      %get3A_704 = arith.constant 10 : i32
      %get3A_705 = arith.index_cast %get3A_704 : i32 to index
      %get3A_706 = arith.index_cast %mul3A_595 : i32 to index
      %get3A_707 = tpu.vector_load %arg8[%get3A_705, %get3A_706] {strides = array<i32>} : memref<16x768xf32, #tpu.memory_space<vmem>>, vector<1x16xf32>,
      %get3A_708 = vector.shape_cast %get3A_707 : vector<1x16xf32> to vector<16xf32>
      %swap3A_709 = arith.constant 10 : i32
      %swap3A_710 = arith.index_cast %swap3A_709 : i32 to index
      %swap3A_711 = arith.index_cast %mul3A_595 : i32 to index
      %swap3A_712 = tpu.vector_load %arg14[%swap3A_710, %swap3A_711] {strides = array<i32>} : memref<16x768xf32, #tpu.memory_space<vmem>>, vector<1x16xf32>,
      %swap3A_713 = vector.shape_cast %swap3A_712 : vector<1x16xf32> to vector<16xf32>
      %swap3A_714 = vector.shape_cast %get3A_708 : vector<16xf32> to vector<1x16xf32>
      tpu.vector_store %arg14[%swap3A_710, %swap3A_711], %swap3A_714 {add = true, strides = array<i32>} : memref<16x768xf32, #tpu.memory_space<vmem>>, vector<1x16xf32>,
      %get3A_715 = arith.constant 11 : i32
      %get3A_716 = arith.index_cast %get3A_715 : i32 to index
      %get3A_717 = arith.index_cast %mul3A_595 : i32 to index
      %get3A_718 = tpu.vector_load %arg8[%get3A_716, %get3A_717] {strides = array<i32>} : memref<16x768xf32, #tpu.memory_space<vmem>>, vector<1x16xf32>,
      %get3A_719 = vector.shape_cast %get3A_718 : vector<1x16xf32> to vector<16xf32>
      %swap3A_720 = arith.constant 11 : i32
      %swap3A_721 = arith.index_cast %swap3A_720 : i32 to index
      %swap3A_722 = arith.index_cast %mul3A_595 : i32 to index
      %swap3A_723 = tpu.vector_load %arg14[%swap3A_721, %swap3A_722] {strides = array<i32>} : memref<16x768xf32, #tpu.memory_space<vmem>>, vector<1x16xf32>,
      %swap3A_724 = vector.shape_cast %swap3A_723 : vector<1x16xf32> to vector<16xf32>
      %swap3A_725 = vector.shape_cast %get3A_719 : vector<16xf32> to vector<1x16xf32>
      tpu.vector_store %arg14[%swap3A_721, %swap3A_722], %swap3A_725 {add = true, strides = array<i32>} : memref<16x768xf32, #tpu.memory_space<vmem>>, vector<1x16xf32>,
      %get3A_726 = arith.constant 12 : i32
      %get3A_727 = arith.index_cast %get3A_726 : i32 to index
      %get3A_728 = arith.index_cast %mul3A_595 : i32 to index
      %get3A_729 = tpu.vector_load %arg8[%get3A_727, %get3A_728] {strides = array<i32>} : memref<16x768xf32, #tpu.memory_space<vmem>>, vector<1x16xf32>,
      %get3A_730 = vector.shape_cast %get3A_729 : vector<1x16xf32> to vector<16xf32>
      %swap3A_731 = arith.constant 12 : i32
      %swap3A_732 = arith.index_cast %swap3A_731 : i32 to index
      %swap3A_733 = arith.index_cast %mul3A_595 : i32 to index
      %swap3A_734 = tpu.vector_load %arg14[%swap3A_732, %swap3A_733] {strides = array<i32>} : memref<16x768xf32, #tpu.memory_space<vmem>>, vector<1x16xf32>,
      %swap3A_735 = vector.shape_cast %swap3A_734 : vector<1x16xf32> to vector<16xf32>
      %swap3A_736 = vector.shape_cast %get3A_730 : vector<16xf32> to vector<1x16xf32>
      tpu.vector_store %arg14[%swap3A_732, %swap3A_733], %swap3A_736 {add = true, strides = array<i32>} : memref<16x768xf32, #tpu.memory_space<vmem>>, vector<1x16xf32>,
      %get3A_737 = arith.constant 13 : i32
      %get3A_738 = arith.index_cast %get3A_737 : i32 to index
      %get3A_739 = arith.index_cast %mul3A_595 : i32 to index
      %get3A_740 = tpu.vector_load %arg8[%get3A_738, %get3A_739] {strides = array<i32>} : memref<16x768xf32, #tpu.memory_space<vmem>>, vector<1x16xf32>,
      %get3A_741 = vector.shape_cast %get3A_740 : vector<1x16xf32> to vector<16xf32>
      %swap3A_742 = arith.constant 13 : i32
      %swap3A_743 = arith.index_cast %swap3A_742 : i32 to index
      %swap3A_744 = arith.index_cast %mul3A_595 : i32 to index
      %swap3A_745 = tpu.vector_load %arg14[%swap3A_743, %swap3A_744] {strides = array<i32>} : memref<16x768xf32, #tpu.memory_space<vmem>>, vector<1x16xf32>,
      %swap3A_746 = vector.shape_cast %swap3A_745 : vector<1x16xf32> to vector<16xf32>
      %swap3A_747 = vector.shape_cast %get3A_741 : vector<16xf32> to vector<1x16xf32>
      tpu.vector_store %arg14[%swap3A_743, %swap3A_744], %swap3A_747 {add = true, strides = array<i32>} : memref<16x768xf32, #tpu.memory_space<vmem>>, vector<1x16xf32>,
      %get3A_748 = arith.constant 14 : i32
      %get3A_749 = arith.index_cast %get3A_748 : i32 to index
      %get3A_750 = arith.index_cast %mul3A_595 : i32 to index
      %get3A_751 = tpu.vector_load %arg8[%get3A_749, %get3A_750] {strides = array<i32>} : memref<16x768xf32, #tpu.memory_space<vmem>>, vector<1x16xf32>,
      %get3A_752 = vector.shape_cast %get3A_751 : vector<1x16xf32> to vector<16xf32>
      %swap3A_753 = arith.constant 14 : i32
      %swap3A_754 = arith.index_cast %swap3A_753 : i32 to index
      %swap3A_755 = arith.index_cast %mul3A_595 : i32 to index
      %swap3A_756 = tpu.vector_load %arg14[%swap3A_754, %swap3A_755] {strides = array<i32>} : memref<16x768xf32, #tpu.memory_space<vmem>>, vector<1x16xf32>,
      %swap3A_757 = vector.shape_cast %swap3A_756 : vector<1x16xf32> to vector<16xf32>
      %swap3A_758 = vector.shape_cast %get3A_752 : vector<16xf32> to vector<1x16xf32>
      tpu.vector_store %arg14[%swap3A_754, %swap3A_755], %swap3A_758 {add = true, strides = array<i32>} : memref<16x768xf32, #tpu.memory_space<vmem>>, vector<1x16xf32>,
      %get3A_759 = arith.constant 15 : i32
      %get3A_760 = arith.index_cast %get3A_759 : i32 to index
      %get3A_761 = arith.index_cast %mul3A_595 : i32 to index
      %get3A_762 = tpu.vector_load %arg8[%get3A_760, %get3A_761] {strides = array<i32>} : memref<16x768xf32, #tpu.memory_space<vmem>>, vector<1x16xf32>,
      %get3A_763 = vector.shape_cast %get3A_762 : vector<1x16xf32> to vector<16xf32>
      %swap3A_764 = arith.constant 15 : i32
      %swap3A_765 = arith.index_cast %swap3A_764 : i32 to index
      %swap3A_766 = arith.index_cast %mul3A_595 : i32 to index
      %swap3A_767 = tpu.vector_load %arg14[%swap3A_765, %swap3A_766] {strides = array<i32>} : memref<16x768xf32, #tpu.memory_space<vmem>>, vector<1x16xf32>,
      %swap3A_768 = vector.shape_cast %swap3A_767 : vector<1x16xf32> to vector<16xf32>
      %swap3A_769 = vector.shape_cast %get3A_763 : vector<16xf32> to vector<1x16xf32>
      tpu.vector_store %arg14[%swap3A_765, %swap3A_766], %swap3A_769 {add = true, strides = array<i32>} : memref<16x768xf32, #tpu.memory_space<vmem>>, vector<1x16xf32>,
      %scan3A_770 = arith.constant 0 : i32
      scf.yield %scan3A_770 : i32
    }
    %scan3A_188 = arith.constant 48 : i32
    %add3A_189 = arith.constant 64 : i32
    %add3A_190 = arith.addi %mul3A_2, %add3A_189 : i32
    %dma_start3A_191 = arith.constant 0 : i32
    %dma_start3A_192 = tpu.memref_slice %arg5[%add3A_190, %dma_start3A_191] : memref<8192x768xf32, #tpu.memory_space<hbm>> -> memref<16x768xf32, #tpu.memory_space<hbm>>
    %dma_start3A_193 = arith.constant 0 : i32
    %dma_start3A_194 = tpu.memref_slice %arg5[%add3A_190, %dma_start3A_193] : memref<8192x768xf32, #tpu.memory_space<hbm>> -> memref<16x768xf32, #tpu.memory_space<hbm>>
    tpu.enqueue_dma source(%arg14 : memref<16x768xf32, #tpu.memory_space<vmem>>) target(%dma_start3A_194 : memref<16x768xf32, #tpu.memory_space<hbm>>) target_semaphore(%arg27 : memref<!tpu.dma_semaphore, #tpu.memory_space<semaphore_mem>>)
    %dma_wait3A_195 = arith.constant 80 : i32
    %dma_wait3A_196 = tpu.memref_slice %arg6[%dma_wait3A_195] : memref<256xi32, #tpu.memory_space<vmem>> -> memref<16xi32, #tpu.memory_space<vmem>>
    %dma_wait3A_197 = arith.constant 0 : i32
    %dma_wait3A_198 = arith.constant 0 : i32
    %dma_wait3A_199 = tpu.memref_slice %arg2[%dma_wait3A_197, %dma_wait3A_198] : memref<50257x768xf32, #tpu.memory_space<hbm>> -> memref<50257x768xf32, #tpu.memory_space<hbm>>
    tpu.wait_indirect_dma semaphore(%arg17 : memref<!tpu.dma_semaphore, #tpu.memory_space<semaphore_mem>>) src(%dma_wait3A_199 : memref<50257x768xf32, #tpu.memory_space<hbm>>) dst(%arg9 : memref<16x768xf32, #tpu.memory_space<vmem>>)
    %dma_wait3A_200 = arith.constant 0 : i32
    %dma_wait3A_201 = tpu.memref_slice %arg3[%add3A_140, %dma_wait3A_200] : memref<8192x768xf32, #tpu.memory_space<hbm>> -> memref<16x768xf32, #tpu.memory_space<hbm>>
    %dma_wait3A_202 = arith.constant 0 : i32
    %dma_wait3A_203 = tpu.memref_slice %arg3[%add3A_140, %dma_wait3A_202] : memref<8192x768xf32, #tpu.memory_space<hbm>> -> memref<16x768xf32, #tpu.memory_space<hbm>>
    tpu.wait_dma2 semaphore(%arg18 : memref<!tpu.dma_semaphore, #tpu.memory_space<semaphore_mem>>) src(%dma_wait3A_203 : memref<16x768xf32, #tpu.memory_space<hbm>>) dst(%arg10 : memref<16x768xf32, #tpu.memory_space<vmem>>)
    %dma_start3A_204 = arith.constant 112 : i32
    %dma_start3A_205 = tpu.memref_slice %arg6[%dma_start3A_204] : memref<256xi32, #tpu.memory_space<vmem>> -> memref<16xi32, #tpu.memory_space<vmem>>
    %dma_start3A_206 = arith.constant 0 : i32
    %dma_start3A_207 = arith.constant 0 : i32
    %dma_start3A_208 = tpu.memref_slice %arg2[%dma_start3A_206, %dma_start3A_207] : memref<50257x768xf32, #tpu.memory_space<hbm>> -> memref<50257x768xf32, #tpu.memory_space<hbm>>
    tpu.enqueue_indirect_dma source(%dma_start3A_208 : memref<50257x768xf32, #tpu.memory_space<hbm>>) target(%arg8 : memref<16x768xf32, #tpu.memory_space<vmem>>) offsets(%dma_start3A_205 : memref<16xi32, #tpu.memory_space<vmem>>) semaphore(%arg16 : memref<!tpu.dma_semaphore, #tpu.memory_space<semaphore_mem>>)
    %dma_wait3A_209 = arith.constant 0 : i32
    %dma_wait3A_210 = tpu.memref_slice %arg5[%add3A_116, %dma_wait3A_209] : memref<8192x768xf32, #tpu.memory_space<hbm>> -> memref<16x768xf32, #tpu.memory_space<hbm>>
    %dma_wait3A_211 = arith.constant 0 : i32
    %dma_wait3A_212 = tpu.memref_slice %arg5[%add3A_116, %dma_wait3A_211] : memref<8192x768xf32, #tpu.memory_space<hbm>> -> memref<16x768xf32, #tpu.memory_space<hbm>>
    tpu.wait_dma2 semaphore(%arg25 : memref<!tpu.dma_semaphore, #tpu.memory_space<semaphore_mem>>) src(%arg12 : memref<16x768xf32, #tpu.memory_space<vmem>>) dst(%dma_wait3A_212 : memref<16x768xf32, #tpu.memory_space<hbm>>)
    %add3A_213 = arith.constant 112 : i32
    %add3A_214 = arith.addi %mul3A_2, %add3A_213 : i32
    %dma_start3A_215 = arith.constant 0 : i32
    %dma_start3A_216 = tpu.memref_slice %arg3[%add3A_214, %dma_start3A_215] : memref<8192x768xf32, #tpu.memory_space<hbm>> -> memref<16x768xf32, #tpu.memory_space<hbm>>
    %dma_start3A_217 = arith.constant 0 : i32
    %dma_start3A_218 = tpu.memref_slice %arg3[%add3A_214, %dma_start3A_217] : memref<8192x768xf32, #tpu.memory_space<hbm>> -> memref<16x768xf32, #tpu.memory_space<hbm>>
    tpu.enqueue_dma source(%dma_start3A_218 : memref<16x768xf32, #tpu.memory_space<hbm>>) target(%arg12 : memref<16x768xf32, #tpu.memory_space<vmem>>) target_semaphore(%arg20 : memref<!tpu.dma_semaphore, #tpu.memory_space<semaphore_mem>>)
    %scan3A_219 = arith.constant 0 : i32
    %scan3A_220 = arith.constant 0 : i32
    %scan3A_221 = arith.constant 48 : i32
    %scan3A_222 = arith.addi %scan3A_220, %scan3A_221 : i32
    %scan3A_223 = arith.constant 1 : i32
    %scan3A_224 = scf.for %scan3A_592 = %scan3A_220 to %scan3A_222 step %scan3A_223 iter_args(%scan3A_593 = %scan3A_219) -> (i32)  : i32 {
      %mul3A_594 = arith.constant 16 : i32
      %mul3A_595 = arith.muli %scan3A_592, %mul3A_594 : i32
      %get3A = arith.constant 0 : i32
      %get3A_596 = arith.index_cast %get3A : i32 to index
      %get3A_597 = arith.index_cast %mul3A_595 : i32 to index
      %get3A_598 = tpu.vector_load %arg9[%get3A_596, %get3A_597] {strides = array<i32>} : memref<16x768xf32, #tpu.memory_space<vmem>>, vector<1x16xf32>,
      %get3A_599 = vector.shape_cast %get3A_598 : vector<1x16xf32> to vector<16xf32>
      %swap3A = arith.constant 0 : i32
      %swap3A_600 = arith.index_cast %swap3A : i32 to index
      %swap3A_601 = arith.index_cast %mul3A_595 : i32 to index
      %swap3A_602 = tpu.vector_load %arg10[%swap3A_600, %swap3A_601] {strides = array<i32>} : memref<16x768xf32, #tpu.memory_space<vmem>>, vector<1x16xf32>,
      %swap3A_603 = vector.shape_cast %swap3A_602 : vector<1x16xf32> to vector<16xf32>
      %swap3A_604 = vector.shape_cast %get3A_599 : vector<16xf32> to vector<1x16xf32>
      tpu.vector_store %arg10[%swap3A_600, %swap3A_601], %swap3A_604 {add = true, strides = array<i32>} : memref<16x768xf32, #tpu.memory_space<vmem>>, vector<1x16xf32>,
      %get3A_605 = arith.constant 1 : i32
      %get3A_606 = arith.index_cast %get3A_605 : i32 to index
      %get3A_607 = arith.index_cast %mul3A_595 : i32 to index
      %get3A_608 = tpu.vector_load %arg9[%get3A_606, %get3A_607] {strides = array<i32>} : memref<16x768xf32, #tpu.memory_space<vmem>>, vector<1x16xf32>,
      %get3A_609 = vector.shape_cast %get3A_608 : vector<1x16xf32> to vector<16xf32>
      %swap3A_610 = arith.constant 1 : i32
      %swap3A_611 = arith.index_cast %swap3A_610 : i32 to index
      %swap3A_612 = arith.index_cast %mul3A_595 : i32 to index
      %swap3A_613 = tpu.vector_load %arg10[%swap3A_611, %swap3A_612] {strides = array<i32>} : memref<16x768xf32, #tpu.memory_space<vmem>>, vector<1x16xf32>,
      %swap3A_614 = vector.shape_cast %swap3A_613 : vector<1x16xf32> to vector<16xf32>
      %swap3A_615 = vector.shape_cast %get3A_609 : vector<16xf32> to vector<1x16xf32>
      tpu.vector_store %arg10[%swap3A_611, %swap3A_612], %swap3A_615 {add = true, strides = array<i32>} : memref<16x768xf32, #tpu.memory_space<vmem>>, vector<1x16xf32>,
      %get3A_616 = arith.constant 2 : i32
      %get3A_617 = arith.index_cast %get3A_616 : i32 to index
      %get3A_618 = arith.index_cast %mul3A_595 : i32 to index
      %get3A_619 = tpu.vector_load %arg9[%get3A_617, %get3A_618] {strides = array<i32>} : memref<16x768xf32, #tpu.memory_space<vmem>>, vector<1x16xf32>,
      %get3A_620 = vector.shape_cast %get3A_619 : vector<1x16xf32> to vector<16xf32>
      %swap3A_621 = arith.constant 2 : i32
      %swap3A_622 = arith.index_cast %swap3A_621 : i32 to index
      %swap3A_623 = arith.index_cast %mul3A_595 : i32 to index
      %swap3A_624 = tpu.vector_load %arg10[%swap3A_622, %swap3A_623] {strides = array<i32>} : memref<16x768xf32, #tpu.memory_space<vmem>>, vector<1x16xf32>,
      %swap3A_625 = vector.shape_cast %swap3A_624 : vector<1x16xf32> to vector<16xf32>
      %swap3A_626 = vector.shape_cast %get3A_620 : vector<16xf32> to vector<1x16xf32>
      tpu.vector_store %arg10[%swap3A_622, %swap3A_623], %swap3A_626 {add = true, strides = array<i32>} : memref<16x768xf32, #tpu.memory_space<vmem>>, vector<1x16xf32>,
      %get3A_627 = arith.constant 3 : i32
      %get3A_628 = arith.index_cast %get3A_627 : i32 to index
      %get3A_629 = arith.index_cast %mul3A_595 : i32 to index
      %get3A_630 = tpu.vector_load %arg9[%get3A_628, %get3A_629] {strides = array<i32>} : memref<16x768xf32, #tpu.memory_space<vmem>>, vector<1x16xf32>,
      %get3A_631 = vector.shape_cast %get3A_630 : vector<1x16xf32> to vector<16xf32>
      %swap3A_632 = arith.constant 3 : i32
      %swap3A_633 = arith.index_cast %swap3A_632 : i32 to index
      %swap3A_634 = arith.index_cast %mul3A_595 : i32 to index
      %swap3A_635 = tpu.vector_load %arg10[%swap3A_633, %swap3A_634] {strides = array<i32>} : memref<16x768xf32, #tpu.memory_space<vmem>>, vector<1x16xf32>,
      %swap3A_636 = vector.shape_cast %swap3A_635 : vector<1x16xf32> to vector<16xf32>
      %swap3A_637 = vector.shape_cast %get3A_631 : vector<16xf32> to vector<1x16xf32>
      tpu.vector_store %arg10[%swap3A_633, %swap3A_634], %swap3A_637 {add = true, strides = array<i32>} : memref<16x768xf32, #tpu.memory_space<vmem>>, vector<1x16xf32>,
      %get3A_638 = arith.constant 4 : i32
      %get3A_639 = arith.index_cast %get3A_638 : i32 to index
      %get3A_640 = arith.index_cast %mul3A_595 : i32 to index
      %get3A_641 = tpu.vector_load %arg9[%get3A_639, %get3A_640] {strides = array<i32>} : memref<16x768xf32, #tpu.memory_space<vmem>>, vector<1x16xf32>,
      %get3A_642 = vector.shape_cast %get3A_641 : vector<1x16xf32> to vector<16xf32>
      %swap3A_643 = arith.constant 4 : i32
      %swap3A_644 = arith.index_cast %swap3A_643 : i32 to index
      %swap3A_645 = arith.index_cast %mul3A_595 : i32 to index
      %swap3A_646 = tpu.vector_load %arg10[%swap3A_644, %swap3A_645] {strides = array<i32>} : memref<16x768xf32, #tpu.memory_space<vmem>>, vector<1x16xf32>,
      %swap3A_647 = vector.shape_cast %swap3A_646 : vector<1x16xf32> to vector<16xf32>
      %swap3A_648 = vector.shape_cast %get3A_642 : vector<16xf32> to vector<1x16xf32>
      tpu.vector_store %arg10[%swap3A_644, %swap3A_645], %swap3A_648 {add = true, strides = array<i32>} : memref<16x768xf32, #tpu.memory_space<vmem>>, vector<1x16xf32>,
      %get3A_649 = arith.constant 5 : i32
      %get3A_650 = arith.index_cast %get3A_649 : i32 to index
      %get3A_651 = arith.index_cast %mul3A_595 : i32 to index
      %get3A_652 = tpu.vector_load %arg9[%get3A_650, %get3A_651] {strides = array<i32>} : memref<16x768xf32, #tpu.memory_space<vmem>>, vector<1x16xf32>,
      %get3A_653 = vector.shape_cast %get3A_652 : vector<1x16xf32> to vector<16xf32>
      %swap3A_654 = arith.constant 5 : i32
      %swap3A_655 = arith.index_cast %swap3A_654 : i32 to index
      %swap3A_656 = arith.index_cast %mul3A_595 : i32 to index
      %swap3A_657 = tpu.vector_load %arg10[%swap3A_655, %swap3A_656] {strides = array<i32>} : memref<16x768xf32, #tpu.memory_space<vmem>>, vector<1x16xf32>,
      %swap3A_658 = vector.shape_cast %swap3A_657 : vector<1x16xf32> to vector<16xf32>
      %swap3A_659 = vector.shape_cast %get3A_653 : vector<16xf32> to vector<1x16xf32>
      tpu.vector_store %arg10[%swap3A_655, %swap3A_656], %swap3A_659 {add = true, strides = array<i32>} : memref<16x768xf32, #tpu.memory_space<vmem>>, vector<1x16xf32>,
      %get3A_660 = arith.constant 6 : i32
      %get3A_661 = arith.index_cast %get3A_660 : i32 to index
      %get3A_662 = arith.index_cast %mul3A_595 : i32 to index
      %get3A_663 = tpu.vector_load %arg9[%get3A_661, %get3A_662] {strides = array<i32>} : memref<16x768xf32, #tpu.memory_space<vmem>>, vector<1x16xf32>,
      %get3A_664 = vector.shape_cast %get3A_663 : vector<1x16xf32> to vector<16xf32>
      %swap3A_665 = arith.constant 6 : i32
      %swap3A_666 = arith.index_cast %swap3A_665 : i32 to index
      %swap3A_667 = arith.index_cast %mul3A_595 : i32 to index
      %swap3A_668 = tpu.vector_load %arg10[%swap3A_666, %swap3A_667] {strides = array<i32>} : memref<16x768xf32, #tpu.memory_space<vmem>>, vector<1x16xf32>,
      %swap3A_669 = vector.shape_cast %swap3A_668 : vector<1x16xf32> to vector<16xf32>
      %swap3A_670 = vector.shape_cast %get3A_664 : vector<16xf32> to vector<1x16xf32>
      tpu.vector_store %arg10[%swap3A_666, %swap3A_667], %swap3A_670 {add = true, strides = array<i32>} : memref<16x768xf32, #tpu.memory_space<vmem>>, vector<1x16xf32>,
      %get3A_671 = arith.constant 7 : i32
      %get3A_672 = arith.index_cast %get3A_671 : i32 to index
      %get3A_673 = arith.index_cast %mul3A_595 : i32 to index
      %get3A_674 = tpu.vector_load %arg9[%get3A_672, %get3A_673] {strides = array<i32>} : memref<16x768xf32, #tpu.memory_space<vmem>>, vector<1x16xf32>,
      %get3A_675 = vector.shape_cast %get3A_674 : vector<1x16xf32> to vector<16xf32>
      %swap3A_676 = arith.constant 7 : i32
      %swap3A_677 = arith.index_cast %swap3A_676 : i32 to index
      %swap3A_678 = arith.index_cast %mul3A_595 : i32 to index
      %swap3A_679 = tpu.vector_load %arg10[%swap3A_677, %swap3A_678] {strides = array<i32>} : memref<16x768xf32, #tpu.memory_space<vmem>>, vector<1x16xf32>,
      %swap3A_680 = vector.shape_cast %swap3A_679 : vector<1x16xf32> to vector<16xf32>
      %swap3A_681 = vector.shape_cast %get3A_675 : vector<16xf32> to vector<1x16xf32>
      tpu.vector_store %arg10[%swap3A_677, %swap3A_678], %swap3A_681 {add = true, strides = array<i32>} : memref<16x768xf32, #tpu.memory_space<vmem>>, vector<1x16xf32>,
      %get3A_682 = arith.constant 8 : i32
      %get3A_683 = arith.index_cast %get3A_682 : i32 to index
      %get3A_684 = arith.index_cast %mul3A_595 : i32 to index
      %get3A_685 = tpu.vector_load %arg9[%get3A_683, %get3A_684] {strides = array<i32>} : memref<16x768xf32, #tpu.memory_space<vmem>>, vector<1x16xf32>,
      %get3A_686 = vector.shape_cast %get3A_685 : vector<1x16xf32> to vector<16xf32>
      %swap3A_687 = arith.constant 8 : i32
      %swap3A_688 = arith.index_cast %swap3A_687 : i32 to index
      %swap3A_689 = arith.index_cast %mul3A_595 : i32 to index
      %swap3A_690 = tpu.vector_load %arg10[%swap3A_688, %swap3A_689] {strides = array<i32>} : memref<16x768xf32, #tpu.memory_space<vmem>>, vector<1x16xf32>,
      %swap3A_691 = vector.shape_cast %swap3A_690 : vector<1x16xf32> to vector<16xf32>
      %swap3A_692 = vector.shape_cast %get3A_686 : vector<16xf32> to vector<1x16xf32>
      tpu.vector_store %arg10[%swap3A_688, %swap3A_689], %swap3A_692 {add = true, strides = array<i32>} : memref<16x768xf32, #tpu.memory_space<vmem>>, vector<1x16xf32>,
      %get3A_693 = arith.constant 9 : i32
      %get3A_694 = arith.index_cast %get3A_693 : i32 to index
      %get3A_695 = arith.index_cast %mul3A_595 : i32 to index
      %get3A_696 = tpu.vector_load %arg9[%get3A_694, %get3A_695] {strides = array<i32>} : memref<16x768xf32, #tpu.memory_space<vmem>>, vector<1x16xf32>,
      %get3A_697 = vector.shape_cast %get3A_696 : vector<1x16xf32> to vector<16xf32>
      %swap3A_698 = arith.constant 9 : i32
      %swap3A_699 = arith.index_cast %swap3A_698 : i32 to index
      %swap3A_700 = arith.index_cast %mul3A_595 : i32 to index
      %swap3A_701 = tpu.vector_load %arg10[%swap3A_699, %swap3A_700] {strides = array<i32>} : memref<16x768xf32, #tpu.memory_space<vmem>>, vector<1x16xf32>,
      %swap3A_702 = vector.shape_cast %swap3A_701 : vector<1x16xf32> to vector<16xf32>
      %swap3A_703 = vector.shape_cast %get3A_697 : vector<16xf32> to vector<1x16xf32>
      tpu.vector_store %arg10[%swap3A_699, %swap3A_700], %swap3A_703 {add = true, strides = array<i32>} : memref<16x768xf32, #tpu.memory_space<vmem>>, vector<1x16xf32>,
      %get3A_704 = arith.constant 10 : i32
      %get3A_705 = arith.index_cast %get3A_704 : i32 to index
      %get3A_706 = arith.index_cast %mul3A_595 : i32 to index
      %get3A_707 = tpu.vector_load %arg9[%get3A_705, %get3A_706] {strides = array<i32>} : memref<16x768xf32, #tpu.memory_space<vmem>>, vector<1x16xf32>,
      %get3A_708 = vector.shape_cast %get3A_707 : vector<1x16xf32> to vector<16xf32>
      %swap3A_709 = arith.constant 10 : i32
      %swap3A_710 = arith.index_cast %swap3A_709 : i32 to index
      %swap3A_711 = arith.index_cast %mul3A_595 : i32 to index
      %swap3A_712 = tpu.vector_load %arg10[%swap3A_710, %swap3A_711] {strides = array<i32>} : memref<16x768xf32, #tpu.memory_space<vmem>>, vector<1x16xf32>,
      %swap3A_713 = vector.shape_cast %swap3A_712 : vector<1x16xf32> to vector<16xf32>
      %swap3A_714 = vector.shape_cast %get3A_708 : vector<16xf32> to vector<1x16xf32>
      tpu.vector_store %arg10[%swap3A_710, %swap3A_711], %swap3A_714 {add = true, strides = array<i32>} : memref<16x768xf32, #tpu.memory_space<vmem>>, vector<1x16xf32>,
      %get3A_715 = arith.constant 11 : i32
      %get3A_716 = arith.index_cast %get3A_715 : i32 to index
      %get3A_717 = arith.index_cast %mul3A_595 : i32 to index
      %get3A_718 = tpu.vector_load %arg9[%get3A_716, %get3A_717] {strides = array<i32>} : memref<16x768xf32, #tpu.memory_space<vmem>>, vector<1x16xf32>,
      %get3A_719 = vector.shape_cast %get3A_718 : vector<1x16xf32> to vector<16xf32>
      %swap3A_720 = arith.constant 11 : i32
      %swap3A_721 = arith.index_cast %swap3A_720 : i32 to index
      %swap3A_722 = arith.index_cast %mul3A_595 : i32 to index
      %swap3A_723 = tpu.vector_load %arg10[%swap3A_721, %swap3A_722] {strides = array<i32>} : memref<16x768xf32, #tpu.memory_space<vmem>>, vector<1x16xf32>,
      %swap3A_724 = vector.shape_cast %swap3A_723 : vector<1x16xf32> to vector<16xf32>
      %swap3A_725 = vector.shape_cast %get3A_719 : vector<16xf32> to vector<1x16xf32>
      tpu.vector_store %arg10[%swap3A_721, %swap3A_722], %swap3A_725 {add = true, strides = array<i32>} : memref<16x768xf32, #tpu.memory_space<vmem>>, vector<1x16xf32>,
      %get3A_726 = arith.constant 12 : i32
      %get3A_727 = arith.index_cast %get3A_726 : i32 to index
      %get3A_728 = arith.index_cast %mul3A_595 : i32 to index
      %get3A_729 = tpu.vector_load %arg9[%get3A_727, %get3A_728] {strides = array<i32>} : memref<16x768xf32, #tpu.memory_space<vmem>>, vector<1x16xf32>,
      %get3A_730 = vector.shape_cast %get3A_729 : vector<1x16xf32> to vector<16xf32>
      %swap3A_731 = arith.constant 12 : i32
      %swap3A_732 = arith.index_cast %swap3A_731 : i32 to index
      %swap3A_733 = arith.index_cast %mul3A_595 : i32 to index
      %swap3A_734 = tpu.vector_load %arg10[%swap3A_732, %swap3A_733] {strides = array<i32>} : memref<16x768xf32, #tpu.memory_space<vmem>>, vector<1x16xf32>,
      %swap3A_735 = vector.shape_cast %swap3A_734 : vector<1x16xf32> to vector<16xf32>
      %swap3A_736 = vector.shape_cast %get3A_730 : vector<16xf32> to vector<1x16xf32>
      tpu.vector_store %arg10[%swap3A_732, %swap3A_733], %swap3A_736 {add = true, strides = array<i32>} : memref<16x768xf32, #tpu.memory_space<vmem>>, vector<1x16xf32>,
      %get3A_737 = arith.constant 13 : i32
      %get3A_738 = arith.index_cast %get3A_737 : i32 to index
      %get3A_739 = arith.index_cast %mul3A_595 : i32 to index
      %get3A_740 = tpu.vector_load %arg9[%get3A_738, %get3A_739] {strides = array<i32>} : memref<16x768xf32, #tpu.memory_space<vmem>>, vector<1x16xf32>,
      %get3A_741 = vector.shape_cast %get3A_740 : vector<1x16xf32> to vector<16xf32>
      %swap3A_742 = arith.constant 13 : i32
      %swap3A_743 = arith.index_cast %swap3A_742 : i32 to index
      %swap3A_744 = arith.index_cast %mul3A_595 : i32 to index
      %swap3A_745 = tpu.vector_load %arg10[%swap3A_743, %swap3A_744] {strides = array<i32>} : memref<16x768xf32, #tpu.memory_space<vmem>>, vector<1x16xf32>,
      %swap3A_746 = vector.shape_cast %swap3A_745 : vector<1x16xf32> to vector<16xf32>
      %swap3A_747 = vector.shape_cast %get3A_741 : vector<16xf32> to vector<1x16xf32>
      tpu.vector_store %arg10[%swap3A_743, %swap3A_744], %swap3A_747 {add = true, strides = array<i32>} : memref<16x768xf32, #tpu.memory_space<vmem>>, vector<1x16xf32>,
      %get3A_748 = arith.constant 14 : i32
      %get3A_749 = arith.index_cast %get3A_748 : i32 to index
      %get3A_750 = arith.index_cast %mul3A_595 : i32 to index
      %get3A_751 = tpu.vector_load %arg9[%get3A_749, %get3A_750] {strides = array<i32>} : memref<16x768xf32, #tpu.memory_space<vmem>>, vector<1x16xf32>,
      %get3A_752 = vector.shape_cast %get3A_751 : vector<1x16xf32> to vector<16xf32>
      %swap3A_753 = arith.constant 14 : i32
      %swap3A_754 = arith.index_cast %swap3A_753 : i32 to index
      %swap3A_755 = arith.index_cast %mul3A_595 : i32 to index
      %swap3A_756 = tpu.vector_load %arg10[%swap3A_754, %swap3A_755] {strides = array<i32>} : memref<16x768xf32, #tpu.memory_space<vmem>>, vector<1x16xf32>,
      %swap3A_757 = vector.shape_cast %swap3A_756 : vector<1x16xf32> to vector<16xf32>
      %swap3A_758 = vector.shape_cast %get3A_752 : vector<16xf32> to vector<1x16xf32>
      tpu.vector_store %arg10[%swap3A_754, %swap3A_755], %swap3A_758 {add = true, strides = array<i32>} : memref<16x768xf32, #tpu.memory_space<vmem>>, vector<1x16xf32>,
      %get3A_759 = arith.constant 15 : i32
      %get3A_760 = arith.index_cast %get3A_759 : i32 to index
      %get3A_761 = arith.index_cast %mul3A_595 : i32 to index
      %get3A_762 = tpu.vector_load %arg9[%get3A_760, %get3A_761] {strides = array<i32>} : memref<16x768xf32, #tpu.memory_space<vmem>>, vector<1x16xf32>,
      %get3A_763 = vector.shape_cast %get3A_762 : vector<1x16xf32> to vector<16xf32>
      %swap3A_764 = arith.constant 15 : i32
      %swap3A_765 = arith.index_cast %swap3A_764 : i32 to index
      %swap3A_766 = arith.index_cast %mul3A_595 : i32 to index
      %swap3A_767 = tpu.vector_load %arg10[%swap3A_765, %swap3A_766] {strides = array<i32>} : memref<16x768xf32, #tpu.memory_space<vmem>>, vector<1x16xf32>,
      %swap3A_768 = vector.shape_cast %swap3A_767 : vector<1x16xf32> to vector<16xf32>
      %swap3A_769 = vector.shape_cast %get3A_763 : vector<16xf32> to vector<1x16xf32>
      tpu.vector_store %arg10[%swap3A_765, %swap3A_766], %swap3A_769 {add = true, strides = array<i32>} : memref<16x768xf32, #tpu.memory_space<vmem>>, vector<1x16xf32>,
      %scan3A_770 = arith.constant 0 : i32
      scf.yield %scan3A_770 : i32
    }
    %scan3A_225 = arith.constant 48 : i32
    %add3A_226 = arith.constant 80 : i32
    %add3A_227 = arith.addi %mul3A_2, %add3A_226 : i32
    %dma_start3A_228 = arith.constant 0 : i32
    %dma_start3A_229 = tpu.memref_slice %arg5[%add3A_227, %dma_start3A_228] : memref<8192x768xf32, #tpu.memory_space<hbm>> -> memref<16x768xf32, #tpu.memory_space<hbm>>
    %dma_start3A_230 = arith.constant 0 : i32
    %dma_start3A_231 = tpu.memref_slice %arg5[%add3A_227, %dma_start3A_230] : memref<8192x768xf32, #tpu.memory_space<hbm>> -> memref<16x768xf32, #tpu.memory_space<hbm>>
    tpu.enqueue_dma source(%arg10 : memref<16x768xf32, #tpu.memory_space<vmem>>) target(%dma_start3A_231 : memref<16x768xf32, #tpu.memory_space<hbm>>) target_semaphore(%arg23 : memref<!tpu.dma_semaphore, #tpu.memory_space<semaphore_mem>>)
    %dma_wait3A_232 = arith.constant 96 : i32
    %dma_wait3A_233 = tpu.memref_slice %arg6[%dma_wait3A_232] : memref<256xi32, #tpu.memory_space<vmem>> -> memref<16xi32, #tpu.memory_space<vmem>>
    %dma_wait3A_234 = arith.constant 0 : i32
    %dma_wait3A_235 = arith.constant 0 : i32
    %dma_wait3A_236 = tpu.memref_slice %arg2[%dma_wait3A_234, %dma_wait3A_235] : memref<50257x768xf32, #tpu.memory_space<hbm>> -> memref<50257x768xf32, #tpu.memory_space<hbm>>
    tpu.wait_indirect_dma semaphore(%arg15 : memref<!tpu.dma_semaphore, #tpu.memory_space<semaphore_mem>>) src(%dma_wait3A_236 : memref<50257x768xf32, #tpu.memory_space<hbm>>) dst(%arg7 : memref<16x768xf32, #tpu.memory_space<vmem>>)
    %dma_wait3A_237 = arith.constant 0 : i32
    %dma_wait3A_238 = tpu.memref_slice %arg3[%add3A_177, %dma_wait3A_237] : memref<8192x768xf32, #tpu.memory_space<hbm>> -> memref<16x768xf32, #tpu.memory_space<hbm>>
    %dma_wait3A_239 = arith.constant 0 : i32
    %dma_wait3A_240 = tpu.memref_slice %arg3[%add3A_177, %dma_wait3A_239] : memref<8192x768xf32, #tpu.memory_space<hbm>> -> memref<16x768xf32, #tpu.memory_space<hbm>>
    tpu.wait_dma2 semaphore(%arg19 : memref<!tpu.dma_semaphore, #tpu.memory_space<semaphore_mem>>) src(%dma_wait3A_240 : memref<16x768xf32, #tpu.memory_space<hbm>>) dst(%arg11 : memref<16x768xf32, #tpu.memory_space<vmem>>)
    %dma_start3A_241 = arith.constant 128 : i32
    %dma_start3A_242 = tpu.memref_slice %arg6[%dma_start3A_241] : memref<256xi32, #tpu.memory_space<vmem>> -> memref<16xi32, #tpu.memory_space<vmem>>
    %dma_start3A_243 = arith.constant 0 : i32
    %dma_start3A_244 = arith.constant 0 : i32
    %dma_start3A_245 = tpu.memref_slice %arg2[%dma_start3A_243, %dma_start3A_244] : memref<50257x768xf32, #tpu.memory_space<hbm>> -> memref<50257x768xf32, #tpu.memory_space<hbm>>
    tpu.enqueue_indirect_dma source(%dma_start3A_245 : memref<50257x768xf32, #tpu.memory_space<hbm>>) target(%arg9 : memref<16x768xf32, #tpu.memory_space<vmem>>) offsets(%dma_start3A_242 : memref<16xi32, #tpu.memory_space<vmem>>) semaphore(%arg17 : memref<!tpu.dma_semaphore, #tpu.memory_space<semaphore_mem>>)
    %dma_wait3A_246 = arith.constant 0 : i32
    %dma_wait3A_247 = tpu.memref_slice %arg5[%add3A_153, %dma_wait3A_246] : memref<8192x768xf32, #tpu.memory_space<hbm>> -> memref<16x768xf32, #tpu.memory_space<hbm>>
    %dma_wait3A_248 = arith.constant 0 : i32
    %dma_wait3A_249 = tpu.memref_slice %arg5[%add3A_153, %dma_wait3A_248] : memref<8192x768xf32, #tpu.memory_space<hbm>> -> memref<16x768xf32, #tpu.memory_space<hbm>>
    tpu.wait_dma2 semaphore(%arg26 : memref<!tpu.dma_semaphore, #tpu.memory_space<semaphore_mem>>) src(%arg13 : memref<16x768xf32, #tpu.memory_space<vmem>>) dst(%dma_wait3A_249 : memref<16x768xf32, #tpu.memory_space<hbm>>)
    %add3A_250 = arith.constant 128 : i32
    %add3A_251 = arith.addi %mul3A_2, %add3A_250 : i32
    %dma_start3A_252 = arith.constant 0 : i32
    %dma_start3A_253 = tpu.memref_slice %arg3[%add3A_251, %dma_start3A_252] : memref<8192x768xf32, #tpu.memory_space<hbm>> -> memref<16x768xf32, #tpu.memory_space<hbm>>
    %dma_start3A_254 = arith.constant 0 : i32
    %dma_start3A_255 = tpu.memref_slice %arg3[%add3A_251, %dma_start3A_254] : memref<8192x768xf32, #tpu.memory_space<hbm>> -> memref<16x768xf32, #tpu.memory_space<hbm>>
    tpu.enqueue_dma source(%dma_start3A_255 : memref<16x768xf32, #tpu.memory_space<hbm>>) target(%arg13 : memref<16x768xf32, #tpu.memory_space<vmem>>) target_semaphore(%arg21 : memref<!tpu.dma_semaphore, #tpu.memory_space<semaphore_mem>>)
    %scan3A_256 = arith.constant 0 : i32
    %scan3A_257 = arith.constant 0 : i32
    %scan3A_258 = arith.constant 48 : i32
    %scan3A_259 = arith.addi %scan3A_257, %scan3A_258 : i32
    %scan3A_260 = arith.constant 1 : i32
    %scan3A_261 = scf.for %scan3A_592 = %scan3A_257 to %scan3A_259 step %scan3A_260 iter_args(%scan3A_593 = %scan3A_256) -> (i32)  : i32 {
      %mul3A_594 = arith.constant 16 : i32
      %mul3A_595 = arith.muli %scan3A_592, %mul3A_594 : i32
      %get3A = arith.constant 0 : i32
      %get3A_596 = arith.index_cast %get3A : i32 to index
      %get3A_597 = arith.index_cast %mul3A_595 : i32 to index
      %get3A_598 = tpu.vector_load %arg7[%get3A_596, %get3A_597] {strides = array<i32>} : memref<16x768xf32, #tpu.memory_space<vmem>>, vector<1x16xf32>,
      %get3A_599 = vector.shape_cast %get3A_598 : vector<1x16xf32> to vector<16xf32>
      %swap3A = arith.constant 0 : i32
      %swap3A_600 = arith.index_cast %swap3A : i32 to index
      %swap3A_601 = arith.index_cast %mul3A_595 : i32 to index
      %swap3A_602 = tpu.vector_load %arg11[%swap3A_600, %swap3A_601] {strides = array<i32>} : memref<16x768xf32, #tpu.memory_space<vmem>>, vector<1x16xf32>,
      %swap3A_603 = vector.shape_cast %swap3A_602 : vector<1x16xf32> to vector<16xf32>
      %swap3A_604 = vector.shape_cast %get3A_599 : vector<16xf32> to vector<1x16xf32>
      tpu.vector_store %arg11[%swap3A_600, %swap3A_601], %swap3A_604 {add = true, strides = array<i32>} : memref<16x768xf32, #tpu.memory_space<vmem>>, vector<1x16xf32>,
      %get3A_605 = arith.constant 1 : i32
      %get3A_606 = arith.index_cast %get3A_605 : i32 to index
      %get3A_607 = arith.index_cast %mul3A_595 : i32 to index
      %get3A_608 = tpu.vector_load %arg7[%get3A_606, %get3A_607] {strides = array<i32>} : memref<16x768xf32, #tpu.memory_space<vmem>>, vector<1x16xf32>,
      %get3A_609 = vector.shape_cast %get3A_608 : vector<1x16xf32> to vector<16xf32>
      %swap3A_610 = arith.constant 1 : i32
      %swap3A_611 = arith.index_cast %swap3A_610 : i32 to index
      %swap3A_612 = arith.index_cast %mul3A_595 : i32 to index
      %swap3A_613 = tpu.vector_load %arg11[%swap3A_611, %swap3A_612] {strides = array<i32>} : memref<16x768xf32, #tpu.memory_space<vmem>>, vector<1x16xf32>,
      %swap3A_614 = vector.shape_cast %swap3A_613 : vector<1x16xf32> to vector<16xf32>
      %swap3A_615 = vector.shape_cast %get3A_609 : vector<16xf32> to vector<1x16xf32>
      tpu.vector_store %arg11[%swap3A_611, %swap3A_612], %swap3A_615 {add = true, strides = array<i32>} : memref<16x768xf32, #tpu.memory_space<vmem>>, vector<1x16xf32>,
      %get3A_616 = arith.constant 2 : i32
      %get3A_617 = arith.index_cast %get3A_616 : i32 to index
      %get3A_618 = arith.index_cast %mul3A_595 : i32 to index
      %get3A_619 = tpu.vector_load %arg7[%get3A_617, %get3A_618] {strides = array<i32>} : memref<16x768xf32, #tpu.memory_space<vmem>>, vector<1x16xf32>,
      %get3A_620 = vector.shape_cast %get3A_619 : vector<1x16xf32> to vector<16xf32>
      %swap3A_621 = arith.constant 2 : i32
      %swap3A_622 = arith.index_cast %swap3A_621 : i32 to index
      %swap3A_623 = arith.index_cast %mul3A_595 : i32 to index
      %swap3A_624 = tpu.vector_load %arg11[%swap3A_622, %swap3A_623] {strides = array<i32>} : memref<16x768xf32, #tpu.memory_space<vmem>>, vector<1x16xf32>,
      %swap3A_625 = vector.shape_cast %swap3A_624 : vector<1x16xf32> to vector<16xf32>
      %swap3A_626 = vector.shape_cast %get3A_620 : vector<16xf32> to vector<1x16xf32>
      tpu.vector_store %arg11[%swap3A_622, %swap3A_623], %swap3A_626 {add = true, strides = array<i32>} : memref<16x768xf32, #tpu.memory_space<vmem>>, vector<1x16xf32>,
      %get3A_627 = arith.constant 3 : i32
      %get3A_628 = arith.index_cast %get3A_627 : i32 to index
      %get3A_629 = arith.index_cast %mul3A_595 : i32 to index
      %get3A_630 = tpu.vector_load %arg7[%get3A_628, %get3A_629] {strides = array<i32>} : memref<16x768xf32, #tpu.memory_space<vmem>>, vector<1x16xf32>,
      %get3A_631 = vector.shape_cast %get3A_630 : vector<1x16xf32> to vector<16xf32>
      %swap3A_632 = arith.constant 3 : i32
      %swap3A_633 = arith.index_cast %swap3A_632 : i32 to index
      %swap3A_634 = arith.index_cast %mul3A_595 : i32 to index
      %swap3A_635 = tpu.vector_load %arg11[%swap3A_633, %swap3A_634] {strides = array<i32>} : memref<16x768xf32, #tpu.memory_space<vmem>>, vector<1x16xf32>,
      %swap3A_636 = vector.shape_cast %swap3A_635 : vector<1x16xf32> to vector<16xf32>
      %swap3A_637 = vector.shape_cast %get3A_631 : vector<16xf32> to vector<1x16xf32>
      tpu.vector_store %arg11[%swap3A_633, %swap3A_634], %swap3A_637 {add = true, strides = array<i32>} : memref<16x768xf32, #tpu.memory_space<vmem>>, vector<1x16xf32>,
      %get3A_638 = arith.constant 4 : i32
      %get3A_639 = arith.index_cast %get3A_638 : i32 to index
      %get3A_640 = arith.index_cast %mul3A_595 : i32 to index
      %get3A_641 = tpu.vector_load %arg7[%get3A_639, %get3A_640] {strides = array<i32>} : memref<16x768xf32, #tpu.memory_space<vmem>>, vector<1x16xf32>,
      %get3A_642 = vector.shape_cast %get3A_641 : vector<1x16xf32> to vector<16xf32>
      %swap3A_643 = arith.constant 4 : i32
      %swap3A_644 = arith.index_cast %swap3A_643 : i32 to index
      %swap3A_645 = arith.index_cast %mul3A_595 : i32 to index
      %swap3A_646 = tpu.vector_load %arg11[%swap3A_644, %swap3A_645] {strides = array<i32>} : memref<16x768xf32, #tpu.memory_space<vmem>>, vector<1x16xf32>,
      %swap3A_647 = vector.shape_cast %swap3A_646 : vector<1x16xf32> to vector<16xf32>
      %swap3A_648 = vector.shape_cast %get3A_642 : vector<16xf32> to vector<1x16xf32>
      tpu.vector_store %arg11[%swap3A_644, %swap3A_645], %swap3A_648 {add = true, strides = array<i32>} : memref<16x768xf32, #tpu.memory_space<vmem>>, vector<1x16xf32>,
      %get3A_649 = arith.constant 5 : i32
      %get3A_650 = arith.index_cast %get3A_649 : i32 to index
      %get3A_651 = arith.index_cast %mul3A_595 : i32 to index
      %get3A_652 = tpu.vector_load %arg7[%get3A_650, %get3A_651] {strides = array<i32>} : memref<16x768xf32, #tpu.memory_space<vmem>>, vector<1x16xf32>,
      %get3A_653 = vector.shape_cast %get3A_652 : vector<1x16xf32> to vector<16xf32>
      %swap3A_654 = arith.constant 5 : i32
      %swap3A_655 = arith.index_cast %swap3A_654 : i32 to index
      %swap3A_656 = arith.index_cast %mul3A_595 : i32 to index
      %swap3A_657 = tpu.vector_load %arg11[%swap3A_655, %swap3A_656] {strides = array<i32>} : memref<16x768xf32, #tpu.memory_space<vmem>>, vector<1x16xf32>,
      %swap3A_658 = vector.shape_cast %swap3A_657 : vector<1x16xf32> to vector<16xf32>
      %swap3A_659 = vector.shape_cast %get3A_653 : vector<16xf32> to vector<1x16xf32>
      tpu.vector_store %arg11[%swap3A_655, %swap3A_656], %swap3A_659 {add = true, strides = array<i32>} : memref<16x768xf32, #tpu.memory_space<vmem>>, vector<1x16xf32>,
      %get3A_660 = arith.constant 6 : i32
      %get3A_661 = arith.index_cast %get3A_660 : i32 to index
      %get3A_662 = arith.index_cast %mul3A_595 : i32 to index
      %get3A_663 = tpu.vector_load %arg7[%get3A_661, %get3A_662] {strides = array<i32>} : memref<16x768xf32, #tpu.memory_space<vmem>>, vector<1x16xf32>,
      %get3A_664 = vector.shape_cast %get3A_663 : vector<1x16xf32> to vector<16xf32>
      %swap3A_665 = arith.constant 6 : i32
      %swap3A_666 = arith.index_cast %swap3A_665 : i32 to index
      %swap3A_667 = arith.index_cast %mul3A_595 : i32 to index
      %swap3A_668 = tpu.vector_load %arg11[%swap3A_666, %swap3A_667] {strides = array<i32>} : memref<16x768xf32, #tpu.memory_space<vmem>>, vector<1x16xf32>,
      %swap3A_669 = vector.shape_cast %swap3A_668 : vector<1x16xf32> to vector<16xf32>
      %swap3A_670 = vector.shape_cast %get3A_664 : vector<16xf32> to vector<1x16xf32>
      tpu.vector_store %arg11[%swap3A_666, %swap3A_667], %swap3A_670 {add = true, strides = array<i32>} : memref<16x768xf32, #tpu.memory_space<vmem>>, vector<1x16xf32>,
      %get3A_671 = arith.constant 7 : i32
      %get3A_672 = arith.index_cast %get3A_671 : i32 to index
      %get3A_673 = arith.index_cast %mul3A_595 : i32 to index
      %get3A_674 = tpu.vector_load %arg7[%get3A_672, %get3A_673] {strides = array<i32>} : memref<16x768xf32, #tpu.memory_space<vmem>>, vector<1x16xf32>,
      %get3A_675 = vector.shape_cast %get3A_674 : vector<1x16xf32> to vector<16xf32>
      %swap3A_676 = arith.constant 7 : i32
      %swap3A_677 = arith.index_cast %swap3A_676 : i32 to index
      %swap3A_678 = arith.index_cast %mul3A_595 : i32 to index
      %swap3A_679 = tpu.vector_load %arg11[%swap3A_677, %swap3A_678] {strides = array<i32>} : memref<16x768xf32, #tpu.memory_space<vmem>>, vector<1x16xf32>,
      %swap3A_680 = vector.shape_cast %swap3A_679 : vector<1x16xf32> to vector<16xf32>
      %swap3A_681 = vector.shape_cast %get3A_675 : vector<16xf32> to vector<1x16xf32>
      tpu.vector_store %arg11[%swap3A_677, %swap3A_678], %swap3A_681 {add = true, strides = array<i32>} : memref<16x768xf32, #tpu.memory_space<vmem>>, vector<1x16xf32>,
      %get3A_682 = arith.constant 8 : i32
      %get3A_683 = arith.index_cast %get3A_682 : i32 to index
      %get3A_684 = arith.index_cast %mul3A_595 : i32 to index
      %get3A_685 = tpu.vector_load %arg7[%get3A_683, %get3A_684] {strides = array<i32>} : memref<16x768xf32, #tpu.memory_space<vmem>>, vector<1x16xf32>,
      %get3A_686 = vector.shape_cast %get3A_685 : vector<1x16xf32> to vector<16xf32>
      %swap3A_687 = arith.constant 8 : i32
      %swap3A_688 = arith.index_cast %swap3A_687 : i32 to index
      %swap3A_689 = arith.index_cast %mul3A_595 : i32 to index
      %swap3A_690 = tpu.vector_load %arg11[%swap3A_688, %swap3A_689] {strides = array<i32>} : memref<16x768xf32, #tpu.memory_space<vmem>>, vector<1x16xf32>,
      %swap3A_691 = vector.shape_cast %swap3A_690 : vector<1x16xf32> to vector<16xf32>
      %swap3A_692 = vector.shape_cast %get3A_686 : vector<16xf32> to vector<1x16xf32>
      tpu.vector_store %arg11[%swap3A_688, %swap3A_689], %swap3A_692 {add = true, strides = array<i32>} : memref<16x768xf32, #tpu.memory_space<vmem>>, vector<1x16xf32>,
      %get3A_693 = arith.constant 9 : i32
      %get3A_694 = arith.index_cast %get3A_693 : i32 to index
      %get3A_695 = arith.index_cast %mul3A_595 : i32 to index
      %get3A_696 = tpu.vector_load %arg7[%get3A_694, %get3A_695] {strides = array<i32>} : memref<16x768xf32, #tpu.memory_space<vmem>>, vector<1x16xf32>,
      %get3A_697 = vector.shape_cast %get3A_696 : vector<1x16xf32> to vector<16xf32>
      %swap3A_698 = arith.constant 9 : i32
      %swap3A_699 = arith.index_cast %swap3A_698 : i32 to index
      %swap3A_700 = arith.index_cast %mul3A_595 : i32 to index
      %swap3A_701 = tpu.vector_load %arg11[%swap3A_699, %swap3A_700] {strides = array<i32>} : memref<16x768xf32, #tpu.memory_space<vmem>>, vector<1x16xf32>,
      %swap3A_702 = vector.shape_cast %swap3A_701 : vector<1x16xf32> to vector<16xf32>
      %swap3A_703 = vector.shape_cast %get3A_697 : vector<16xf32> to vector<1x16xf32>
      tpu.vector_store %arg11[%swap3A_699, %swap3A_700], %swap3A_703 {add = true, strides = array<i32>} : memref<16x768xf32, #tpu.memory_space<vmem>>, vector<1x16xf32>,
      %get3A_704 = arith.constant 10 : i32
      %get3A_705 = arith.index_cast %get3A_704 : i32 to index
      %get3A_706 = arith.index_cast %mul3A_595 : i32 to index
      %get3A_707 = tpu.vector_load %arg7[%get3A_705, %get3A_706] {strides = array<i32>} : memref<16x768xf32, #tpu.memory_space<vmem>>, vector<1x16xf32>,
      %get3A_708 = vector.shape_cast %get3A_707 : vector<1x16xf32> to vector<16xf32>
      %swap3A_709 = arith.constant 10 : i32
      %swap3A_710 = arith.index_cast %swap3A_709 : i32 to index
      %swap3A_711 = arith.index_cast %mul3A_595 : i32 to index
      %swap3A_712 = tpu.vector_load %arg11[%swap3A_710, %swap3A_711] {strides = array<i32>} : memref<16x768xf32, #tpu.memory_space<vmem>>, vector<1x16xf32>,
      %swap3A_713 = vector.shape_cast %swap3A_712 : vector<1x16xf32> to vector<16xf32>
      %swap3A_714 = vector.shape_cast %get3A_708 : vector<16xf32> to vector<1x16xf32>
      tpu.vector_store %arg11[%swap3A_710, %swap3A_711], %swap3A_714 {add = true, strides = array<i32>} : memref<16x768xf32, #tpu.memory_space<vmem>>, vector<1x16xf32>,
      %get3A_715 = arith.constant 11 : i32
      %get3A_716 = arith.index_cast %get3A_715 : i32 to index
      %get3A_717 = arith.index_cast %mul3A_595 : i32 to index
      %get3A_718 = tpu.vector_load %arg7[%get3A_716, %get3A_717] {strides = array<i32>} : memref<16x768xf32, #tpu.memory_space<vmem>>, vector<1x16xf32>,
      %get3A_719 = vector.shape_cast %get3A_718 : vector<1x16xf32> to vector<16xf32>
      %swap3A_720 = arith.constant 11 : i32
      %swap3A_721 = arith.index_cast %swap3A_720 : i32 to index
      %swap3A_722 = arith.index_cast %mul3A_595 : i32 to index
      %swap3A_723 = tpu.vector_load %arg11[%swap3A_721, %swap3A_722] {strides = array<i32>} : memref<16x768xf32, #tpu.memory_space<vmem>>, vector<1x16xf32>,
      %swap3A_724 = vector.shape_cast %swap3A_723 : vector<1x16xf32> to vector<16xf32>
      %swap3A_725 = vector.shape_cast %get3A_719 : vector<16xf32> to vector<1x16xf32>
      tpu.vector_store %arg11[%swap3A_721, %swap3A_722], %swap3A_725 {add = true, strides = array<i32>} : memref<16x768xf32, #tpu.memory_space<vmem>>, vector<1x16xf32>,
      %get3A_726 = arith.constant 12 : i32
      %get3A_727 = arith.index_cast %get3A_726 : i32 to index
      %get3A_728 = arith.index_cast %mul3A_595 : i32 to index
      %get3A_729 = tpu.vector_load %arg7[%get3A_727, %get3A_728] {strides = array<i32>} : memref<16x768xf32, #tpu.memory_space<vmem>>, vector<1x16xf32>,
      %get3A_730 = vector.shape_cast %get3A_729 : vector<1x16xf32> to vector<16xf32>
      %swap3A_731 = arith.constant 12 : i32
      %swap3A_732 = arith.index_cast %swap3A_731 : i32 to index
      %swap3A_733 = arith.index_cast %mul3A_595 : i32 to index
      %swap3A_734 = tpu.vector_load %arg11[%swap3A_732, %swap3A_733] {strides = array<i32>} : memref<16x768xf32, #tpu.memory_space<vmem>>, vector<1x16xf32>,
      %swap3A_735 = vector.shape_cast %swap3A_734 : vector<1x16xf32> to vector<16xf32>
      %swap3A_736 = vector.shape_cast %get3A_730 : vector<16xf32> to vector<1x16xf32>
      tpu.vector_store %arg11[%swap3A_732, %swap3A_733], %swap3A_736 {add = true, strides = array<i32>} : memref<16x768xf32, #tpu.memory_space<vmem>>, vector<1x16xf32>,
      %get3A_737 = arith.constant 13 : i32
      %get3A_738 = arith.index_cast %get3A_737 : i32 to index
      %get3A_739 = arith.index_cast %mul3A_595 : i32 to index
      %get3A_740 = tpu.vector_load %arg7[%get3A_738, %get3A_739] {strides = array<i32>} : memref<16x768xf32, #tpu.memory_space<vmem>>, vector<1x16xf32>,
      %get3A_741 = vector.shape_cast %get3A_740 : vector<1x16xf32> to vector<16xf32>
      %swap3A_742 = arith.constant 13 : i32
      %swap3A_743 = arith.index_cast %swap3A_742 : i32 to index
      %swap3A_744 = arith.index_cast %mul3A_595 : i32 to index
      %swap3A_745 = tpu.vector_load %arg11[%swap3A_743, %swap3A_744] {strides = array<i32>} : memref<16x768xf32, #tpu.memory_space<vmem>>, vector<1x16xf32>,
      %swap3A_746 = vector.shape_cast %swap3A_745 : vector<1x16xf32> to vector<16xf32>
      %swap3A_747 = vector.shape_cast %get3A_741 : vector<16xf32> to vector<1x16xf32>
      tpu.vector_store %arg11[%swap3A_743, %swap3A_744], %swap3A_747 {add = true, strides = array<i32>} : memref<16x768xf32, #tpu.memory_space<vmem>>, vector<1x16xf32>,
      %get3A_748 = arith.constant 14 : i32
      %get3A_749 = arith.index_cast %get3A_748 : i32 to index
      %get3A_750 = arith.index_cast %mul3A_595 : i32 to index
      %get3A_751 = tpu.vector_load %arg7[%get3A_749, %get3A_750] {strides = array<i32>} : memref<16x768xf32, #tpu.memory_space<vmem>>, vector<1x16xf32>,
      %get3A_752 = vector.shape_cast %get3A_751 : vector<1x16xf32> to vector<16xf32>
      %swap3A_753 = arith.constant 14 : i32
      %swap3A_754 = arith.index_cast %swap3A_753 : i32 to index
      %swap3A_755 = arith.index_cast %mul3A_595 : i32 to index
      %swap3A_756 = tpu.vector_load %arg11[%swap3A_754, %swap3A_755] {strides = array<i32>} : memref<16x768xf32, #tpu.memory_space<vmem>>, vector<1x16xf32>,
      %swap3A_757 = vector.shape_cast %swap3A_756 : vector<1x16xf32> to vector<16xf32>
      %swap3A_758 = vector.shape_cast %get3A_752 : vector<16xf32> to vector<1x16xf32>
      tpu.vector_store %arg11[%swap3A_754, %swap3A_755], %swap3A_758 {add = true, strides = array<i32>} : memref<16x768xf32, #tpu.memory_space<vmem>>, vector<1x16xf32>,
      %get3A_759 = arith.constant 15 : i32
      %get3A_760 = arith.index_cast %get3A_759 : i32 to index
      %get3A_761 = arith.index_cast %mul3A_595 : i32 to index
      %get3A_762 = tpu.vector_load %arg7[%get3A_760, %get3A_761] {strides = array<i32>} : memref<16x768xf32, #tpu.memory_space<vmem>>, vector<1x16xf32>,
      %get3A_763 = vector.shape_cast %get3A_762 : vector<1x16xf32> to vector<16xf32>
      %swap3A_764 = arith.constant 15 : i32
      %swap3A_765 = arith.index_cast %swap3A_764 : i32 to index
      %swap3A_766 = arith.index_cast %mul3A_595 : i32 to index
      %swap3A_767 = tpu.vector_load %arg11[%swap3A_765, %swap3A_766] {strides = array<i32>} : memref<16x768xf32, #tpu.memory_space<vmem>>, vector<1x16xf32>,
      %swap3A_768 = vector.shape_cast %swap3A_767 : vector<1x16xf32> to vector<16xf32>
      %swap3A_769 = vector.shape_cast %get3A_763 : vector<16xf32> to vector<1x16xf32>
      tpu.vector_store %arg11[%swap3A_765, %swap3A_766], %swap3A_769 {add = true, strides = array<i32>} : memref<16x768xf32, #tpu.memory_space<vmem>>, vector<1x16xf32>,
      %scan3A_770 = arith.constant 0 : i32
      scf.yield %scan3A_770 : i32
    }
    %scan3A_262 = arith.constant 48 : i32
    %add3A_263 = arith.constant 96 : i32
    %add3A_264 = arith.addi %mul3A_2, %add3A_263 : i32
    %dma_start3A_265 = arith.constant 0 : i32
    %dma_start3A_266 = tpu.memref_slice %arg5[%add3A_264, %dma_start3A_265] : memref<8192x768xf32, #tpu.memory_space<hbm>> -> memref<16x768xf32, #tpu.memory_space<hbm>>
    %dma_start3A_267 = arith.constant 0 : i32
    %dma_start3A_268 = tpu.memref_slice %arg5[%add3A_264, %dma_start3A_267] : memref<8192x768xf32, #tpu.memory_space<hbm>> -> memref<16x768xf32, #tpu.memory_space<hbm>>
    tpu.enqueue_dma source(%arg11 : memref<16x768xf32, #tpu.memory_space<vmem>>) target(%dma_start3A_268 : memref<16x768xf32, #tpu.memory_space<hbm>>) target_semaphore(%arg24 : memref<!tpu.dma_semaphore, #tpu.memory_space<semaphore_mem>>)
    %dma_wait3A_269 = arith.constant 112 : i32
    %dma_wait3A_270 = tpu.memref_slice %arg6[%dma_wait3A_269] : memref<256xi32, #tpu.memory_space<vmem>> -> memref<16xi32, #tpu.memory_space<vmem>>
    %dma_wait3A_271 = arith.constant 0 : i32
    %dma_wait3A_272 = arith.constant 0 : i32
    %dma_wait3A_273 = tpu.memref_slice %arg2[%dma_wait3A_271, %dma_wait3A_272] : memref<50257x768xf32, #tpu.memory_space<hbm>> -> memref<50257x768xf32, #tpu.memory_space<hbm>>
    tpu.wait_indirect_dma semaphore(%arg16 : memref<!tpu.dma_semaphore, #tpu.memory_space<semaphore_mem>>) src(%dma_wait3A_273 : memref<50257x768xf32, #tpu.memory_space<hbm>>) dst(%arg8 : memref<16x768xf32, #tpu.memory_space<vmem>>)
    %dma_wait3A_274 = arith.constant 0 : i32
    %dma_wait3A_275 = tpu.memref_slice %arg3[%add3A_214, %dma_wait3A_274] : memref<8192x768xf32, #tpu.memory_space<hbm>> -> memref<16x768xf32, #tpu.memory_space<hbm>>
    %dma_wait3A_276 = arith.constant 0 : i32
    %dma_wait3A_277 = tpu.memref_slice %arg3[%add3A_214, %dma_wait3A_276] : memref<8192x768xf32, #tpu.memory_space<hbm>> -> memref<16x768xf32, #tpu.memory_space<hbm>>
    tpu.wait_dma2 semaphore(%arg20 : memref<!tpu.dma_semaphore, #tpu.memory_space<semaphore_mem>>) src(%dma_wait3A_277 : memref<16x768xf32, #tpu.memory_space<hbm>>) dst(%arg12 : memref<16x768xf32, #tpu.memory_space<vmem>>)
    %dma_start3A_278 = arith.constant 144 : i32
    %dma_start3A_279 = tpu.memref_slice %arg6[%dma_start3A_278] : memref<256xi32, #tpu.memory_space<vmem>> -> memref<16xi32, #tpu.memory_space<vmem>>
    %dma_start3A_280 = arith.constant 0 : i32
    %dma_start3A_281 = arith.constant 0 : i32
    %dma_start3A_282 = tpu.memref_slice %arg2[%dma_start3A_280, %dma_start3A_281] : memref<50257x768xf32, #tpu.memory_space<hbm>> -> memref<50257x768xf32, #tpu.memory_space<hbm>>
    tpu.enqueue_indirect_dma source(%dma_start3A_282 : memref<50257x768xf32, #tpu.memory_space<hbm>>) target(%arg7 : memref<16x768xf32, #tpu.memory_space<vmem>>) offsets(%dma_start3A_279 : memref<16xi32, #tpu.memory_space<vmem>>) semaphore(%arg15 : memref<!tpu.dma_semaphore, #tpu.memory_space<semaphore_mem>>)
    %dma_wait3A_283 = arith.constant 0 : i32
    %dma_wait3A_284 = tpu.memref_slice %arg5[%add3A_190, %dma_wait3A_283] : memref<8192x768xf32, #tpu.memory_space<hbm>> -> memref<16x768xf32, #tpu.memory_space<hbm>>
    %dma_wait3A_285 = arith.constant 0 : i32
    %dma_wait3A_286 = tpu.memref_slice %arg5[%add3A_190, %dma_wait3A_285] : memref<8192x768xf32, #tpu.memory_space<hbm>> -> memref<16x768xf32, #tpu.memory_space<hbm>>
    tpu.wait_dma2 semaphore(%arg27 : memref<!tpu.dma_semaphore, #tpu.memory_space<semaphore_mem>>) src(%arg14 : memref<16x768xf32, #tpu.memory_space<vmem>>) dst(%dma_wait3A_286 : memref<16x768xf32, #tpu.memory_space<hbm>>)
    %add3A_287 = arith.constant 144 : i32
    %add3A_288 = arith.addi %mul3A_2, %add3A_287 : i32
    %dma_start3A_289 = arith.constant 0 : i32
    %dma_start3A_290 = tpu.memref_slice %arg3[%add3A_288, %dma_start3A_289] : memref<8192x768xf32, #tpu.memory_space<hbm>> -> memref<16x768xf32, #tpu.memory_space<hbm>>
    %dma_start3A_291 = arith.constant 0 : i32
    %dma_start3A_292 = tpu.memref_slice %arg3[%add3A_288, %dma_start3A_291] : memref<8192x768xf32, #tpu.memory_space<hbm>> -> memref<16x768xf32, #tpu.memory_space<hbm>>
    tpu.enqueue_dma source(%dma_start3A_292 : memref<16x768xf32, #tpu.memory_space<hbm>>) target(%arg14 : memref<16x768xf32, #tpu.memory_space<vmem>>) target_semaphore(%arg22 : memref<!tpu.dma_semaphore, #tpu.memory_space<semaphore_mem>>)
    %scan3A_293 = arith.constant 0 : i32
    %scan3A_294 = arith.constant 0 : i32
    %scan3A_295 = arith.constant 48 : i32
    %scan3A_296 = arith.addi %scan3A_294, %scan3A_295 : i32
    %scan3A_297 = arith.constant 1 : i32
    %scan3A_298 = scf.for %scan3A_592 = %scan3A_294 to %scan3A_296 step %scan3A_297 iter_args(%scan3A_593 = %scan3A_293) -> (i32)  : i32 {
      %mul3A_594 = arith.constant 16 : i32
      %mul3A_595 = arith.muli %scan3A_592, %mul3A_594 : i32
      %get3A = arith.constant 0 : i32
      %get3A_596 = arith.index_cast %get3A : i32 to index
      %get3A_597 = arith.index_cast %mul3A_595 : i32 to index
      %get3A_598 = tpu.vector_load %arg8[%get3A_596, %get3A_597] {strides = array<i32>} : memref<16x768xf32, #tpu.memory_space<vmem>>, vector<1x16xf32>,
      %get3A_599 = vector.shape_cast %get3A_598 : vector<1x16xf32> to vector<16xf32>
      %swap3A = arith.constant 0 : i32
      %swap3A_600 = arith.index_cast %swap3A : i32 to index
      %swap3A_601 = arith.index_cast %mul3A_595 : i32 to index
      %swap3A_602 = tpu.vector_load %arg12[%swap3A_600, %swap3A_601] {strides = array<i32>} : memref<16x768xf32, #tpu.memory_space<vmem>>, vector<1x16xf32>,
      %swap3A_603 = vector.shape_cast %swap3A_602 : vector<1x16xf32> to vector<16xf32>
      %swap3A_604 = vector.shape_cast %get3A_599 : vector<16xf32> to vector<1x16xf32>
      tpu.vector_store %arg12[%swap3A_600, %swap3A_601], %swap3A_604 {add = true, strides = array<i32>} : memref<16x768xf32, #tpu.memory_space<vmem>>, vector<1x16xf32>,
      %get3A_605 = arith.constant 1 : i32
      %get3A_606 = arith.index_cast %get3A_605 : i32 to index
      %get3A_607 = arith.index_cast %mul3A_595 : i32 to index
      %get3A_608 = tpu.vector_load %arg8[%get3A_606, %get3A_607] {strides = array<i32>} : memref<16x768xf32, #tpu.memory_space<vmem>>, vector<1x16xf32>,
      %get3A_609 = vector.shape_cast %get3A_608 : vector<1x16xf32> to vector<16xf32>
      %swap3A_610 = arith.constant 1 : i32
      %swap3A_611 = arith.index_cast %swap3A_610 : i32 to index
      %swap3A_612 = arith.index_cast %mul3A_595 : i32 to index
      %swap3A_613 = tpu.vector_load %arg12[%swap3A_611, %swap3A_612] {strides = array<i32>} : memref<16x768xf32, #tpu.memory_space<vmem>>, vector<1x16xf32>,
      %swap3A_614 = vector.shape_cast %swap3A_613 : vector<1x16xf32> to vector<16xf32>
      %swap3A_615 = vector.shape_cast %get3A_609 : vector<16xf32> to vector<1x16xf32>
      tpu.vector_store %arg12[%swap3A_611, %swap3A_612], %swap3A_615 {add = true, strides = array<i32>} : memref<16x768xf32, #tpu.memory_space<vmem>>, vector<1x16xf32>,
      %get3A_616 = arith.constant 2 : i32
      %get3A_617 = arith.index_cast %get3A_616 : i32 to index
      %get3A_618 = arith.index_cast %mul3A_595 : i32 to index
      %get3A_619 = tpu.vector_load %arg8[%get3A_617, %get3A_618] {strides = array<i32>} : memref<16x768xf32, #tpu.memory_space<vmem>>, vector<1x16xf32>,
      %get3A_620 = vector.shape_cast %get3A_619 : vector<1x16xf32> to vector<16xf32>
      %swap3A_621 = arith.constant 2 : i32
      %swap3A_622 = arith.index_cast %swap3A_621 : i32 to index
      %swap3A_623 = arith.index_cast %mul3A_595 : i32 to index
      %swap3A_624 = tpu.vector_load %arg12[%swap3A_622, %swap3A_623] {strides = array<i32>} : memref<16x768xf32, #tpu.memory_space<vmem>>, vector<1x16xf32>,
      %swap3A_625 = vector.shape_cast %swap3A_624 : vector<1x16xf32> to vector<16xf32>
      %swap3A_626 = vector.shape_cast %get3A_620 : vector<16xf32> to vector<1x16xf32>
      tpu.vector_store %arg12[%swap3A_622, %swap3A_623], %swap3A_626 {add = true, strides = array<i32>} : memref<16x768xf32, #tpu.memory_space<vmem>>, vector<1x16xf32>,
      %get3A_627 = arith.constant 3 : i32
      %get3A_628 = arith.index_cast %get3A_627 : i32 to index
      %get3A_629 = arith.index_cast %mul3A_595 : i32 to index
      %get3A_630 = tpu.vector_load %arg8[%get3A_628, %get3A_629] {strides = array<i32>} : memref<16x768xf32, #tpu.memory_space<vmem>>, vector<1x16xf32>,
      %get3A_631 = vector.shape_cast %get3A_630 : vector<1x16xf32> to vector<16xf32>
      %swap3A_632 = arith.constant 3 : i32
      %swap3A_633 = arith.index_cast %swap3A_632 : i32 to index
      %swap3A_634 = arith.index_cast %mul3A_595 : i32 to index
      %swap3A_635 = tpu.vector_load %arg12[%swap3A_633, %swap3A_634] {strides = array<i32>} : memref<16x768xf32, #tpu.memory_space<vmem>>, vector<1x16xf32>,
      %swap3A_636 = vector.shape_cast %swap3A_635 : vector<1x16xf32> to vector<16xf32>
      %swap3A_637 = vector.shape_cast %get3A_631 : vector<16xf32> to vector<1x16xf32>
      tpu.vector_store %arg12[%swap3A_633, %swap3A_634], %swap3A_637 {add = true, strides = array<i32>} : memref<16x768xf32, #tpu.memory_space<vmem>>, vector<1x16xf32>,
      %get3A_638 = arith.constant 4 : i32
      %get3A_639 = arith.index_cast %get3A_638 : i32 to index
      %get3A_640 = arith.index_cast %mul3A_595 : i32 to index
      %get3A_641 = tpu.vector_load %arg8[%get3A_639, %get3A_640] {strides = array<i32>} : memref<16x768xf32, #tpu.memory_space<vmem>>, vector<1x16xf32>,
      %get3A_642 = vector.shape_cast %get3A_641 : vector<1x16xf32> to vector<16xf32>
      %swap3A_643 = arith.constant 4 : i32
      %swap3A_644 = arith.index_cast %swap3A_643 : i32 to index
      %swap3A_645 = arith.index_cast %mul3A_595 : i32 to index
      %swap3A_646 = tpu.vector_load %arg12[%swap3A_644, %swap3A_645] {strides = array<i32>} : memref<16x768xf32, #tpu.memory_space<vmem>>, vector<1x16xf32>,
      %swap3A_647 = vector.shape_cast %swap3A_646 : vector<1x16xf32> to vector<16xf32>
      %swap3A_648 = vector.shape_cast %get3A_642 : vector<16xf32> to vector<1x16xf32>
      tpu.vector_store %arg12[%swap3A_644, %swap3A_645], %swap3A_648 {add = true, strides = array<i32>} : memref<16x768xf32, #tpu.memory_space<vmem>>, vector<1x16xf32>,
      %get3A_649 = arith.constant 5 : i32
      %get3A_650 = arith.index_cast %get3A_649 : i32 to index
      %get3A_651 = arith.index_cast %mul3A_595 : i32 to index
      %get3A_652 = tpu.vector_load %arg8[%get3A_650, %get3A_651] {strides = array<i32>} : memref<16x768xf32, #tpu.memory_space<vmem>>, vector<1x16xf32>,
      %get3A_653 = vector.shape_cast %get3A_652 : vector<1x16xf32> to vector<16xf32>
      %swap3A_654 = arith.constant 5 : i32
      %swap3A_655 = arith.index_cast %swap3A_654 : i32 to index
      %swap3A_656 = arith.index_cast %mul3A_595 : i32 to index
      %swap3A_657 = tpu.vector_load %arg12[%swap3A_655, %swap3A_656] {strides = array<i32>} : memref<16x768xf32, #tpu.memory_space<vmem>>, vector<1x16xf32>,
      %swap3A_658 = vector.shape_cast %swap3A_657 : vector<1x16xf32> to vector<16xf32>
      %swap3A_659 = vector.shape_cast %get3A_653 : vector<16xf32> to vector<1x16xf32>
      tpu.vector_store %arg12[%swap3A_655, %swap3A_656], %swap3A_659 {add = true, strides = array<i32>} : memref<16x768xf32, #tpu.memory_space<vmem>>, vector<1x16xf32>,
      %get3A_660 = arith.constant 6 : i32
      %get3A_661 = arith.index_cast %get3A_660 : i32 to index
      %get3A_662 = arith.index_cast %mul3A_595 : i32 to index
      %get3A_663 = tpu.vector_load %arg8[%get3A_661, %get3A_662] {strides = array<i32>} : memref<16x768xf32, #tpu.memory_space<vmem>>, vector<1x16xf32>,
      %get3A_664 = vector.shape_cast %get3A_663 : vector<1x16xf32> to vector<16xf32>
      %swap3A_665 = arith.constant 6 : i32
      %swap3A_666 = arith.index_cast %swap3A_665 : i32 to index
      %swap3A_667 = arith.index_cast %mul3A_595 : i32 to index
      %swap3A_668 = tpu.vector_load %arg12[%swap3A_666, %swap3A_667] {strides = array<i32>} : memref<16x768xf32, #tpu.memory_space<vmem>>, vector<1x16xf32>,
      %swap3A_669 = vector.shape_cast %swap3A_668 : vector<1x16xf32> to vector<16xf32>
      %swap3A_670 = vector.shape_cast %get3A_664 : vector<16xf32> to vector<1x16xf32>
      tpu.vector_store %arg12[%swap3A_666, %swap3A_667], %swap3A_670 {add = true, strides = array<i32>} : memref<16x768xf32, #tpu.memory_space<vmem>>, vector<1x16xf32>,
      %get3A_671 = arith.constant 7 : i32
      %get3A_672 = arith.index_cast %get3A_671 : i32 to index
      %get3A_673 = arith.index_cast %mul3A_595 : i32 to index
      %get3A_674 = tpu.vector_load %arg8[%get3A_672, %get3A_673] {strides = array<i32>} : memref<16x768xf32, #tpu.memory_space<vmem>>, vector<1x16xf32>,
      %get3A_675 = vector.shape_cast %get3A_674 : vector<1x16xf32> to vector<16xf32>
      %swap3A_676 = arith.constant 7 : i32
      %swap3A_677 = arith.index_cast %swap3A_676 : i32 to index
      %swap3A_678 = arith.index_cast %mul3A_595 : i32 to index
      %swap3A_679 = tpu.vector_load %arg12[%swap3A_677, %swap3A_678] {strides = array<i32>} : memref<16x768xf32, #tpu.memory_space<vmem>>, vector<1x16xf32>,
      %swap3A_680 = vector.shape_cast %swap3A_679 : vector<1x16xf32> to vector<16xf32>
      %swap3A_681 = vector.shape_cast %get3A_675 : vector<16xf32> to vector<1x16xf32>
      tpu.vector_store %arg12[%swap3A_677, %swap3A_678], %swap3A_681 {add = true, strides = array<i32>} : memref<16x768xf32, #tpu.memory_space<vmem>>, vector<1x16xf32>,
      %get3A_682 = arith.constant 8 : i32
      %get3A_683 = arith.index_cast %get3A_682 : i32 to index
      %get3A_684 = arith.index_cast %mul3A_595 : i32 to index
      %get3A_685 = tpu.vector_load %arg8[%get3A_683, %get3A_684] {strides = array<i32>} : memref<16x768xf32, #tpu.memory_space<vmem>>, vector<1x16xf32>,
      %get3A_686 = vector.shape_cast %get3A_685 : vector<1x16xf32> to vector<16xf32>
      %swap3A_687 = arith.constant 8 : i32
      %swap3A_688 = arith.index_cast %swap3A_687 : i32 to index
      %swap3A_689 = arith.index_cast %mul3A_595 : i32 to index
      %swap3A_690 = tpu.vector_load %arg12[%swap3A_688, %swap3A_689] {strides = array<i32>} : memref<16x768xf32, #tpu.memory_space<vmem>>, vector<1x16xf32>,
      %swap3A_691 = vector.shape_cast %swap3A_690 : vector<1x16xf32> to vector<16xf32>
      %swap3A_692 = vector.shape_cast %get3A_686 : vector<16xf32> to vector<1x16xf32>
      tpu.vector_store %arg12[%swap3A_688, %swap3A_689], %swap3A_692 {add = true, strides = array<i32>} : memref<16x768xf32, #tpu.memory_space<vmem>>, vector<1x16xf32>,
      %get3A_693 = arith.constant 9 : i32
      %get3A_694 = arith.index_cast %get3A_693 : i32 to index
      %get3A_695 = arith.index_cast %mul3A_595 : i32 to index
      %get3A_696 = tpu.vector_load %arg8[%get3A_694, %get3A_695] {strides = array<i32>} : memref<16x768xf32, #tpu.memory_space<vmem>>, vector<1x16xf32>,
      %get3A_697 = vector.shape_cast %get3A_696 : vector<1x16xf32> to vector<16xf32>
      %swap3A_698 = arith.constant 9 : i32
      %swap3A_699 = arith.index_cast %swap3A_698 : i32 to index
      %swap3A_700 = arith.index_cast %mul3A_595 : i32 to index
      %swap3A_701 = tpu.vector_load %arg12[%swap3A_699, %swap3A_700] {strides = array<i32>} : memref<16x768xf32, #tpu.memory_space<vmem>>, vector<1x16xf32>,
      %swap3A_702 = vector.shape_cast %swap3A_701 : vector<1x16xf32> to vector<16xf32>
      %swap3A_703 = vector.shape_cast %get3A_697 : vector<16xf32> to vector<1x16xf32>
      tpu.vector_store %arg12[%swap3A_699, %swap3A_700], %swap3A_703 {add = true, strides = array<i32>} : memref<16x768xf32, #tpu.memory_space<vmem>>, vector<1x16xf32>,
      %get3A_704 = arith.constant 10 : i32
      %get3A_705 = arith.index_cast %get3A_704 : i32 to index
      %get3A_706 = arith.index_cast %mul3A_595 : i32 to index
      %get3A_707 = tpu.vector_load %arg8[%get3A_705, %get3A_706] {strides = array<i32>} : memref<16x768xf32, #tpu.memory_space<vmem>>, vector<1x16xf32>,
      %get3A_708 = vector.shape_cast %get3A_707 : vector<1x16xf32> to vector<16xf32>
      %swap3A_709 = arith.constant 10 : i32
      %swap3A_710 = arith.index_cast %swap3A_709 : i32 to index
      %swap3A_711 = arith.index_cast %mul3A_595 : i32 to index
      %swap3A_712 = tpu.vector_load %arg12[%swap3A_710, %swap3A_711] {strides = array<i32>} : memref<16x768xf32, #tpu.memory_space<vmem>>, vector<1x16xf32>,
      %swap3A_713 = vector.shape_cast %swap3A_712 : vector<1x16xf32> to vector<16xf32>
      %swap3A_714 = vector.shape_cast %get3A_708 : vector<16xf32> to vector<1x16xf32>
      tpu.vector_store %arg12[%swap3A_710, %swap3A_711], %swap3A_714 {add = true, strides = array<i32>} : memref<16x768xf32, #tpu.memory_space<vmem>>, vector<1x16xf32>,
      %get3A_715 = arith.constant 11 : i32
      %get3A_716 = arith.index_cast %get3A_715 : i32 to index
      %get3A_717 = arith.index_cast %mul3A_595 : i32 to index
      %get3A_718 = tpu.vector_load %arg8[%get3A_716, %get3A_717] {strides = array<i32>} : memref<16x768xf32, #tpu.memory_space<vmem>>, vector<1x16xf32>,
      %get3A_719 = vector.shape_cast %get3A_718 : vector<1x16xf32> to vector<16xf32>
      %swap3A_720 = arith.constant 11 : i32
      %swap3A_721 = arith.index_cast %swap3A_720 : i32 to index
      %swap3A_722 = arith.index_cast %mul3A_595 : i32 to index
      %swap3A_723 = tpu.vector_load %arg12[%swap3A_721, %swap3A_722] {strides = array<i32>} : memref<16x768xf32, #tpu.memory_space<vmem>>, vector<1x16xf32>,
      %swap3A_724 = vector.shape_cast %swap3A_723 : vector<1x16xf32> to vector<16xf32>
      %swap3A_725 = vector.shape_cast %get3A_719 : vector<16xf32> to vector<1x16xf32>
      tpu.vector_store %arg12[%swap3A_721, %swap3A_722], %swap3A_725 {add = true, strides = array<i32>} : memref<16x768xf32, #tpu.memory_space<vmem>>, vector<1x16xf32>,
      %get3A_726 = arith.constant 12 : i32
      %get3A_727 = arith.index_cast %get3A_726 : i32 to index
      %get3A_728 = arith.index_cast %mul3A_595 : i32 to index
      %get3A_729 = tpu.vector_load %arg8[%get3A_727, %get3A_728] {strides = array<i32>} : memref<16x768xf32, #tpu.memory_space<vmem>>, vector<1x16xf32>,
      %get3A_730 = vector.shape_cast %get3A_729 : vector<1x16xf32> to vector<16xf32>
      %swap3A_731 = arith.constant 12 : i32
      %swap3A_732 = arith.index_cast %swap3A_731 : i32 to index
      %swap3A_733 = arith.index_cast %mul3A_595 : i32 to index
      %swap3A_734 = tpu.vector_load %arg12[%swap3A_732, %swap3A_733] {strides = array<i32>} : memref<16x768xf32, #tpu.memory_space<vmem>>, vector<1x16xf32>,
      %swap3A_735 = vector.shape_cast %swap3A_734 : vector<1x16xf32> to vector<16xf32>
      %swap3A_736 = vector.shape_cast %get3A_730 : vector<16xf32> to vector<1x16xf32>
      tpu.vector_store %arg12[%swap3A_732, %swap3A_733], %swap3A_736 {add = true, strides = array<i32>} : memref<16x768xf32, #tpu.memory_space<vmem>>, vector<1x16xf32>,
      %get3A_737 = arith.constant 13 : i32
      %get3A_738 = arith.index_cast %get3A_737 : i32 to index
      %get3A_739 = arith.index_cast %mul3A_595 : i32 to index
      %get3A_740 = tpu.vector_load %arg8[%get3A_738, %get3A_739] {strides = array<i32>} : memref<16x768xf32, #tpu.memory_space<vmem>>, vector<1x16xf32>,
      %get3A_741 = vector.shape_cast %get3A_740 : vector<1x16xf32> to vector<16xf32>
      %swap3A_742 = arith.constant 13 : i32
      %swap3A_743 = arith.index_cast %swap3A_742 : i32 to index
      %swap3A_744 = arith.index_cast %mul3A_595 : i32 to index
      %swap3A_745 = tpu.vector_load %arg12[%swap3A_743, %swap3A_744] {strides = array<i32>} : memref<16x768xf32, #tpu.memory_space<vmem>>, vector<1x16xf32>,
      %swap3A_746 = vector.shape_cast %swap3A_745 : vector<1x16xf32> to vector<16xf32>
      %swap3A_747 = vector.shape_cast %get3A_741 : vector<16xf32> to vector<1x16xf32>
      tpu.vector_store %arg12[%swap3A_743, %swap3A_744], %swap3A_747 {add = true, strides = array<i32>} : memref<16x768xf32, #tpu.memory_space<vmem>>, vector<1x16xf32>,
      %get3A_748 = arith.constant 14 : i32
      %get3A_749 = arith.index_cast %get3A_748 : i32 to index
      %get3A_750 = arith.index_cast %mul3A_595 : i32 to index
      %get3A_751 = tpu.vector_load %arg8[%get3A_749, %get3A_750] {strides = array<i32>} : memref<16x768xf32, #tpu.memory_space<vmem>>, vector<1x16xf32>,
      %get3A_752 = vector.shape_cast %get3A_751 : vector<1x16xf32> to vector<16xf32>
      %swap3A_753 = arith.constant 14 : i32
      %swap3A_754 = arith.index_cast %swap3A_753 : i32 to index
      %swap3A_755 = arith.index_cast %mul3A_595 : i32 to index
      %swap3A_756 = tpu.vector_load %arg12[%swap3A_754, %swap3A_755] {strides = array<i32>} : memref<16x768xf32, #tpu.memory_space<vmem>>, vector<1x16xf32>,
      %swap3A_757 = vector.shape_cast %swap3A_756 : vector<1x16xf32> to vector<16xf32>
      %swap3A_758 = vector.shape_cast %get3A_752 : vector<16xf32> to vector<1x16xf32>
      tpu.vector_store %arg12[%swap3A_754, %swap3A_755], %swap3A_758 {add = true, strides = array<i32>} : memref<16x768xf32, #tpu.memory_space<vmem>>, vector<1x16xf32>,
      %get3A_759 = arith.constant 15 : i32
      %get3A_760 = arith.index_cast %get3A_759 : i32 to index
      %get3A_761 = arith.index_cast %mul3A_595 : i32 to index
      %get3A_762 = tpu.vector_load %arg8[%get3A_760, %get3A_761] {strides = array<i32>} : memref<16x768xf32, #tpu.memory_space<vmem>>, vector<1x16xf32>,
      %get3A_763 = vector.shape_cast %get3A_762 : vector<1x16xf32> to vector<16xf32>
      %swap3A_764 = arith.constant 15 : i32
      %swap3A_765 = arith.index_cast %swap3A_764 : i32 to index
      %swap3A_766 = arith.index_cast %mul3A_595 : i32 to index
      %swap3A_767 = tpu.vector_load %arg12[%swap3A_765, %swap3A_766] {strides = array<i32>} : memref<16x768xf32, #tpu.memory_space<vmem>>, vector<1x16xf32>,
      %swap3A_768 = vector.shape_cast %swap3A_767 : vector<1x16xf32> to vector<16xf32>
      %swap3A_769 = vector.shape_cast %get3A_763 : vector<16xf32> to vector<1x16xf32>
      tpu.vector_store %arg12[%swap3A_765, %swap3A_766], %swap3A_769 {add = true, strides = array<i32>} : memref<16x768xf32, #tpu.memory_space<vmem>>, vector<1x16xf32>,
      %scan3A_770 = arith.constant 0 : i32
      scf.yield %scan3A_770 : i32
    }
    %scan3A_299 = arith.constant 48 : i32
    %add3A_300 = arith.constant 112 : i32
    %add3A_301 = arith.addi %mul3A_2, %add3A_300 : i32
    %dma_start3A_302 = arith.constant 0 : i32
    %dma_start3A_303 = tpu.memref_slice %arg5[%add3A_301, %dma_start3A_302] : memref<8192x768xf32, #tpu.memory_space<hbm>> -> memref<16x768xf32, #tpu.memory_space<hbm>>
    %dma_start3A_304 = arith.constant 0 : i32
    %dma_start3A_305 = tpu.memref_slice %arg5[%add3A_301, %dma_start3A_304] : memref<8192x768xf32, #tpu.memory_space<hbm>> -> memref<16x768xf32, #tpu.memory_space<hbm>>
    tpu.enqueue_dma source(%arg12 : memref<16x768xf32, #tpu.memory_space<vmem>>) target(%dma_start3A_305 : memref<16x768xf32, #tpu.memory_space<hbm>>) target_semaphore(%arg25 : memref<!tpu.dma_semaphore, #tpu.memory_space<semaphore_mem>>)
    %dma_wait3A_306 = arith.constant 128 : i32
    %dma_wait3A_307 = tpu.memref_slice %arg6[%dma_wait3A_306] : memref<256xi32, #tpu.memory_space<vmem>> -> memref<16xi32, #tpu.memory_space<vmem>>
    %dma_wait3A_308 = arith.constant 0 : i32
    %dma_wait3A_309 = arith.constant 0 : i32
    %dma_wait3A_310 = tpu.memref_slice %arg2[%dma_wait3A_308, %dma_wait3A_309] : memref<50257x768xf32, #tpu.memory_space<hbm>> -> memref<50257x768xf32, #tpu.memory_space<hbm>>
    tpu.wait_indirect_dma semaphore(%arg17 : memref<!tpu.dma_semaphore, #tpu.memory_space<semaphore_mem>>) src(%dma_wait3A_310 : memref<50257x768xf32, #tpu.memory_space<hbm>>) dst(%arg9 : memref<16x768xf32, #tpu.memory_space<vmem>>)
    %dma_wait3A_311 = arith.constant 0 : i32
    %dma_wait3A_312 = tpu.memref_slice %arg3[%add3A_251, %dma_wait3A_311] : memref<8192x768xf32, #tpu.memory_space<hbm>> -> memref<16x768xf32, #tpu.memory_space<hbm>>
    %dma_wait3A_313 = arith.constant 0 : i32
    %dma_wait3A_314 = tpu.memref_slice %arg3[%add3A_251, %dma_wait3A_313] : memref<8192x768xf32, #tpu.memory_space<hbm>> -> memref<16x768xf32, #tpu.memory_space<hbm>>
    tpu.wait_dma2 semaphore(%arg21 : memref<!tpu.dma_semaphore, #tpu.memory_space<semaphore_mem>>) src(%dma_wait3A_314 : memref<16x768xf32, #tpu.memory_space<hbm>>) dst(%arg13 : memref<16x768xf32, #tpu.memory_space<vmem>>)
    %dma_start3A_315 = arith.constant 160 : i32
    %dma_start3A_316 = tpu.memref_slice %arg6[%dma_start3A_315] : memref<256xi32, #tpu.memory_space<vmem>> -> memref<16xi32, #tpu.memory_space<vmem>>
    %dma_start3A_317 = arith.constant 0 : i32
    %dma_start3A_318 = arith.constant 0 : i32
    %dma_start3A_319 = tpu.memref_slice %arg2[%dma_start3A_317, %dma_start3A_318] : memref<50257x768xf32, #tpu.memory_space<hbm>> -> memref<50257x768xf32, #tpu.memory_space<hbm>>
    tpu.enqueue_indirect_dma source(%dma_start3A_319 : memref<50257x768xf32, #tpu.memory_space<hbm>>) target(%arg8 : memref<16x768xf32, #tpu.memory_space<vmem>>) offsets(%dma_start3A_316 : memref<16xi32, #tpu.memory_space<vmem>>) semaphore(%arg16 : memref<!tpu.dma_semaphore, #tpu.memory_space<semaphore_mem>>)
    %dma_wait3A_320 = arith.constant 0 : i32
    %dma_wait3A_321 = tpu.memref_slice %arg5[%add3A_227, %dma_wait3A_320] : memref<8192x768xf32, #tpu.memory_space<hbm>> -> memref<16x768xf32, #tpu.memory_space<hbm>>
    %dma_wait3A_322 = arith.constant 0 : i32
    %dma_wait3A_323 = tpu.memref_slice %arg5[%add3A_227, %dma_wait3A_322] : memref<8192x768xf32, #tpu.memory_space<hbm>> -> memref<16x768xf32, #tpu.memory_space<hbm>>
    tpu.wait_dma2 semaphore(%arg23 : memref<!tpu.dma_semaphore, #tpu.memory_space<semaphore_mem>>) src(%arg10 : memref<16x768xf32, #tpu.memory_space<vmem>>) dst(%dma_wait3A_323 : memref<16x768xf32, #tpu.memory_space<hbm>>)
    %add3A_324 = arith.constant 160 : i32
    %add3A_325 = arith.addi %mul3A_2, %add3A_324 : i32
    %dma_start3A_326 = arith.constant 0 : i32
    %dma_start3A_327 = tpu.memref_slice %arg3[%add3A_325, %dma_start3A_326] : memref<8192x768xf32, #tpu.memory_space<hbm>> -> memref<16x768xf32, #tpu.memory_space<hbm>>
    %dma_start3A_328 = arith.constant 0 : i32
    %dma_start3A_329 = tpu.memref_slice %arg3[%add3A_325, %dma_start3A_328] : memref<8192x768xf32, #tpu.memory_space<hbm>> -> memref<16x768xf32, #tpu.memory_space<hbm>>
    tpu.enqueue_dma source(%dma_start3A_329 : memref<16x768xf32, #tpu.memory_space<hbm>>) target(%arg10 : memref<16x768xf32, #tpu.memory_space<vmem>>) target_semaphore(%arg18 : memref<!tpu.dma_semaphore, #tpu.memory_space<semaphore_mem>>)
    %scan3A_330 = arith.constant 0 : i32
    %scan3A_331 = arith.constant 0 : i32
    %scan3A_332 = arith.constant 48 : i32
    %scan3A_333 = arith.addi %scan3A_331, %scan3A_332 : i32
    %scan3A_334 = arith.constant 1 : i32
    %scan3A_335 = scf.for %scan3A_592 = %scan3A_331 to %scan3A_333 step %scan3A_334 iter_args(%scan3A_593 = %scan3A_330) -> (i32)  : i32 {
      %mul3A_594 = arith.constant 16 : i32
      %mul3A_595 = arith.muli %scan3A_592, %mul3A_594 : i32
      %get3A = arith.constant 0 : i32
      %get3A_596 = arith.index_cast %get3A : i32 to index
      %get3A_597 = arith.index_cast %mul3A_595 : i32 to index
      %get3A_598 = tpu.vector_load %arg9[%get3A_596, %get3A_597] {strides = array<i32>} : memref<16x768xf32, #tpu.memory_space<vmem>>, vector<1x16xf32>,
      %get3A_599 = vector.shape_cast %get3A_598 : vector<1x16xf32> to vector<16xf32>
      %swap3A = arith.constant 0 : i32
      %swap3A_600 = arith.index_cast %swap3A : i32 to index
      %swap3A_601 = arith.index_cast %mul3A_595 : i32 to index
      %swap3A_602 = tpu.vector_load %arg13[%swap3A_600, %swap3A_601] {strides = array<i32>} : memref<16x768xf32, #tpu.memory_space<vmem>>, vector<1x16xf32>,
      %swap3A_603 = vector.shape_cast %swap3A_602 : vector<1x16xf32> to vector<16xf32>
      %swap3A_604 = vector.shape_cast %get3A_599 : vector<16xf32> to vector<1x16xf32>
      tpu.vector_store %arg13[%swap3A_600, %swap3A_601], %swap3A_604 {add = true, strides = array<i32>} : memref<16x768xf32, #tpu.memory_space<vmem>>, vector<1x16xf32>,
      %get3A_605 = arith.constant 1 : i32
      %get3A_606 = arith.index_cast %get3A_605 : i32 to index
      %get3A_607 = arith.index_cast %mul3A_595 : i32 to index
      %get3A_608 = tpu.vector_load %arg9[%get3A_606, %get3A_607] {strides = array<i32>} : memref<16x768xf32, #tpu.memory_space<vmem>>, vector<1x16xf32>,
      %get3A_609 = vector.shape_cast %get3A_608 : vector<1x16xf32> to vector<16xf32>
      %swap3A_610 = arith.constant 1 : i32
      %swap3A_611 = arith.index_cast %swap3A_610 : i32 to index
      %swap3A_612 = arith.index_cast %mul3A_595 : i32 to index
      %swap3A_613 = tpu.vector_load %arg13[%swap3A_611, %swap3A_612] {strides = array<i32>} : memref<16x768xf32, #tpu.memory_space<vmem>>, vector<1x16xf32>,
      %swap3A_614 = vector.shape_cast %swap3A_613 : vector<1x16xf32> to vector<16xf32>
      %swap3A_615 = vector.shape_cast %get3A_609 : vector<16xf32> to vector<1x16xf32>
      tpu.vector_store %arg13[%swap3A_611, %swap3A_612], %swap3A_615 {add = true, strides = array<i32>} : memref<16x768xf32, #tpu.memory_space<vmem>>, vector<1x16xf32>,
      %get3A_616 = arith.constant 2 : i32
      %get3A_617 = arith.index_cast %get3A_616 : i32 to index
      %get3A_618 = arith.index_cast %mul3A_595 : i32 to index
      %get3A_619 = tpu.vector_load %arg9[%get3A_617, %get3A_618] {strides = array<i32>} : memref<16x768xf32, #tpu.memory_space<vmem>>, vector<1x16xf32>,
      %get3A_620 = vector.shape_cast %get3A_619 : vector<1x16xf32> to vector<16xf32>
      %swap3A_621 = arith.constant 2 : i32
      %swap3A_622 = arith.index_cast %swap3A_621 : i32 to index
      %swap3A_623 = arith.index_cast %mul3A_595 : i32 to index
      %swap3A_624 = tpu.vector_load %arg13[%swap3A_622, %swap3A_623] {strides = array<i32>} : memref<16x768xf32, #tpu.memory_space<vmem>>, vector<1x16xf32>,
      %swap3A_625 = vector.shape_cast %swap3A_624 : vector<1x16xf32> to vector<16xf32>
      %swap3A_626 = vector.shape_cast %get3A_620 : vector<16xf32> to vector<1x16xf32>
      tpu.vector_store %arg13[%swap3A_622, %swap3A_623], %swap3A_626 {add = true, strides = array<i32>} : memref<16x768xf32, #tpu.memory_space<vmem>>, vector<1x16xf32>,
      %get3A_627 = arith.constant 3 : i32
      %get3A_628 = arith.index_cast %get3A_627 : i32 to index
      %get3A_629 = arith.index_cast %mul3A_595 : i32 to index
      %get3A_630 = tpu.vector_load %arg9[%get3A_628, %get3A_629] {strides = array<i32>} : memref<16x768xf32, #tpu.memory_space<vmem>>, vector<1x16xf32>,
      %get3A_631 = vector.shape_cast %get3A_630 : vector<1x16xf32> to vector<16xf32>
      %swap3A_632 = arith.constant 3 : i32
      %swap3A_633 = arith.index_cast %swap3A_632 : i32 to index
      %swap3A_634 = arith.index_cast %mul3A_595 : i32 to index
      %swap3A_635 = tpu.vector_load %arg13[%swap3A_633, %swap3A_634] {strides = array<i32>} : memref<16x768xf32, #tpu.memory_space<vmem>>, vector<1x16xf32>,
      %swap3A_636 = vector.shape_cast %swap3A_635 : vector<1x16xf32> to vector<16xf32>
      %swap3A_637 = vector.shape_cast %get3A_631 : vector<16xf32> to vector<1x16xf32>
      tpu.vector_store %arg13[%swap3A_633, %swap3A_634], %swap3A_637 {add = true, strides = array<i32>} : memref<16x768xf32, #tpu.memory_space<vmem>>, vector<1x16xf32>,
      %get3A_638 = arith.constant 4 : i32
      %get3A_639 = arith.index_cast %get3A_638 : i32 to index
      %get3A_640 = arith.index_cast %mul3A_595 : i32 to index
      %get3A_641 = tpu.vector_load %arg9[%get3A_639, %get3A_640] {strides = array<i32>} : memref<16x768xf32, #tpu.memory_space<vmem>>, vector<1x16xf32>,
      %get3A_642 = vector.shape_cast %get3A_641 : vector<1x16xf32> to vector<16xf32>
      %swap3A_643 = arith.constant 4 : i32
      %swap3A_644 = arith.index_cast %swap3A_643 : i32 to index
      %swap3A_645 = arith.index_cast %mul3A_595 : i32 to index
      %swap3A_646 = tpu.vector_load %arg13[%swap3A_644, %swap3A_645] {strides = array<i32>} : memref<16x768xf32, #tpu.memory_space<vmem>>, vector<1x16xf32>,
      %swap3A_647 = vector.shape_cast %swap3A_646 : vector<1x16xf32> to vector<16xf32>
      %swap3A_648 = vector.shape_cast %get3A_642 : vector<16xf32> to vector<1x16xf32>
      tpu.vector_store %arg13[%swap3A_644, %swap3A_645], %swap3A_648 {add = true, strides = array<i32>} : memref<16x768xf32, #tpu.memory_space<vmem>>, vector<1x16xf32>,
      %get3A_649 = arith.constant 5 : i32
      %get3A_650 = arith.index_cast %get3A_649 : i32 to index
      %get3A_651 = arith.index_cast %mul3A_595 : i32 to index
      %get3A_652 = tpu.vector_load %arg9[%get3A_650, %get3A_651] {strides = array<i32>} : memref<16x768xf32, #tpu.memory_space<vmem>>, vector<1x16xf32>,
      %get3A_653 = vector.shape_cast %get3A_652 : vector<1x16xf32> to vector<16xf32>
      %swap3A_654 = arith.constant 5 : i32
      %swap3A_655 = arith.index_cast %swap3A_654 : i32 to index
      %swap3A_656 = arith.index_cast %mul3A_595 : i32 to index
      %swap3A_657 = tpu.vector_load %arg13[%swap3A_655, %swap3A_656] {strides = array<i32>} : memref<16x768xf32, #tpu.memory_space<vmem>>, vector<1x16xf32>,
      %swap3A_658 = vector.shape_cast %swap3A_657 : vector<1x16xf32> to vector<16xf32>
      %swap3A_659 = vector.shape_cast %get3A_653 : vector<16xf32> to vector<1x16xf32>
      tpu.vector_store %arg13[%swap3A_655, %swap3A_656], %swap3A_659 {add = true, strides = array<i32>} : memref<16x768xf32, #tpu.memory_space<vmem>>, vector<1x16xf32>,
      %get3A_660 = arith.constant 6 : i32
      %get3A_661 = arith.index_cast %get3A_660 : i32 to index
      %get3A_662 = arith.index_cast %mul3A_595 : i32 to index
      %get3A_663 = tpu.vector_load %arg9[%get3A_661, %get3A_662] {strides = array<i32>} : memref<16x768xf32, #tpu.memory_space<vmem>>, vector<1x16xf32>,
      %get3A_664 = vector.shape_cast %get3A_663 : vector<1x16xf32> to vector<16xf32>
      %swap3A_665 = arith.constant 6 : i32
      %swap3A_666 = arith.index_cast %swap3A_665 : i32 to index
      %swap3A_667 = arith.index_cast %mul3A_595 : i32 to index
      %swap3A_668 = tpu.vector_load %arg13[%swap3A_666, %swap3A_667] {strides = array<i32>} : memref<16x768xf32, #tpu.memory_space<vmem>>, vector<1x16xf32>,
      %swap3A_669 = vector.shape_cast %swap3A_668 : vector<1x16xf32> to vector<16xf32>
      %swap3A_670 = vector.shape_cast %get3A_664 : vector<16xf32> to vector<1x16xf32>
      tpu.vector_store %arg13[%swap3A_666, %swap3A_667], %swap3A_670 {add = true, strides = array<i32>} : memref<16x768xf32, #tpu.memory_space<vmem>>, vector<1x16xf32>,
      %get3A_671 = arith.constant 7 : i32
      %get3A_672 = arith.index_cast %get3A_671 : i32 to index
      %get3A_673 = arith.index_cast %mul3A_595 : i32 to index
      %get3A_674 = tpu.vector_load %arg9[%get3A_672, %get3A_673] {strides = array<i32>} : memref<16x768xf32, #tpu.memory_space<vmem>>, vector<1x16xf32>,
      %get3A_675 = vector.shape_cast %get3A_674 : vector<1x16xf32> to vector<16xf32>
      %swap3A_676 = arith.constant 7 : i32
      %swap3A_677 = arith.index_cast %swap3A_676 : i32 to index
      %swap3A_678 = arith.index_cast %mul3A_595 : i32 to index
      %swap3A_679 = tpu.vector_load %arg13[%swap3A_677, %swap3A_678] {strides = array<i32>} : memref<16x768xf32, #tpu.memory_space<vmem>>, vector<1x16xf32>,
      %swap3A_680 = vector.shape_cast %swap3A_679 : vector<1x16xf32> to vector<16xf32>
      %swap3A_681 = vector.shape_cast %get3A_675 : vector<16xf32> to vector<1x16xf32>
      tpu.vector_store %arg13[%swap3A_677, %swap3A_678], %swap3A_681 {add = true, strides = array<i32>} : memref<16x768xf32, #tpu.memory_space<vmem>>, vector<1x16xf32>,
      %get3A_682 = arith.constant 8 : i32
      %get3A_683 = arith.index_cast %get3A_682 : i32 to index
      %get3A_684 = arith.index_cast %mul3A_595 : i32 to index
      %get3A_685 = tpu.vector_load %arg9[%get3A_683, %get3A_684] {strides = array<i32>} : memref<16x768xf32, #tpu.memory_space<vmem>>, vector<1x16xf32>,
      %get3A_686 = vector.shape_cast %get3A_685 : vector<1x16xf32> to vector<16xf32>
      %swap3A_687 = arith.constant 8 : i32
      %swap3A_688 = arith.index_cast %swap3A_687 : i32 to index
      %swap3A_689 = arith.index_cast %mul3A_595 : i32 to index
      %swap3A_690 = tpu.vector_load %arg13[%swap3A_688, %swap3A_689] {strides = array<i32>} : memref<16x768xf32, #tpu.memory_space<vmem>>, vector<1x16xf32>,
      %swap3A_691 = vector.shape_cast %swap3A_690 : vector<1x16xf32> to vector<16xf32>
      %swap3A_692 = vector.shape_cast %get3A_686 : vector<16xf32> to vector<1x16xf32>
      tpu.vector_store %arg13[%swap3A_688, %swap3A_689], %swap3A_692 {add = true, strides = array<i32>} : memref<16x768xf32, #tpu.memory_space<vmem>>, vector<1x16xf32>,
      %get3A_693 = arith.constant 9 : i32
      %get3A_694 = arith.index_cast %get3A_693 : i32 to index
      %get3A_695 = arith.index_cast %mul3A_595 : i32 to index
      %get3A_696 = tpu.vector_load %arg9[%get3A_694, %get3A_695] {strides = array<i32>} : memref<16x768xf32, #tpu.memory_space<vmem>>, vector<1x16xf32>,
      %get3A_697 = vector.shape_cast %get3A_696 : vector<1x16xf32> to vector<16xf32>
      %swap3A_698 = arith.constant 9 : i32
      %swap3A_699 = arith.index_cast %swap3A_698 : i32 to index
      %swap3A_700 = arith.index_cast %mul3A_595 : i32 to index
      %swap3A_701 = tpu.vector_load %arg13[%swap3A_699, %swap3A_700] {strides = array<i32>} : memref<16x768xf32, #tpu.memory_space<vmem>>, vector<1x16xf32>,
      %swap3A_702 = vector.shape_cast %swap3A_701 : vector<1x16xf32> to vector<16xf32>
      %swap3A_703 = vector.shape_cast %get3A_697 : vector<16xf32> to vector<1x16xf32>
      tpu.vector_store %arg13[%swap3A_699, %swap3A_700], %swap3A_703 {add = true, strides = array<i32>} : memref<16x768xf32, #tpu.memory_space<vmem>>, vector<1x16xf32>,
      %get3A_704 = arith.constant 10 : i32
      %get3A_705 = arith.index_cast %get3A_704 : i32 to index
      %get3A_706 = arith.index_cast %mul3A_595 : i32 to index
      %get3A_707 = tpu.vector_load %arg9[%get3A_705, %get3A_706] {strides = array<i32>} : memref<16x768xf32, #tpu.memory_space<vmem>>, vector<1x16xf32>,
      %get3A_708 = vector.shape_cast %get3A_707 : vector<1x16xf32> to vector<16xf32>
      %swap3A_709 = arith.constant 10 : i32
      %swap3A_710 = arith.index_cast %swap3A_709 : i32 to index
      %swap3A_711 = arith.index_cast %mul3A_595 : i32 to index
      %swap3A_712 = tpu.vector_load %arg13[%swap3A_710, %swap3A_711] {strides = array<i32>} : memref<16x768xf32, #tpu.memory_space<vmem>>, vector<1x16xf32>,
      %swap3A_713 = vector.shape_cast %swap3A_712 : vector<1x16xf32> to vector<16xf32>
      %swap3A_714 = vector.shape_cast %get3A_708 : vector<16xf32> to vector<1x16xf32>
      tpu.vector_store %arg13[%swap3A_710, %swap3A_711], %swap3A_714 {add = true, strides = array<i32>} : memref<16x768xf32, #tpu.memory_space<vmem>>, vector<1x16xf32>,
      %get3A_715 = arith.constant 11 : i32
      %get3A_716 = arith.index_cast %get3A_715 : i32 to index
      %get3A_717 = arith.index_cast %mul3A_595 : i32 to index
      %get3A_718 = tpu.vector_load %arg9[%get3A_716, %get3A_717] {strides = array<i32>} : memref<16x768xf32, #tpu.memory_space<vmem>>, vector<1x16xf32>,
      %get3A_719 = vector.shape_cast %get3A_718 : vector<1x16xf32> to vector<16xf32>
      %swap3A_720 = arith.constant 11 : i32
      %swap3A_721 = arith.index_cast %swap3A_720 : i32 to index
      %swap3A_722 = arith.index_cast %mul3A_595 : i32 to index
      %swap3A_723 = tpu.vector_load %arg13[%swap3A_721, %swap3A_722] {strides = array<i32>} : memref<16x768xf32, #tpu.memory_space<vmem>>, vector<1x16xf32>,
      %swap3A_724 = vector.shape_cast %swap3A_723 : vector<1x16xf32> to vector<16xf32>
      %swap3A_725 = vector.shape_cast %get3A_719 : vector<16xf32> to vector<1x16xf32>
      tpu.vector_store %arg13[%swap3A_721, %swap3A_722], %swap3A_725 {add = true, strides = array<i32>} : memref<16x768xf32, #tpu.memory_space<vmem>>, vector<1x16xf32>,
      %get3A_726 = arith.constant 12 : i32
      %get3A_727 = arith.index_cast %get3A_726 : i32 to index
      %get3A_728 = arith.index_cast %mul3A_595 : i32 to index
      %get3A_729 = tpu.vector_load %arg9[%get3A_727, %get3A_728] {strides = array<i32>} : memref<16x768xf32, #tpu.memory_space<vmem>>, vector<1x16xf32>,
      %get3A_730 = vector.shape_cast %get3A_729 : vector<1x16xf32> to vector<16xf32>
      %swap3A_731 = arith.constant 12 : i32
      %swap3A_732 = arith.index_cast %swap3A_731 : i32 to index
      %swap3A_733 = arith.index_cast %mul3A_595 : i32 to index
      %swap3A_734 = tpu.vector_load %arg13[%swap3A_732, %swap3A_733] {strides = array<i32>} : memref<16x768xf32, #tpu.memory_space<vmem>>, vector<1x16xf32>,
      %swap3A_735 = vector.shape_cast %swap3A_734 : vector<1x16xf32> to vector<16xf32>
      %swap3A_736 = vector.shape_cast %get3A_730 : vector<16xf32> to vector<1x16xf32>
      tpu.vector_store %arg13[%swap3A_732, %swap3A_733], %swap3A_736 {add = true, strides = array<i32>} : memref<16x768xf32, #tpu.memory_space<vmem>>, vector<1x16xf32>,
      %get3A_737 = arith.constant 13 : i32
      %get3A_738 = arith.index_cast %get3A_737 : i32 to index
      %get3A_739 = arith.index_cast %mul3A_595 : i32 to index
      %get3A_740 = tpu.vector_load %arg9[%get3A_738, %get3A_739] {strides = array<i32>} : memref<16x768xf32, #tpu.memory_space<vmem>>, vector<1x16xf32>,
      %get3A_741 = vector.shape_cast %get3A_740 : vector<1x16xf32> to vector<16xf32>
      %swap3A_742 = arith.constant 13 : i32
      %swap3A_743 = arith.index_cast %swap3A_742 : i32 to index
      %swap3A_744 = arith.index_cast %mul3A_595 : i32 to index
      %swap3A_745 = tpu.vector_load %arg13[%swap3A_743, %swap3A_744] {strides = array<i32>} : memref<16x768xf32, #tpu.memory_space<vmem>>, vector<1x16xf32>,
      %swap3A_746 = vector.shape_cast %swap3A_745 : vector<1x16xf32> to vector<16xf32>
      %swap3A_747 = vector.shape_cast %get3A_741 : vector<16xf32> to vector<1x16xf32>
      tpu.vector_store %arg13[%swap3A_743, %swap3A_744], %swap3A_747 {add = true, strides = array<i32>} : memref<16x768xf32, #tpu.memory_space<vmem>>, vector<1x16xf32>,
      %get3A_748 = arith.constant 14 : i32
      %get3A_749 = arith.index_cast %get3A_748 : i32 to index
      %get3A_750 = arith.index_cast %mul3A_595 : i32 to index
      %get3A_751 = tpu.vector_load %arg9[%get3A_749, %get3A_750] {strides = array<i32>} : memref<16x768xf32, #tpu.memory_space<vmem>>, vector<1x16xf32>,
      %get3A_752 = vector.shape_cast %get3A_751 : vector<1x16xf32> to vector<16xf32>
      %swap3A_753 = arith.constant 14 : i32
      %swap3A_754 = arith.index_cast %swap3A_753 : i32 to index
      %swap3A_755 = arith.index_cast %mul3A_595 : i32 to index
      %swap3A_756 = tpu.vector_load %arg13[%swap3A_754, %swap3A_755] {strides = array<i32>} : memref<16x768xf32, #tpu.memory_space<vmem>>, vector<1x16xf32>,
      %swap3A_757 = vector.shape_cast %swap3A_756 : vector<1x16xf32> to vector<16xf32>
      %swap3A_758 = vector.shape_cast %get3A_752 : vector<16xf32> to vector<1x16xf32>
      tpu.vector_store %arg13[%swap3A_754, %swap3A_755], %swap3A_758 {add = true, strides = array<i32>} : memref<16x768xf32, #tpu.memory_space<vmem>>, vector<1x16xf32>,
      %get3A_759 = arith.constant 15 : i32
      %get3A_760 = arith.index_cast %get3A_759 : i32 to index
      %get3A_761 = arith.index_cast %mul3A_595 : i32 to index
      %get3A_762 = tpu.vector_load %arg9[%get3A_760, %get3A_761] {strides = array<i32>} : memref<16x768xf32, #tpu.memory_space<vmem>>, vector<1x16xf32>,
      %get3A_763 = vector.shape_cast %get3A_762 : vector<1x16xf32> to vector<16xf32>
      %swap3A_764 = arith.constant 15 : i32
      %swap3A_765 = arith.index_cast %swap3A_764 : i32 to index
      %swap3A_766 = arith.index_cast %mul3A_595 : i32 to index
      %swap3A_767 = tpu.vector_load %arg13[%swap3A_765, %swap3A_766] {strides = array<i32>} : memref<16x768xf32, #tpu.memory_space<vmem>>, vector<1x16xf32>,
      %swap3A_768 = vector.shape_cast %swap3A_767 : vector<1x16xf32> to vector<16xf32>
      %swap3A_769 = vector.shape_cast %get3A_763 : vector<16xf32> to vector<1x16xf32>
      tpu.vector_store %arg13[%swap3A_765, %swap3A_766], %swap3A_769 {add = true, strides = array<i32>} : memref<16x768xf32, #tpu.memory_space<vmem>>, vector<1x16xf32>,
      %scan3A_770 = arith.constant 0 : i32
      scf.yield %scan3A_770 : i32
    }
    %scan3A_336 = arith.constant 48 : i32
    %add3A_337 = arith.constant 128 : i32
    %add3A_338 = arith.addi %mul3A_2, %add3A_337 : i32
    %dma_start3A_339 = arith.constant 0 : i32
    %dma_start3A_340 = tpu.memref_slice %arg5[%add3A_338, %dma_start3A_339] : memref<8192x768xf32, #tpu.memory_space<hbm>> -> memref<16x768xf32, #tpu.memory_space<hbm>>
    %dma_start3A_341 = arith.constant 0 : i32
    %dma_start3A_342 = tpu.memref_slice %arg5[%add3A_338, %dma_start3A_341] : memref<8192x768xf32, #tpu.memory_space<hbm>> -> memref<16x768xf32, #tpu.memory_space<hbm>>
    tpu.enqueue_dma source(%arg13 : memref<16x768xf32, #tpu.memory_space<vmem>>) target(%dma_start3A_342 : memref<16x768xf32, #tpu.memory_space<hbm>>) target_semaphore(%arg26 : memref<!tpu.dma_semaphore, #tpu.memory_space<semaphore_mem>>)
    %dma_wait3A_343 = arith.constant 144 : i32
    %dma_wait3A_344 = tpu.memref_slice %arg6[%dma_wait3A_343] : memref<256xi32, #tpu.memory_space<vmem>> -> memref<16xi32, #tpu.memory_space<vmem>>
    %dma_wait3A_345 = arith.constant 0 : i32
    %dma_wait3A_346 = arith.constant 0 : i32
    %dma_wait3A_347 = tpu.memref_slice %arg2[%dma_wait3A_345, %dma_wait3A_346] : memref<50257x768xf32, #tpu.memory_space<hbm>> -> memref<50257x768xf32, #tpu.memory_space<hbm>>
    tpu.wait_indirect_dma semaphore(%arg15 : memref<!tpu.dma_semaphore, #tpu.memory_space<semaphore_mem>>) src(%dma_wait3A_347 : memref<50257x768xf32, #tpu.memory_space<hbm>>) dst(%arg7 : memref<16x768xf32, #tpu.memory_space<vmem>>)
    %dma_wait3A_348 = arith.constant 0 : i32
    %dma_wait3A_349 = tpu.memref_slice %arg3[%add3A_288, %dma_wait3A_348] : memref<8192x768xf32, #tpu.memory_space<hbm>> -> memref<16x768xf32, #tpu.memory_space<hbm>>
    %dma_wait3A_350 = arith.constant 0 : i32
    %dma_wait3A_351 = tpu.memref_slice %arg3[%add3A_288, %dma_wait3A_350] : memref<8192x768xf32, #tpu.memory_space<hbm>> -> memref<16x768xf32, #tpu.memory_space<hbm>>
    tpu.wait_dma2 semaphore(%arg22 : memref<!tpu.dma_semaphore, #tpu.memory_space<semaphore_mem>>) src(%dma_wait3A_351 : memref<16x768xf32, #tpu.memory_space<hbm>>) dst(%arg14 : memref<16x768xf32, #tpu.memory_space<vmem>>)
    %dma_start3A_352 = arith.constant 176 : i32
    %dma_start3A_353 = tpu.memref_slice %arg6[%dma_start3A_352] : memref<256xi32, #tpu.memory_space<vmem>> -> memref<16xi32, #tpu.memory_space<vmem>>
    %dma_start3A_354 = arith.constant 0 : i32
    %dma_start3A_355 = arith.constant 0 : i32
    %dma_start3A_356 = tpu.memref_slice %arg2[%dma_start3A_354, %dma_start3A_355] : memref<50257x768xf32, #tpu.memory_space<hbm>> -> memref<50257x768xf32, #tpu.memory_space<hbm>>
    tpu.enqueue_indirect_dma source(%dma_start3A_356 : memref<50257x768xf32, #tpu.memory_space<hbm>>) target(%arg9 : memref<16x768xf32, #tpu.memory_space<vmem>>) offsets(%dma_start3A_353 : memref<16xi32, #tpu.memory_space<vmem>>) semaphore(%arg17 : memref<!tpu.dma_semaphore, #tpu.memory_space<semaphore_mem>>)
    %dma_wait3A_357 = arith.constant 0 : i32
    %dma_wait3A_358 = tpu.memref_slice %arg5[%add3A_264, %dma_wait3A_357] : memref<8192x768xf32, #tpu.memory_space<hbm>> -> memref<16x768xf32, #tpu.memory_space<hbm>>
    %dma_wait3A_359 = arith.constant 0 : i32
    %dma_wait3A_360 = tpu.memref_slice %arg5[%add3A_264, %dma_wait3A_359] : memref<8192x768xf32, #tpu.memory_space<hbm>> -> memref<16x768xf32, #tpu.memory_space<hbm>>
    tpu.wait_dma2 semaphore(%arg24 : memref<!tpu.dma_semaphore, #tpu.memory_space<semaphore_mem>>) src(%arg11 : memref<16x768xf32, #tpu.memory_space<vmem>>) dst(%dma_wait3A_360 : memref<16x768xf32, #tpu.memory_space<hbm>>)
    %add3A_361 = arith.constant 176 : i32
    %add3A_362 = arith.addi %mul3A_2, %add3A_361 : i32
    %dma_start3A_363 = arith.constant 0 : i32
    %dma_start3A_364 = tpu.memref_slice %arg3[%add3A_362, %dma_start3A_363] : memref<8192x768xf32, #tpu.memory_space<hbm>> -> memref<16x768xf32, #tpu.memory_space<hbm>>
    %dma_start3A_365 = arith.constant 0 : i32
    %dma_start3A_366 = tpu.memref_slice %arg3[%add3A_362, %dma_start3A_365] : memref<8192x768xf32, #tpu.memory_space<hbm>> -> memref<16x768xf32, #tpu.memory_space<hbm>>
    tpu.enqueue_dma source(%dma_start3A_366 : memref<16x768xf32, #tpu.memory_space<hbm>>) target(%arg11 : memref<16x768xf32, #tpu.memory_space<vmem>>) target_semaphore(%arg19 : memref<!tpu.dma_semaphore, #tpu.memory_space<semaphore_mem>>)
    %scan3A_367 = arith.constant 0 : i32
    %scan3A_368 = arith.constant 0 : i32
    %scan3A_369 = arith.constant 48 : i32
    %scan3A_370 = arith.addi %scan3A_368, %scan3A_369 : i32
    %scan3A_371 = arith.constant 1 : i32
    %scan3A_372 = scf.for %scan3A_592 = %scan3A_368 to %scan3A_370 step %scan3A_371 iter_args(%scan3A_593 = %scan3A_367) -> (i32)  : i32 {
      %mul3A_594 = arith.constant 16 : i32
      %mul3A_595 = arith.muli %scan3A_592, %mul3A_594 : i32
      %get3A = arith.constant 0 : i32
      %get3A_596 = arith.index_cast %get3A : i32 to index
      %get3A_597 = arith.index_cast %mul3A_595 : i32 to index
      %get3A_598 = tpu.vector_load %arg7[%get3A_596, %get3A_597] {strides = array<i32>} : memref<16x768xf32, #tpu.memory_space<vmem>>, vector<1x16xf32>,
      %get3A_599 = vector.shape_cast %get3A_598 : vector<1x16xf32> to vector<16xf32>
      %swap3A = arith.constant 0 : i32
      %swap3A_600 = arith.index_cast %swap3A : i32 to index
      %swap3A_601 = arith.index_cast %mul3A_595 : i32 to index
      %swap3A_602 = tpu.vector_load %arg14[%swap3A_600, %swap3A_601] {strides = array<i32>} : memref<16x768xf32, #tpu.memory_space<vmem>>, vector<1x16xf32>,
      %swap3A_603 = vector.shape_cast %swap3A_602 : vector<1x16xf32> to vector<16xf32>
      %swap3A_604 = vector.shape_cast %get3A_599 : vector<16xf32> to vector<1x16xf32>
      tpu.vector_store %arg14[%swap3A_600, %swap3A_601], %swap3A_604 {add = true, strides = array<i32>} : memref<16x768xf32, #tpu.memory_space<vmem>>, vector<1x16xf32>,
      %get3A_605 = arith.constant 1 : i32
      %get3A_606 = arith.index_cast %get3A_605 : i32 to index
      %get3A_607 = arith.index_cast %mul3A_595 : i32 to index
      %get3A_608 = tpu.vector_load %arg7[%get3A_606, %get3A_607] {strides = array<i32>} : memref<16x768xf32, #tpu.memory_space<vmem>>, vector<1x16xf32>,
      %get3A_609 = vector.shape_cast %get3A_608 : vector<1x16xf32> to vector<16xf32>
      %swap3A_610 = arith.constant 1 : i32
      %swap3A_611 = arith.index_cast %swap3A_610 : i32 to index
      %swap3A_612 = arith.index_cast %mul3A_595 : i32 to index
      %swap3A_613 = tpu.vector_load %arg14[%swap3A_611, %swap3A_612] {strides = array<i32>} : memref<16x768xf32, #tpu.memory_space<vmem>>, vector<1x16xf32>,
      %swap3A_614 = vector.shape_cast %swap3A_613 : vector<1x16xf32> to vector<16xf32>
      %swap3A_615 = vector.shape_cast %get3A_609 : vector<16xf32> to vector<1x16xf32>
      tpu.vector_store %arg14[%swap3A_611, %swap3A_612], %swap3A_615 {add = true, strides = array<i32>} : memref<16x768xf32, #tpu.memory_space<vmem>>, vector<1x16xf32>,
      %get3A_616 = arith.constant 2 : i32
      %get3A_617 = arith.index_cast %get3A_616 : i32 to index
      %get3A_618 = arith.index_cast %mul3A_595 : i32 to index
      %get3A_619 = tpu.vector_load %arg7[%get3A_617, %get3A_618] {strides = array<i32>} : memref<16x768xf32, #tpu.memory_space<vmem>>, vector<1x16xf32>,
      %get3A_620 = vector.shape_cast %get3A_619 : vector<1x16xf32> to vector<16xf32>
      %swap3A_621 = arith.constant 2 : i32
      %swap3A_622 = arith.index_cast %swap3A_621 : i32 to index
      %swap3A_623 = arith.index_cast %mul3A_595 : i32 to index
      %swap3A_624 = tpu.vector_load %arg14[%swap3A_622, %swap3A_623] {strides = array<i32>} : memref<16x768xf32, #tpu.memory_space<vmem>>, vector<1x16xf32>,
      %swap3A_625 = vector.shape_cast %swap3A_624 : vector<1x16xf32> to vector<16xf32>
      %swap3A_626 = vector.shape_cast %get3A_620 : vector<16xf32> to vector<1x16xf32>
      tpu.vector_store %arg14[%swap3A_622, %swap3A_623], %swap3A_626 {add = true, strides = array<i32>} : memref<16x768xf32, #tpu.memory_space<vmem>>, vector<1x16xf32>,
      %get3A_627 = arith.constant 3 : i32
      %get3A_628 = arith.index_cast %get3A_627 : i32 to index
      %get3A_629 = arith.index_cast %mul3A_595 : i32 to index
      %get3A_630 = tpu.vector_load %arg7[%get3A_628, %get3A_629] {strides = array<i32>} : memref<16x768xf32, #tpu.memory_space<vmem>>, vector<1x16xf32>,
      %get3A_631 = vector.shape_cast %get3A_630 : vector<1x16xf32> to vector<16xf32>
      %swap3A_632 = arith.constant 3 : i32
      %swap3A_633 = arith.index_cast %swap3A_632 : i32 to index
      %swap3A_634 = arith.index_cast %mul3A_595 : i32 to index
      %swap3A_635 = tpu.vector_load %arg14[%swap3A_633, %swap3A_634] {strides = array<i32>} : memref<16x768xf32, #tpu.memory_space<vmem>>, vector<1x16xf32>,
      %swap3A_636 = vector.shape_cast %swap3A_635 : vector<1x16xf32> to vector<16xf32>
      %swap3A_637 = vector.shape_cast %get3A_631 : vector<16xf32> to vector<1x16xf32>
      tpu.vector_store %arg14[%swap3A_633, %swap3A_634], %swap3A_637 {add = true, strides = array<i32>} : memref<16x768xf32, #tpu.memory_space<vmem>>, vector<1x16xf32>,
      %get3A_638 = arith.constant 4 : i32
      %get3A_639 = arith.index_cast %get3A_638 : i32 to index
      %get3A_640 = arith.index_cast %mul3A_595 : i32 to index
      %get3A_641 = tpu.vector_load %arg7[%get3A_639, %get3A_640] {strides = array<i32>} : memref<16x768xf32, #tpu.memory_space<vmem>>, vector<1x16xf32>,
      %get3A_642 = vector.shape_cast %get3A_641 : vector<1x16xf32> to vector<16xf32>
      %swap3A_643 = arith.constant 4 : i32
      %swap3A_644 = arith.index_cast %swap3A_643 : i32 to index
      %swap3A_645 = arith.index_cast %mul3A_595 : i32 to index
      %swap3A_646 = tpu.vector_load %arg14[%swap3A_644, %swap3A_645] {strides = array<i32>} : memref<16x768xf32, #tpu.memory_space<vmem>>, vector<1x16xf32>,
      %swap3A_647 = vector.shape_cast %swap3A_646 : vector<1x16xf32> to vector<16xf32>
      %swap3A_648 = vector.shape_cast %get3A_642 : vector<16xf32> to vector<1x16xf32>
      tpu.vector_store %arg14[%swap3A_644, %swap3A_645], %swap3A_648 {add = true, strides = array<i32>} : memref<16x768xf32, #tpu.memory_space<vmem>>, vector<1x16xf32>,
      %get3A_649 = arith.constant 5 : i32
      %get3A_650 = arith.index_cast %get3A_649 : i32 to index
      %get3A_651 = arith.index_cast %mul3A_595 : i32 to index
      %get3A_652 = tpu.vector_load %arg7[%get3A_650, %get3A_651] {strides = array<i32>} : memref<16x768xf32, #tpu.memory_space<vmem>>, vector<1x16xf32>,
      %get3A_653 = vector.shape_cast %get3A_652 : vector<1x16xf32> to vector<16xf32>
      %swap3A_654 = arith.constant 5 : i32
      %swap3A_655 = arith.index_cast %swap3A_654 : i32 to index
      %swap3A_656 = arith.index_cast %mul3A_595 : i32 to index
      %swap3A_657 = tpu.vector_load %arg14[%swap3A_655, %swap3A_656] {strides = array<i32>} : memref<16x768xf32, #tpu.memory_space<vmem>>, vector<1x16xf32>,
      %swap3A_658 = vector.shape_cast %swap3A_657 : vector<1x16xf32> to vector<16xf32>
      %swap3A_659 = vector.shape_cast %get3A_653 : vector<16xf32> to vector<1x16xf32>
      tpu.vector_store %arg14[%swap3A_655, %swap3A_656], %swap3A_659 {add = true, strides = array<i32>} : memref<16x768xf32, #tpu.memory_space<vmem>>, vector<1x16xf32>,
      %get3A_660 = arith.constant 6 : i32
      %get3A_661 = arith.index_cast %get3A_660 : i32 to index
      %get3A_662 = arith.index_cast %mul3A_595 : i32 to index
      %get3A_663 = tpu.vector_load %arg7[%get3A_661, %get3A_662] {strides = array<i32>} : memref<16x768xf32, #tpu.memory_space<vmem>>, vector<1x16xf32>,
      %get3A_664 = vector.shape_cast %get3A_663 : vector<1x16xf32> to vector<16xf32>
      %swap3A_665 = arith.constant 6 : i32
      %swap3A_666 = arith.index_cast %swap3A_665 : i32 to index
      %swap3A_667 = arith.index_cast %mul3A_595 : i32 to index
      %swap3A_668 = tpu.vector_load %arg14[%swap3A_666, %swap3A_667] {strides = array<i32>} : memref<16x768xf32, #tpu.memory_space<vmem>>, vector<1x16xf32>,
      %swap3A_669 = vector.shape_cast %swap3A_668 : vector<1x16xf32> to vector<16xf32>
      %swap3A_670 = vector.shape_cast %get3A_664 : vector<16xf32> to vector<1x16xf32>
      tpu.vector_store %arg14[%swap3A_666, %swap3A_667], %swap3A_670 {add = true, strides = array<i32>} : memref<16x768xf32, #tpu.memory_space<vmem>>, vector<1x16xf32>,
      %get3A_671 = arith.constant 7 : i32
      %get3A_672 = arith.index_cast %get3A_671 : i32 to index
      %get3A_673 = arith.index_cast %mul3A_595 : i32 to index
      %get3A_674 = tpu.vector_load %arg7[%get3A_672, %get3A_673] {strides = array<i32>} : memref<16x768xf32, #tpu.memory_space<vmem>>, vector<1x16xf32>,
      %get3A_675 = vector.shape_cast %get3A_674 : vector<1x16xf32> to vector<16xf32>
      %swap3A_676 = arith.constant 7 : i32
      %swap3A_677 = arith.index_cast %swap3A_676 : i32 to index
      %swap3A_678 = arith.index_cast %mul3A_595 : i32 to index
      %swap3A_679 = tpu.vector_load %arg14[%swap3A_677, %swap3A_678] {strides = array<i32>} : memref<16x768xf32, #tpu.memory_space<vmem>>, vector<1x16xf32>,
      %swap3A_680 = vector.shape_cast %swap3A_679 : vector<1x16xf32> to vector<16xf32>
      %swap3A_681 = vector.shape_cast %get3A_675 : vector<16xf32> to vector<1x16xf32>
      tpu.vector_store %arg14[%swap3A_677, %swap3A_678], %swap3A_681 {add = true, strides = array<i32>} : memref<16x768xf32, #tpu.memory_space<vmem>>, vector<1x16xf32>,
      %get3A_682 = arith.constant 8 : i32
      %get3A_683 = arith.index_cast %get3A_682 : i32 to index
      %get3A_684 = arith.index_cast %mul3A_595 : i32 to index
      %get3A_685 = tpu.vector_load %arg7[%get3A_683, %get3A_684] {strides = array<i32>} : memref<16x768xf32, #tpu.memory_space<vmem>>, vector<1x16xf32>,
      %get3A_686 = vector.shape_cast %get3A_685 : vector<1x16xf32> to vector<16xf32>
      %swap3A_687 = arith.constant 8 : i32
      %swap3A_688 = arith.index_cast %swap3A_687 : i32 to index
      %swap3A_689 = arith.index_cast %mul3A_595 : i32 to index
      %swap3A_690 = tpu.vector_load %arg14[%swap3A_688, %swap3A_689] {strides = array<i32>} : memref<16x768xf32, #tpu.memory_space<vmem>>, vector<1x16xf32>,
      %swap3A_691 = vector.shape_cast %swap3A_690 : vector<1x16xf32> to vector<16xf32>
      %swap3A_692 = vector.shape_cast %get3A_686 : vector<16xf32> to vector<1x16xf32>
      tpu.vector_store %arg14[%swap3A_688, %swap3A_689], %swap3A_692 {add = true, strides = array<i32>} : memref<16x768xf32, #tpu.memory_space<vmem>>, vector<1x16xf32>,
      %get3A_693 = arith.constant 9 : i32
      %get3A_694 = arith.index_cast %get3A_693 : i32 to index
      %get3A_695 = arith.index_cast %mul3A_595 : i32 to index
      %get3A_696 = tpu.vector_load %arg7[%get3A_694, %get3A_695] {strides = array<i32>} : memref<16x768xf32, #tpu.memory_space<vmem>>, vector<1x16xf32>,
      %get3A_697 = vector.shape_cast %get3A_696 : vector<1x16xf32> to vector<16xf32>
      %swap3A_698 = arith.constant 9 : i32
      %swap3A_699 = arith.index_cast %swap3A_698 : i32 to index
      %swap3A_700 = arith.index_cast %mul3A_595 : i32 to index
      %swap3A_701 = tpu.vector_load %arg14[%swap3A_699, %swap3A_700] {strides = array<i32>} : memref<16x768xf32, #tpu.memory_space<vmem>>, vector<1x16xf32>,
      %swap3A_702 = vector.shape_cast %swap3A_701 : vector<1x16xf32> to vector<16xf32>
      %swap3A_703 = vector.shape_cast %get3A_697 : vector<16xf32> to vector<1x16xf32>
      tpu.vector_store %arg14[%swap3A_699, %swap3A_700], %swap3A_703 {add = true, strides = array<i32>} : memref<16x768xf32, #tpu.memory_space<vmem>>, vector<1x16xf32>,
      %get3A_704 = arith.constant 10 : i32
      %get3A_705 = arith.index_cast %get3A_704 : i32 to index
      %get3A_706 = arith.index_cast %mul3A_595 : i32 to index
      %get3A_707 = tpu.vector_load %arg7[%get3A_705, %get3A_706] {strides = array<i32>} : memref<16x768xf32, #tpu.memory_space<vmem>>, vector<1x16xf32>,
      %get3A_708 = vector.shape_cast %get3A_707 : vector<1x16xf32> to vector<16xf32>
      %swap3A_709 = arith.constant 10 : i32
      %swap3A_710 = arith.index_cast %swap3A_709 : i32 to index
      %swap3A_711 = arith.index_cast %mul3A_595 : i32 to index
      %swap3A_712 = tpu.vector_load %arg14[%swap3A_710, %swap3A_711] {strides = array<i32>} : memref<16x768xf32, #tpu.memory_space<vmem>>, vector<1x16xf32>,
      %swap3A_713 = vector.shape_cast %swap3A_712 : vector<1x16xf32> to vector<16xf32>
      %swap3A_714 = vector.shape_cast %get3A_708 : vector<16xf32> to vector<1x16xf32>
      tpu.vector_store %arg14[%swap3A_710, %swap3A_711], %swap3A_714 {add = true, strides = array<i32>} : memref<16x768xf32, #tpu.memory_space<vmem>>, vector<1x16xf32>,
      %get3A_715 = arith.constant 11 : i32
      %get3A_716 = arith.index_cast %get3A_715 : i32 to index
      %get3A_717 = arith.index_cast %mul3A_595 : i32 to index
      %get3A_718 = tpu.vector_load %arg7[%get3A_716, %get3A_717] {strides = array<i32>} : memref<16x768xf32, #tpu.memory_space<vmem>>, vector<1x16xf32>,
      %get3A_719 = vector.shape_cast %get3A_718 : vector<1x16xf32> to vector<16xf32>
      %swap3A_720 = arith.constant 11 : i32
      %swap3A_721 = arith.index_cast %swap3A_720 : i32 to index
      %swap3A_722 = arith.index_cast %mul3A_595 : i32 to index
      %swap3A_723 = tpu.vector_load %arg14[%swap3A_721, %swap3A_722] {strides = array<i32>} : memref<16x768xf32, #tpu.memory_space<vmem>>, vector<1x16xf32>,
      %swap3A_724 = vector.shape_cast %swap3A_723 : vector<1x16xf32> to vector<16xf32>
      %swap3A_725 = vector.shape_cast %get3A_719 : vector<16xf32> to vector<1x16xf32>
      tpu.vector_store %arg14[%swap3A_721, %swap3A_722], %swap3A_725 {add = true, strides = array<i32>} : memref<16x768xf32, #tpu.memory_space<vmem>>, vector<1x16xf32>,
      %get3A_726 = arith.constant 12 : i32
      %get3A_727 = arith.index_cast %get3A_726 : i32 to index
      %get3A_728 = arith.index_cast %mul3A_595 : i32 to index
      %get3A_729 = tpu.vector_load %arg7[%get3A_727, %get3A_728] {strides = array<i32>} : memref<16x768xf32, #tpu.memory_space<vmem>>, vector<1x16xf32>,
      %get3A_730 = vector.shape_cast %get3A_729 : vector<1x16xf32> to vector<16xf32>
      %swap3A_731 = arith.constant 12 : i32
      %swap3A_732 = arith.index_cast %swap3A_731 : i32 to index
      %swap3A_733 = arith.index_cast %mul3A_595 : i32 to index
      %swap3A_734 = tpu.vector_load %arg14[%swap3A_732, %swap3A_733] {strides = array<i32>} : memref<16x768xf32, #tpu.memory_space<vmem>>, vector<1x16xf32>,
      %swap3A_735 = vector.shape_cast %swap3A_734 : vector<1x16xf32> to vector<16xf32>
      %swap3A_736 = vector.shape_cast %get3A_730 : vector<16xf32> to vector<1x16xf32>
      tpu.vector_store %arg14[%swap3A_732, %swap3A_733], %swap3A_736 {add = true, strides = array<i32>} : memref<16x768xf32, #tpu.memory_space<vmem>>, vector<1x16xf32>,
      %get3A_737 = arith.constant 13 : i32
      %get3A_738 = arith.index_cast %get3A_737 : i32 to index
      %get3A_739 = arith.index_cast %mul3A_595 : i32 to index
      %get3A_740 = tpu.vector_load %arg7[%get3A_738, %get3A_739] {strides = array<i32>} : memref<16x768xf32, #tpu.memory_space<vmem>>, vector<1x16xf32>,
      %get3A_741 = vector.shape_cast %get3A_740 : vector<1x16xf32> to vector<16xf32>
      %swap3A_742 = arith.constant 13 : i32
      %swap3A_743 = arith.index_cast %swap3A_742 : i32 to index
      %swap3A_744 = arith.index_cast %mul3A_595 : i32 to index
      %swap3A_745 = tpu.vector_load %arg14[%swap3A_743, %swap3A_744] {strides = array<i32>} : memref<16x768xf32, #tpu.memory_space<vmem>>, vector<1x16xf32>,
      %swap3A_746 = vector.shape_cast %swap3A_745 : vector<1x16xf32> to vector<16xf32>
      %swap3A_747 = vector.shape_cast %get3A_741 : vector<16xf32> to vector<1x16xf32>
      tpu.vector_store %arg14[%swap3A_743, %swap3A_744], %swap3A_747 {add = true, strides = array<i32>} : memref<16x768xf32, #tpu.memory_space<vmem>>, vector<1x16xf32>,
      %get3A_748 = arith.constant 14 : i32
      %get3A_749 = arith.index_cast %get3A_748 : i32 to index
      %get3A_750 = arith.index_cast %mul3A_595 : i32 to index
      %get3A_751 = tpu.vector_load %arg7[%get3A_749, %get3A_750] {strides = array<i32>} : memref<16x768xf32, #tpu.memory_space<vmem>>, vector<1x16xf32>,
      %get3A_752 = vector.shape_cast %get3A_751 : vector<1x16xf32> to vector<16xf32>
      %swap3A_753 = arith.constant 14 : i32
      %swap3A_754 = arith.index_cast %swap3A_753 : i32 to index
      %swap3A_755 = arith.index_cast %mul3A_595 : i32 to index
      %swap3A_756 = tpu.vector_load %arg14[%swap3A_754, %swap3A_755] {strides = array<i32>} : memref<16x768xf32, #tpu.memory_space<vmem>>, vector<1x16xf32>,
      %swap3A_757 = vector.shape_cast %swap3A_756 : vector<1x16xf32> to vector<16xf32>
      %swap3A_758 = vector.shape_cast %get3A_752 : vector<16xf32> to vector<1x16xf32>
      tpu.vector_store %arg14[%swap3A_754, %swap3A_755], %swap3A_758 {add = true, strides = array<i32>} : memref<16x768xf32, #tpu.memory_space<vmem>>, vector<1x16xf32>,
      %get3A_759 = arith.constant 15 : i32
      %get3A_760 = arith.index_cast %get3A_759 : i32 to index
      %get3A_761 = arith.index_cast %mul3A_595 : i32 to index
      %get3A_762 = tpu.vector_load %arg7[%get3A_760, %get3A_761] {strides = array<i32>} : memref<16x768xf32, #tpu.memory_space<vmem>>, vector<1x16xf32>,
      %get3A_763 = vector.shape_cast %get3A_762 : vector<1x16xf32> to vector<16xf32>
      %swap3A_764 = arith.constant 15 : i32
      %swap3A_765 = arith.index_cast %swap3A_764 : i32 to index
      %swap3A_766 = arith.index_cast %mul3A_595 : i32 to index
      %swap3A_767 = tpu.vector_load %arg14[%swap3A_765, %swap3A_766] {strides = array<i32>} : memref<16x768xf32, #tpu.memory_space<vmem>>, vector<1x16xf32>,
      %swap3A_768 = vector.shape_cast %swap3A_767 : vector<1x16xf32> to vector<16xf32>
      %swap3A_769 = vector.shape_cast %get3A_763 : vector<16xf32> to vector<1x16xf32>
      tpu.vector_store %arg14[%swap3A_765, %swap3A_766], %swap3A_769 {add = true, strides = array<i32>} : memref<16x768xf32, #tpu.memory_space<vmem>>, vector<1x16xf32>,
      %scan3A_770 = arith.constant 0 : i32
      scf.yield %scan3A_770 : i32
    }
    %scan3A_373 = arith.constant 48 : i32
    %add3A_374 = arith.constant 144 : i32
    %add3A_375 = arith.addi %mul3A_2, %add3A_374 : i32
    %dma_start3A_376 = arith.constant 0 : i32
    %dma_start3A_377 = tpu.memref_slice %arg5[%add3A_375, %dma_start3A_376] : memref<8192x768xf32, #tpu.memory_space<hbm>> -> memref<16x768xf32, #tpu.memory_space<hbm>>
    %dma_start3A_378 = arith.constant 0 : i32
    %dma_start3A_379 = tpu.memref_slice %arg5[%add3A_375, %dma_start3A_378] : memref<8192x768xf32, #tpu.memory_space<hbm>> -> memref<16x768xf32, #tpu.memory_space<hbm>>
    tpu.enqueue_dma source(%arg14 : memref<16x768xf32, #tpu.memory_space<vmem>>) target(%dma_start3A_379 : memref<16x768xf32, #tpu.memory_space<hbm>>) target_semaphore(%arg27 : memref<!tpu.dma_semaphore, #tpu.memory_space<semaphore_mem>>)
    %dma_wait3A_380 = arith.constant 160 : i32
    %dma_wait3A_381 = tpu.memref_slice %arg6[%dma_wait3A_380] : memref<256xi32, #tpu.memory_space<vmem>> -> memref<16xi32, #tpu.memory_space<vmem>>
    %dma_wait3A_382 = arith.constant 0 : i32
    %dma_wait3A_383 = arith.constant 0 : i32
    %dma_wait3A_384 = tpu.memref_slice %arg2[%dma_wait3A_382, %dma_wait3A_383] : memref<50257x768xf32, #tpu.memory_space<hbm>> -> memref<50257x768xf32, #tpu.memory_space<hbm>>
    tpu.wait_indirect_dma semaphore(%arg16 : memref<!tpu.dma_semaphore, #tpu.memory_space<semaphore_mem>>) src(%dma_wait3A_384 : memref<50257x768xf32, #tpu.memory_space<hbm>>) dst(%arg8 : memref<16x768xf32, #tpu.memory_space<vmem>>)
    %dma_wait3A_385 = arith.constant 0 : i32
    %dma_wait3A_386 = tpu.memref_slice %arg3[%add3A_325, %dma_wait3A_385] : memref<8192x768xf32, #tpu.memory_space<hbm>> -> memref<16x768xf32, #tpu.memory_space<hbm>>
    %dma_wait3A_387 = arith.constant 0 : i32
    %dma_wait3A_388 = tpu.memref_slice %arg3[%add3A_325, %dma_wait3A_387] : memref<8192x768xf32, #tpu.memory_space<hbm>> -> memref<16x768xf32, #tpu.memory_space<hbm>>
    tpu.wait_dma2 semaphore(%arg18 : memref<!tpu.dma_semaphore, #tpu.memory_space<semaphore_mem>>) src(%dma_wait3A_388 : memref<16x768xf32, #tpu.memory_space<hbm>>) dst(%arg10 : memref<16x768xf32, #tpu.memory_space<vmem>>)
    %dma_start3A_389 = arith.constant 192 : i32
    %dma_start3A_390 = tpu.memref_slice %arg6[%dma_start3A_389] : memref<256xi32, #tpu.memory_space<vmem>> -> memref<16xi32, #tpu.memory_space<vmem>>
    %dma_start3A_391 = arith.constant 0 : i32
    %dma_start3A_392 = arith.constant 0 : i32
    %dma_start3A_393 = tpu.memref_slice %arg2[%dma_start3A_391, %dma_start3A_392] : memref<50257x768xf32, #tpu.memory_space<hbm>> -> memref<50257x768xf32, #tpu.memory_space<hbm>>
    tpu.enqueue_indirect_dma source(%dma_start3A_393 : memref<50257x768xf32, #tpu.memory_space<hbm>>) target(%arg7 : memref<16x768xf32, #tpu.memory_space<vmem>>) offsets(%dma_start3A_390 : memref<16xi32, #tpu.memory_space<vmem>>) semaphore(%arg15 : memref<!tpu.dma_semaphore, #tpu.memory_space<semaphore_mem>>)
    %dma_wait3A_394 = arith.constant 0 : i32
    %dma_wait3A_395 = tpu.memref_slice %arg5[%add3A_301, %dma_wait3A_394] : memref<8192x768xf32, #tpu.memory_space<hbm>> -> memref<16x768xf32, #tpu.memory_space<hbm>>
    %dma_wait3A_396 = arith.constant 0 : i32
    %dma_wait3A_397 = tpu.memref_slice %arg5[%add3A_301, %dma_wait3A_396] : memref<8192x768xf32, #tpu.memory_space<hbm>> -> memref<16x768xf32, #tpu.memory_space<hbm>>
    tpu.wait_dma2 semaphore(%arg25 : memref<!tpu.dma_semaphore, #tpu.memory_space<semaphore_mem>>) src(%arg12 : memref<16x768xf32, #tpu.memory_space<vmem>>) dst(%dma_wait3A_397 : memref<16x768xf32, #tpu.memory_space<hbm>>)
    %add3A_398 = arith.constant 192 : i32
    %add3A_399 = arith.addi %mul3A_2, %add3A_398 : i32
    %dma_start3A_400 = arith.constant 0 : i32
    %dma_start3A_401 = tpu.memref_slice %arg3[%add3A_399, %dma_start3A_400] : memref<8192x768xf32, #tpu.memory_space<hbm>> -> memref<16x768xf32, #tpu.memory_space<hbm>>
    %dma_start3A_402 = arith.constant 0 : i32
    %dma_start3A_403 = tpu.memref_slice %arg3[%add3A_399, %dma_start3A_402] : memref<8192x768xf32, #tpu.memory_space<hbm>> -> memref<16x768xf32, #tpu.memory_space<hbm>>
    tpu.enqueue_dma source(%dma_start3A_403 : memref<16x768xf32, #tpu.memory_space<hbm>>) target(%arg12 : memref<16x768xf32, #tpu.memory_space<vmem>>) target_semaphore(%arg20 : memref<!tpu.dma_semaphore, #tpu.memory_space<semaphore_mem>>)
    %scan3A_404 = arith.constant 0 : i32
    %scan3A_405 = arith.constant 0 : i32
    %scan3A_406 = arith.constant 48 : i32
    %scan3A_407 = arith.addi %scan3A_405, %scan3A_406 : i32
    %scan3A_408 = arith.constant 1 : i32
    %scan3A_409 = scf.for %scan3A_592 = %scan3A_405 to %scan3A_407 step %scan3A_408 iter_args(%scan3A_593 = %scan3A_404) -> (i32)  : i32 {
      %mul3A_594 = arith.constant 16 : i32
      %mul3A_595 = arith.muli %scan3A_592, %mul3A_594 : i32
      %get3A = arith.constant 0 : i32
      %get3A_596 = arith.index_cast %get3A : i32 to index
      %get3A_597 = arith.index_cast %mul3A_595 : i32 to index
      %get3A_598 = tpu.vector_load %arg8[%get3A_596, %get3A_597] {strides = array<i32>} : memref<16x768xf32, #tpu.memory_space<vmem>>, vector<1x16xf32>,
      %get3A_599 = vector.shape_cast %get3A_598 : vector<1x16xf32> to vector<16xf32>
      %swap3A = arith.constant 0 : i32
      %swap3A_600 = arith.index_cast %swap3A : i32 to index
      %swap3A_601 = arith.index_cast %mul3A_595 : i32 to index
      %swap3A_602 = tpu.vector_load %arg10[%swap3A_600, %swap3A_601] {strides = array<i32>} : memref<16x768xf32, #tpu.memory_space<vmem>>, vector<1x16xf32>,
      %swap3A_603 = vector.shape_cast %swap3A_602 : vector<1x16xf32> to vector<16xf32>
      %swap3A_604 = vector.shape_cast %get3A_599 : vector<16xf32> to vector<1x16xf32>
      tpu.vector_store %arg10[%swap3A_600, %swap3A_601], %swap3A_604 {add = true, strides = array<i32>} : memref<16x768xf32, #tpu.memory_space<vmem>>, vector<1x16xf32>,
      %get3A_605 = arith.constant 1 : i32
      %get3A_606 = arith.index_cast %get3A_605 : i32 to index
      %get3A_607 = arith.index_cast %mul3A_595 : i32 to index
      %get3A_608 = tpu.vector_load %arg8[%get3A_606, %get3A_607] {strides = array<i32>} : memref<16x768xf32, #tpu.memory_space<vmem>>, vector<1x16xf32>,
      %get3A_609 = vector.shape_cast %get3A_608 : vector<1x16xf32> to vector<16xf32>
      %swap3A_610 = arith.constant 1 : i32
      %swap3A_611 = arith.index_cast %swap3A_610 : i32 to index
      %swap3A_612 = arith.index_cast %mul3A_595 : i32 to index
      %swap3A_613 = tpu.vector_load %arg10[%swap3A_611, %swap3A_612] {strides = array<i32>} : memref<16x768xf32, #tpu.memory_space<vmem>>, vector<1x16xf32>,
      %swap3A_614 = vector.shape_cast %swap3A_613 : vector<1x16xf32> to vector<16xf32>
      %swap3A_615 = vector.shape_cast %get3A_609 : vector<16xf32> to vector<1x16xf32>
      tpu.vector_store %arg10[%swap3A_611, %swap3A_612], %swap3A_615 {add = true, strides = array<i32>} : memref<16x768xf32, #tpu.memory_space<vmem>>, vector<1x16xf32>,
      %get3A_616 = arith.constant 2 : i32
      %get3A_617 = arith.index_cast %get3A_616 : i32 to index
      %get3A_618 = arith.index_cast %mul3A_595 : i32 to index
      %get3A_619 = tpu.vector_load %arg8[%get3A_617, %get3A_618] {strides = array<i32>} : memref<16x768xf32, #tpu.memory_space<vmem>>, vector<1x16xf32>,
      %get3A_620 = vector.shape_cast %get3A_619 : vector<1x16xf32> to vector<16xf32>
      %swap3A_621 = arith.constant 2 : i32
      %swap3A_622 = arith.index_cast %swap3A_621 : i32 to index
      %swap3A_623 = arith.index_cast %mul3A_595 : i32 to index
      %swap3A_624 = tpu.vector_load %arg10[%swap3A_622, %swap3A_623] {strides = array<i32>} : memref<16x768xf32, #tpu.memory_space<vmem>>, vector<1x16xf32>,
      %swap3A_625 = vector.shape_cast %swap3A_624 : vector<1x16xf32> to vector<16xf32>
      %swap3A_626 = vector.shape_cast %get3A_620 : vector<16xf32> to vector<1x16xf32>
      tpu.vector_store %arg10[%swap3A_622, %swap3A_623], %swap3A_626 {add = true, strides = array<i32>} : memref<16x768xf32, #tpu.memory_space<vmem>>, vector<1x16xf32>,
      %get3A_627 = arith.constant 3 : i32
      %get3A_628 = arith.index_cast %get3A_627 : i32 to index
      %get3A_629 = arith.index_cast %mul3A_595 : i32 to index
      %get3A_630 = tpu.vector_load %arg8[%get3A_628, %get3A_629] {strides = array<i32>} : memref<16x768xf32, #tpu.memory_space<vmem>>, vector<1x16xf32>,
      %get3A_631 = vector.shape_cast %get3A_630 : vector<1x16xf32> to vector<16xf32>
      %swap3A_632 = arith.constant 3 : i32
      %swap3A_633 = arith.index_cast %swap3A_632 : i32 to index
      %swap3A_634 = arith.index_cast %mul3A_595 : i32 to index
      %swap3A_635 = tpu.vector_load %arg10[%swap3A_633, %swap3A_634] {strides = array<i32>} : memref<16x768xf32, #tpu.memory_space<vmem>>, vector<1x16xf32>,
      %swap3A_636 = vector.shape_cast %swap3A_635 : vector<1x16xf32> to vector<16xf32>
      %swap3A_637 = vector.shape_cast %get3A_631 : vector<16xf32> to vector<1x16xf32>
      tpu.vector_store %arg10[%swap3A_633, %swap3A_634], %swap3A_637 {add = true, strides = array<i32>} : memref<16x768xf32, #tpu.memory_space<vmem>>, vector<1x16xf32>,
      %get3A_638 = arith.constant 4 : i32
      %get3A_639 = arith.index_cast %get3A_638 : i32 to index
      %get3A_640 = arith.index_cast %mul3A_595 : i32 to index
      %get3A_641 = tpu.vector_load %arg8[%get3A_639, %get3A_640] {strides = array<i32>} : memref<16x768xf32, #tpu.memory_space<vmem>>, vector<1x16xf32>,
      %get3A_642 = vector.shape_cast %get3A_641 : vector<1x16xf32> to vector<16xf32>
      %swap3A_643 = arith.constant 4 : i32
      %swap3A_644 = arith.index_cast %swap3A_643 : i32 to index
      %swap3A_645 = arith.index_cast %mul3A_595 : i32 to index
      %swap3A_646 = tpu.vector_load %arg10[%swap3A_644, %swap3A_645] {strides = array<i32>} : memref<16x768xf32, #tpu.memory_space<vmem>>, vector<1x16xf32>,
      %swap3A_647 = vector.shape_cast %swap3A_646 : vector<1x16xf32> to vector<16xf32>
      %swap3A_648 = vector.shape_cast %get3A_642 : vector<16xf32> to vector<1x16xf32>
      tpu.vector_store %arg10[%swap3A_644, %swap3A_645], %swap3A_648 {add = true, strides = array<i32>} : memref<16x768xf32, #tpu.memory_space<vmem>>, vector<1x16xf32>,
      %get3A_649 = arith.constant 5 : i32
      %get3A_650 = arith.index_cast %get3A_649 : i32 to index
      %get3A_651 = arith.index_cast %mul3A_595 : i32 to index
      %get3A_652 = tpu.vector_load %arg8[%get3A_650, %get3A_651] {strides = array<i32>} : memref<16x768xf32, #tpu.memory_space<vmem>>, vector<1x16xf32>,
      %get3A_653 = vector.shape_cast %get3A_652 : vector<1x16xf32> to vector<16xf32>
      %swap3A_654 = arith.constant 5 : i32
      %swap3A_655 = arith.index_cast %swap3A_654 : i32 to index
      %swap3A_656 = arith.index_cast %mul3A_595 : i32 to index
      %swap3A_657 = tpu.vector_load %arg10[%swap3A_655, %swap3A_656] {strides = array<i32>} : memref<16x768xf32, #tpu.memory_space<vmem>>, vector<1x16xf32>,
      %swap3A_658 = vector.shape_cast %swap3A_657 : vector<1x16xf32> to vector<16xf32>
      %swap3A_659 = vector.shape_cast %get3A_653 : vector<16xf32> to vector<1x16xf32>
      tpu.vector_store %arg10[%swap3A_655, %swap3A_656], %swap3A_659 {add = true, strides = array<i32>} : memref<16x768xf32, #tpu.memory_space<vmem>>, vector<1x16xf32>,
      %get3A_660 = arith.constant 6 : i32
      %get3A_661 = arith.index_cast %get3A_660 : i32 to index
      %get3A_662 = arith.index_cast %mul3A_595 : i32 to index
      %get3A_663 = tpu.vector_load %arg8[%get3A_661, %get3A_662] {strides = array<i32>} : memref<16x768xf32, #tpu.memory_space<vmem>>, vector<1x16xf32>,
      %get3A_664 = vector.shape_cast %get3A_663 : vector<1x16xf32> to vector<16xf32>
      %swap3A_665 = arith.constant 6 : i32
      %swap3A_666 = arith.index_cast %swap3A_665 : i32 to index
      %swap3A_667 = arith.index_cast %mul3A_595 : i32 to index
      %swap3A_668 = tpu.vector_load %arg10[%swap3A_666, %swap3A_667] {strides = array<i32>} : memref<16x768xf32, #tpu.memory_space<vmem>>, vector<1x16xf32>,
      %swap3A_669 = vector.shape_cast %swap3A_668 : vector<1x16xf32> to vector<16xf32>
      %swap3A_670 = vector.shape_cast %get3A_664 : vector<16xf32> to vector<1x16xf32>
      tpu.vector_store %arg10[%swap3A_666, %swap3A_667], %swap3A_670 {add = true, strides = array<i32>} : memref<16x768xf32, #tpu.memory_space<vmem>>, vector<1x16xf32>,
      %get3A_671 = arith.constant 7 : i32
      %get3A_672 = arith.index_cast %get3A_671 : i32 to index
      %get3A_673 = arith.index_cast %mul3A_595 : i32 to index
      %get3A_674 = tpu.vector_load %arg8[%get3A_672, %get3A_673] {strides = array<i32>} : memref<16x768xf32, #tpu.memory_space<vmem>>, vector<1x16xf32>,
      %get3A_675 = vector.shape_cast %get3A_674 : vector<1x16xf32> to vector<16xf32>
      %swap3A_676 = arith.constant 7 : i32
      %swap3A_677 = arith.index_cast %swap3A_676 : i32 to index
      %swap3A_678 = arith.index_cast %mul3A_595 : i32 to index
      %swap3A_679 = tpu.vector_load %arg10[%swap3A_677, %swap3A_678] {strides = array<i32>} : memref<16x768xf32, #tpu.memory_space<vmem>>, vector<1x16xf32>,
      %swap3A_680 = vector.shape_cast %swap3A_679 : vector<1x16xf32> to vector<16xf32>
      %swap3A_681 = vector.shape_cast %get3A_675 : vector<16xf32> to vector<1x16xf32>
      tpu.vector_store %arg10[%swap3A_677, %swap3A_678], %swap3A_681 {add = true, strides = array<i32>} : memref<16x768xf32, #tpu.memory_space<vmem>>, vector<1x16xf32>,
      %get3A_682 = arith.constant 8 : i32
      %get3A_683 = arith.index_cast %get3A_682 : i32 to index
      %get3A_684 = arith.index_cast %mul3A_595 : i32 to index
      %get3A_685 = tpu.vector_load %arg8[%get3A_683, %get3A_684] {strides = array<i32>} : memref<16x768xf32, #tpu.memory_space<vmem>>, vector<1x16xf32>,
      %get3A_686 = vector.shape_cast %get3A_685 : vector<1x16xf32> to vector<16xf32>
      %swap3A_687 = arith.constant 8 : i32
      %swap3A_688 = arith.index_cast %swap3A_687 : i32 to index
      %swap3A_689 = arith.index_cast %mul3A_595 : i32 to index
      %swap3A_690 = tpu.vector_load %arg10[%swap3A_688, %swap3A_689] {strides = array<i32>} : memref<16x768xf32, #tpu.memory_space<vmem>>, vector<1x16xf32>,
      %swap3A_691 = vector.shape_cast %swap3A_690 : vector<1x16xf32> to vector<16xf32>
      %swap3A_692 = vector.shape_cast %get3A_686 : vector<16xf32> to vector<1x16xf32>
      tpu.vector_store %arg10[%swap3A_688, %swap3A_689], %swap3A_692 {add = true, strides = array<i32>} : memref<16x768xf32, #tpu.memory_space<vmem>>, vector<1x16xf32>,
      %get3A_693 = arith.constant 9 : i32
      %get3A_694 = arith.index_cast %get3A_693 : i32 to index
      %get3A_695 = arith.index_cast %mul3A_595 : i32 to index
      %get3A_696 = tpu.vector_load %arg8[%get3A_694, %get3A_695] {strides = array<i32>} : memref<16x768xf32, #tpu.memory_space<vmem>>, vector<1x16xf32>,
      %get3A_697 = vector.shape_cast %get3A_696 : vector<1x16xf32> to vector<16xf32>
      %swap3A_698 = arith.constant 9 : i32
      %swap3A_699 = arith.index_cast %swap3A_698 : i32 to index
      %swap3A_700 = arith.index_cast %mul3A_595 : i32 to index
      %swap3A_701 = tpu.vector_load %arg10[%swap3A_699, %swap3A_700] {strides = array<i32>} : memref<16x768xf32, #tpu.memory_space<vmem>>, vector<1x16xf32>,
      %swap3A_702 = vector.shape_cast %swap3A_701 : vector<1x16xf32> to vector<16xf32>
      %swap3A_703 = vector.shape_cast %get3A_697 : vector<16xf32> to vector<1x16xf32>
      tpu.vector_store %arg10[%swap3A_699, %swap3A_700], %swap3A_703 {add = true, strides = array<i32>} : memref<16x768xf32, #tpu.memory_space<vmem>>, vector<1x16xf32>,
      %get3A_704 = arith.constant 10 : i32
      %get3A_705 = arith.index_cast %get3A_704 : i32 to index
      %get3A_706 = arith.index_cast %mul3A_595 : i32 to index
      %get3A_707 = tpu.vector_load %arg8[%get3A_705, %get3A_706] {strides = array<i32>} : memref<16x768xf32, #tpu.memory_space<vmem>>, vector<1x16xf32>,
      %get3A_708 = vector.shape_cast %get3A_707 : vector<1x16xf32> to vector<16xf32>
      %swap3A_709 = arith.constant 10 : i32
      %swap3A_710 = arith.index_cast %swap3A_709 : i32 to index
      %swap3A_711 = arith.index_cast %mul3A_595 : i32 to index
      %swap3A_712 = tpu.vector_load %arg10[%swap3A_710, %swap3A_711] {strides = array<i32>} : memref<16x768xf32, #tpu.memory_space<vmem>>, vector<1x16xf32>,
      %swap3A_713 = vector.shape_cast %swap3A_712 : vector<1x16xf32> to vector<16xf32>
      %swap3A_714 = vector.shape_cast %get3A_708 : vector<16xf32> to vector<1x16xf32>
      tpu.vector_store %arg10[%swap3A_710, %swap3A_711], %swap3A_714 {add = true, strides = array<i32>} : memref<16x768xf32, #tpu.memory_space<vmem>>, vector<1x16xf32>,
      %get3A_715 = arith.constant 11 : i32
      %get3A_716 = arith.index_cast %get3A_715 : i32 to index
      %get3A_717 = arith.index_cast %mul3A_595 : i32 to index
      %get3A_718 = tpu.vector_load %arg8[%get3A_716, %get3A_717] {strides = array<i32>} : memref<16x768xf32, #tpu.memory_space<vmem>>, vector<1x16xf32>,
      %get3A_719 = vector.shape_cast %get3A_718 : vector<1x16xf32> to vector<16xf32>
      %swap3A_720 = arith.constant 11 : i32
      %swap3A_721 = arith.index_cast %swap3A_720 : i32 to index
      %swap3A_722 = arith.index_cast %mul3A_595 : i32 to index
      %swap3A_723 = tpu.vector_load %arg10[%swap3A_721, %swap3A_722] {strides = array<i32>} : memref<16x768xf32, #tpu.memory_space<vmem>>, vector<1x16xf32>,
      %swap3A_724 = vector.shape_cast %swap3A_723 : vector<1x16xf32> to vector<16xf32>
      %swap3A_725 = vector.shape_cast %get3A_719 : vector<16xf32> to vector<1x16xf32>
      tpu.vector_store %arg10[%swap3A_721, %swap3A_722], %swap3A_725 {add = true, strides = array<i32>} : memref<16x768xf32, #tpu.memory_space<vmem>>, vector<1x16xf32>,
      %get3A_726 = arith.constant 12 : i32
      %get3A_727 = arith.index_cast %get3A_726 : i32 to index
      %get3A_728 = arith.index_cast %mul3A_595 : i32 to index
      %get3A_729 = tpu.vector_load %arg8[%get3A_727, %get3A_728] {strides = array<i32>} : memref<16x768xf32, #tpu.memory_space<vmem>>, vector<1x16xf32>,
      %get3A_730 = vector.shape_cast %get3A_729 : vector<1x16xf32> to vector<16xf32>
      %swap3A_731 = arith.constant 12 : i32
      %swap3A_732 = arith.index_cast %swap3A_731 : i32 to index
      %swap3A_733 = arith.index_cast %mul3A_595 : i32 to index
      %swap3A_734 = tpu.vector_load %arg10[%swap3A_732, %swap3A_733] {strides = array<i32>} : memref<16x768xf32, #tpu.memory_space<vmem>>, vector<1x16xf32>,
      %swap3A_735 = vector.shape_cast %swap3A_734 : vector<1x16xf32> to vector<16xf32>
      %swap3A_736 = vector.shape_cast %get3A_730 : vector<16xf32> to vector<1x16xf32>
      tpu.vector_store %arg10[%swap3A_732, %swap3A_733], %swap3A_736 {add = true, strides = array<i32>} : memref<16x768xf32, #tpu.memory_space<vmem>>, vector<1x16xf32>,
      %get3A_737 = arith.constant 13 : i32
      %get3A_738 = arith.index_cast %get3A_737 : i32 to index
      %get3A_739 = arith.index_cast %mul3A_595 : i32 to index
      %get3A_740 = tpu.vector_load %arg8[%get3A_738, %get3A_739] {strides = array<i32>} : memref<16x768xf32, #tpu.memory_space<vmem>>, vector<1x16xf32>,
      %get3A_741 = vector.shape_cast %get3A_740 : vector<1x16xf32> to vector<16xf32>
      %swap3A_742 = arith.constant 13 : i32
      %swap3A_743 = arith.index_cast %swap3A_742 : i32 to index
      %swap3A_744 = arith.index_cast %mul3A_595 : i32 to index
      %swap3A_745 = tpu.vector_load %arg10[%swap3A_743, %swap3A_744] {strides = array<i32>} : memref<16x768xf32, #tpu.memory_space<vmem>>, vector<1x16xf32>,
      %swap3A_746 = vector.shape_cast %swap3A_745 : vector<1x16xf32> to vector<16xf32>
      %swap3A_747 = vector.shape_cast %get3A_741 : vector<16xf32> to vector<1x16xf32>
      tpu.vector_store %arg10[%swap3A_743, %swap3A_744], %swap3A_747 {add = true, strides = array<i32>} : memref<16x768xf32, #tpu.memory_space<vmem>>, vector<1x16xf32>,
      %get3A_748 = arith.constant 14 : i32
      %get3A_749 = arith.index_cast %get3A_748 : i32 to index
      %get3A_750 = arith.index_cast %mul3A_595 : i32 to index
      %get3A_751 = tpu.vector_load %arg8[%get3A_749, %get3A_750] {strides = array<i32>} : memref<16x768xf32, #tpu.memory_space<vmem>>, vector<1x16xf32>,
      %get3A_752 = vector.shape_cast %get3A_751 : vector<1x16xf32> to vector<16xf32>
      %swap3A_753 = arith.constant 14 : i32
      %swap3A_754 = arith.index_cast %swap3A_753 : i32 to index
      %swap3A_755 = arith.index_cast %mul3A_595 : i32 to index
      %swap3A_756 = tpu.vector_load %arg10[%swap3A_754, %swap3A_755] {strides = array<i32>} : memref<16x768xf32, #tpu.memory_space<vmem>>, vector<1x16xf32>,
      %swap3A_757 = vector.shape_cast %swap3A_756 : vector<1x16xf32> to vector<16xf32>
      %swap3A_758 = vector.shape_cast %get3A_752 : vector<16xf32> to vector<1x16xf32>
      tpu.vector_store %arg10[%swap3A_754, %swap3A_755], %swap3A_758 {add = true, strides = array<i32>} : memref<16x768xf32, #tpu.memory_space<vmem>>, vector<1x16xf32>,
      %get3A_759 = arith.constant 15 : i32
      %get3A_760 = arith.index_cast %get3A_759 : i32 to index
      %get3A_761 = arith.index_cast %mul3A_595 : i32 to index
      %get3A_762 = tpu.vector_load %arg8[%get3A_760, %get3A_761] {strides = array<i32>} : memref<16x768xf32, #tpu.memory_space<vmem>>, vector<1x16xf32>,
      %get3A_763 = vector.shape_cast %get3A_762 : vector<1x16xf32> to vector<16xf32>
      %swap3A_764 = arith.constant 15 : i32
      %swap3A_765 = arith.index_cast %swap3A_764 : i32 to index
      %swap3A_766 = arith.index_cast %mul3A_595 : i32 to index
      %swap3A_767 = tpu.vector_load %arg10[%swap3A_765, %swap3A_766] {strides = array<i32>} : memref<16x768xf32, #tpu.memory_space<vmem>>, vector<1x16xf32>,
      %swap3A_768 = vector.shape_cast %swap3A_767 : vector<1x16xf32> to vector<16xf32>
      %swap3A_769 = vector.shape_cast %get3A_763 : vector<16xf32> to vector<1x16xf32>
      tpu.vector_store %arg10[%swap3A_765, %swap3A_766], %swap3A_769 {add = true, strides = array<i32>} : memref<16x768xf32, #tpu.memory_space<vmem>>, vector<1x16xf32>,
      %scan3A_770 = arith.constant 0 : i32
      scf.yield %scan3A_770 : i32
    }
    %scan3A_410 = arith.constant 48 : i32
    %add3A_411 = arith.constant 160 : i32
    %add3A_412 = arith.addi %mul3A_2, %add3A_411 : i32
    %dma_start3A_413 = arith.constant 0 : i32
    %dma_start3A_414 = tpu.memref_slice %arg5[%add3A_412, %dma_start3A_413] : memref<8192x768xf32, #tpu.memory_space<hbm>> -> memref<16x768xf32, #tpu.memory_space<hbm>>
    %dma_start3A_415 = arith.constant 0 : i32
    %dma_start3A_416 = tpu.memref_slice %arg5[%add3A_412, %dma_start3A_415] : memref<8192x768xf32, #tpu.memory_space<hbm>> -> memref<16x768xf32, #tpu.memory_space<hbm>>
    tpu.enqueue_dma source(%arg10 : memref<16x768xf32, #tpu.memory_space<vmem>>) target(%dma_start3A_416 : memref<16x768xf32, #tpu.memory_space<hbm>>) target_semaphore(%arg23 : memref<!tpu.dma_semaphore, #tpu.memory_space<semaphore_mem>>)
    %dma_wait3A_417 = arith.constant 176 : i32
    %dma_wait3A_418 = tpu.memref_slice %arg6[%dma_wait3A_417] : memref<256xi32, #tpu.memory_space<vmem>> -> memref<16xi32, #tpu.memory_space<vmem>>
    %dma_wait3A_419 = arith.constant 0 : i32
    %dma_wait3A_420 = arith.constant 0 : i32
    %dma_wait3A_421 = tpu.memref_slice %arg2[%dma_wait3A_419, %dma_wait3A_420] : memref<50257x768xf32, #tpu.memory_space<hbm>> -> memref<50257x768xf32, #tpu.memory_space<hbm>>
    tpu.wait_indirect_dma semaphore(%arg17 : memref<!tpu.dma_semaphore, #tpu.memory_space<semaphore_mem>>) src(%dma_wait3A_421 : memref<50257x768xf32, #tpu.memory_space<hbm>>) dst(%arg9 : memref<16x768xf32, #tpu.memory_space<vmem>>)
    %dma_wait3A_422 = arith.constant 0 : i32
    %dma_wait3A_423 = tpu.memref_slice %arg3[%add3A_362, %dma_wait3A_422] : memref<8192x768xf32, #tpu.memory_space<hbm>> -> memref<16x768xf32, #tpu.memory_space<hbm>>
    %dma_wait3A_424 = arith.constant 0 : i32
    %dma_wait3A_425 = tpu.memref_slice %arg3[%add3A_362, %dma_wait3A_424] : memref<8192x768xf32, #tpu.memory_space<hbm>> -> memref<16x768xf32, #tpu.memory_space<hbm>>
    tpu.wait_dma2 semaphore(%arg19 : memref<!tpu.dma_semaphore, #tpu.memory_space<semaphore_mem>>) src(%dma_wait3A_425 : memref<16x768xf32, #tpu.memory_space<hbm>>) dst(%arg11 : memref<16x768xf32, #tpu.memory_space<vmem>>)
    %dma_start3A_426 = arith.constant 208 : i32
    %dma_start3A_427 = tpu.memref_slice %arg6[%dma_start3A_426] : memref<256xi32, #tpu.memory_space<vmem>> -> memref<16xi32, #tpu.memory_space<vmem>>
    %dma_start3A_428 = arith.constant 0 : i32
    %dma_start3A_429 = arith.constant 0 : i32
    %dma_start3A_430 = tpu.memref_slice %arg2[%dma_start3A_428, %dma_start3A_429] : memref<50257x768xf32, #tpu.memory_space<hbm>> -> memref<50257x768xf32, #tpu.memory_space<hbm>>
    tpu.enqueue_indirect_dma source(%dma_start3A_430 : memref<50257x768xf32, #tpu.memory_space<hbm>>) target(%arg8 : memref<16x768xf32, #tpu.memory_space<vmem>>) offsets(%dma_start3A_427 : memref<16xi32, #tpu.memory_space<vmem>>) semaphore(%arg16 : memref<!tpu.dma_semaphore, #tpu.memory_space<semaphore_mem>>)
    %dma_wait3A_431 = arith.constant 0 : i32
    %dma_wait3A_432 = tpu.memref_slice %arg5[%add3A_338, %dma_wait3A_431] : memref<8192x768xf32, #tpu.memory_space<hbm>> -> memref<16x768xf32, #tpu.memory_space<hbm>>
    %dma_wait3A_433 = arith.constant 0 : i32
    %dma_wait3A_434 = tpu.memref_slice %arg5[%add3A_338, %dma_wait3A_433] : memref<8192x768xf32, #tpu.memory_space<hbm>> -> memref<16x768xf32, #tpu.memory_space<hbm>>
    tpu.wait_dma2 semaphore(%arg26 : memref<!tpu.dma_semaphore, #tpu.memory_space<semaphore_mem>>) src(%arg13 : memref<16x768xf32, #tpu.memory_space<vmem>>) dst(%dma_wait3A_434 : memref<16x768xf32, #tpu.memory_space<hbm>>)
    %add3A_435 = arith.constant 208 : i32
    %add3A_436 = arith.addi %mul3A_2, %add3A_435 : i32
    %dma_start3A_437 = arith.constant 0 : i32
    %dma_start3A_438 = tpu.memref_slice %arg3[%add3A_436, %dma_start3A_437] : memref<8192x768xf32, #tpu.memory_space<hbm>> -> memref<16x768xf32, #tpu.memory_space<hbm>>
    %dma_start3A_439 = arith.constant 0 : i32
    %dma_start3A_440 = tpu.memref_slice %arg3[%add3A_436, %dma_start3A_439] : memref<8192x768xf32, #tpu.memory_space<hbm>> -> memref<16x768xf32, #tpu.memory_space<hbm>>
    tpu.enqueue_dma source(%dma_start3A_440 : memref<16x768xf32, #tpu.memory_space<hbm>>) target(%arg13 : memref<16x768xf32, #tpu.memory_space<vmem>>) target_semaphore(%arg21 : memref<!tpu.dma_semaphore, #tpu.memory_space<semaphore_mem>>)
    %scan3A_441 = arith.constant 0 : i32
    %scan3A_442 = arith.constant 0 : i32
    %scan3A_443 = arith.constant 48 : i32
    %scan3A_444 = arith.addi %scan3A_442, %scan3A_443 : i32
    %scan3A_445 = arith.constant 1 : i32
    %scan3A_446 = scf.for %scan3A_592 = %scan3A_442 to %scan3A_444 step %scan3A_445 iter_args(%scan3A_593 = %scan3A_441) -> (i32)  : i32 {
      %mul3A_594 = arith.constant 16 : i32
      %mul3A_595 = arith.muli %scan3A_592, %mul3A_594 : i32
      %get3A = arith.constant 0 : i32
      %get3A_596 = arith.index_cast %get3A : i32 to index
      %get3A_597 = arith.index_cast %mul3A_595 : i32 to index
      %get3A_598 = tpu.vector_load %arg9[%get3A_596, %get3A_597] {strides = array<i32>} : memref<16x768xf32, #tpu.memory_space<vmem>>, vector<1x16xf32>,
      %get3A_599 = vector.shape_cast %get3A_598 : vector<1x16xf32> to vector<16xf32>
      %swap3A = arith.constant 0 : i32
      %swap3A_600 = arith.index_cast %swap3A : i32 to index
      %swap3A_601 = arith.index_cast %mul3A_595 : i32 to index
      %swap3A_602 = tpu.vector_load %arg11[%swap3A_600, %swap3A_601] {strides = array<i32>} : memref<16x768xf32, #tpu.memory_space<vmem>>, vector<1x16xf32>,
      %swap3A_603 = vector.shape_cast %swap3A_602 : vector<1x16xf32> to vector<16xf32>
      %swap3A_604 = vector.shape_cast %get3A_599 : vector<16xf32> to vector<1x16xf32>
      tpu.vector_store %arg11[%swap3A_600, %swap3A_601], %swap3A_604 {add = true, strides = array<i32>} : memref<16x768xf32, #tpu.memory_space<vmem>>, vector<1x16xf32>,
      %get3A_605 = arith.constant 1 : i32
      %get3A_606 = arith.index_cast %get3A_605 : i32 to index
      %get3A_607 = arith.index_cast %mul3A_595 : i32 to index
      %get3A_608 = tpu.vector_load %arg9[%get3A_606, %get3A_607] {strides = array<i32>} : memref<16x768xf32, #tpu.memory_space<vmem>>, vector<1x16xf32>,
      %get3A_609 = vector.shape_cast %get3A_608 : vector<1x16xf32> to vector<16xf32>
      %swap3A_610 = arith.constant 1 : i32
      %swap3A_611 = arith.index_cast %swap3A_610 : i32 to index
      %swap3A_612 = arith.index_cast %mul3A_595 : i32 to index
      %swap3A_613 = tpu.vector_load %arg11[%swap3A_611, %swap3A_612] {strides = array<i32>} : memref<16x768xf32, #tpu.memory_space<vmem>>, vector<1x16xf32>,
      %swap3A_614 = vector.shape_cast %swap3A_613 : vector<1x16xf32> to vector<16xf32>
      %swap3A_615 = vector.shape_cast %get3A_609 : vector<16xf32> to vector<1x16xf32>
      tpu.vector_store %arg11[%swap3A_611, %swap3A_612], %swap3A_615 {add = true, strides = array<i32>} : memref<16x768xf32, #tpu.memory_space<vmem>>, vector<1x16xf32>,
      %get3A_616 = arith.constant 2 : i32
      %get3A_617 = arith.index_cast %get3A_616 : i32 to index
      %get3A_618 = arith.index_cast %mul3A_595 : i32 to index
      %get3A_619 = tpu.vector_load %arg9[%get3A_617, %get3A_618] {strides = array<i32>} : memref<16x768xf32, #tpu.memory_space<vmem>>, vector<1x16xf32>,
      %get3A_620 = vector.shape_cast %get3A_619 : vector<1x16xf32> to vector<16xf32>
      %swap3A_621 = arith.constant 2 : i32
      %swap3A_622 = arith.index_cast %swap3A_621 : i32 to index
      %swap3A_623 = arith.index_cast %mul3A_595 : i32 to index
      %swap3A_624 = tpu.vector_load %arg11[%swap3A_622, %swap3A_623] {strides = array<i32>} : memref<16x768xf32, #tpu.memory_space<vmem>>, vector<1x16xf32>,
      %swap3A_625 = vector.shape_cast %swap3A_624 : vector<1x16xf32> to vector<16xf32>
      %swap3A_626 = vector.shape_cast %get3A_620 : vector<16xf32> to vector<1x16xf32>
      tpu.vector_store %arg11[%swap3A_622, %swap3A_623], %swap3A_626 {add = true, strides = array<i32>} : memref<16x768xf32, #tpu.memory_space<vmem>>, vector<1x16xf32>,
      %get3A_627 = arith.constant 3 : i32
      %get3A_628 = arith.index_cast %get3A_627 : i32 to index
      %get3A_629 = arith.index_cast %mul3A_595 : i32 to index
      %get3A_630 = tpu.vector_load %arg9[%get3A_628, %get3A_629] {strides = array<i32>} : memref<16x768xf32, #tpu.memory_space<vmem>>, vector<1x16xf32>,
      %get3A_631 = vector.shape_cast %get3A_630 : vector<1x16xf32> to vector<16xf32>
      %swap3A_632 = arith.constant 3 : i32
      %swap3A_633 = arith.index_cast %swap3A_632 : i32 to index
      %swap3A_634 = arith.index_cast %mul3A_595 : i32 to index
      %swap3A_635 = tpu.vector_load %arg11[%swap3A_633, %swap3A_634] {strides = array<i32>} : memref<16x768xf32, #tpu.memory_space<vmem>>, vector<1x16xf32>,
      %swap3A_636 = vector.shape_cast %swap3A_635 : vector<1x16xf32> to vector<16xf32>
      %swap3A_637 = vector.shape_cast %get3A_631 : vector<16xf32> to vector<1x16xf32>
      tpu.vector_store %arg11[%swap3A_633, %swap3A_634], %swap3A_637 {add = true, strides = array<i32>} : memref<16x768xf32, #tpu.memory_space<vmem>>, vector<1x16xf32>,
      %get3A_638 = arith.constant 4 : i32
      %get3A_639 = arith.index_cast %get3A_638 : i32 to index
      %get3A_640 = arith.index_cast %mul3A_595 : i32 to index
      %get3A_641 = tpu.vector_load %arg9[%get3A_639, %get3A_640] {strides = array<i32>} : memref<16x768xf32, #tpu.memory_space<vmem>>, vector<1x16xf32>,
      %get3A_642 = vector.shape_cast %get3A_641 : vector<1x16xf32> to vector<16xf32>
      %swap3A_643 = arith.constant 4 : i32
      %swap3A_644 = arith.index_cast %swap3A_643 : i32 to index
      %swap3A_645 = arith.index_cast %mul3A_595 : i32 to index
      %swap3A_646 = tpu.vector_load %arg11[%swap3A_644, %swap3A_645] {strides = array<i32>} : memref<16x768xf32, #tpu.memory_space<vmem>>, vector<1x16xf32>,
      %swap3A_647 = vector.shape_cast %swap3A_646 : vector<1x16xf32> to vector<16xf32>
      %swap3A_648 = vector.shape_cast %get3A_642 : vector<16xf32> to vector<1x16xf32>
      tpu.vector_store %arg11[%swap3A_644, %swap3A_645], %swap3A_648 {add = true, strides = array<i32>} : memref<16x768xf32, #tpu.memory_space<vmem>>, vector<1x16xf32>,
      %get3A_649 = arith.constant 5 : i32
      %get3A_650 = arith.index_cast %get3A_649 : i32 to index
      %get3A_651 = arith.index_cast %mul3A_595 : i32 to index
      %get3A_652 = tpu.vector_load %arg9[%get3A_650, %get3A_651] {strides = array<i32>} : memref<16x768xf32, #tpu.memory_space<vmem>>, vector<1x16xf32>,
      %get3A_653 = vector.shape_cast %get3A_652 : vector<1x16xf32> to vector<16xf32>
      %swap3A_654 = arith.constant 5 : i32
      %swap3A_655 = arith.index_cast %swap3A_654 : i32 to index
      %swap3A_656 = arith.index_cast %mul3A_595 : i32 to index
      %swap3A_657 = tpu.vector_load %arg11[%swap3A_655, %swap3A_656] {strides = array<i32>} : memref<16x768xf32, #tpu.memory_space<vmem>>, vector<1x16xf32>,
      %swap3A_658 = vector.shape_cast %swap3A_657 : vector<1x16xf32> to vector<16xf32>
      %swap3A_659 = vector.shape_cast %get3A_653 : vector<16xf32> to vector<1x16xf32>
      tpu.vector_store %arg11[%swap3A_655, %swap3A_656], %swap3A_659 {add = true, strides = array<i32>} : memref<16x768xf32, #tpu.memory_space<vmem>>, vector<1x16xf32>,
      %get3A_660 = arith.constant 6 : i32
      %get3A_661 = arith.index_cast %get3A_660 : i32 to index
      %get3A_662 = arith.index_cast %mul3A_595 : i32 to index
      %get3A_663 = tpu.vector_load %arg9[%get3A_661, %get3A_662] {strides = array<i32>} : memref<16x768xf32, #tpu.memory_space<vmem>>, vector<1x16xf32>,
      %get3A_664 = vector.shape_cast %get3A_663 : vector<1x16xf32> to vector<16xf32>
      %swap3A_665 = arith.constant 6 : i32
      %swap3A_666 = arith.index_cast %swap3A_665 : i32 to index
      %swap3A_667 = arith.index_cast %mul3A_595 : i32 to index
      %swap3A_668 = tpu.vector_load %arg11[%swap3A_666, %swap3A_667] {strides = array<i32>} : memref<16x768xf32, #tpu.memory_space<vmem>>, vector<1x16xf32>,
      %swap3A_669 = vector.shape_cast %swap3A_668 : vector<1x16xf32> to vector<16xf32>
      %swap3A_670 = vector.shape_cast %get3A_664 : vector<16xf32> to vector<1x16xf32>
      tpu.vector_store %arg11[%swap3A_666, %swap3A_667], %swap3A_670 {add = true, strides = array<i32>} : memref<16x768xf32, #tpu.memory_space<vmem>>, vector<1x16xf32>,
      %get3A_671 = arith.constant 7 : i32
      %get3A_672 = arith.index_cast %get3A_671 : i32 to index
      %get3A_673 = arith.index_cast %mul3A_595 : i32 to index
      %get3A_674 = tpu.vector_load %arg9[%get3A_672, %get3A_673] {strides = array<i32>} : memref<16x768xf32, #tpu.memory_space<vmem>>, vector<1x16xf32>,
      %get3A_675 = vector.shape_cast %get3A_674 : vector<1x16xf32> to vector<16xf32>
      %swap3A_676 = arith.constant 7 : i32
      %swap3A_677 = arith.index_cast %swap3A_676 : i32 to index
      %swap3A_678 = arith.index_cast %mul3A_595 : i32 to index
      %swap3A_679 = tpu.vector_load %arg11[%swap3A_677, %swap3A_678] {strides = array<i32>} : memref<16x768xf32, #tpu.memory_space<vmem>>, vector<1x16xf32>,
      %swap3A_680 = vector.shape_cast %swap3A_679 : vector<1x16xf32> to vector<16xf32>
      %swap3A_681 = vector.shape_cast %get3A_675 : vector<16xf32> to vector<1x16xf32>
      tpu.vector_store %arg11[%swap3A_677, %swap3A_678], %swap3A_681 {add = true, strides = array<i32>} : memref<16x768xf32, #tpu.memory_space<vmem>>, vector<1x16xf32>,
      %get3A_682 = arith.constant 8 : i32
      %get3A_683 = arith.index_cast %get3A_682 : i32 to index
      %get3A_684 = arith.index_cast %mul3A_595 : i32 to index
      %get3A_685 = tpu.vector_load %arg9[%get3A_683, %get3A_684] {strides = array<i32>} : memref<16x768xf32, #tpu.memory_space<vmem>>, vector<1x16xf32>,
      %get3A_686 = vector.shape_cast %get3A_685 : vector<1x16xf32> to vector<16xf32>
      %swap3A_687 = arith.constant 8 : i32
      %swap3A_688 = arith.index_cast %swap3A_687 : i32 to index
      %swap3A_689 = arith.index_cast %mul3A_595 : i32 to index
      %swap3A_690 = tpu.vector_load %arg11[%swap3A_688, %swap3A_689] {strides = array<i32>} : memref<16x768xf32, #tpu.memory_space<vmem>>, vector<1x16xf32>,
      %swap3A_691 = vector.shape_cast %swap3A_690 : vector<1x16xf32> to vector<16xf32>
      %swap3A_692 = vector.shape_cast %get3A_686 : vector<16xf32> to vector<1x16xf32>
      tpu.vector_store %arg11[%swap3A_688, %swap3A_689], %swap3A_692 {add = true, strides = array<i32>} : memref<16x768xf32, #tpu.memory_space<vmem>>, vector<1x16xf32>,
      %get3A_693 = arith.constant 9 : i32
      %get3A_694 = arith.index_cast %get3A_693 : i32 to index
      %get3A_695 = arith.index_cast %mul3A_595 : i32 to index
      %get3A_696 = tpu.vector_load %arg9[%get3A_694, %get3A_695] {strides = array<i32>} : memref<16x768xf32, #tpu.memory_space<vmem>>, vector<1x16xf32>,
      %get3A_697 = vector.shape_cast %get3A_696 : vector<1x16xf32> to vector<16xf32>
      %swap3A_698 = arith.constant 9 : i32
      %swap3A_699 = arith.index_cast %swap3A_698 : i32 to index
      %swap3A_700 = arith.index_cast %mul3A_595 : i32 to index
      %swap3A_701 = tpu.vector_load %arg11[%swap3A_699, %swap3A_700] {strides = array<i32>} : memref<16x768xf32, #tpu.memory_space<vmem>>, vector<1x16xf32>,
      %swap3A_702 = vector.shape_cast %swap3A_701 : vector<1x16xf32> to vector<16xf32>
      %swap3A_703 = vector.shape_cast %get3A_697 : vector<16xf32> to vector<1x16xf32>
      tpu.vector_store %arg11[%swap3A_699, %swap3A_700], %swap3A_703 {add = true, strides = array<i32>} : memref<16x768xf32, #tpu.memory_space<vmem>>, vector<1x16xf32>,
      %get3A_704 = arith.constant 10 : i32
      %get3A_705 = arith.index_cast %get3A_704 : i32 to index
      %get3A_706 = arith.index_cast %mul3A_595 : i32 to index
      %get3A_707 = tpu.vector_load %arg9[%get3A_705, %get3A_706] {strides = array<i32>} : memref<16x768xf32, #tpu.memory_space<vmem>>, vector<1x16xf32>,
      %get3A_708 = vector.shape_cast %get3A_707 : vector<1x16xf32> to vector<16xf32>
      %swap3A_709 = arith.constant 10 : i32
      %swap3A_710 = arith.index_cast %swap3A_709 : i32 to index
      %swap3A_711 = arith.index_cast %mul3A_595 : i32 to index
      %swap3A_712 = tpu.vector_load %arg11[%swap3A_710, %swap3A_711] {strides = array<i32>} : memref<16x768xf32, #tpu.memory_space<vmem>>, vector<1x16xf32>,
      %swap3A_713 = vector.shape_cast %swap3A_712 : vector<1x16xf32> to vector<16xf32>
      %swap3A_714 = vector.shape_cast %get3A_708 : vector<16xf32> to vector<1x16xf32>
      tpu.vector_store %arg11[%swap3A_710, %swap3A_711], %swap3A_714 {add = true, strides = array<i32>} : memref<16x768xf32, #tpu.memory_space<vmem>>, vector<1x16xf32>,
      %get3A_715 = arith.constant 11 : i32
      %get3A_716 = arith.index_cast %get3A_715 : i32 to index
      %get3A_717 = arith.index_cast %mul3A_595 : i32 to index
      %get3A_718 = tpu.vector_load %arg9[%get3A_716, %get3A_717] {strides = array<i32>} : memref<16x768xf32, #tpu.memory_space<vmem>>, vector<1x16xf32>,
      %get3A_719 = vector.shape_cast %get3A_718 : vector<1x16xf32> to vector<16xf32>
      %swap3A_720 = arith.constant 11 : i32
      %swap3A_721 = arith.index_cast %swap3A_720 : i32 to index
      %swap3A_722 = arith.index_cast %mul3A_595 : i32 to index
      %swap3A_723 = tpu.vector_load %arg11[%swap3A_721, %swap3A_722] {strides = array<i32>} : memref<16x768xf32, #tpu.memory_space<vmem>>, vector<1x16xf32>,
      %swap3A_724 = vector.shape_cast %swap3A_723 : vector<1x16xf32> to vector<16xf32>
      %swap3A_725 = vector.shape_cast %get3A_719 : vector<16xf32> to vector<1x16xf32>
      tpu.vector_store %arg11[%swap3A_721, %swap3A_722], %swap3A_725 {add = true, strides = array<i32>} : memref<16x768xf32, #tpu.memory_space<vmem>>, vector<1x16xf32>,
      %get3A_726 = arith.constant 12 : i32
      %get3A_727 = arith.index_cast %get3A_726 : i32 to index
      %get3A_728 = arith.index_cast %mul3A_595 : i32 to index
      %get3A_729 = tpu.vector_load %arg9[%get3A_727, %get3A_728] {strides = array<i32>} : memref<16x768xf32, #tpu.memory_space<vmem>>, vector<1x16xf32>,
      %get3A_730 = vector.shape_cast %get3A_729 : vector<1x16xf32> to vector<16xf32>
      %swap3A_731 = arith.constant 12 : i32
      %swap3A_732 = arith.index_cast %swap3A_731 : i32 to index
      %swap3A_733 = arith.index_cast %mul3A_595 : i32 to index
      %swap3A_734 = tpu.vector_load %arg11[%swap3A_732, %swap3A_733] {strides = array<i32>} : memref<16x768xf32, #tpu.memory_space<vmem>>, vector<1x16xf32>,
      %swap3A_735 = vector.shape_cast %swap3A_734 : vector<1x16xf32> to vector<16xf32>
      %swap3A_736 = vector.shape_cast %get3A_730 : vector<16xf32> to vector<1x16xf32>
      tpu.vector_store %arg11[%swap3A_732, %swap3A_733], %swap3A_736 {add = true, strides = array<i32>} : memref<16x768xf32, #tpu.memory_space<vmem>>, vector<1x16xf32>,
      %get3A_737 = arith.constant 13 : i32
      %get3A_738 = arith.index_cast %get3A_737 : i32 to index
      %get3A_739 = arith.index_cast %mul3A_595 : i32 to index
      %get3A_740 = tpu.vector_load %arg9[%get3A_738, %get3A_739] {strides = array<i32>} : memref<16x768xf32, #tpu.memory_space<vmem>>, vector<1x16xf32>,
      %get3A_741 = vector.shape_cast %get3A_740 : vector<1x16xf32> to vector<16xf32>
      %swap3A_742 = arith.constant 13 : i32
      %swap3A_743 = arith.index_cast %swap3A_742 : i32 to index
      %swap3A_744 = arith.index_cast %mul3A_595 : i32 to index
      %swap3A_745 = tpu.vector_load %arg11[%swap3A_743, %swap3A_744] {strides = array<i32>} : memref<16x768xf32, #tpu.memory_space<vmem>>, vector<1x16xf32>,
      %swap3A_746 = vector.shape_cast %swap3A_745 : vector<1x16xf32> to vector<16xf32>
      %swap3A_747 = vector.shape_cast %get3A_741 : vector<16xf32> to vector<1x16xf32>
      tpu.vector_store %arg11[%swap3A_743, %swap3A_744], %swap3A_747 {add = true, strides = array<i32>} : memref<16x768xf32, #tpu.memory_space<vmem>>, vector<1x16xf32>,
      %get3A_748 = arith.constant 14 : i32
      %get3A_749 = arith.index_cast %get3A_748 : i32 to index
      %get3A_750 = arith.index_cast %mul3A_595 : i32 to index
      %get3A_751 = tpu.vector_load %arg9[%get3A_749, %get3A_750] {strides = array<i32>} : memref<16x768xf32, #tpu.memory_space<vmem>>, vector<1x16xf32>,
      %get3A_752 = vector.shape_cast %get3A_751 : vector<1x16xf32> to vector<16xf32>
      %swap3A_753 = arith.constant 14 : i32
      %swap3A_754 = arith.index_cast %swap3A_753 : i32 to index
      %swap3A_755 = arith.index_cast %mul3A_595 : i32 to index
      %swap3A_756 = tpu.vector_load %arg11[%swap3A_754, %swap3A_755] {strides = array<i32>} : memref<16x768xf32, #tpu.memory_space<vmem>>, vector<1x16xf32>,
      %swap3A_757 = vector.shape_cast %swap3A_756 : vector<1x16xf32> to vector<16xf32>
      %swap3A_758 = vector.shape_cast %get3A_752 : vector<16xf32> to vector<1x16xf32>
      tpu.vector_store %arg11[%swap3A_754, %swap3A_755], %swap3A_758 {add = true, strides = array<i32>} : memref<16x768xf32, #tpu.memory_space<vmem>>, vector<1x16xf32>,
      %get3A_759 = arith.constant 15 : i32
      %get3A_760 = arith.index_cast %get3A_759 : i32 to index
      %get3A_761 = arith.index_cast %mul3A_595 : i32 to index
      %get3A_762 = tpu.vector_load %arg9[%get3A_760, %get3A_761] {strides = array<i32>} : memref<16x768xf32, #tpu.memory_space<vmem>>, vector<1x16xf32>,
      %get3A_763 = vector.shape_cast %get3A_762 : vector<1x16xf32> to vector<16xf32>
      %swap3A_764 = arith.constant 15 : i32
      %swap3A_765 = arith.index_cast %swap3A_764 : i32 to index
      %swap3A_766 = arith.index_cast %mul3A_595 : i32 to index
      %swap3A_767 = tpu.vector_load %arg11[%swap3A_765, %swap3A_766] {strides = array<i32>} : memref<16x768xf32, #tpu.memory_space<vmem>>, vector<1x16xf32>,
      %swap3A_768 = vector.shape_cast %swap3A_767 : vector<1x16xf32> to vector<16xf32>
      %swap3A_769 = vector.shape_cast %get3A_763 : vector<16xf32> to vector<1x16xf32>
      tpu.vector_store %arg11[%swap3A_765, %swap3A_766], %swap3A_769 {add = true, strides = array<i32>} : memref<16x768xf32, #tpu.memory_space<vmem>>, vector<1x16xf32>,
      %scan3A_770 = arith.constant 0 : i32
      scf.yield %scan3A_770 : i32
    }
    %scan3A_447 = arith.constant 48 : i32
    %add3A_448 = arith.constant 176 : i32
    %add3A_449 = arith.addi %mul3A_2, %add3A_448 : i32
    %dma_start3A_450 = arith.constant 0 : i32
    %dma_start3A_451 = tpu.memref_slice %arg5[%add3A_449, %dma_start3A_450] : memref<8192x768xf32, #tpu.memory_space<hbm>> -> memref<16x768xf32, #tpu.memory_space<hbm>>
    %dma_start3A_452 = arith.constant 0 : i32
    %dma_start3A_453 = tpu.memref_slice %arg5[%add3A_449, %dma_start3A_452] : memref<8192x768xf32, #tpu.memory_space<hbm>> -> memref<16x768xf32, #tpu.memory_space<hbm>>
    tpu.enqueue_dma source(%arg11 : memref<16x768xf32, #tpu.memory_space<vmem>>) target(%dma_start3A_453 : memref<16x768xf32, #tpu.memory_space<hbm>>) target_semaphore(%arg24 : memref<!tpu.dma_semaphore, #tpu.memory_space<semaphore_mem>>)
    %dma_wait3A_454 = arith.constant 192 : i32
    %dma_wait3A_455 = tpu.memref_slice %arg6[%dma_wait3A_454] : memref<256xi32, #tpu.memory_space<vmem>> -> memref<16xi32, #tpu.memory_space<vmem>>
    %dma_wait3A_456 = arith.constant 0 : i32
    %dma_wait3A_457 = arith.constant 0 : i32
    %dma_wait3A_458 = tpu.memref_slice %arg2[%dma_wait3A_456, %dma_wait3A_457] : memref<50257x768xf32, #tpu.memory_space<hbm>> -> memref<50257x768xf32, #tpu.memory_space<hbm>>
    tpu.wait_indirect_dma semaphore(%arg15 : memref<!tpu.dma_semaphore, #tpu.memory_space<semaphore_mem>>) src(%dma_wait3A_458 : memref<50257x768xf32, #tpu.memory_space<hbm>>) dst(%arg7 : memref<16x768xf32, #tpu.memory_space<vmem>>)
    %dma_wait3A_459 = arith.constant 0 : i32
    %dma_wait3A_460 = tpu.memref_slice %arg3[%add3A_399, %dma_wait3A_459] : memref<8192x768xf32, #tpu.memory_space<hbm>> -> memref<16x768xf32, #tpu.memory_space<hbm>>
    %dma_wait3A_461 = arith.constant 0 : i32
    %dma_wait3A_462 = tpu.memref_slice %arg3[%add3A_399, %dma_wait3A_461] : memref<8192x768xf32, #tpu.memory_space<hbm>> -> memref<16x768xf32, #tpu.memory_space<hbm>>
    tpu.wait_dma2 semaphore(%arg20 : memref<!tpu.dma_semaphore, #tpu.memory_space<semaphore_mem>>) src(%dma_wait3A_462 : memref<16x768xf32, #tpu.memory_space<hbm>>) dst(%arg12 : memref<16x768xf32, #tpu.memory_space<vmem>>)
    %dma_start3A_463 = arith.constant 224 : i32
    %dma_start3A_464 = tpu.memref_slice %arg6[%dma_start3A_463] : memref<256xi32, #tpu.memory_space<vmem>> -> memref<16xi32, #tpu.memory_space<vmem>>
    %dma_start3A_465 = arith.constant 0 : i32
    %dma_start3A_466 = arith.constant 0 : i32
    %dma_start3A_467 = tpu.memref_slice %arg2[%dma_start3A_465, %dma_start3A_466] : memref<50257x768xf32, #tpu.memory_space<hbm>> -> memref<50257x768xf32, #tpu.memory_space<hbm>>
    tpu.enqueue_indirect_dma source(%dma_start3A_467 : memref<50257x768xf32, #tpu.memory_space<hbm>>) target(%arg9 : memref<16x768xf32, #tpu.memory_space<vmem>>) offsets(%dma_start3A_464 : memref<16xi32, #tpu.memory_space<vmem>>) semaphore(%arg17 : memref<!tpu.dma_semaphore, #tpu.memory_space<semaphore_mem>>)
    %dma_wait3A_468 = arith.constant 0 : i32
    %dma_wait3A_469 = tpu.memref_slice %arg5[%add3A_375, %dma_wait3A_468] : memref<8192x768xf32, #tpu.memory_space<hbm>> -> memref<16x768xf32, #tpu.memory_space<hbm>>
    %dma_wait3A_470 = arith.constant 0 : i32
    %dma_wait3A_471 = tpu.memref_slice %arg5[%add3A_375, %dma_wait3A_470] : memref<8192x768xf32, #tpu.memory_space<hbm>> -> memref<16x768xf32, #tpu.memory_space<hbm>>
    tpu.wait_dma2 semaphore(%arg27 : memref<!tpu.dma_semaphore, #tpu.memory_space<semaphore_mem>>) src(%arg14 : memref<16x768xf32, #tpu.memory_space<vmem>>) dst(%dma_wait3A_471 : memref<16x768xf32, #tpu.memory_space<hbm>>)
    %add3A_472 = arith.constant 224 : i32
    %add3A_473 = arith.addi %mul3A_2, %add3A_472 : i32
    %dma_start3A_474 = arith.constant 0 : i32
    %dma_start3A_475 = tpu.memref_slice %arg3[%add3A_473, %dma_start3A_474] : memref<8192x768xf32, #tpu.memory_space<hbm>> -> memref<16x768xf32, #tpu.memory_space<hbm>>
    %dma_start3A_476 = arith.constant 0 : i32
    %dma_start3A_477 = tpu.memref_slice %arg3[%add3A_473, %dma_start3A_476] : memref<8192x768xf32, #tpu.memory_space<hbm>> -> memref<16x768xf32, #tpu.memory_space<hbm>>
    tpu.enqueue_dma source(%dma_start3A_477 : memref<16x768xf32, #tpu.memory_space<hbm>>) target(%arg14 : memref<16x768xf32, #tpu.memory_space<vmem>>) target_semaphore(%arg22 : memref<!tpu.dma_semaphore, #tpu.memory_space<semaphore_mem>>)
    %scan3A_478 = arith.constant 0 : i32
    %scan3A_479 = arith.constant 0 : i32
    %scan3A_480 = arith.constant 48 : i32
    %scan3A_481 = arith.addi %scan3A_479, %scan3A_480 : i32
    %scan3A_482 = arith.constant 1 : i32
    %scan3A_483 = scf.for %scan3A_592 = %scan3A_479 to %scan3A_481 step %scan3A_482 iter_args(%scan3A_593 = %scan3A_478) -> (i32)  : i32 {
      %mul3A_594 = arith.constant 16 : i32
      %mul3A_595 = arith.muli %scan3A_592, %mul3A_594 : i32
      %get3A = arith.constant 0 : i32
      %get3A_596 = arith.index_cast %get3A : i32 to index
      %get3A_597 = arith.index_cast %mul3A_595 : i32 to index
      %get3A_598 = tpu.vector_load %arg7[%get3A_596, %get3A_597] {strides = array<i32>} : memref<16x768xf32, #tpu.memory_space<vmem>>, vector<1x16xf32>,
      %get3A_599 = vector.shape_cast %get3A_598 : vector<1x16xf32> to vector<16xf32>
      %swap3A = arith.constant 0 : i32
      %swap3A_600 = arith.index_cast %swap3A : i32 to index
      %swap3A_601 = arith.index_cast %mul3A_595 : i32 to index
      %swap3A_602 = tpu.vector_load %arg12[%swap3A_600, %swap3A_601] {strides = array<i32>} : memref<16x768xf32, #tpu.memory_space<vmem>>, vector<1x16xf32>,
      %swap3A_603 = vector.shape_cast %swap3A_602 : vector<1x16xf32> to vector<16xf32>
      %swap3A_604 = vector.shape_cast %get3A_599 : vector<16xf32> to vector<1x16xf32>
      tpu.vector_store %arg12[%swap3A_600, %swap3A_601], %swap3A_604 {add = true, strides = array<i32>} : memref<16x768xf32, #tpu.memory_space<vmem>>, vector<1x16xf32>,
      %get3A_605 = arith.constant 1 : i32
      %get3A_606 = arith.index_cast %get3A_605 : i32 to index
      %get3A_607 = arith.index_cast %mul3A_595 : i32 to index
      %get3A_608 = tpu.vector_load %arg7[%get3A_606, %get3A_607] {strides = array<i32>} : memref<16x768xf32, #tpu.memory_space<vmem>>, vector<1x16xf32>,
      %get3A_609 = vector.shape_cast %get3A_608 : vector<1x16xf32> to vector<16xf32>
      %swap3A_610 = arith.constant 1 : i32
      %swap3A_611 = arith.index_cast %swap3A_610 : i32 to index
      %swap3A_612 = arith.index_cast %mul3A_595 : i32 to index
      %swap3A_613 = tpu.vector_load %arg12[%swap3A_611, %swap3A_612] {strides = array<i32>} : memref<16x768xf32, #tpu.memory_space<vmem>>, vector<1x16xf32>,
      %swap3A_614 = vector.shape_cast %swap3A_613 : vector<1x16xf32> to vector<16xf32>
      %swap3A_615 = vector.shape_cast %get3A_609 : vector<16xf32> to vector<1x16xf32>
      tpu.vector_store %arg12[%swap3A_611, %swap3A_612], %swap3A_615 {add = true, strides = array<i32>} : memref<16x768xf32, #tpu.memory_space<vmem>>, vector<1x16xf32>,
      %get3A_616 = arith.constant 2 : i32
      %get3A_617 = arith.index_cast %get3A_616 : i32 to index
      %get3A_618 = arith.index_cast %mul3A_595 : i32 to index
      %get3A_619 = tpu.vector_load %arg7[%get3A_617, %get3A_618] {strides = array<i32>} : memref<16x768xf32, #tpu.memory_space<vmem>>, vector<1x16xf32>,
      %get3A_620 = vector.shape_cast %get3A_619 : vector<1x16xf32> to vector<16xf32>
      %swap3A_621 = arith.constant 2 : i32
      %swap3A_622 = arith.index_cast %swap3A_621 : i32 to index
      %swap3A_623 = arith.index_cast %mul3A_595 : i32 to index
      %swap3A_624 = tpu.vector_load %arg12[%swap3A_622, %swap3A_623] {strides = array<i32>} : memref<16x768xf32, #tpu.memory_space<vmem>>, vector<1x16xf32>,
      %swap3A_625 = vector.shape_cast %swap3A_624 : vector<1x16xf32> to vector<16xf32>
      %swap3A_626 = vector.shape_cast %get3A_620 : vector<16xf32> to vector<1x16xf32>
      tpu.vector_store %arg12[%swap3A_622, %swap3A_623], %swap3A_626 {add = true, strides = array<i32>} : memref<16x768xf32, #tpu.memory_space<vmem>>, vector<1x16xf32>,
      %get3A_627 = arith.constant 3 : i32
      %get3A_628 = arith.index_cast %get3A_627 : i32 to index
      %get3A_629 = arith.index_cast %mul3A_595 : i32 to index
      %get3A_630 = tpu.vector_load %arg7[%get3A_628, %get3A_629] {strides = array<i32>} : memref<16x768xf32, #tpu.memory_space<vmem>>, vector<1x16xf32>,
      %get3A_631 = vector.shape_cast %get3A_630 : vector<1x16xf32> to vector<16xf32>
      %swap3A_632 = arith.constant 3 : i32
      %swap3A_633 = arith.index_cast %swap3A_632 : i32 to index
      %swap3A_634 = arith.index_cast %mul3A_595 : i32 to index
      %swap3A_635 = tpu.vector_load %arg12[%swap3A_633, %swap3A_634] {strides = array<i32>} : memref<16x768xf32, #tpu.memory_space<vmem>>, vector<1x16xf32>,
      %swap3A_636 = vector.shape_cast %swap3A_635 : vector<1x16xf32> to vector<16xf32>
      %swap3A_637 = vector.shape_cast %get3A_631 : vector<16xf32> to vector<1x16xf32>
      tpu.vector_store %arg12[%swap3A_633, %swap3A_634], %swap3A_637 {add = true, strides = array<i32>} : memref<16x768xf32, #tpu.memory_space<vmem>>, vector<1x16xf32>,
      %get3A_638 = arith.constant 4 : i32
      %get3A_639 = arith.index_cast %get3A_638 : i32 to index
      %get3A_640 = arith.index_cast %mul3A_595 : i32 to index
      %get3A_641 = tpu.vector_load %arg7[%get3A_639, %get3A_640] {strides = array<i32>} : memref<16x768xf32, #tpu.memory_space<vmem>>, vector<1x16xf32>,
      %get3A_642 = vector.shape_cast %get3A_641 : vector<1x16xf32> to vector<16xf32>
      %swap3A_643 = arith.constant 4 : i32
      %swap3A_644 = arith.index_cast %swap3A_643 : i32 to index
      %swap3A_645 = arith.index_cast %mul3A_595 : i32 to index
      %swap3A_646 = tpu.vector_load %arg12[%swap3A_644, %swap3A_645] {strides = array<i32>} : memref<16x768xf32, #tpu.memory_space<vmem>>, vector<1x16xf32>,
      %swap3A_647 = vector.shape_cast %swap3A_646 : vector<1x16xf32> to vector<16xf32>
      %swap3A_648 = vector.shape_cast %get3A_642 : vector<16xf32> to vector<1x16xf32>
      tpu.vector_store %arg12[%swap3A_644, %swap3A_645], %swap3A_648 {add = true, strides = array<i32>} : memref<16x768xf32, #tpu.memory_space<vmem>>, vector<1x16xf32>,
      %get3A_649 = arith.constant 5 : i32
      %get3A_650 = arith.index_cast %get3A_649 : i32 to index
      %get3A_651 = arith.index_cast %mul3A_595 : i32 to index
      %get3A_652 = tpu.vector_load %arg7[%get3A_650, %get3A_651] {strides = array<i32>} : memref<16x768xf32, #tpu.memory_space<vmem>>, vector<1x16xf32>,
      %get3A_653 = vector.shape_cast %get3A_652 : vector<1x16xf32> to vector<16xf32>
      %swap3A_654 = arith.constant 5 : i32
      %swap3A_655 = arith.index_cast %swap3A_654 : i32 to index
      %swap3A_656 = arith.index_cast %mul3A_595 : i32 to index
      %swap3A_657 = tpu.vector_load %arg12[%swap3A_655, %swap3A_656] {strides = array<i32>} : memref<16x768xf32, #tpu.memory_space<vmem>>, vector<1x16xf32>,
      %swap3A_658 = vector.shape_cast %swap3A_657 : vector<1x16xf32> to vector<16xf32>
      %swap3A_659 = vector.shape_cast %get3A_653 : vector<16xf32> to vector<1x16xf32>
      tpu.vector_store %arg12[%swap3A_655, %swap3A_656], %swap3A_659 {add = true, strides = array<i32>} : memref<16x768xf32, #tpu.memory_space<vmem>>, vector<1x16xf32>,
      %get3A_660 = arith.constant 6 : i32
      %get3A_661 = arith.index_cast %get3A_660 : i32 to index
      %get3A_662 = arith.index_cast %mul3A_595 : i32 to index
      %get3A_663 = tpu.vector_load %arg7[%get3A_661, %get3A_662] {strides = array<i32>} : memref<16x768xf32, #tpu.memory_space<vmem>>, vector<1x16xf32>,
      %get3A_664 = vector.shape_cast %get3A_663 : vector<1x16xf32> to vector<16xf32>
      %swap3A_665 = arith.constant 6 : i32
      %swap3A_666 = arith.index_cast %swap3A_665 : i32 to index
      %swap3A_667 = arith.index_cast %mul3A_595 : i32 to index
      %swap3A_668 = tpu.vector_load %arg12[%swap3A_666, %swap3A_667] {strides = array<i32>} : memref<16x768xf32, #tpu.memory_space<vmem>>, vector<1x16xf32>,
      %swap3A_669 = vector.shape_cast %swap3A_668 : vector<1x16xf32> to vector<16xf32>
      %swap3A_670 = vector.shape_cast %get3A_664 : vector<16xf32> to vector<1x16xf32>
      tpu.vector_store %arg12[%swap3A_666, %swap3A_667], %swap3A_670 {add = true, strides = array<i32>} : memref<16x768xf32, #tpu.memory_space<vmem>>, vector<1x16xf32>,
      %get3A_671 = arith.constant 7 : i32
      %get3A_672 = arith.index_cast %get3A_671 : i32 to index
      %get3A_673 = arith.index_cast %mul3A_595 : i32 to index
      %get3A_674 = tpu.vector_load %arg7[%get3A_672, %get3A_673] {strides = array<i32>} : memref<16x768xf32, #tpu.memory_space<vmem>>, vector<1x16xf32>,
      %get3A_675 = vector.shape_cast %get3A_674 : vector<1x16xf32> to vector<16xf32>
      %swap3A_676 = arith.constant 7 : i32
      %swap3A_677 = arith.index_cast %swap3A_676 : i32 to index
      %swap3A_678 = arith.index_cast %mul3A_595 : i32 to index
      %swap3A_679 = tpu.vector_load %arg12[%swap3A_677, %swap3A_678] {strides = array<i32>} : memref<16x768xf32, #tpu.memory_space<vmem>>, vector<1x16xf32>,
      %swap3A_680 = vector.shape_cast %swap3A_679 : vector<1x16xf32> to vector<16xf32>
      %swap3A_681 = vector.shape_cast %get3A_675 : vector<16xf32> to vector<1x16xf32>
      tpu.vector_store %arg12[%swap3A_677, %swap3A_678], %swap3A_681 {add = true, strides = array<i32>} : memref<16x768xf32, #tpu.memory_space<vmem>>, vector<1x16xf32>,
      %get3A_682 = arith.constant 8 : i32
      %get3A_683 = arith.index_cast %get3A_682 : i32 to index
      %get3A_684 = arith.index_cast %mul3A_595 : i32 to index
      %get3A_685 = tpu.vector_load %arg7[%get3A_683, %get3A_684] {strides = array<i32>} : memref<16x768xf32, #tpu.memory_space<vmem>>, vector<1x16xf32>,
      %get3A_686 = vector.shape_cast %get3A_685 : vector<1x16xf32> to vector<16xf32>
      %swap3A_687 = arith.constant 8 : i32
      %swap3A_688 = arith.index_cast %swap3A_687 : i32 to index
      %swap3A_689 = arith.index_cast %mul3A_595 : i32 to index
      %swap3A_690 = tpu.vector_load %arg12[%swap3A_688, %swap3A_689] {strides = array<i32>} : memref<16x768xf32, #tpu.memory_space<vmem>>, vector<1x16xf32>,
      %swap3A_691 = vector.shape_cast %swap3A_690 : vector<1x16xf32> to vector<16xf32>
      %swap3A_692 = vector.shape_cast %get3A_686 : vector<16xf32> to vector<1x16xf32>
      tpu.vector_store %arg12[%swap3A_688, %swap3A_689], %swap3A_692 {add = true, strides = array<i32>} : memref<16x768xf32, #tpu.memory_space<vmem>>, vector<1x16xf32>,
      %get3A_693 = arith.constant 9 : i32
      %get3A_694 = arith.index_cast %get3A_693 : i32 to index
      %get3A_695 = arith.index_cast %mul3A_595 : i32 to index
      %get3A_696 = tpu.vector_load %arg7[%get3A_694, %get3A_695] {strides = array<i32>} : memref<16x768xf32, #tpu.memory_space<vmem>>, vector<1x16xf32>,
      %get3A_697 = vector.shape_cast %get3A_696 : vector<1x16xf32> to vector<16xf32>
      %swap3A_698 = arith.constant 9 : i32
      %swap3A_699 = arith.index_cast %swap3A_698 : i32 to index
      %swap3A_700 = arith.index_cast %mul3A_595 : i32 to index
      %swap3A_701 = tpu.vector_load %arg12[%swap3A_699, %swap3A_700] {strides = array<i32>} : memref<16x768xf32, #tpu.memory_space<vmem>>, vector<1x16xf32>,
      %swap3A_702 = vector.shape_cast %swap3A_701 : vector<1x16xf32> to vector<16xf32>
      %swap3A_703 = vector.shape_cast %get3A_697 : vector<16xf32> to vector<1x16xf32>
      tpu.vector_store %arg12[%swap3A_699, %swap3A_700], %swap3A_703 {add = true, strides = array<i32>} : memref<16x768xf32, #tpu.memory_space<vmem>>, vector<1x16xf32>,
      %get3A_704 = arith.constant 10 : i32
      %get3A_705 = arith.index_cast %get3A_704 : i32 to index
      %get3A_706 = arith.index_cast %mul3A_595 : i32 to index
      %get3A_707 = tpu.vector_load %arg7[%get3A_705, %get3A_706] {strides = array<i32>} : memref<16x768xf32, #tpu.memory_space<vmem>>, vector<1x16xf32>,
      %get3A_708 = vector.shape_cast %get3A_707 : vector<1x16xf32> to vector<16xf32>
      %swap3A_709 = arith.constant 10 : i32
      %swap3A_710 = arith.index_cast %swap3A_709 : i32 to index
      %swap3A_711 = arith.index_cast %mul3A_595 : i32 to index
      %swap3A_712 = tpu.vector_load %arg12[%swap3A_710, %swap3A_711] {strides = array<i32>} : memref<16x768xf32, #tpu.memory_space<vmem>>, vector<1x16xf32>,
      %swap3A_713 = vector.shape_cast %swap3A_712 : vector<1x16xf32> to vector<16xf32>
      %swap3A_714 = vector.shape_cast %get3A_708 : vector<16xf32> to vector<1x16xf32>
      tpu.vector_store %arg12[%swap3A_710, %swap3A_711], %swap3A_714 {add = true, strides = array<i32>} : memref<16x768xf32, #tpu.memory_space<vmem>>, vector<1x16xf32>,
      %get3A_715 = arith.constant 11 : i32
      %get3A_716 = arith.index_cast %get3A_715 : i32 to index
      %get3A_717 = arith.index_cast %mul3A_595 : i32 to index
      %get3A_718 = tpu.vector_load %arg7[%get3A_716, %get3A_717] {strides = array<i32>} : memref<16x768xf32, #tpu.memory_space<vmem>>, vector<1x16xf32>,
      %get3A_719 = vector.shape_cast %get3A_718 : vector<1x16xf32> to vector<16xf32>
      %swap3A_720 = arith.constant 11 : i32
      %swap3A_721 = arith.index_cast %swap3A_720 : i32 to index
      %swap3A_722 = arith.index_cast %mul3A_595 : i32 to index
      %swap3A_723 = tpu.vector_load %arg12[%swap3A_721, %swap3A_722] {strides = array<i32>} : memref<16x768xf32, #tpu.memory_space<vmem>>, vector<1x16xf32>,
      %swap3A_724 = vector.shape_cast %swap3A_723 : vector<1x16xf32> to vector<16xf32>
      %swap3A_725 = vector.shape_cast %get3A_719 : vector<16xf32> to vector<1x16xf32>
      tpu.vector_store %arg12[%swap3A_721, %swap3A_722], %swap3A_725 {add = true, strides = array<i32>} : memref<16x768xf32, #tpu.memory_space<vmem>>, vector<1x16xf32>,
      %get3A_726 = arith.constant 12 : i32
      %get3A_727 = arith.index_cast %get3A_726 : i32 to index
      %get3A_728 = arith.index_cast %mul3A_595 : i32 to index
      %get3A_729 = tpu.vector_load %arg7[%get3A_727, %get3A_728] {strides = array<i32>} : memref<16x768xf32, #tpu.memory_space<vmem>>, vector<1x16xf32>,
      %get3A_730 = vector.shape_cast %get3A_729 : vector<1x16xf32> to vector<16xf32>
      %swap3A_731 = arith.constant 12 : i32
      %swap3A_732 = arith.index_cast %swap3A_731 : i32 to index
      %swap3A_733 = arith.index_cast %mul3A_595 : i32 to index
      %swap3A_734 = tpu.vector_load %arg12[%swap3A_732, %swap3A_733] {strides = array<i32>} : memref<16x768xf32, #tpu.memory_space<vmem>>, vector<1x16xf32>,
      %swap3A_735 = vector.shape_cast %swap3A_734 : vector<1x16xf32> to vector<16xf32>
      %swap3A_736 = vector.shape_cast %get3A_730 : vector<16xf32> to vector<1x16xf32>
      tpu.vector_store %arg12[%swap3A_732, %swap3A_733], %swap3A_736 {add = true, strides = array<i32>} : memref<16x768xf32, #tpu.memory_space<vmem>>, vector<1x16xf32>,
      %get3A_737 = arith.constant 13 : i32
      %get3A_738 = arith.index_cast %get3A_737 : i32 to index
      %get3A_739 = arith.index_cast %mul3A_595 : i32 to index
      %get3A_740 = tpu.vector_load %arg7[%get3A_738, %get3A_739] {strides = array<i32>} : memref<16x768xf32, #tpu.memory_space<vmem>>, vector<1x16xf32>,
      %get3A_741 = vector.shape_cast %get3A_740 : vector<1x16xf32> to vector<16xf32>
      %swap3A_742 = arith.constant 13 : i32
      %swap3A_743 = arith.index_cast %swap3A_742 : i32 to index
      %swap3A_744 = arith.index_cast %mul3A_595 : i32 to index
      %swap3A_745 = tpu.vector_load %arg12[%swap3A_743, %swap3A_744] {strides = array<i32>} : memref<16x768xf32, #tpu.memory_space<vmem>>, vector<1x16xf32>,
      %swap3A_746 = vector.shape_cast %swap3A_745 : vector<1x16xf32> to vector<16xf32>
      %swap3A_747 = vector.shape_cast %get3A_741 : vector<16xf32> to vector<1x16xf32>
      tpu.vector_store %arg12[%swap3A_743, %swap3A_744], %swap3A_747 {add = true, strides = array<i32>} : memref<16x768xf32, #tpu.memory_space<vmem>>, vector<1x16xf32>,
      %get3A_748 = arith.constant 14 : i32
      %get3A_749 = arith.index_cast %get3A_748 : i32 to index
      %get3A_750 = arith.index_cast %mul3A_595 : i32 to index
      %get3A_751 = tpu.vector_load %arg7[%get3A_749, %get3A_750] {strides = array<i32>} : memref<16x768xf32, #tpu.memory_space<vmem>>, vector<1x16xf32>,
      %get3A_752 = vector.shape_cast %get3A_751 : vector<1x16xf32> to vector<16xf32>
      %swap3A_753 = arith.constant 14 : i32
      %swap3A_754 = arith.index_cast %swap3A_753 : i32 to index
      %swap3A_755 = arith.index_cast %mul3A_595 : i32 to index
      %swap3A_756 = tpu.vector_load %arg12[%swap3A_754, %swap3A_755] {strides = array<i32>} : memref<16x768xf32, #tpu.memory_space<vmem>>, vector<1x16xf32>,
      %swap3A_757 = vector.shape_cast %swap3A_756 : vector<1x16xf32> to vector<16xf32>
      %swap3A_758 = vector.shape_cast %get3A_752 : vector<16xf32> to vector<1x16xf32>
      tpu.vector_store %arg12[%swap3A_754, %swap3A_755], %swap3A_758 {add = true, strides = array<i32>} : memref<16x768xf32, #tpu.memory_space<vmem>>, vector<1x16xf32>,
      %get3A_759 = arith.constant 15 : i32
      %get3A_760 = arith.index_cast %get3A_759 : i32 to index
      %get3A_761 = arith.index_cast %mul3A_595 : i32 to index
      %get3A_762 = tpu.vector_load %arg7[%get3A_760, %get3A_761] {strides = array<i32>} : memref<16x768xf32, #tpu.memory_space<vmem>>, vector<1x16xf32>,
      %get3A_763 = vector.shape_cast %get3A_762 : vector<1x16xf32> to vector<16xf32>
      %swap3A_764 = arith.constant 15 : i32
      %swap3A_765 = arith.index_cast %swap3A_764 : i32 to index
      %swap3A_766 = arith.index_cast %mul3A_595 : i32 to index
      %swap3A_767 = tpu.vector_load %arg12[%swap3A_765, %swap3A_766] {strides = array<i32>} : memref<16x768xf32, #tpu.memory_space<vmem>>, vector<1x16xf32>,
      %swap3A_768 = vector.shape_cast %swap3A_767 : vector<1x16xf32> to vector<16xf32>
      %swap3A_769 = vector.shape_cast %get3A_763 : vector<16xf32> to vector<1x16xf32>
      tpu.vector_store %arg12[%swap3A_765, %swap3A_766], %swap3A_769 {add = true, strides = array<i32>} : memref<16x768xf32, #tpu.memory_space<vmem>>, vector<1x16xf32>,
      %scan3A_770 = arith.constant 0 : i32
      scf.yield %scan3A_770 : i32
    }
    %scan3A_484 = arith.constant 48 : i32
    %add3A_485 = arith.constant 192 : i32
    %add3A_486 = arith.addi %mul3A_2, %add3A_485 : i32
    %dma_start3A_487 = arith.constant 0 : i32
    %dma_start3A_488 = tpu.memref_slice %arg5[%add3A_486, %dma_start3A_487] : memref<8192x768xf32, #tpu.memory_space<hbm>> -> memref<16x768xf32, #tpu.memory_space<hbm>>
    %dma_start3A_489 = arith.constant 0 : i32
    %dma_start3A_490 = tpu.memref_slice %arg5[%add3A_486, %dma_start3A_489] : memref<8192x768xf32, #tpu.memory_space<hbm>> -> memref<16x768xf32, #tpu.memory_space<hbm>>
    tpu.enqueue_dma source(%arg12 : memref<16x768xf32, #tpu.memory_space<vmem>>) target(%dma_start3A_490 : memref<16x768xf32, #tpu.memory_space<hbm>>) target_semaphore(%arg25 : memref<!tpu.dma_semaphore, #tpu.memory_space<semaphore_mem>>)
    %dma_wait3A_491 = arith.constant 208 : i32
    %dma_wait3A_492 = tpu.memref_slice %arg6[%dma_wait3A_491] : memref<256xi32, #tpu.memory_space<vmem>> -> memref<16xi32, #tpu.memory_space<vmem>>
    %dma_wait3A_493 = arith.constant 0 : i32
    %dma_wait3A_494 = arith.constant 0 : i32
    %dma_wait3A_495 = tpu.memref_slice %arg2[%dma_wait3A_493, %dma_wait3A_494] : memref<50257x768xf32, #tpu.memory_space<hbm>> -> memref<50257x768xf32, #tpu.memory_space<hbm>>
    tpu.wait_indirect_dma semaphore(%arg16 : memref<!tpu.dma_semaphore, #tpu.memory_space<semaphore_mem>>) src(%dma_wait3A_495 : memref<50257x768xf32, #tpu.memory_space<hbm>>) dst(%arg8 : memref<16x768xf32, #tpu.memory_space<vmem>>)
    %dma_wait3A_496 = arith.constant 0 : i32
    %dma_wait3A_497 = tpu.memref_slice %arg3[%add3A_436, %dma_wait3A_496] : memref<8192x768xf32, #tpu.memory_space<hbm>> -> memref<16x768xf32, #tpu.memory_space<hbm>>
    %dma_wait3A_498 = arith.constant 0 : i32
    %dma_wait3A_499 = tpu.memref_slice %arg3[%add3A_436, %dma_wait3A_498] : memref<8192x768xf32, #tpu.memory_space<hbm>> -> memref<16x768xf32, #tpu.memory_space<hbm>>
    tpu.wait_dma2 semaphore(%arg21 : memref<!tpu.dma_semaphore, #tpu.memory_space<semaphore_mem>>) src(%dma_wait3A_499 : memref<16x768xf32, #tpu.memory_space<hbm>>) dst(%arg13 : memref<16x768xf32, #tpu.memory_space<vmem>>)
    %dma_start3A_500 = arith.constant 240 : i32
    %dma_start3A_501 = tpu.memref_slice %arg6[%dma_start3A_500] : memref<256xi32, #tpu.memory_space<vmem>> -> memref<16xi32, #tpu.memory_space<vmem>>
    %dma_start3A_502 = arith.constant 0 : i32
    %dma_start3A_503 = arith.constant 0 : i32
    %dma_start3A_504 = tpu.memref_slice %arg2[%dma_start3A_502, %dma_start3A_503] : memref<50257x768xf32, #tpu.memory_space<hbm>> -> memref<50257x768xf32, #tpu.memory_space<hbm>>
    tpu.enqueue_indirect_dma source(%dma_start3A_504 : memref<50257x768xf32, #tpu.memory_space<hbm>>) target(%arg7 : memref<16x768xf32, #tpu.memory_space<vmem>>) offsets(%dma_start3A_501 : memref<16xi32, #tpu.memory_space<vmem>>) semaphore(%arg15 : memref<!tpu.dma_semaphore, #tpu.memory_space<semaphore_mem>>)
    %dma_wait3A_505 = arith.constant 0 : i32
    %dma_wait3A_506 = tpu.memref_slice %arg5[%add3A_412, %dma_wait3A_505] : memref<8192x768xf32, #tpu.memory_space<hbm>> -> memref<16x768xf32, #tpu.memory_space<hbm>>
    %dma_wait3A_507 = arith.constant 0 : i32
    %dma_wait3A_508 = tpu.memref_slice %arg5[%add3A_412, %dma_wait3A_507] : memref<8192x768xf32, #tpu.memory_space<hbm>> -> memref<16x768xf32, #tpu.memory_space<hbm>>
    tpu.wait_dma2 semaphore(%arg23 : memref<!tpu.dma_semaphore, #tpu.memory_space<semaphore_mem>>) src(%arg10 : memref<16x768xf32, #tpu.memory_space<vmem>>) dst(%dma_wait3A_508 : memref<16x768xf32, #tpu.memory_space<hbm>>)
    %add3A_509 = arith.constant 240 : i32
    %add3A_510 = arith.addi %mul3A_2, %add3A_509 : i32
    %dma_start3A_511 = arith.constant 0 : i32
    %dma_start3A_512 = tpu.memref_slice %arg3[%add3A_510, %dma_start3A_511] : memref<8192x768xf32, #tpu.memory_space<hbm>> -> memref<16x768xf32, #tpu.memory_space<hbm>>
    %dma_start3A_513 = arith.constant 0 : i32
    %dma_start3A_514 = tpu.memref_slice %arg3[%add3A_510, %dma_start3A_513] : memref<8192x768xf32, #tpu.memory_space<hbm>> -> memref<16x768xf32, #tpu.memory_space<hbm>>
    tpu.enqueue_dma source(%dma_start3A_514 : memref<16x768xf32, #tpu.memory_space<hbm>>) target(%arg10 : memref<16x768xf32, #tpu.memory_space<vmem>>) target_semaphore(%arg18 : memref<!tpu.dma_semaphore, #tpu.memory_space<semaphore_mem>>)
    %scan3A_515 = arith.constant 0 : i32
    %scan3A_516 = arith.constant 0 : i32
    %scan3A_517 = arith.constant 48 : i32
    %scan3A_518 = arith.addi %scan3A_516, %scan3A_517 : i32
    %scan3A_519 = arith.constant 1 : i32
    %scan3A_520 = scf.for %scan3A_592 = %scan3A_516 to %scan3A_518 step %scan3A_519 iter_args(%scan3A_593 = %scan3A_515) -> (i32)  : i32 {
      %mul3A_594 = arith.constant 16 : i32
      %mul3A_595 = arith.muli %scan3A_592, %mul3A_594 : i32
      %get3A = arith.constant 0 : i32
      %get3A_596 = arith.index_cast %get3A : i32 to index
      %get3A_597 = arith.index_cast %mul3A_595 : i32 to index
      %get3A_598 = tpu.vector_load %arg8[%get3A_596, %get3A_597] {strides = array<i32>} : memref<16x768xf32, #tpu.memory_space<vmem>>, vector<1x16xf32>,
      %get3A_599 = vector.shape_cast %get3A_598 : vector<1x16xf32> to vector<16xf32>
      %swap3A = arith.constant 0 : i32
      %swap3A_600 = arith.index_cast %swap3A : i32 to index
      %swap3A_601 = arith.index_cast %mul3A_595 : i32 to index
      %swap3A_602 = tpu.vector_load %arg13[%swap3A_600, %swap3A_601] {strides = array<i32>} : memref<16x768xf32, #tpu.memory_space<vmem>>, vector<1x16xf32>,
      %swap3A_603 = vector.shape_cast %swap3A_602 : vector<1x16xf32> to vector<16xf32>
      %swap3A_604 = vector.shape_cast %get3A_599 : vector<16xf32> to vector<1x16xf32>
      tpu.vector_store %arg13[%swap3A_600, %swap3A_601], %swap3A_604 {add = true, strides = array<i32>} : memref<16x768xf32, #tpu.memory_space<vmem>>, vector<1x16xf32>,
      %get3A_605 = arith.constant 1 : i32
      %get3A_606 = arith.index_cast %get3A_605 : i32 to index
      %get3A_607 = arith.index_cast %mul3A_595 : i32 to index
      %get3A_608 = tpu.vector_load %arg8[%get3A_606, %get3A_607] {strides = array<i32>} : memref<16x768xf32, #tpu.memory_space<vmem>>, vector<1x16xf32>,
      %get3A_609 = vector.shape_cast %get3A_608 : vector<1x16xf32> to vector<16xf32>
      %swap3A_610 = arith.constant 1 : i32
      %swap3A_611 = arith.index_cast %swap3A_610 : i32 to index
      %swap3A_612 = arith.index_cast %mul3A_595 : i32 to index
      %swap3A_613 = tpu.vector_load %arg13[%swap3A_611, %swap3A_612] {strides = array<i32>} : memref<16x768xf32, #tpu.memory_space<vmem>>, vector<1x16xf32>,
      %swap3A_614 = vector.shape_cast %swap3A_613 : vector<1x16xf32> to vector<16xf32>
      %swap3A_615 = vector.shape_cast %get3A_609 : vector<16xf32> to vector<1x16xf32>
      tpu.vector_store %arg13[%swap3A_611, %swap3A_612], %swap3A_615 {add = true, strides = array<i32>} : memref<16x768xf32, #tpu.memory_space<vmem>>, vector<1x16xf32>,
      %get3A_616 = arith.constant 2 : i32
      %get3A_617 = arith.index_cast %get3A_616 : i32 to index
      %get3A_618 = arith.index_cast %mul3A_595 : i32 to index
      %get3A_619 = tpu.vector_load %arg8[%get3A_617, %get3A_618] {strides = array<i32>} : memref<16x768xf32, #tpu.memory_space<vmem>>, vector<1x16xf32>,
      %get3A_620 = vector.shape_cast %get3A_619 : vector<1x16xf32> to vector<16xf32>
      %swap3A_621 = arith.constant 2 : i32
      %swap3A_622 = arith.index_cast %swap3A_621 : i32 to index
      %swap3A_623 = arith.index_cast %mul3A_595 : i32 to index
      %swap3A_624 = tpu.vector_load %arg13[%swap3A_622, %swap3A_623] {strides = array<i32>} : memref<16x768xf32, #tpu.memory_space<vmem>>, vector<1x16xf32>,
      %swap3A_625 = vector.shape_cast %swap3A_624 : vector<1x16xf32> to vector<16xf32>
      %swap3A_626 = vector.shape_cast %get3A_620 : vector<16xf32> to vector<1x16xf32>
      tpu.vector_store %arg13[%swap3A_622, %swap3A_623], %swap3A_626 {add = true, strides = array<i32>} : memref<16x768xf32, #tpu.memory_space<vmem>>, vector<1x16xf32>,
      %get3A_627 = arith.constant 3 : i32
      %get3A_628 = arith.index_cast %get3A_627 : i32 to index
      %get3A_629 = arith.index_cast %mul3A_595 : i32 to index
      %get3A_630 = tpu.vector_load %arg8[%get3A_628, %get3A_629] {strides = array<i32>} : memref<16x768xf32, #tpu.memory_space<vmem>>, vector<1x16xf32>,
      %get3A_631 = vector.shape_cast %get3A_630 : vector<1x16xf32> to vector<16xf32>
      %swap3A_632 = arith.constant 3 : i32
      %swap3A_633 = arith.index_cast %swap3A_632 : i32 to index
      %swap3A_634 = arith.index_cast %mul3A_595 : i32 to index
      %swap3A_635 = tpu.vector_load %arg13[%swap3A_633, %swap3A_634] {strides = array<i32>} : memref<16x768xf32, #tpu.memory_space<vmem>>, vector<1x16xf32>,
      %swap3A_636 = vector.shape_cast %swap3A_635 : vector<1x16xf32> to vector<16xf32>
      %swap3A_637 = vector.shape_cast %get3A_631 : vector<16xf32> to vector<1x16xf32>
      tpu.vector_store %arg13[%swap3A_633, %swap3A_634], %swap3A_637 {add = true, strides = array<i32>} : memref<16x768xf32, #tpu.memory_space<vmem>>, vector<1x16xf32>,
      %get3A_638 = arith.constant 4 : i32
      %get3A_639 = arith.index_cast %get3A_638 : i32 to index
      %get3A_640 = arith.index_cast %mul3A_595 : i32 to index
      %get3A_641 = tpu.vector_load %arg8[%get3A_639, %get3A_640] {strides = array<i32>} : memref<16x768xf32, #tpu.memory_space<vmem>>, vector<1x16xf32>,
      %get3A_642 = vector.shape_cast %get3A_641 : vector<1x16xf32> to vector<16xf32>
      %swap3A_643 = arith.constant 4 : i32
      %swap3A_644 = arith.index_cast %swap3A_643 : i32 to index
      %swap3A_645 = arith.index_cast %mul3A_595 : i32 to index
      %swap3A_646 = tpu.vector_load %arg13[%swap3A_644, %swap3A_645] {strides = array<i32>} : memref<16x768xf32, #tpu.memory_space<vmem>>, vector<1x16xf32>,
      %swap3A_647 = vector.shape_cast %swap3A_646 : vector<1x16xf32> to vector<16xf32>
      %swap3A_648 = vector.shape_cast %get3A_642 : vector<16xf32> to vector<1x16xf32>
      tpu.vector_store %arg13[%swap3A_644, %swap3A_645], %swap3A_648 {add = true, strides = array<i32>} : memref<16x768xf32, #tpu.memory_space<vmem>>, vector<1x16xf32>,
      %get3A_649 = arith.constant 5 : i32
      %get3A_650 = arith.index_cast %get3A_649 : i32 to index
      %get3A_651 = arith.index_cast %mul3A_595 : i32 to index
      %get3A_652 = tpu.vector_load %arg8[%get3A_650, %get3A_651] {strides = array<i32>} : memref<16x768xf32, #tpu.memory_space<vmem>>, vector<1x16xf32>,
      %get3A_653 = vector.shape_cast %get3A_652 : vector<1x16xf32> to vector<16xf32>
      %swap3A_654 = arith.constant 5 : i32
      %swap3A_655 = arith.index_cast %swap3A_654 : i32 to index
      %swap3A_656 = arith.index_cast %mul3A_595 : i32 to index
      %swap3A_657 = tpu.vector_load %arg13[%swap3A_655, %swap3A_656] {strides = array<i32>} : memref<16x768xf32, #tpu.memory_space<vmem>>, vector<1x16xf32>,
      %swap3A_658 = vector.shape_cast %swap3A_657 : vector<1x16xf32> to vector<16xf32>
      %swap3A_659 = vector.shape_cast %get3A_653 : vector<16xf32> to vector<1x16xf32>
      tpu.vector_store %arg13[%swap3A_655, %swap3A_656], %swap3A_659 {add = true, strides = array<i32>} : memref<16x768xf32, #tpu.memory_space<vmem>>, vector<1x16xf32>,
      %get3A_660 = arith.constant 6 : i32
      %get3A_661 = arith.index_cast %get3A_660 : i32 to index
      %get3A_662 = arith.index_cast %mul3A_595 : i32 to index
      %get3A_663 = tpu.vector_load %arg8[%get3A_661, %get3A_662] {strides = array<i32>} : memref<16x768xf32, #tpu.memory_space<vmem>>, vector<1x16xf32>,
      %get3A_664 = vector.shape_cast %get3A_663 : vector<1x16xf32> to vector<16xf32>
      %swap3A_665 = arith.constant 6 : i32
      %swap3A_666 = arith.index_cast %swap3A_665 : i32 to index
      %swap3A_667 = arith.index_cast %mul3A_595 : i32 to index
      %swap3A_668 = tpu.vector_load %arg13[%swap3A_666, %swap3A_667] {strides = array<i32>} : memref<16x768xf32, #tpu.memory_space<vmem>>, vector<1x16xf32>,
      %swap3A_669 = vector.shape_cast %swap3A_668 : vector<1x16xf32> to vector<16xf32>
      %swap3A_670 = vector.shape_cast %get3A_664 : vector<16xf32> to vector<1x16xf32>
      tpu.vector_store %arg13[%swap3A_666, %swap3A_667], %swap3A_670 {add = true, strides = array<i32>} : memref<16x768xf32, #tpu.memory_space<vmem>>, vector<1x16xf32>,
      %get3A_671 = arith.constant 7 : i32
      %get3A_672 = arith.index_cast %get3A_671 : i32 to index
      %get3A_673 = arith.index_cast %mul3A_595 : i32 to index
      %get3A_674 = tpu.vector_load %arg8[%get3A_672, %get3A_673] {strides = array<i32>} : memref<16x768xf32, #tpu.memory_space<vmem>>, vector<1x16xf32>,
      %get3A_675 = vector.shape_cast %get3A_674 : vector<1x16xf32> to vector<16xf32>
      %swap3A_676 = arith.constant 7 : i32
      %swap3A_677 = arith.index_cast %swap3A_676 : i32 to index
      %swap3A_678 = arith.index_cast %mul3A_595 : i32 to index
      %swap3A_679 = tpu.vector_load %arg13[%swap3A_677, %swap3A_678] {strides = array<i32>} : memref<16x768xf32, #tpu.memory_space<vmem>>, vector<1x16xf32>,
      %swap3A_680 = vector.shape_cast %swap3A_679 : vector<1x16xf32> to vector<16xf32>
      %swap3A_681 = vector.shape_cast %get3A_675 : vector<16xf32> to vector<1x16xf32>
      tpu.vector_store %arg13[%swap3A_677, %swap3A_678], %swap3A_681 {add = true, strides = array<i32>} : memref<16x768xf32, #tpu.memory_space<vmem>>, vector<1x16xf32>,
      %get3A_682 = arith.constant 8 : i32
      %get3A_683 = arith.index_cast %get3A_682 : i32 to index
      %get3A_684 = arith.index_cast %mul3A_595 : i32 to index
      %get3A_685 = tpu.vector_load %arg8[%get3A_683, %get3A_684] {strides = array<i32>} : memref<16x768xf32, #tpu.memory_space<vmem>>, vector<1x16xf32>,
      %get3A_686 = vector.shape_cast %get3A_685 : vector<1x16xf32> to vector<16xf32>
      %swap3A_687 = arith.constant 8 : i32
      %swap3A_688 = arith.index_cast %swap3A_687 : i32 to index
      %swap3A_689 = arith.index_cast %mul3A_595 : i32 to index
      %swap3A_690 = tpu.vector_load %arg13[%swap3A_688, %swap3A_689] {strides = array<i32>} : memref<16x768xf32, #tpu.memory_space<vmem>>, vector<1x16xf32>,
      %swap3A_691 = vector.shape_cast %swap3A_690 : vector<1x16xf32> to vector<16xf32>
      %swap3A_692 = vector.shape_cast %get3A_686 : vector<16xf32> to vector<1x16xf32>
      tpu.vector_store %arg13[%swap3A_688, %swap3A_689], %swap3A_692 {add = true, strides = array<i32>} : memref<16x768xf32, #tpu.memory_space<vmem>>, vector<1x16xf32>,
      %get3A_693 = arith.constant 9 : i32
      %get3A_694 = arith.index_cast %get3A_693 : i32 to index
      %get3A_695 = arith.index_cast %mul3A_595 : i32 to index
      %get3A_696 = tpu.vector_load %arg8[%get3A_694, %get3A_695] {strides = array<i32>} : memref<16x768xf32, #tpu.memory_space<vmem>>, vector<1x16xf32>,
      %get3A_697 = vector.shape_cast %get3A_696 : vector<1x16xf32> to vector<16xf32>
      %swap3A_698 = arith.constant 9 : i32
      %swap3A_699 = arith.index_cast %swap3A_698 : i32 to index
      %swap3A_700 = arith.index_cast %mul3A_595 : i32 to index
      %swap3A_701 = tpu.vector_load %arg13[%swap3A_699, %swap3A_700] {strides = array<i32>} : memref<16x768xf32, #tpu.memory_space<vmem>>, vector<1x16xf32>,
      %swap3A_702 = vector.shape_cast %swap3A_701 : vector<1x16xf32> to vector<16xf32>
      %swap3A_703 = vector.shape_cast %get3A_697 : vector<16xf32> to vector<1x16xf32>
      tpu.vector_store %arg13[%swap3A_699, %swap3A_700], %swap3A_703 {add = true, strides = array<i32>} : memref<16x768xf32, #tpu.memory_space<vmem>>, vector<1x16xf32>,
      %get3A_704 = arith.constant 10 : i32
      %get3A_705 = arith.index_cast %get3A_704 : i32 to index
      %get3A_706 = arith.index_cast %mul3A_595 : i32 to index
      %get3A_707 = tpu.vector_load %arg8[%get3A_705, %get3A_706] {strides = array<i32>} : memref<16x768xf32, #tpu.memory_space<vmem>>, vector<1x16xf32>,
      %get3A_708 = vector.shape_cast %get3A_707 : vector<1x16xf32> to vector<16xf32>
      %swap3A_709 = arith.constant 10 : i32
      %swap3A_710 = arith.index_cast %swap3A_709 : i32 to index
      %swap3A_711 = arith.index_cast %mul3A_595 : i32 to index
      %swap3A_712 = tpu.vector_load %arg13[%swap3A_710, %swap3A_711] {strides = array<i32>} : memref<16x768xf32, #tpu.memory_space<vmem>>, vector<1x16xf32>,
      %swap3A_713 = vector.shape_cast %swap3A_712 : vector<1x16xf32> to vector<16xf32>
      %swap3A_714 = vector.shape_cast %get3A_708 : vector<16xf32> to vector<1x16xf32>
      tpu.vector_store %arg13[%swap3A_710, %swap3A_711], %swap3A_714 {add = true, strides = array<i32>} : memref<16x768xf32, #tpu.memory_space<vmem>>, vector<1x16xf32>,
      %get3A_715 = arith.constant 11 : i32
      %get3A_716 = arith.index_cast %get3A_715 : i32 to index
      %get3A_717 = arith.index_cast %mul3A_595 : i32 to index
      %get3A_718 = tpu.vector_load %arg8[%get3A_716, %get3A_717] {strides = array<i32>} : memref<16x768xf32, #tpu.memory_space<vmem>>, vector<1x16xf32>,
      %get3A_719 = vector.shape_cast %get3A_718 : vector<1x16xf32> to vector<16xf32>
      %swap3A_720 = arith.constant 11 : i32
      %swap3A_721 = arith.index_cast %swap3A_720 : i32 to index
      %swap3A_722 = arith.index_cast %mul3A_595 : i32 to index
      %swap3A_723 = tpu.vector_load %arg13[%swap3A_721, %swap3A_722] {strides = array<i32>} : memref<16x768xf32, #tpu.memory_space<vmem>>, vector<1x16xf32>,
      %swap3A_724 = vector.shape_cast %swap3A_723 : vector<1x16xf32> to vector<16xf32>
      %swap3A_725 = vector.shape_cast %get3A_719 : vector<16xf32> to vector<1x16xf32>
      tpu.vector_store %arg13[%swap3A_721, %swap3A_722], %swap3A_725 {add = true, strides = array<i32>} : memref<16x768xf32, #tpu.memory_space<vmem>>, vector<1x16xf32>,
      %get3A_726 = arith.constant 12 : i32
      %get3A_727 = arith.index_cast %get3A_726 : i32 to index
      %get3A_728 = arith.index_cast %mul3A_595 : i32 to index
      %get3A_729 = tpu.vector_load %arg8[%get3A_727, %get3A_728] {strides = array<i32>} : memref<16x768xf32, #tpu.memory_space<vmem>>, vector<1x16xf32>,
      %get3A_730 = vector.shape_cast %get3A_729 : vector<1x16xf32> to vector<16xf32>
      %swap3A_731 = arith.constant 12 : i32
      %swap3A_732 = arith.index_cast %swap3A_731 : i32 to index
      %swap3A_733 = arith.index_cast %mul3A_595 : i32 to index
      %swap3A_734 = tpu.vector_load %arg13[%swap3A_732, %swap3A_733] {strides = array<i32>} : memref<16x768xf32, #tpu.memory_space<vmem>>, vector<1x16xf32>,
      %swap3A_735 = vector.shape_cast %swap3A_734 : vector<1x16xf32> to vector<16xf32>
      %swap3A_736 = vector.shape_cast %get3A_730 : vector<16xf32> to vector<1x16xf32>
      tpu.vector_store %arg13[%swap3A_732, %swap3A_733], %swap3A_736 {add = true, strides = array<i32>} : memref<16x768xf32, #tpu.memory_space<vmem>>, vector<1x16xf32>,
      %get3A_737 = arith.constant 13 : i32
      %get3A_738 = arith.index_cast %get3A_737 : i32 to index
      %get3A_739 = arith.index_cast %mul3A_595 : i32 to index
      %get3A_740 = tpu.vector_load %arg8[%get3A_738, %get3A_739] {strides = array<i32>} : memref<16x768xf32, #tpu.memory_space<vmem>>, vector<1x16xf32>,
      %get3A_741 = vector.shape_cast %get3A_740 : vector<1x16xf32> to vector<16xf32>
      %swap3A_742 = arith.constant 13 : i32
      %swap3A_743 = arith.index_cast %swap3A_742 : i32 to index
      %swap3A_744 = arith.index_cast %mul3A_595 : i32 to index
      %swap3A_745 = tpu.vector_load %arg13[%swap3A_743, %swap3A_744] {strides = array<i32>} : memref<16x768xf32, #tpu.memory_space<vmem>>, vector<1x16xf32>,
      %swap3A_746 = vector.shape_cast %swap3A_745 : vector<1x16xf32> to vector<16xf32>
      %swap3A_747 = vector.shape_cast %get3A_741 : vector<16xf32> to vector<1x16xf32>
      tpu.vector_store %arg13[%swap3A_743, %swap3A_744], %swap3A_747 {add = true, strides = array<i32>} : memref<16x768xf32, #tpu.memory_space<vmem>>, vector<1x16xf32>,
      %get3A_748 = arith.constant 14 : i32
      %get3A_749 = arith.index_cast %get3A_748 : i32 to index
      %get3A_750 = arith.index_cast %mul3A_595 : i32 to index
      %get3A_751 = tpu.vector_load %arg8[%get3A_749, %get3A_750] {strides = array<i32>} : memref<16x768xf32, #tpu.memory_space<vmem>>, vector<1x16xf32>,
      %get3A_752 = vector.shape_cast %get3A_751 : vector<1x16xf32> to vector<16xf32>
      %swap3A_753 = arith.constant 14 : i32
      %swap3A_754 = arith.index_cast %swap3A_753 : i32 to index
      %swap3A_755 = arith.index_cast %mul3A_595 : i32 to index
      %swap3A_756 = tpu.vector_load %arg13[%swap3A_754, %swap3A_755] {strides = array<i32>} : memref<16x768xf32, #tpu.memory_space<vmem>>, vector<1x16xf32>,
      %swap3A_757 = vector.shape_cast %swap3A_756 : vector<1x16xf32> to vector<16xf32>
      %swap3A_758 = vector.shape_cast %get3A_752 : vector<16xf32> to vector<1x16xf32>
      tpu.vector_store %arg13[%swap3A_754, %swap3A_755], %swap3A_758 {add = true, strides = array<i32>} : memref<16x768xf32, #tpu.memory_space<vmem>>, vector<1x16xf32>,
      %get3A_759 = arith.constant 15 : i32
      %get3A_760 = arith.index_cast %get3A_759 : i32 to index
      %get3A_761 = arith.index_cast %mul3A_595 : i32 to index
      %get3A_762 = tpu.vector_load %arg8[%get3A_760, %get3A_761] {strides = array<i32>} : memref<16x768xf32, #tpu.memory_space<vmem>>, vector<1x16xf32>,
      %get3A_763 = vector.shape_cast %get3A_762 : vector<1x16xf32> to vector<16xf32>
      %swap3A_764 = arith.constant 15 : i32
      %swap3A_765 = arith.index_cast %swap3A_764 : i32 to index
      %swap3A_766 = arith.index_cast %mul3A_595 : i32 to index
      %swap3A_767 = tpu.vector_load %arg13[%swap3A_765, %swap3A_766] {strides = array<i32>} : memref<16x768xf32, #tpu.memory_space<vmem>>, vector<1x16xf32>,
      %swap3A_768 = vector.shape_cast %swap3A_767 : vector<1x16xf32> to vector<16xf32>
      %swap3A_769 = vector.shape_cast %get3A_763 : vector<16xf32> to vector<1x16xf32>
      tpu.vector_store %arg13[%swap3A_765, %swap3A_766], %swap3A_769 {add = true, strides = array<i32>} : memref<16x768xf32, #tpu.memory_space<vmem>>, vector<1x16xf32>,
      %scan3A_770 = arith.constant 0 : i32
      scf.yield %scan3A_770 : i32
    }
    %scan3A_521 = arith.constant 48 : i32
    %add3A_522 = arith.constant 208 : i32
    %add3A_523 = arith.addi %mul3A_2, %add3A_522 : i32
    %dma_start3A_524 = arith.constant 0 : i32
    %dma_start3A_525 = tpu.memref_slice %arg5[%add3A_523, %dma_start3A_524] : memref<8192x768xf32, #tpu.memory_space<hbm>> -> memref<16x768xf32, #tpu.memory_space<hbm>>
    %dma_start3A_526 = arith.constant 0 : i32
    %dma_start3A_527 = tpu.memref_slice %arg5[%add3A_523, %dma_start3A_526] : memref<8192x768xf32, #tpu.memory_space<hbm>> -> memref<16x768xf32, #tpu.memory_space<hbm>>
    tpu.enqueue_dma source(%arg13 : memref<16x768xf32, #tpu.memory_space<vmem>>) target(%dma_start3A_527 : memref<16x768xf32, #tpu.memory_space<hbm>>) target_semaphore(%arg26 : memref<!tpu.dma_semaphore, #tpu.memory_space<semaphore_mem>>)
    %dma_wait3A_528 = arith.constant 224 : i32
    %dma_wait3A_529 = tpu.memref_slice %arg6[%dma_wait3A_528] : memref<256xi32, #tpu.memory_space<vmem>> -> memref<16xi32, #tpu.memory_space<vmem>>
    %dma_wait3A_530 = arith.constant 0 : i32
    %dma_wait3A_531 = arith.constant 0 : i32
    %dma_wait3A_532 = tpu.memref_slice %arg2[%dma_wait3A_530, %dma_wait3A_531] : memref<50257x768xf32, #tpu.memory_space<hbm>> -> memref<50257x768xf32, #tpu.memory_space<hbm>>
    tpu.wait_indirect_dma semaphore(%arg17 : memref<!tpu.dma_semaphore, #tpu.memory_space<semaphore_mem>>) src(%dma_wait3A_532 : memref<50257x768xf32, #tpu.memory_space<hbm>>) dst(%arg9 : memref<16x768xf32, #tpu.memory_space<vmem>>)
    %dma_wait3A_533 = arith.constant 0 : i32
    %dma_wait3A_534 = tpu.memref_slice %arg3[%add3A_473, %dma_wait3A_533] : memref<8192x768xf32, #tpu.memory_space<hbm>> -> memref<16x768xf32, #tpu.memory_space<hbm>>
    %dma_wait3A_535 = arith.constant 0 : i32
    %dma_wait3A_536 = tpu.memref_slice %arg3[%add3A_473, %dma_wait3A_535] : memref<8192x768xf32, #tpu.memory_space<hbm>> -> memref<16x768xf32, #tpu.memory_space<hbm>>
    tpu.wait_dma2 semaphore(%arg22 : memref<!tpu.dma_semaphore, #tpu.memory_space<semaphore_mem>>) src(%dma_wait3A_536 : memref<16x768xf32, #tpu.memory_space<hbm>>) dst(%arg14 : memref<16x768xf32, #tpu.memory_space<vmem>>)
    %scan3A_537 = arith.constant 0 : i32
    %scan3A_538 = arith.constant 0 : i32
    %scan3A_539 = arith.constant 48 : i32
    %scan3A_540 = arith.addi %scan3A_538, %scan3A_539 : i32
    %scan3A_541 = arith.constant 1 : i32
    %scan3A_542 = scf.for %scan3A_592 = %scan3A_538 to %scan3A_540 step %scan3A_541 iter_args(%scan3A_593 = %scan3A_537) -> (i32)  : i32 {
      %mul3A_594 = arith.constant 16 : i32
      %mul3A_595 = arith.muli %scan3A_592, %mul3A_594 : i32
      %get3A = arith.constant 0 : i32
      %get3A_596 = arith.index_cast %get3A : i32 to index
      %get3A_597 = arith.index_cast %mul3A_595 : i32 to index
      %get3A_598 = tpu.vector_load %arg9[%get3A_596, %get3A_597] {strides = array<i32>} : memref<16x768xf32, #tpu.memory_space<vmem>>, vector<1x16xf32>,
      %get3A_599 = vector.shape_cast %get3A_598 : vector<1x16xf32> to vector<16xf32>
      %swap3A = arith.constant 0 : i32
      %swap3A_600 = arith.index_cast %swap3A : i32 to index
      %swap3A_601 = arith.index_cast %mul3A_595 : i32 to index
      %swap3A_602 = tpu.vector_load %arg14[%swap3A_600, %swap3A_601] {strides = array<i32>} : memref<16x768xf32, #tpu.memory_space<vmem>>, vector<1x16xf32>,
      %swap3A_603 = vector.shape_cast %swap3A_602 : vector<1x16xf32> to vector<16xf32>
      %swap3A_604 = vector.shape_cast %get3A_599 : vector<16xf32> to vector<1x16xf32>
      tpu.vector_store %arg14[%swap3A_600, %swap3A_601], %swap3A_604 {add = true, strides = array<i32>} : memref<16x768xf32, #tpu.memory_space<vmem>>, vector<1x16xf32>,
      %get3A_605 = arith.constant 1 : i32
      %get3A_606 = arith.index_cast %get3A_605 : i32 to index
      %get3A_607 = arith.index_cast %mul3A_595 : i32 to index
      %get3A_608 = tpu.vector_load %arg9[%get3A_606, %get3A_607] {strides = array<i32>} : memref<16x768xf32, #tpu.memory_space<vmem>>, vector<1x16xf32>,
      %get3A_609 = vector.shape_cast %get3A_608 : vector<1x16xf32> to vector<16xf32>
      %swap3A_610 = arith.constant 1 : i32
      %swap3A_611 = arith.index_cast %swap3A_610 : i32 to index
      %swap3A_612 = arith.index_cast %mul3A_595 : i32 to index
      %swap3A_613 = tpu.vector_load %arg14[%swap3A_611, %swap3A_612] {strides = array<i32>} : memref<16x768xf32, #tpu.memory_space<vmem>>, vector<1x16xf32>,
      %swap3A_614 = vector.shape_cast %swap3A_613 : vector<1x16xf32> to vector<16xf32>
      %swap3A_615 = vector.shape_cast %get3A_609 : vector<16xf32> to vector<1x16xf32>
      tpu.vector_store %arg14[%swap3A_611, %swap3A_612], %swap3A_615 {add = true, strides = array<i32>} : memref<16x768xf32, #tpu.memory_space<vmem>>, vector<1x16xf32>,
      %get3A_616 = arith.constant 2 : i32
      %get3A_617 = arith.index_cast %get3A_616 : i32 to index
      %get3A_618 = arith.index_cast %mul3A_595 : i32 to index
      %get3A_619 = tpu.vector_load %arg9[%get3A_617, %get3A_618] {strides = array<i32>} : memref<16x768xf32, #tpu.memory_space<vmem>>, vector<1x16xf32>,
      %get3A_620 = vector.shape_cast %get3A_619 : vector<1x16xf32> to vector<16xf32>
      %swap3A_621 = arith.constant 2 : i32
      %swap3A_622 = arith.index_cast %swap3A_621 : i32 to index
      %swap3A_623 = arith.index_cast %mul3A_595 : i32 to index
      %swap3A_624 = tpu.vector_load %arg14[%swap3A_622, %swap3A_623] {strides = array<i32>} : memref<16x768xf32, #tpu.memory_space<vmem>>, vector<1x16xf32>,
      %swap3A_625 = vector.shape_cast %swap3A_624 : vector<1x16xf32> to vector<16xf32>
      %swap3A_626 = vector.shape_cast %get3A_620 : vector<16xf32> to vector<1x16xf32>
      tpu.vector_store %arg14[%swap3A_622, %swap3A_623], %swap3A_626 {add = true, strides = array<i32>} : memref<16x768xf32, #tpu.memory_space<vmem>>, vector<1x16xf32>,
      %get3A_627 = arith.constant 3 : i32
      %get3A_628 = arith.index_cast %get3A_627 : i32 to index
      %get3A_629 = arith.index_cast %mul3A_595 : i32 to index
      %get3A_630 = tpu.vector_load %arg9[%get3A_628, %get3A_629] {strides = array<i32>} : memref<16x768xf32, #tpu.memory_space<vmem>>, vector<1x16xf32>,
      %get3A_631 = vector.shape_cast %get3A_630 : vector<1x16xf32> to vector<16xf32>
      %swap3A_632 = arith.constant 3 : i32
      %swap3A_633 = arith.index_cast %swap3A_632 : i32 to index
      %swap3A_634 = arith.index_cast %mul3A_595 : i32 to index
      %swap3A_635 = tpu.vector_load %arg14[%swap3A_633, %swap3A_634] {strides = array<i32>} : memref<16x768xf32, #tpu.memory_space<vmem>>, vector<1x16xf32>,
      %swap3A_636 = vector.shape_cast %swap3A_635 : vector<1x16xf32> to vector<16xf32>
      %swap3A_637 = vector.shape_cast %get3A_631 : vector<16xf32> to vector<1x16xf32>
      tpu.vector_store %arg14[%swap3A_633, %swap3A_634], %swap3A_637 {add = true, strides = array<i32>} : memref<16x768xf32, #tpu.memory_space<vmem>>, vector<1x16xf32>,
      %get3A_638 = arith.constant 4 : i32
      %get3A_639 = arith.index_cast %get3A_638 : i32 to index
      %get3A_640 = arith.index_cast %mul3A_595 : i32 to index
      %get3A_641 = tpu.vector_load %arg9[%get3A_639, %get3A_640] {strides = array<i32>} : memref<16x768xf32, #tpu.memory_space<vmem>>, vector<1x16xf32>,
      %get3A_642 = vector.shape_cast %get3A_641 : vector<1x16xf32> to vector<16xf32>
      %swap3A_643 = arith.constant 4 : i32
      %swap3A_644 = arith.index_cast %swap3A_643 : i32 to index
      %swap3A_645 = arith.index_cast %mul3A_595 : i32 to index
      %swap3A_646 = tpu.vector_load %arg14[%swap3A_644, %swap3A_645] {strides = array<i32>} : memref<16x768xf32, #tpu.memory_space<vmem>>, vector<1x16xf32>,
      %swap3A_647 = vector.shape_cast %swap3A_646 : vector<1x16xf32> to vector<16xf32>
      %swap3A_648 = vector.shape_cast %get3A_642 : vector<16xf32> to vector<1x16xf32>
      tpu.vector_store %arg14[%swap3A_644, %swap3A_645], %swap3A_648 {add = true, strides = array<i32>} : memref<16x768xf32, #tpu.memory_space<vmem>>, vector<1x16xf32>,
      %get3A_649 = arith.constant 5 : i32
      %get3A_650 = arith.index_cast %get3A_649 : i32 to index
      %get3A_651 = arith.index_cast %mul3A_595 : i32 to index
      %get3A_652 = tpu.vector_load %arg9[%get3A_650, %get3A_651] {strides = array<i32>} : memref<16x768xf32, #tpu.memory_space<vmem>>, vector<1x16xf32>,
      %get3A_653 = vector.shape_cast %get3A_652 : vector<1x16xf32> to vector<16xf32>
      %swap3A_654 = arith.constant 5 : i32
      %swap3A_655 = arith.index_cast %swap3A_654 : i32 to index
      %swap3A_656 = arith.index_cast %mul3A_595 : i32 to index
      %swap3A_657 = tpu.vector_load %arg14[%swap3A_655, %swap3A_656] {strides = array<i32>} : memref<16x768xf32, #tpu.memory_space<vmem>>, vector<1x16xf32>,
      %swap3A_658 = vector.shape_cast %swap3A_657 : vector<1x16xf32> to vector<16xf32>
      %swap3A_659 = vector.shape_cast %get3A_653 : vector<16xf32> to vector<1x16xf32>
      tpu.vector_store %arg14[%swap3A_655, %swap3A_656], %swap3A_659 {add = true, strides = array<i32>} : memref<16x768xf32, #tpu.memory_space<vmem>>, vector<1x16xf32>,
      %get3A_660 = arith.constant 6 : i32
      %get3A_661 = arith.index_cast %get3A_660 : i32 to index
      %get3A_662 = arith.index_cast %mul3A_595 : i32 to index
      %get3A_663 = tpu.vector_load %arg9[%get3A_661, %get3A_662] {strides = array<i32>} : memref<16x768xf32, #tpu.memory_space<vmem>>, vector<1x16xf32>,
      %get3A_664 = vector.shape_cast %get3A_663 : vector<1x16xf32> to vector<16xf32>
      %swap3A_665 = arith.constant 6 : i32
      %swap3A_666 = arith.index_cast %swap3A_665 : i32 to index
      %swap3A_667 = arith.index_cast %mul3A_595 : i32 to index
      %swap3A_668 = tpu.vector_load %arg14[%swap3A_666, %swap3A_667] {strides = array<i32>} : memref<16x768xf32, #tpu.memory_space<vmem>>, vector<1x16xf32>,
      %swap3A_669 = vector.shape_cast %swap3A_668 : vector<1x16xf32> to vector<16xf32>
      %swap3A_670 = vector.shape_cast %get3A_664 : vector<16xf32> to vector<1x16xf32>
      tpu.vector_store %arg14[%swap3A_666, %swap3A_667], %swap3A_670 {add = true, strides = array<i32>} : memref<16x768xf32, #tpu.memory_space<vmem>>, vector<1x16xf32>,
      %get3A_671 = arith.constant 7 : i32
      %get3A_672 = arith.index_cast %get3A_671 : i32 to index
      %get3A_673 = arith.index_cast %mul3A_595 : i32 to index
      %get3A_674 = tpu.vector_load %arg9[%get3A_672, %get3A_673] {strides = array<i32>} : memref<16x768xf32, #tpu.memory_space<vmem>>, vector<1x16xf32>,
      %get3A_675 = vector.shape_cast %get3A_674 : vector<1x16xf32> to vector<16xf32>
      %swap3A_676 = arith.constant 7 : i32
      %swap3A_677 = arith.index_cast %swap3A_676 : i32 to index
      %swap3A_678 = arith.index_cast %mul3A_595 : i32 to index
      %swap3A_679 = tpu.vector_load %arg14[%swap3A_677, %swap3A_678] {strides = array<i32>} : memref<16x768xf32, #tpu.memory_space<vmem>>, vector<1x16xf32>,
      %swap3A_680 = vector.shape_cast %swap3A_679 : vector<1x16xf32> to vector<16xf32>
      %swap3A_681 = vector.shape_cast %get3A_675 : vector<16xf32> to vector<1x16xf32>
      tpu.vector_store %arg14[%swap3A_677, %swap3A_678], %swap3A_681 {add = true, strides = array<i32>} : memref<16x768xf32, #tpu.memory_space<vmem>>, vector<1x16xf32>,
      %get3A_682 = arith.constant 8 : i32
      %get3A_683 = arith.index_cast %get3A_682 : i32 to index
      %get3A_684 = arith.index_cast %mul3A_595 : i32 to index
      %get3A_685 = tpu.vector_load %arg9[%get3A_683, %get3A_684] {strides = array<i32>} : memref<16x768xf32, #tpu.memory_space<vmem>>, vector<1x16xf32>,
      %get3A_686 = vector.shape_cast %get3A_685 : vector<1x16xf32> to vector<16xf32>
      %swap3A_687 = arith.constant 8 : i32
      %swap3A_688 = arith.index_cast %swap3A_687 : i32 to index
      %swap3A_689 = arith.index_cast %mul3A_595 : i32 to index
      %swap3A_690 = tpu.vector_load %arg14[%swap3A_688, %swap3A_689] {strides = array<i32>} : memref<16x768xf32, #tpu.memory_space<vmem>>, vector<1x16xf32>,
      %swap3A_691 = vector.shape_cast %swap3A_690 : vector<1x16xf32> to vector<16xf32>
      %swap3A_692 = vector.shape_cast %get3A_686 : vector<16xf32> to vector<1x16xf32>
      tpu.vector_store %arg14[%swap3A_688, %swap3A_689], %swap3A_692 {add = true, strides = array<i32>} : memref<16x768xf32, #tpu.memory_space<vmem>>, vector<1x16xf32>,
      %get3A_693 = arith.constant 9 : i32
      %get3A_694 = arith.index_cast %get3A_693 : i32 to index
      %get3A_695 = arith.index_cast %mul3A_595 : i32 to index
      %get3A_696 = tpu.vector_load %arg9[%get3A_694, %get3A_695] {strides = array<i32>} : memref<16x768xf32, #tpu.memory_space<vmem>>, vector<1x16xf32>,
      %get3A_697 = vector.shape_cast %get3A_696 : vector<1x16xf32> to vector<16xf32>
      %swap3A_698 = arith.constant 9 : i32
      %swap3A_699 = arith.index_cast %swap3A_698 : i32 to index
      %swap3A_700 = arith.index_cast %mul3A_595 : i32 to index
      %swap3A_701 = tpu.vector_load %arg14[%swap3A_699, %swap3A_700] {strides = array<i32>} : memref<16x768xf32, #tpu.memory_space<vmem>>, vector<1x16xf32>,
      %swap3A_702 = vector.shape_cast %swap3A_701 : vector<1x16xf32> to vector<16xf32>
      %swap3A_703 = vector.shape_cast %get3A_697 : vector<16xf32> to vector<1x16xf32>
      tpu.vector_store %arg14[%swap3A_699, %swap3A_700], %swap3A_703 {add = true, strides = array<i32>} : memref<16x768xf32, #tpu.memory_space<vmem>>, vector<1x16xf32>,
      %get3A_704 = arith.constant 10 : i32
      %get3A_705 = arith.index_cast %get3A_704 : i32 to index
      %get3A_706 = arith.index_cast %mul3A_595 : i32 to index
      %get3A_707 = tpu.vector_load %arg9[%get3A_705, %get3A_706] {strides = array<i32>} : memref<16x768xf32, #tpu.memory_space<vmem>>, vector<1x16xf32>,
      %get3A_708 = vector.shape_cast %get3A_707 : vector<1x16xf32> to vector<16xf32>
      %swap3A_709 = arith.constant 10 : i32
      %swap3A_710 = arith.index_cast %swap3A_709 : i32 to index
      %swap3A_711 = arith.index_cast %mul3A_595 : i32 to index
      %swap3A_712 = tpu.vector_load %arg14[%swap3A_710, %swap3A_711] {strides = array<i32>} : memref<16x768xf32, #tpu.memory_space<vmem>>, vector<1x16xf32>,
      %swap3A_713 = vector.shape_cast %swap3A_712 : vector<1x16xf32> to vector<16xf32>
      %swap3A_714 = vector.shape_cast %get3A_708 : vector<16xf32> to vector<1x16xf32>
      tpu.vector_store %arg14[%swap3A_710, %swap3A_711], %swap3A_714 {add = true, strides = array<i32>} : memref<16x768xf32, #tpu.memory_space<vmem>>, vector<1x16xf32>,
      %get3A_715 = arith.constant 11 : i32
      %get3A_716 = arith.index_cast %get3A_715 : i32 to index
      %get3A_717 = arith.index_cast %mul3A_595 : i32 to index
      %get3A_718 = tpu.vector_load %arg9[%get3A_716, %get3A_717] {strides = array<i32>} : memref<16x768xf32, #tpu.memory_space<vmem>>, vector<1x16xf32>,
      %get3A_719 = vector.shape_cast %get3A_718 : vector<1x16xf32> to vector<16xf32>
      %swap3A_720 = arith.constant 11 : i32
      %swap3A_721 = arith.index_cast %swap3A_720 : i32 to index
      %swap3A_722 = arith.index_cast %mul3A_595 : i32 to index
      %swap3A_723 = tpu.vector_load %arg14[%swap3A_721, %swap3A_722] {strides = array<i32>} : memref<16x768xf32, #tpu.memory_space<vmem>>, vector<1x16xf32>,
      %swap3A_724 = vector.shape_cast %swap3A_723 : vector<1x16xf32> to vector<16xf32>
      %swap3A_725 = vector.shape_cast %get3A_719 : vector<16xf32> to vector<1x16xf32>
      tpu.vector_store %arg14[%swap3A_721, %swap3A_722], %swap3A_725 {add = true, strides = array<i32>} : memref<16x768xf32, #tpu.memory_space<vmem>>, vector<1x16xf32>,
      %get3A_726 = arith.constant 12 : i32
      %get3A_727 = arith.index_cast %get3A_726 : i32 to index
      %get3A_728 = arith.index_cast %mul3A_595 : i32 to index
      %get3A_729 = tpu.vector_load %arg9[%get3A_727, %get3A_728] {strides = array<i32>} : memref<16x768xf32, #tpu.memory_space<vmem>>, vector<1x16xf32>,
      %get3A_730 = vector.shape_cast %get3A_729 : vector<1x16xf32> to vector<16xf32>
      %swap3A_731 = arith.constant 12 : i32
      %swap3A_732 = arith.index_cast %swap3A_731 : i32 to index
      %swap3A_733 = arith.index_cast %mul3A_595 : i32 to index
      %swap3A_734 = tpu.vector_load %arg14[%swap3A_732, %swap3A_733] {strides = array<i32>} : memref<16x768xf32, #tpu.memory_space<vmem>>, vector<1x16xf32>,
      %swap3A_735 = vector.shape_cast %swap3A_734 : vector<1x16xf32> to vector<16xf32>
      %swap3A_736 = vector.shape_cast %get3A_730 : vector<16xf32> to vector<1x16xf32>
      tpu.vector_store %arg14[%swap3A_732, %swap3A_733], %swap3A_736 {add = true, strides = array<i32>} : memref<16x768xf32, #tpu.memory_space<vmem>>, vector<1x16xf32>,
      %get3A_737 = arith.constant 13 : i32
      %get3A_738 = arith.index_cast %get3A_737 : i32 to index
      %get3A_739 = arith.index_cast %mul3A_595 : i32 to index
      %get3A_740 = tpu.vector_load %arg9[%get3A_738, %get3A_739] {strides = array<i32>} : memref<16x768xf32, #tpu.memory_space<vmem>>, vector<1x16xf32>,
      %get3A_741 = vector.shape_cast %get3A_740 : vector<1x16xf32> to vector<16xf32>
      %swap3A_742 = arith.constant 13 : i32
      %swap3A_743 = arith.index_cast %swap3A_742 : i32 to index
      %swap3A_744 = arith.index_cast %mul3A_595 : i32 to index
      %swap3A_745 = tpu.vector_load %arg14[%swap3A_743, %swap3A_744] {strides = array<i32>} : memref<16x768xf32, #tpu.memory_space<vmem>>, vector<1x16xf32>,
      %swap3A_746 = vector.shape_cast %swap3A_745 : vector<1x16xf32> to vector<16xf32>
      %swap3A_747 = vector.shape_cast %get3A_741 : vector<16xf32> to vector<1x16xf32>
      tpu.vector_store %arg14[%swap3A_743, %swap3A_744], %swap3A_747 {add = true, strides = array<i32>} : memref<16x768xf32, #tpu.memory_space<vmem>>, vector<1x16xf32>,
      %get3A_748 = arith.constant 14 : i32
      %get3A_749 = arith.index_cast %get3A_748 : i32 to index
      %get3A_750 = arith.index_cast %mul3A_595 : i32 to index
      %get3A_751 = tpu.vector_load %arg9[%get3A_749, %get3A_750] {strides = array<i32>} : memref<16x768xf32, #tpu.memory_space<vmem>>, vector<1x16xf32>,
      %get3A_752 = vector.shape_cast %get3A_751 : vector<1x16xf32> to vector<16xf32>
      %swap3A_753 = arith.constant 14 : i32
      %swap3A_754 = arith.index_cast %swap3A_753 : i32 to index
      %swap3A_755 = arith.index_cast %mul3A_595 : i32 to index
      %swap3A_756 = tpu.vector_load %arg14[%swap3A_754, %swap3A_755] {strides = array<i32>} : memref<16x768xf32, #tpu.memory_space<vmem>>, vector<1x16xf32>,
      %swap3A_757 = vector.shape_cast %swap3A_756 : vector<1x16xf32> to vector<16xf32>
      %swap3A_758 = vector.shape_cast %get3A_752 : vector<16xf32> to vector<1x16xf32>
      tpu.vector_store %arg14[%swap3A_754, %swap3A_755], %swap3A_758 {add = true, strides = array<i32>} : memref<16x768xf32, #tpu.memory_space<vmem>>, vector<1x16xf32>,
      %get3A_759 = arith.constant 15 : i32
      %get3A_760 = arith.index_cast %get3A_759 : i32 to index
      %get3A_761 = arith.index_cast %mul3A_595 : i32 to index
      %get3A_762 = tpu.vector_load %arg9[%get3A_760, %get3A_761] {strides = array<i32>} : memref<16x768xf32, #tpu.memory_space<vmem>>, vector<1x16xf32>,
      %get3A_763 = vector.shape_cast %get3A_762 : vector<1x16xf32> to vector<16xf32>
      %swap3A_764 = arith.constant 15 : i32
      %swap3A_765 = arith.index_cast %swap3A_764 : i32 to index
      %swap3A_766 = arith.index_cast %mul3A_595 : i32 to index
      %swap3A_767 = tpu.vector_load %arg14[%swap3A_765, %swap3A_766] {strides = array<i32>} : memref<16x768xf32, #tpu.memory_space<vmem>>, vector<1x16xf32>,
      %swap3A_768 = vector.shape_cast %swap3A_767 : vector<1x16xf32> to vector<16xf32>
      %swap3A_769 = vector.shape_cast %get3A_763 : vector<16xf32> to vector<1x16xf32>
      tpu.vector_store %arg14[%swap3A_765, %swap3A_766], %swap3A_769 {add = true, strides = array<i32>} : memref<16x768xf32, #tpu.memory_space<vmem>>, vector<1x16xf32>,
      %scan3A_770 = arith.constant 0 : i32
      scf.yield %scan3A_770 : i32
    }
    %scan3A_543 = arith.constant 48 : i32
    %add3A_544 = arith.constant 224 : i32
    %add3A_545 = arith.addi %mul3A_2, %add3A_544 : i32
    %dma_start3A_546 = arith.constant 0 : i32
    %dma_start3A_547 = tpu.memref_slice %arg5[%add3A_545, %dma_start3A_546] : memref<8192x768xf32, #tpu.memory_space<hbm>> -> memref<16x768xf32, #tpu.memory_space<hbm>>
    %dma_start3A_548 = arith.constant 0 : i32
    %dma_start3A_549 = tpu.memref_slice %arg5[%add3A_545, %dma_start3A_548] : memref<8192x768xf32, #tpu.memory_space<hbm>> -> memref<16x768xf32, #tpu.memory_space<hbm>>
    tpu.enqueue_dma source(%arg14 : memref<16x768xf32, #tpu.memory_space<vmem>>) target(%dma_start3A_549 : memref<16x768xf32, #tpu.memory_space<hbm>>) target_semaphore(%arg27 : memref<!tpu.dma_semaphore, #tpu.memory_space<semaphore_mem>>)
    %dma_wait3A_550 = arith.constant 240 : i32
    %dma_wait3A_551 = tpu.memref_slice %arg6[%dma_wait3A_550] : memref<256xi32, #tpu.memory_space<vmem>> -> memref<16xi32, #tpu.memory_space<vmem>>
    %dma_wait3A_552 = arith.constant 0 : i32
    %dma_wait3A_553 = arith.constant 0 : i32
    %dma_wait3A_554 = tpu.memref_slice %arg2[%dma_wait3A_552, %dma_wait3A_553] : memref<50257x768xf32, #tpu.memory_space<hbm>> -> memref<50257x768xf32, #tpu.memory_space<hbm>>
    tpu.wait_indirect_dma semaphore(%arg15 : memref<!tpu.dma_semaphore, #tpu.memory_space<semaphore_mem>>) src(%dma_wait3A_554 : memref<50257x768xf32, #tpu.memory_space<hbm>>) dst(%arg7 : memref<16x768xf32, #tpu.memory_space<vmem>>)
    %dma_wait3A_555 = arith.constant 0 : i32
    %dma_wait3A_556 = tpu.memref_slice %arg3[%add3A_510, %dma_wait3A_555] : memref<8192x768xf32, #tpu.memory_space<hbm>> -> memref<16x768xf32, #tpu.memory_space<hbm>>
    %dma_wait3A_557 = arith.constant 0 : i32
    %dma_wait3A_558 = tpu.memref_slice %arg3[%add3A_510, %dma_wait3A_557] : memref<8192x768xf32, #tpu.memory_space<hbm>> -> memref<16x768xf32, #tpu.memory_space<hbm>>
    tpu.wait_dma2 semaphore(%arg18 : memref<!tpu.dma_semaphore, #tpu.memory_space<semaphore_mem>>) src(%dma_wait3A_558 : memref<16x768xf32, #tpu.memory_space<hbm>>) dst(%arg10 : memref<16x768xf32, #tpu.memory_space<vmem>>)
    %scan3A_559 = arith.constant 0 : i32
    %scan3A_560 = arith.constant 0 : i32
    %scan3A_561 = arith.constant 48 : i32
    %scan3A_562 = arith.addi %scan3A_560, %scan3A_561 : i32
    %scan3A_563 = arith.constant 1 : i32
    %scan3A_564 = scf.for %scan3A_592 = %scan3A_560 to %scan3A_562 step %scan3A_563 iter_args(%scan3A_593 = %scan3A_559) -> (i32)  : i32 {
      %mul3A_594 = arith.constant 16 : i32
      %mul3A_595 = arith.muli %scan3A_592, %mul3A_594 : i32
      %get3A = arith.constant 0 : i32
      %get3A_596 = arith.index_cast %get3A : i32 to index
      %get3A_597 = arith.index_cast %mul3A_595 : i32 to index
      %get3A_598 = tpu.vector_load %arg7[%get3A_596, %get3A_597] {strides = array<i32>} : memref<16x768xf32, #tpu.memory_space<vmem>>, vector<1x16xf32>,
      %get3A_599 = vector.shape_cast %get3A_598 : vector<1x16xf32> to vector<16xf32>
      %swap3A = arith.constant 0 : i32
      %swap3A_600 = arith.index_cast %swap3A : i32 to index
      %swap3A_601 = arith.index_cast %mul3A_595 : i32 to index
      %swap3A_602 = tpu.vector_load %arg10[%swap3A_600, %swap3A_601] {strides = array<i32>} : memref<16x768xf32, #tpu.memory_space<vmem>>, vector<1x16xf32>,
      %swap3A_603 = vector.shape_cast %swap3A_602 : vector<1x16xf32> to vector<16xf32>
      %swap3A_604 = vector.shape_cast %get3A_599 : vector<16xf32> to vector<1x16xf32>
      tpu.vector_store %arg10[%swap3A_600, %swap3A_601], %swap3A_604 {add = true, strides = array<i32>} : memref<16x768xf32, #tpu.memory_space<vmem>>, vector<1x16xf32>,
      %get3A_605 = arith.constant 1 : i32
      %get3A_606 = arith.index_cast %get3A_605 : i32 to index
      %get3A_607 = arith.index_cast %mul3A_595 : i32 to index
      %get3A_608 = tpu.vector_load %arg7[%get3A_606, %get3A_607] {strides = array<i32>} : memref<16x768xf32, #tpu.memory_space<vmem>>, vector<1x16xf32>,
      %get3A_609 = vector.shape_cast %get3A_608 : vector<1x16xf32> to vector<16xf32>
      %swap3A_610 = arith.constant 1 : i32
      %swap3A_611 = arith.index_cast %swap3A_610 : i32 to index
      %swap3A_612 = arith.index_cast %mul3A_595 : i32 to index
      %swap3A_613 = tpu.vector_load %arg10[%swap3A_611, %swap3A_612] {strides = array<i32>} : memref<16x768xf32, #tpu.memory_space<vmem>>, vector<1x16xf32>,
      %swap3A_614 = vector.shape_cast %swap3A_613 : vector<1x16xf32> to vector<16xf32>
      %swap3A_615 = vector.shape_cast %get3A_609 : vector<16xf32> to vector<1x16xf32>
      tpu.vector_store %arg10[%swap3A_611, %swap3A_612], %swap3A_615 {add = true, strides = array<i32>} : memref<16x768xf32, #tpu.memory_space<vmem>>, vector<1x16xf32>,
      %get3A_616 = arith.constant 2 : i32
      %get3A_617 = arith.index_cast %get3A_616 : i32 to index
      %get3A_618 = arith.index_cast %mul3A_595 : i32 to index
      %get3A_619 = tpu.vector_load %arg7[%get3A_617, %get3A_618] {strides = array<i32>} : memref<16x768xf32, #tpu.memory_space<vmem>>, vector<1x16xf32>,
      %get3A_620 = vector.shape_cast %get3A_619 : vector<1x16xf32> to vector<16xf32>
      %swap3A_621 = arith.constant 2 : i32
      %swap3A_622 = arith.index_cast %swap3A_621 : i32 to index
      %swap3A_623 = arith.index_cast %mul3A_595 : i32 to index
      %swap3A_624 = tpu.vector_load %arg10[%swap3A_622, %swap3A_623] {strides = array<i32>} : memref<16x768xf32, #tpu.memory_space<vmem>>, vector<1x16xf32>,
      %swap3A_625 = vector.shape_cast %swap3A_624 : vector<1x16xf32> to vector<16xf32>
      %swap3A_626 = vector.shape_cast %get3A_620 : vector<16xf32> to vector<1x16xf32>
      tpu.vector_store %arg10[%swap3A_622, %swap3A_623], %swap3A_626 {add = true, strides = array<i32>} : memref<16x768xf32, #tpu.memory_space<vmem>>, vector<1x16xf32>,
      %get3A_627 = arith.constant 3 : i32
      %get3A_628 = arith.index_cast %get3A_627 : i32 to index
      %get3A_629 = arith.index_cast %mul3A_595 : i32 to index
      %get3A_630 = tpu.vector_load %arg7[%get3A_628, %get3A_629] {strides = array<i32>} : memref<16x768xf32, #tpu.memory_space<vmem>>, vector<1x16xf32>,
      %get3A_631 = vector.shape_cast %get3A_630 : vector<1x16xf32> to vector<16xf32>
      %swap3A_632 = arith.constant 3 : i32
      %swap3A_633 = arith.index_cast %swap3A_632 : i32 to index
      %swap3A_634 = arith.index_cast %mul3A_595 : i32 to index
      %swap3A_635 = tpu.vector_load %arg10[%swap3A_633, %swap3A_634] {strides = array<i32>} : memref<16x768xf32, #tpu.memory_space<vmem>>, vector<1x16xf32>,
      %swap3A_636 = vector.shape_cast %swap3A_635 : vector<1x16xf32> to vector<16xf32>
      %swap3A_637 = vector.shape_cast %get3A_631 : vector<16xf32> to vector<1x16xf32>
      tpu.vector_store %arg10[%swap3A_633, %swap3A_634], %swap3A_637 {add = true, strides = array<i32>} : memref<16x768xf32, #tpu.memory_space<vmem>>, vector<1x16xf32>,
      %get3A_638 = arith.constant 4 : i32
      %get3A_639 = arith.index_cast %get3A_638 : i32 to index
      %get3A_640 = arith.index_cast %mul3A_595 : i32 to index
      %get3A_641 = tpu.vector_load %arg7[%get3A_639, %get3A_640] {strides = array<i32>} : memref<16x768xf32, #tpu.memory_space<vmem>>, vector<1x16xf32>,
      %get3A_642 = vector.shape_cast %get3A_641 : vector<1x16xf32> to vector<16xf32>
      %swap3A_643 = arith.constant 4 : i32
      %swap3A_644 = arith.index_cast %swap3A_643 : i32 to index
      %swap3A_645 = arith.index_cast %mul3A_595 : i32 to index
      %swap3A_646 = tpu.vector_load %arg10[%swap3A_644, %swap3A_645] {strides = array<i32>} : memref<16x768xf32, #tpu.memory_space<vmem>>, vector<1x16xf32>,
      %swap3A_647 = vector.shape_cast %swap3A_646 : vector<1x16xf32> to vector<16xf32>
      %swap3A_648 = vector.shape_cast %get3A_642 : vector<16xf32> to vector<1x16xf32>
      tpu.vector_store %arg10[%swap3A_644, %swap3A_645], %swap3A_648 {add = true, strides = array<i32>} : memref<16x768xf32, #tpu.memory_space<vmem>>, vector<1x16xf32>,
      %get3A_649 = arith.constant 5 : i32
      %get3A_650 = arith.index_cast %get3A_649 : i32 to index
      %get3A_651 = arith.index_cast %mul3A_595 : i32 to index
      %get3A_652 = tpu.vector_load %arg7[%get3A_650, %get3A_651] {strides = array<i32>} : memref<16x768xf32, #tpu.memory_space<vmem>>, vector<1x16xf32>,
      %get3A_653 = vector.shape_cast %get3A_652 : vector<1x16xf32> to vector<16xf32>
      %swap3A_654 = arith.constant 5 : i32
      %swap3A_655 = arith.index_cast %swap3A_654 : i32 to index
      %swap3A_656 = arith.index_cast %mul3A_595 : i32 to index
      %swap3A_657 = tpu.vector_load %arg10[%swap3A_655, %swap3A_656] {strides = array<i32>} : memref<16x768xf32, #tpu.memory_space<vmem>>, vector<1x16xf32>,
      %swap3A_658 = vector.shape_cast %swap3A_657 : vector<1x16xf32> to vector<16xf32>
      %swap3A_659 = vector.shape_cast %get3A_653 : vector<16xf32> to vector<1x16xf32>
      tpu.vector_store %arg10[%swap3A_655, %swap3A_656], %swap3A_659 {add = true, strides = array<i32>} : memref<16x768xf32, #tpu.memory_space<vmem>>, vector<1x16xf32>,
      %get3A_660 = arith.constant 6 : i32
      %get3A_661 = arith.index_cast %get3A_660 : i32 to index
      %get3A_662 = arith.index_cast %mul3A_595 : i32 to index
      %get3A_663 = tpu.vector_load %arg7[%get3A_661, %get3A_662] {strides = array<i32>} : memref<16x768xf32, #tpu.memory_space<vmem>>, vector<1x16xf32>,
      %get3A_664 = vector.shape_cast %get3A_663 : vector<1x16xf32> to vector<16xf32>
      %swap3A_665 = arith.constant 6 : i32
      %swap3A_666 = arith.index_cast %swap3A_665 : i32 to index
      %swap3A_667 = arith.index_cast %mul3A_595 : i32 to index
      %swap3A_668 = tpu.vector_load %arg10[%swap3A_666, %swap3A_667] {strides = array<i32>} : memref<16x768xf32, #tpu.memory_space<vmem>>, vector<1x16xf32>,
      %swap3A_669 = vector.shape_cast %swap3A_668 : vector<1x16xf32> to vector<16xf32>
      %swap3A_670 = vector.shape_cast %get3A_664 : vector<16xf32> to vector<1x16xf32>
      tpu.vector_store %arg10[%swap3A_666, %swap3A_667], %swap3A_670 {add = true, strides = array<i32>} : memref<16x768xf32, #tpu.memory_space<vmem>>, vector<1x16xf32>,
      %get3A_671 = arith.constant 7 : i32
      %get3A_672 = arith.index_cast %get3A_671 : i32 to index
      %get3A_673 = arith.index_cast %mul3A_595 : i32 to index
      %get3A_674 = tpu.vector_load %arg7[%get3A_672, %get3A_673] {strides = array<i32>} : memref<16x768xf32, #tpu.memory_space<vmem>>, vector<1x16xf32>,
      %get3A_675 = vector.shape_cast %get3A_674 : vector<1x16xf32> to vector<16xf32>
      %swap3A_676 = arith.constant 7 : i32
      %swap3A_677 = arith.index_cast %swap3A_676 : i32 to index
      %swap3A_678 = arith.index_cast %mul3A_595 : i32 to index
      %swap3A_679 = tpu.vector_load %arg10[%swap3A_677, %swap3A_678] {strides = array<i32>} : memref<16x768xf32, #tpu.memory_space<vmem>>, vector<1x16xf32>,
      %swap3A_680 = vector.shape_cast %swap3A_679 : vector<1x16xf32> to vector<16xf32>
      %swap3A_681 = vector.shape_cast %get3A_675 : vector<16xf32> to vector<1x16xf32>
      tpu.vector_store %arg10[%swap3A_677, %swap3A_678], %swap3A_681 {add = true, strides = array<i32>} : memref<16x768xf32, #tpu.memory_space<vmem>>, vector<1x16xf32>,
      %get3A_682 = arith.constant 8 : i32
      %get3A_683 = arith.index_cast %get3A_682 : i32 to index
      %get3A_684 = arith.index_cast %mul3A_595 : i32 to index
      %get3A_685 = tpu.vector_load %arg7[%get3A_683, %get3A_684] {strides = array<i32>} : memref<16x768xf32, #tpu.memory_space<vmem>>, vector<1x16xf32>,
      %get3A_686 = vector.shape_cast %get3A_685 : vector<1x16xf32> to vector<16xf32>
      %swap3A_687 = arith.constant 8 : i32
      %swap3A_688 = arith.index_cast %swap3A_687 : i32 to index
      %swap3A_689 = arith.index_cast %mul3A_595 : i32 to index
      %swap3A_690 = tpu.vector_load %arg10[%swap3A_688, %swap3A_689] {strides = array<i32>} : memref<16x768xf32, #tpu.memory_space<vmem>>, vector<1x16xf32>,
      %swap3A_691 = vector.shape_cast %swap3A_690 : vector<1x16xf32> to vector<16xf32>
      %swap3A_692 = vector.shape_cast %get3A_686 : vector<16xf32> to vector<1x16xf32>
      tpu.vector_store %arg10[%swap3A_688, %swap3A_689], %swap3A_692 {add = true, strides = array<i32>} : memref<16x768xf32, #tpu.memory_space<vmem>>, vector<1x16xf32>,
      %get3A_693 = arith.constant 9 : i32
      %get3A_694 = arith.index_cast %get3A_693 : i32 to index
      %get3A_695 = arith.index_cast %mul3A_595 : i32 to index
      %get3A_696 = tpu.vector_load %arg7[%get3A_694, %get3A_695] {strides = array<i32>} : memref<16x768xf32, #tpu.memory_space<vmem>>, vector<1x16xf32>,
      %get3A_697 = vector.shape_cast %get3A_696 : vector<1x16xf32> to vector<16xf32>
      %swap3A_698 = arith.constant 9 : i32
      %swap3A_699 = arith.index_cast %swap3A_698 : i32 to index
      %swap3A_700 = arith.index_cast %mul3A_595 : i32 to index
      %swap3A_701 = tpu.vector_load %arg10[%swap3A_699, %swap3A_700] {strides = array<i32>} : memref<16x768xf32, #tpu.memory_space<vmem>>, vector<1x16xf32>,
      %swap3A_702 = vector.shape_cast %swap3A_701 : vector<1x16xf32> to vector<16xf32>
      %swap3A_703 = vector.shape_cast %get3A_697 : vector<16xf32> to vector<1x16xf32>
      tpu.vector_store %arg10[%swap3A_699, %swap3A_700], %swap3A_703 {add = true, strides = array<i32>} : memref<16x768xf32, #tpu.memory_space<vmem>>, vector<1x16xf32>,
      %get3A_704 = arith.constant 10 : i32
      %get3A_705 = arith.index_cast %get3A_704 : i32 to index
      %get3A_706 = arith.index_cast %mul3A_595 : i32 to index
      %get3A_707 = tpu.vector_load %arg7[%get3A_705, %get3A_706] {strides = array<i32>} : memref<16x768xf32, #tpu.memory_space<vmem>>, vector<1x16xf32>,
      %get3A_708 = vector.shape_cast %get3A_707 : vector<1x16xf32> to vector<16xf32>
      %swap3A_709 = arith.constant 10 : i32
      %swap3A_710 = arith.index_cast %swap3A_709 : i32 to index
      %swap3A_711 = arith.index_cast %mul3A_595 : i32 to index
      %swap3A_712 = tpu.vector_load %arg10[%swap3A_710, %swap3A_711] {strides = array<i32>} : memref<16x768xf32, #tpu.memory_space<vmem>>, vector<1x16xf32>,
      %swap3A_713 = vector.shape_cast %swap3A_712 : vector<1x16xf32> to vector<16xf32>
      %swap3A_714 = vector.shape_cast %get3A_708 : vector<16xf32> to vector<1x16xf32>
      tpu.vector_store %arg10[%swap3A_710, %swap3A_711], %swap3A_714 {add = true, strides = array<i32>} : memref<16x768xf32, #tpu.memory_space<vmem>>, vector<1x16xf32>,
      %get3A_715 = arith.constant 11 : i32
      %get3A_716 = arith.index_cast %get3A_715 : i32 to index
      %get3A_717 = arith.index_cast %mul3A_595 : i32 to index
      %get3A_718 = tpu.vector_load %arg7[%get3A_716, %get3A_717] {strides = array<i32>} : memref<16x768xf32, #tpu.memory_space<vmem>>, vector<1x16xf32>,
      %get3A_719 = vector.shape_cast %get3A_718 : vector<1x16xf32> to vector<16xf32>
      %swap3A_720 = arith.constant 11 : i32
      %swap3A_721 = arith.index_cast %swap3A_720 : i32 to index
      %swap3A_722 = arith.index_cast %mul3A_595 : i32 to index
      %swap3A_723 = tpu.vector_load %arg10[%swap3A_721, %swap3A_722] {strides = array<i32>} : memref<16x768xf32, #tpu.memory_space<vmem>>, vector<1x16xf32>,
      %swap3A_724 = vector.shape_cast %swap3A_723 : vector<1x16xf32> to vector<16xf32>
      %swap3A_725 = vector.shape_cast %get3A_719 : vector<16xf32> to vector<1x16xf32>
      tpu.vector_store %arg10[%swap3A_721, %swap3A_722], %swap3A_725 {add = true, strides = array<i32>} : memref<16x768xf32, #tpu.memory_space<vmem>>, vector<1x16xf32>,
      %get3A_726 = arith.constant 12 : i32
      %get3A_727 = arith.index_cast %get3A_726 : i32 to index
      %get3A_728 = arith.index_cast %mul3A_595 : i32 to index
      %get3A_729 = tpu.vector_load %arg7[%get3A_727, %get3A_728] {strides = array<i32>} : memref<16x768xf32, #tpu.memory_space<vmem>>, vector<1x16xf32>,
      %get3A_730 = vector.shape_cast %get3A_729 : vector<1x16xf32> to vector<16xf32>
      %swap3A_731 = arith.constant 12 : i32
      %swap3A_732 = arith.index_cast %swap3A_731 : i32 to index
      %swap3A_733 = arith.index_cast %mul3A_595 : i32 to index
      %swap3A_734 = tpu.vector_load %arg10[%swap3A_732, %swap3A_733] {strides = array<i32>} : memref<16x768xf32, #tpu.memory_space<vmem>>, vector<1x16xf32>,
      %swap3A_735 = vector.shape_cast %swap3A_734 : vector<1x16xf32> to vector<16xf32>
      %swap3A_736 = vector.shape_cast %get3A_730 : vector<16xf32> to vector<1x16xf32>
      tpu.vector_store %arg10[%swap3A_732, %swap3A_733], %swap3A_736 {add = true, strides = array<i32>} : memref<16x768xf32, #tpu.memory_space<vmem>>, vector<1x16xf32>,
      %get3A_737 = arith.constant 13 : i32
      %get3A_738 = arith.index_cast %get3A_737 : i32 to index
      %get3A_739 = arith.index_cast %mul3A_595 : i32 to index
      %get3A_740 = tpu.vector_load %arg7[%get3A_738, %get3A_739] {strides = array<i32>} : memref<16x768xf32, #tpu.memory_space<vmem>>, vector<1x16xf32>,
      %get3A_741 = vector.shape_cast %get3A_740 : vector<1x16xf32> to vector<16xf32>
      %swap3A_742 = arith.constant 13 : i32
      %swap3A_743 = arith.index_cast %swap3A_742 : i32 to index
      %swap3A_744 = arith.index_cast %mul3A_595 : i32 to index
      %swap3A_745 = tpu.vector_load %arg10[%swap3A_743, %swap3A_744] {strides = array<i32>} : memref<16x768xf32, #tpu.memory_space<vmem>>, vector<1x16xf32>,
      %swap3A_746 = vector.shape_cast %swap3A_745 : vector<1x16xf32> to vector<16xf32>
      %swap3A_747 = vector.shape_cast %get3A_741 : vector<16xf32> to vector<1x16xf32>
      tpu.vector_store %arg10[%swap3A_743, %swap3A_744], %swap3A_747 {add = true, strides = array<i32>} : memref<16x768xf32, #tpu.memory_space<vmem>>, vector<1x16xf32>,
      %get3A_748 = arith.constant 14 : i32
      %get3A_749 = arith.index_cast %get3A_748 : i32 to index
      %get3A_750 = arith.index_cast %mul3A_595 : i32 to index
      %get3A_751 = tpu.vector_load %arg7[%get3A_749, %get3A_750] {strides = array<i32>} : memref<16x768xf32, #tpu.memory_space<vmem>>, vector<1x16xf32>,
      %get3A_752 = vector.shape_cast %get3A_751 : vector<1x16xf32> to vector<16xf32>
      %swap3A_753 = arith.constant 14 : i32
      %swap3A_754 = arith.index_cast %swap3A_753 : i32 to index
      %swap3A_755 = arith.index_cast %mul3A_595 : i32 to index
      %swap3A_756 = tpu.vector_load %arg10[%swap3A_754, %swap3A_755] {strides = array<i32>} : memref<16x768xf32, #tpu.memory_space<vmem>>, vector<1x16xf32>,
      %swap3A_757 = vector.shape_cast %swap3A_756 : vector<1x16xf32> to vector<16xf32>
      %swap3A_758 = vector.shape_cast %get3A_752 : vector<16xf32> to vector<1x16xf32>
      tpu.vector_store %arg10[%swap3A_754, %swap3A_755], %swap3A_758 {add = true, strides = array<i32>} : memref<16x768xf32, #tpu.memory_space<vmem>>, vector<1x16xf32>,
      %get3A_759 = arith.constant 15 : i32
      %get3A_760 = arith.index_cast %get3A_759 : i32 to index
      %get3A_761 = arith.index_cast %mul3A_595 : i32 to index
      %get3A_762 = tpu.vector_load %arg7[%get3A_760, %get3A_761] {strides = array<i32>} : memref<16x768xf32, #tpu.memory_space<vmem>>, vector<1x16xf32>,
      %get3A_763 = vector.shape_cast %get3A_762 : vector<1x16xf32> to vector<16xf32>
      %swap3A_764 = arith.constant 15 : i32
      %swap3A_765 = arith.index_cast %swap3A_764 : i32 to index
      %swap3A_766 = arith.index_cast %mul3A_595 : i32 to index
      %swap3A_767 = tpu.vector_load %arg10[%swap3A_765, %swap3A_766] {strides = array<i32>} : memref<16x768xf32, #tpu.memory_space<vmem>>, vector<1x16xf32>,
      %swap3A_768 = vector.shape_cast %swap3A_767 : vector<1x16xf32> to vector<16xf32>
      %swap3A_769 = vector.shape_cast %get3A_763 : vector<16xf32> to vector<1x16xf32>
      tpu.vector_store %arg10[%swap3A_765, %swap3A_766], %swap3A_769 {add = true, strides = array<i32>} : memref<16x768xf32, #tpu.memory_space<vmem>>, vector<1x16xf32>,
      %scan3A_770 = arith.constant 0 : i32
      scf.yield %scan3A_770 : i32
    }
    %scan3A_565 = arith.constant 48 : i32
    %add3A_566 = arith.constant 240 : i32
    %add3A_567 = arith.addi %mul3A_2, %add3A_566 : i32
    %dma_start3A_568 = arith.constant 0 : i32
    %dma_start3A_569 = tpu.memref_slice %arg5[%add3A_567, %dma_start3A_568] : memref<8192x768xf32, #tpu.memory_space<hbm>> -> memref<16x768xf32, #tpu.memory_space<hbm>>
    %dma_start3A_570 = arith.constant 0 : i32
    %dma_start3A_571 = tpu.memref_slice %arg5[%add3A_567, %dma_start3A_570] : memref<8192x768xf32, #tpu.memory_space<hbm>> -> memref<16x768xf32, #tpu.memory_space<hbm>>
    tpu.enqueue_dma source(%arg10 : memref<16x768xf32, #tpu.memory_space<vmem>>) target(%dma_start3A_571 : memref<16x768xf32, #tpu.memory_space<hbm>>) target_semaphore(%arg23 : memref<!tpu.dma_semaphore, #tpu.memory_space<semaphore_mem>>)
    %dma_wait3A_572 = arith.constant 0 : i32
    %dma_wait3A_573 = tpu.memref_slice %arg5[%add3A_449, %dma_wait3A_572] : memref<8192x768xf32, #tpu.memory_space<hbm>> -> memref<16x768xf32, #tpu.memory_space<hbm>>
    %dma_wait3A_574 = arith.constant 0 : i32
    %dma_wait3A_575 = tpu.memref_slice %arg5[%add3A_449, %dma_wait3A_574] : memref<8192x768xf32, #tpu.memory_space<hbm>> -> memref<16x768xf32, #tpu.memory_space<hbm>>
    tpu.wait_dma2 semaphore(%arg24 : memref<!tpu.dma_semaphore, #tpu.memory_space<semaphore_mem>>) src(%arg11 : memref<16x768xf32, #tpu.memory_space<vmem>>) dst(%dma_wait3A_575 : memref<16x768xf32, #tpu.memory_space<hbm>>)
    %dma_wait3A_576 = arith.constant 0 : i32
    %dma_wait3A_577 = tpu.memref_slice %arg5[%add3A_486, %dma_wait3A_576] : memref<8192x768xf32, #tpu.memory_space<hbm>> -> memref<16x768xf32, #tpu.memory_space<hbm>>
    %dma_wait3A_578 = arith.constant 0 : i32
    %dma_wait3A_579 = tpu.memref_slice %arg5[%add3A_486, %dma_wait3A_578] : memref<8192x768xf32, #tpu.memory_space<hbm>> -> memref<16x768xf32, #tpu.memory_space<hbm>>
    tpu.wait_dma2 semaphore(%arg25 : memref<!tpu.dma_semaphore, #tpu.memory_space<semaphore_mem>>) src(%arg12 : memref<16x768xf32, #tpu.memory_space<vmem>>) dst(%dma_wait3A_579 : memref<16x768xf32, #tpu.memory_space<hbm>>)
    %dma_wait3A_580 = arith.constant 0 : i32
    %dma_wait3A_581 = tpu.memref_slice %arg5[%add3A_523, %dma_wait3A_580] : memref<8192x768xf32, #tpu.memory_space<hbm>> -> memref<16x768xf32, #tpu.memory_space<hbm>>
    %dma_wait3A_582 = arith.constant 0 : i32
    %dma_wait3A_583 = tpu.memref_slice %arg5[%add3A_523, %dma_wait3A_582] : memref<8192x768xf32, #tpu.memory_space<hbm>> -> memref<16x768xf32, #tpu.memory_space<hbm>>
    tpu.wait_dma2 semaphore(%arg26 : memref<!tpu.dma_semaphore, #tpu.memory_space<semaphore_mem>>) src(%arg13 : memref<16x768xf32, #tpu.memory_space<vmem>>) dst(%dma_wait3A_583 : memref<16x768xf32, #tpu.memory_space<hbm>>)
    %dma_wait3A_584 = arith.constant 0 : i32
    %dma_wait3A_585 = tpu.memref_slice %arg5[%add3A_545, %dma_wait3A_584] : memref<8192x768xf32, #tpu.memory_space<hbm>> -> memref<16x768xf32, #tpu.memory_space<hbm>>
    %dma_wait3A_586 = arith.constant 0 : i32
    %dma_wait3A_587 = tpu.memref_slice %arg5[%add3A_545, %dma_wait3A_586] : memref<8192x768xf32, #tpu.memory_space<hbm>> -> memref<16x768xf32, #tpu.memory_space<hbm>>
    tpu.wait_dma2 semaphore(%arg27 : memref<!tpu.dma_semaphore, #tpu.memory_space<semaphore_mem>>) src(%arg14 : memref<16x768xf32, #tpu.memory_space<vmem>>) dst(%dma_wait3A_587 : memref<16x768xf32, #tpu.memory_space<hbm>>)
    %dma_wait3A_588 = arith.constant 0 : i32
    %dma_wait3A_589 = tpu.memref_slice %arg5[%add3A_567, %dma_wait3A_588] : memref<8192x768xf32, #tpu.memory_space<hbm>> -> memref<16x768xf32, #tpu.memory_space<hbm>>
    %dma_wait3A_590 = arith.constant 0 : i32
    %dma_wait3A_591 = tpu.memref_slice %arg5[%add3A_567, %dma_wait3A_590] : memref<8192x768xf32, #tpu.memory_space<hbm>> -> memref<16x768xf32, #tpu.memory_space<hbm>>
    tpu.wait_dma2 semaphore(%arg23 : memref<!tpu.dma_semaphore, #tpu.memory_space<semaphore_mem>>) src(%arg10 : memref<16x768xf32, #tpu.memory_space<vmem>>) dst(%dma_wait3A_591 : memref<16x768xf32, #tpu.memory_space<hbm>>)
    return
  }
}

</mosaic_0001>

<sc_bundles>
// kernel: kernel.3.cloned.1.call-start
scs
__scs_entry_jumppad:
0x0: {  	(pc) =	sbr.rel $0x88, $3  }
0x1: {  	(tag) =	ssettag $0x0;
	lr =	simm.s32 $0x1  }
0x2: {  	[smem:$0x3F9E] =	sst lr;
	_ =	strace $0xD0000000  }
0x3: {  	_ = 	snop  }
0x4: {  	_ = 	snop  }
0x5: {  	_ = 	snop  }
0x6: {  	_ = 	snop  }
0x7: {  	_ = 	snop  }
__scs_overlays_trampoline_lowered:
0x8: {  	[smem:$0x3FAD] =	sst s0  }
0x9: {  	[smem:$0x3FAE] =	sst s1  }
0xa: {  	[smem:$0x3FAF] =	sst s2  }
0xb: {  	[smem:$0x3FB0] =	sst s3  }
0xc: {  	[smem:$0x3FB1] =	sst s4  }
0xd: {  	[smem:$0x3FB2] =	sst s5  }
0xe: {  	[smem:$0x3FB3] =	sst s6  }
0xf: {  	[smem:$0x3FB4] =	sst s7  }
0x10: {  	[smem:$0x3FB5] =	sst s8  }
0x11: {  	[smem:$0x3FB6] =	sst s9;
	s0 =	simm.s32 @!p0 $0x0  }
0x12: {  	s1 =	sld [smem:$0x3F9C];
	s0 =	simm.s32 @p0 $0x1  }
0x13: {  	[smem:$0x3FB7] =	sst s0;
	s0 =	simm.s32 @!p1 $0x0  }
0x14: {  	s2 =	sld [smem:$0x3F9B];
	s0 =	simm.s32 @p1 $0x1  }
0x15: {  	[smem:$0x3FB8] =	sst s0;
	s0 =	simm.s32 @!p2 $0x0  }
0x16: {  	s3 =	sld [smem:$0x3FDB];
	s0 =	simm.s32 @p2 $0x1  }
0x17: {  	s4 =	simm.s32 $0x1BF5;
	[smem:$0x3FBA] =	sst s0  }
0x18: {  	s0 =	sld [smem:$0x3F9D];
	_ =	swait.ge [sflag:s4], $0x0  }
0x19: {  	s7 =	sld [smem:$0x3F9E]  }
0x1a: {  	s8 =	sadd.s32 $0xFFFFE003, lr  }
0x1b: {  	s9 =	sadd.s32 $0xFFFFFEF7, lr;
	s5 =	simm.s32 $0xFFFFFFFF;
	p2 =	slt.u32 s8, $0xFFFFF086  }
0x1c: {  	p1 =	slt.u32 s9, $0xF7A;
	s5 =	simm.s32 @!p2 $0x0  }
0x1d: {  	s5 =	simm.s32 @p1 $0x1;
	p0 =	seq.s32 s7, s2  }
0x1e: {  	s7 =	smul.u32 @!p0 $0xF7A, s2;
	p2 =	seq.s32 @!p0 s5, $0x0  }
0x1f: {  	s9 =	smul.u32 $0xF7A, s1;
	s8 =	simm.s32 @!p0 $0x1BF5;
	p2 =	por !p2, p0  }
0x20: {  	[sflag:s8] =	ssyncset.s32 @!p0 $0xFFFFF086;
	s6 =	sadd.s32 @!p0 s3, s7;
	s7 =	simm.s32 @!p0 $0x108  }
0x21: {  	s3 =	sadd.s32 s3, s9;
	s6 =	sadd.s32 @!p0 $0x88, s6;
	s7 =	simm.s32 @p2 $0x1082  }
0x22: {  	[simem:s7], [sflag:s8] =	dma.local @!p0 [hbm:s6], $0xF7A  }
0x23: {  	s9 =	sor.u32 $0xD0000000, s2;
	s6 =	simm.s32 $0x108;
	_ =	swait.ge @!p0 [sflag:s8], $0x0  }
0x24: {  	s3 =	sadd.s32 $0x88, s3;
	s6 =	simm.s32 @!p1 $0x1082;
	[sflag:s4] =	ssyncset.s32 $0xFFFFF086  }
0x25: {  	[simem:s6], [sflag:s4] =	dma.local [hbm:s3], $0xF7A  }
0x26: {  	[smem:$0x3F9E] =	sst s1;
	(tag) =	ssettag s2;
	_ =	strace s9  }
0x27: {  	s1 =	sld [smem:$0x3FAE]  }
0x28: {  	s2 =	sld [smem:$0x3FAF]  }
0x29: {  	s4 =	sld [smem:$0x3FB1]  }
0x2a: {  	p0 =	seq.s32 s5, $0x0;
	s5 =	sld [smem:$0x3FB2]  }
0x2b: {  	s6 =	sld [smem:$0x3FB3]  }
0x2c: {  	s7 =	sld [smem:$0x3FB4]  }
0x2d: {  	s3 =	simm.s32 $0x108;
	s8 =	sld [smem:$0x3FB5]  }
0x2e: {  	s3 =	simm.s32 @!p0 $0x1082;
	s9 =	sld [smem:$0x3FB6]  }
0x2f: {  	lr =	sadd.s32 s0, s3;
	s0 =	sld [smem:$0x3FAD]  }
0x30: {  	s3 =	sld [smem:$0x3FB0]  }
0x31: {  	[smem:$0x3FB9] =	sst s10  }
0x32: {  	s10 =	sld [smem:$0x3FB7];
	_ =	sdelay $0x3  }
0x33: {  	p0 =	seq.s32 s10, $0x1;
	s10 =	sld [smem:$0x3FB9];
	_ =	sdelay $0x3  }
0x34: {  	[smem:$0x3FB9] =	sst s10  }
0x35: {  	s10 =	sld [smem:$0x3FB8];
	_ =	sdelay $0x3  }
0x36: {  	p1 =	seq.s32 s10, $0x1;
	s10 =	sld [smem:$0x3FB9];
	_ =	sdelay $0x3  }
0x37: {  	[smem:$0x3FB9] =	sst s10  }
0x38: {  	s10 =	sld [smem:$0x3FBA]  }
0x39: {  	_ = 	snop;
	(pc) =	sbr.ind lr, $3  }
0x3a: {  	_ = 	snop  }
0x3b: {  	_ = 	snop  }
0x3c: {  	p2 =	seq.s32 s10, $0x1;
	s10 =	sld [smem:$0x3FB9]  }
0x3d: {  	_ =	shalt  }
0x3e: {  	_ =	shalt  }
0x3f: {  	_ =	shalt  }
0x40: {  	_ =	shalt  }
0x41: {  	_ =	shalt  }
0x42: {  	_ =	shalt  }
0x43: {  	_ =	shalt  }
0x44: {  	_ =	shalt  }
0x45: {  	_ =	shalt  }
0x46: {  	_ =	shalt  }
0x47: {  	_ =	shalt  }
0x48: {  	_ =	shalt  }
0x49: {  	_ =	shalt  }
0x4a: {  	_ =	shalt  }
0x4b: {  	_ =	shalt  }
0x4c: {  	_ =	shalt  }
0x4d: {  	_ =	shalt  }
0x4e: {  	_ =	shalt  }
0x4f: {  	_ =	shalt  }
0x50: {  	_ =	shalt  }
0x51: {  	_ =	shalt  }
0x52: {  	_ =	shalt  }
0x53: {  	_ =	shalt  }
0x54: {  	_ =	shalt  }
0x55: {  	_ =	shalt  }
0x56: {  	_ =	shalt  }
0x57: {  	_ =	shalt  }
0x58: {  	_ =	shalt  }
0x59: {  	_ =	shalt  }
0x5a: {  	_ =	shalt  }
0x5b: {  	_ =	shalt  }
0x5c: {  	_ =	shalt  }
0x5d: {  	_ =	shalt  }
0x5e: {  	_ =	shalt  }
0x5f: {  	_ =	shalt  }
0x60: {  	_ =	shalt  }
0x61: {  	_ =	shalt  }
0x62: {  	_ =	shalt  }
0x63: {  	_ =	shalt  }
0x64: {  	_ =	shalt  }
0x65: {  	_ =	shalt  }
0x66: {  	_ =	shalt  }
0x67: {  	_ =	shalt  }
0x68: {  	_ =	shalt  }
0x69: {  	_ =	shalt  }
0x6a: {  	_ =	shalt  }
0x6b: {  	_ =	shalt  }
0x6c: {  	_ =	shalt  }
0x6d: {  	_ =	shalt  }
0x6e: {  	_ =	shalt  }
0x6f: {  	_ =	shalt  }
0x70: {  	_ =	shalt  }
0x71: {  	_ =	shalt  }
0x72: {  	_ =	shalt  }
0x73: {  	_ =	shalt  }
0x74: {  	_ =	shalt  }
0x75: {  	_ =	shalt  }
0x76: {  	_ =	shalt  }
0x77: {  	_ =	shalt  }
0x78: {  	_ =	shalt  }
0x79: {  	_ =	shalt  }
0x7a: {  	_ =	shalt  }
0x7b: {  	_ =	shalt  }
0x7c: {  	_ =	shalt  }
0x7d: {  	_ =	shalt  }
0x7e: {  	_ =	shalt  }
0x7f: {  	_ =	shalt  }
0x80: {  	_ =	shalt  }
0x81: {  	_ =	shalt  }
0x82: {  	_ =	shalt  }
0x83: {  	_ =	shalt  }
0x84: {  	_ =	shalt  }
0x85: {  	_ =	shalt  }
0x86: {  	_ =	shalt  }
0x87: {  	_ =	shalt  }
.Lfunc_end0:
.L_simem_size_0:
called_computation_lowered:
.L_overlay_start_0:
0x88: {  	s2 =	sld [smem:$0x3FD9]  }
0x89: {  	s3 =	sld [smem:$0x3FFE];
	_ =	sdelay $0x1  }
0x8a: {  	s1 =	srdreg.scid  }
0x8b: {  	s0 =	sand.u32 $0x1, s1  }
0x8c: {  	s18 =	sshll.u32 s0, $0xA;
	s2 =	sadd.s32 s3, s2  }
0x8d: {  	s2 =	sadd.s32 s2, s18  }
0x8e: {  	[smem:$0x3FC5] =	sst s2  }
0x8f: {  	_ = 	snop  }
0x90: {  	s2 =	sld [smem:$0x3FC9]  }
0x91: {  	s19 =	sld [smem:$0x3FC8]  }
0x92: {  	s4 =	sld [smem:$0x3FC7]  }
0x93: {  	s5 =	sld [smem:$0x3FD0];
	(tm) =	ssettm $0x1  }
0x94: {  	s6 =	sld [smem:$0x3FFB];
	_ =	sdelay $0x3  }
0x95: {  	_ =	strace s6  }
0x96: {  	s6 =	sld [smem:$0x3FFC];
	_ =	sdelay $0x3  }
0x97: {  	_ =	strace s6  }
0x98: {  	s6 =	sld [smem:$0x3FFD];
	_ =	sdelay $0x3  }
0x99: {  	_ =	strace s6  }
0x9a: {  	_ =	strace $0x8FFFFFFF  }
0x9b: {  	s20 =	sld [smem:$0x3FDB];
	_ =	sdelay $0x1  }
0x9c: {  	s7 =	simm.s32 $_scs_section_size  }
0x9d: {  	s8 =	simm.s32 $_size__tile_overlayer_lowered;
	s9 =	simm.s32 $_tile_overlayer_lowered  }
0x9e: {  	s23 =	simm.s32 $0x1BFF;
	s22 =	sshll.u32 s9, $0x1;
	s6 =	sadd.s32 s7, s20  }
0x9f: {  	s10 =	simm.s32 $0x0;
	s21 =	sshll.u32 s8, $0x1;
	s8 =	sadd.s32 s22, s6  }
0xa0: {  	[timem:s10], [sflag:s23] =	dma.local [hbm:s8], s21  }
0xa1: {  	_ =	swait.ge [sflag:s23], s21  }
0xa2: {  	s7 =	ssub.s32 $0x0, s21;
	[sflag:s23] =	ssyncset.done $0x0  }
0xa3: {  	[sflag:s23] =	ssyncadd.s32 s7;
	_ =	sdelay $0x1  }
0xa4: {  	s24 =	simm.s32 $0x1B8B  }
0xa5: {  	_ =	swait.ge [sflag:s24], $0x1  }
0xa6: {  	[sflag:s24] =	ssyncset.done $0x0  }
0xa7: {  	s25 =	simm.s32 $0x1B8E;
	[sflag:s24] =	ssyncadd.s32 $0xFFFFFFFF  }
0xa8: {  	s26 =	simm.s32 $execute0_lowered;
	[smem:$0x3FD2] =	sst s25  }
0xa9: {  	s7 =	sshll.u32 s26, $0x1;
	_ =	strace $0x80000046;
	[dreg:$0x1] =	wrdreg $0xFFFFFFFF  }
0xaa: {  	s28 =	simm.s32 $_size_execute0_lowered;
	s6 =	sadd.s32 s6, s7;
	[dreg:$0x0] =	wrdreg $0x0  }
0xab: {  	s7 =	sshll.u32 s28, $0x1;
	[dreg:$0x2] =	wrdreg s6  }
0xac: {  	[dreg:$0x3] =	wrdreg s7  }
0xad: {  	[dreg:$0x4] =	wrdreg $0xC0  }
0xae: {  	_ =	task [dreg:s10], $0x5FFFF  }
0xaf: {  	[dreg:$0x1] =	wrdreg $0xFFFFFFFF  }
0xb0: {  	[dreg:$0x0] =	wrdreg $0x60  }
0xb1: {  	[dreg:$0x2] =	wrdreg s19  }
0xb2: {  	[dreg:$0x3] =	wrdreg s4  }
0xb3: {  	[dreg:$0x4] =	wrdreg s2  }
0xb4: {  	[dreg:$0x5] =	wrdreg s5  }
0xb5: {  	[dreg:$0x6] =	wrdreg $0x9  }
0xb6: {  	_ =	task.clear_ibuf [dreg:s10], $0x7FFFF;
	_ =	strace $0x90000046  }
0xb7: {  	s29 =	simm.s32 $0x9;
	_ =	strace $0x80000048  }
0xb8: {  	_ =	swait.ge [sflag:s29], $0x1  }
0xb9: {  	[sflag:s29] =	ssyncadd.s32 $0xFFFFFFFF  }
0xba: {  	_ =	strace $0x90000048  }
0xbb: {  	_ =	sfence  }
0xbc: {  	s30 =	sld [smem:$0x0];
	_ =	sdelay $0x2  }
0xbd: {  	s31 =	sshll.u32 s1, $0xD;
	s1 =	sshrl.u32 s1, $0x2  }
0xbe: {  	s3 =	sand.u32 $0x4000, s31;
	s1 =	sadd.s32 s1, s30  }
0xbf: {  	s0 =	sor.u32 s3, s0;
	s1 =	sshll.u32 s1, $0x11  }
0xc0: {  	s0 =	sor.u32 s1, s0  }
0xc1: {  	s0 =	sadd.s32 $0x8F2B, s0  }
0xc2: {  	[sflag:s0] =	ssyncadd.remote.s32 $0x1  }
0xc3: {  	_ =	sfence.sel $0xFFFF  }
0xc4: {  	[dreg:$0x0] =	wrdreg $0xFFFFFFFF;
	(pc) =	sbr.abs _section_cstart, $3  }
0xc5: {  	[dreg:$0x1] =	wrdreg $0xFFFFFFFF  }
0xc6: {  	_ =	task.clear_ibuf [dreg:s10], $0x2FFFF;
	_ =	strace $0x9FFFFFFF  }
0xc7: {  	(tm) =	ssettm $0x7FFFFFFF  }
tec
execute0_lowered:
.L_overlay_start_1:
0x0: {  	(tag) =	ssettag $0x1  }
0x1: {  	s0 =	srdreg.scid  }
0x2: {  	s1 =	stileid.u32;
	s0 =	sand.u32 $0x1, s0  }
0x3: {  	s3 =	rddreg [dreg:$0x1];
	s1 =	sshll.u32 s1, $0x6;
	s2 =	sshll.u32 s0, $0x5  }
0x4: {  	s4 =	rddreg [dreg:$0x2];
	s2 =	sor.u32 s2, s1  }
0x5: {  	s6 =	rddreg [dreg:$0x3];
	s1 =	simm.s32 $0x0;
	s5 =	smul.u32 $0x300, s2  }
0x6: {  	s0 =	ssub.s32 $0x2, s0;
	[smem:$0x7FF] =	sst s1;
	s4 =	sadd.s32 s4, s2  }
0x7: {  	s7 =	sshrl.u32 s0, $0x1;
	[dreg:$0x7] =	wrdreg s4;
	s8 =	sadd.s32 s3, s5  }
0x8: {  	s15 =	sor.u32 $0x600, s5;
	s19 =	sadd.s32 s6, s5;
	[dreg:$0x5] =	wrdreg s8  }
0x9: {  	s17 =	sor.u32 $0xC00, s5;
	s16 =	sadd.s32 s3, s15;
	[dreg:$0x9] =	wrdreg s19  }
0xa: {  	s20 =	sor.u32 $0x1200, s5;
	s18 =	sadd.s32 s3, s17;
	[dreg:$0x6] =	wrdreg s16  }
0xb: {  	s0 =	ssub.s32 s0, s7;
	s10 =	sadd.s32 s3, s20;
	[dreg:$0x8] =	wrdreg s18  }
0xc: {  	s9 =	sor.u32 $0x1800, s5;
	s7 =	sadd.s32 s6, s15;
	[dreg:$0xa] =	wrdreg s10  }
0xd: {  	s21 =	sadd.s32 s3, s9;
	[dreg:$0xb] =	wrdreg s7  }
0xe: {  	s5 =	sor.u32 $0x1E00, s5;
	s22 =	sadd.s32 s6, s17;
	[dreg:$0xc] =	wrdreg s21  }
0xf: {  	s2 =	smul.u32 $0x1800, s2;
	s23 =	sadd.s32 s3, s5;
	[dreg:$0xd] =	wrdreg s22  }
0x10: {  	s4 =	sadd.s32 s6, s20;
	[dreg:$0xe] =	wrdreg s23  }
0x11: {  	s2 =	sshrl.u32 s2, $0x3;
	s26 =	sadd.s32 s6, s9;
	[dreg:$0xf] =	wrdreg s4  }
0x12: {  	s24 =	sadd.s32 $0x2400, s2;
	s5 =	sadd.s32 s6, s5;
	[dreg:$0x11] =	wrdreg s26  }
0x13: {  	s31 =	sadd.s32 $0x2A00, s2;
	s25 =	sadd.s32 s3, s24;
	[dreg:$0x13] =	wrdreg s5  }
0x14: {  	s9 =	sadd.s32 s3, s31;
	[dreg:$0x10] =	wrdreg s25  }
0x15: {  	s28 =	simm.s32 $0xC;
	s4 =	sadd.s32 s6, s24;
	[dreg:$0x12] =	wrdreg s9  }
0x16: {  	s12 =	sadd.s32 $0x3600, s2;
	s7 =	sadd.s32 s6, s31;
	[dreg:$0x15] =	wrdreg s4  }
0x17: {  	s13 =	sadd.s32 $0x3C00, s2;
	s14 =	sadd.s32 s3, s12;
	[dreg:$0x16] =	wrdreg s7  }
0x18: {  	s29 =	simm.s32 $0xD;
	s15 =	sadd.s32 s3, s13;
	[dreg:$0x18] =	wrdreg s14  }
0x19: {  	s17 =	sadd.s32 $0x4200, s2;
	s16 =	sadd.s32 s6, s13;
	[dreg:$0x1a] =	wrdreg s15  }
0x1a: {  	s10 =	sadd.s32 $0x3000, s2;
	s19 =	sadd.s32 s3, s17;
	[dreg:$0x1b] =	wrdreg s16  }
0x1b: {  	s30 =	simm.s32 $0x0;
	s11 =	sadd.s32 s3, s10;
	[dreg:$0x1c] =	wrdreg s19  }
0x1c: {  	s0 =	smax.u32 s0, $0x1;
	s5 =	sadd.s32 s6, s10;
	[dreg:$0x14] =	wrdreg s11  }
0x1d: {  	s18 =	sadd.s32 $0x4800, s2;
	s4 =	sadd.s32 s6, s12;
	[dreg:$0x17] =	wrdreg s5  }
0x1e: {  	s22 =	sadd.s32 $0x4E00, s2;
	s20 =	sadd.s32 s3, s18;
	[dreg:$0x19] =	wrdreg s4  }
0x1f: {  	s23 =	sadd.s32 $0x5400, s2;
	s21 =	sadd.s32 s6, s18;
	[dreg:$0x1e] =	wrdreg s20  }
0x20: {  	s2 =	sadd.s32 $0x5A00, s2;
	s24 =	sadd.s32 s3, s22;
	[dreg:$0x1f] =	wrdreg s21  }
0x21: {  	s25 =	sadd.s32 s3, s23;
	s3 =	sadd.s32 s3, s2;
	[smem:$0x7F7] =	sst s24  }
0x22: {  	s26 =	sadd.s32 s6, s22;
	s31 =	sadd.s32 s6, s23;
	[smem:$0x7F8] =	sst s25  }
0x23: {  	s2 =	sadd.s32 s6, s2;
	s9 =	simm.s32 $0x9100;
	[smem:$0x7F9] =	sst s3  }
0x24: {  	s15 =	simm.s32 $0x1900;
	s16 =	simm.s32 $0x2100;
	[smem:$0x7FA] =	sst s26  }
0x25: {  	s18 =	simm.s32 $0x6;
	s19 =	simm.s32 $0x15100;
	s3 =	rddreg [dreg:$0x0]  }
0x26: {  	s22 =	simm.s32 $0x8;
	s23 =	simm.s32 $0xA;
	[smem:$0x7FB] =	sst s31  }
0x27: {  	s4 =	sadd.s32 s6, s17;
	[smem:$0x7FC] =	sst s2;
	s17 =	simm.s32 $0x2900  }
0x28: {  	s24 =	simm.s32 $0x1;
	s25 =	simm.s32 $0x4;
	s2 =	simm.s32 $0xF100  }
0x29: {  	s5 =	simm.s32 $0x5;
	s6 =	simm.s32 $0x12100;
	s11 =	simm.s32 $0x3  }
0x2a: {  	v2 =	vlaneseq.u32;
	s20 =	simm.s32 $0x7;
	s21 =	simm.s32 $0x9;
	s26 =	simm.s32 $0xB  }
0x2b: {  	vm0 =	vmmov $0xffff;
	v1 =	vshrl.u32 v2, $0x3;
	[dreg:$0x1d] =	wrdreg s4;
	s7 =	sadd.s32 $0x100, s3;
	s8 =	sadd.s32 $0x200, s3  }
0x2c: {  	v0 =	vand.u32 $0x7, v2;
	v2 =	vor.u32 $0x8, v2;
	v1 =	vmul.u32 $0x8, v1;
	s4 =	simm.s32 $0x2;
	_ =	strace $0x80000047;
	[smem:$0x7FD] =	sst s0  }
.LBB2_1:
0x2d: {  	s0 =	rddreg [dreg:$0x5]  }
0x2e: {  	[tilespmem:s9], [sflag:$0x4] =	stream.linear.gather [hbm4b:s0+s1], $0x3000, $0x38;
	[tilespmem:$0x18100] =	vst v63  }
0x2f: {  	s14 =	rddreg [dreg:$0x6];
	s10 =	simm.s32 $0xC100  }
0x30: {  	[tilespmem:s10], [sflag:$0x5] =	stream.linear.gather [hbm4b:s14+s1], $0x3000, $0x38;
	[tilespmem:$0x18100] =	vst v63  }
0x31: {  	s12 =	simm.s32 $0xE;
	s10 =	rddreg [dreg:$0x7]  }
0x32: {  	[tilespmem:s1], [sflag:$0xE] =	stream.linear.gather [hbm4b:s10+s1], $0x100, $0x38;
	[tilespmem:$0x18100] =	vst v63  }
0x33: {  	_ =	swait.ge [sflag:s12], $0x100  }
0x34: {  	[sflag:s12] =	ssyncset.done $0x0  }
0x35: {  	[sflag:s12] =	ssyncadd.s32 $0xFFFFFF00  }
0x36: {  	v3 =	vld [tilespmem:$0x0];
	_ =	sdelay $0x4  }
0x37: {  	v4 =	vshrl.u32 v3, $0x3  }
0x38: {  	v4 =	vmul.u32 $0x30, v4  }
0x39: {  	v3 =	vand.u32 $0x7, v3  }
0x3a: {  	v3 =	vor.u32 v3, v4  }
0x3b: {  	v4 =	vperm.xlane v3, v0;
	_ =	sdelay $0x1  }
0x3c: {  	v4 =	vadd.s32 v1, v4;
	_ =	sdelay $0x3  }
0x3d: {  	s13 =	simm.s32 $0x100;
	v3 =	vperm.xlane v3, v2  }
0x3e: {  	[tilespmem:s13], [sflag:$0x1] =	stream.indirect_vreg.gather [hbm4b:s3+s1], $0x80, v4, vm0, $0xb8;
	[tilespmem:$0x18100] =	vst v63  }
0x3f: {  	s14 =	simm.s32 $0x900;
	v3 =	vadd.s32 v1, v3  }
0x40: {  	[tilespmem:s14], [sflag:$0x1] =	stream.indirect_vreg.gather [hbm4b:s7+s1], $0x80, v4, vm0, $0xb8;
	[tilespmem:$0x18100] =	vst v63  }
0x41: {  	s10 =	simm.s32 $0x1100  }
0x42: {  	[tilespmem:s10], [sflag:$0x1] =	stream.indirect_vreg.gather [hbm4b:s8+s1], $0x80, v4, vm0, $0xb8;
	[tilespmem:$0x18100] =	vst v63  }
0x43: {  	_ = 	snop  }
0x44: {  	[tilespmem:s15], [sflag:$0x1] =	stream.indirect_vreg.gather [hbm4b:s3+s1], $0x80, v3, vm0, $0xb8;
	[tilespmem:$0x18100] =	vst v63  }
0x45: {  	_ = 	snop  }
0x46: {  	[tilespmem:s16], [sflag:$0x1] =	stream.indirect_vreg.gather [hbm4b:s7+s1], $0x80, v3, vm0, $0xb8;
	[tilespmem:$0x18100] =	vst v63  }
0x47: {  	_ = 	snop  }
0x48: {  	[tilespmem:s17], [sflag:$0x1] =	stream.indirect_vreg.gather [hbm4b:s8+s1], $0x80, v3, vm0, $0xb8;
	[tilespmem:$0x18100] =	vst v63  }
0x49: {  	v3 =	vld [tilespmem:$0x10];
	_ =	sdelay $0x4  }
0x4a: {  	v4 =	vshrl.u32 v3, $0x3  }
0x4b: {  	v4 =	vmul.u32 $0x30, v4  }
0x4c: {  	v3 =	vand.u32 $0x7, v3  }
0x4d: {  	v3 =	vor.u32 v3, v4  }
0x4e: {  	v4 =	vperm.xlane v3, v0;
	_ =	sdelay $0x1  }
0x4f: {  	v4 =	vadd.s32 v1, v4;
	_ =	sdelay $0x3  }
0x50: {  	s12 =	simm.s32 $0x3100;
	v3 =	vperm.xlane v3, v2  }
0x51: {  	[tilespmem:s12], [sflag:$0x2] =	stream.indirect_vreg.gather [hbm4b:s3+s1], $0x80, v4, vm0, $0xb8;
	[tilespmem:$0x18100] =	vst v63  }
0x52: {  	s13 =	simm.s32 $0x3900;
	v3 =	vadd.s32 v1, v3  }
0x53: {  	[tilespmem:s13], [sflag:$0x2] =	stream.indirect_vreg.gather [hbm4b:s7+s1], $0x80, v4, vm0, $0xb8;
	[tilespmem:$0x18100] =	vst v63  }
0x54: {  	s14 =	simm.s32 $0x4100  }
0x55: {  	[tilespmem:s14], [sflag:$0x2] =	stream.indirect_vreg.gather [hbm4b:s8+s1], $0x80, v4, vm0, $0xb8;
	[tilespmem:$0x18100] =	vst v63  }
0x56: {  	s10 =	simm.s32 $0x4900  }
0x57: {  	[tilespmem:s10], [sflag:$0x2] =	stream.indirect_vreg.gather [hbm4b:s3+s1], $0x80, v3, vm0, $0xb8;
	[tilespmem:$0x18100] =	vst v63  }
0x58: {  	s12 =	simm.s32 $0x5100  }
0x59: {  	[tilespmem:s12], [sflag:$0x2] =	stream.indirect_vreg.gather [hbm4b:s7+s1], $0x80, v3, vm0, $0xb8;
	[tilespmem:$0x18100] =	vst v63  }
0x5a: {  	s13 =	simm.s32 $0x5900  }
0x5b: {  	[tilespmem:s13], [sflag:$0x2] =	stream.indirect_vreg.gather [hbm4b:s8+s1], $0x80, v3, vm0, $0xb8;
	[tilespmem:$0x18100] =	vst v63  }
0x5c: {  	_ =	swait.ge [sflag:s24], $0x3000  }
0x5d: {  	[sflag:s24] =	ssyncset.done $0x0  }
0x5e: {  	[sflag:s24] =	ssyncadd.s32 $0xFFFFD000  }
0x5f: {  	_ =	swait.ge [sflag:s25], $0x3000  }
0x60: {  	[sflag:s25] =	ssyncset.done $0x0  }
0x61: {  	[sflag:s25] =	ssyncadd.s32 $0xFFFFD000  }
0x62: {  	v3 =	vld [tilespmem:$0x20];
	_ =	sdelay $0x4  }
0x63: {  	v4 =	vshrl.u32 v3, $0x3  }
0x64: {  	v4 =	vmul.u32 $0x30, v4  }
0x65: {  	v3 =	vand.u32 $0x7, v3  }
0x66: {  	v3 =	vor.u32 v3, v4  }
0x67: {  	v4 =	vperm.xlane v3, v0;
	_ =	sdelay $0x1  }
0x68: {  	v4 =	vadd.s32 v1, v4;
	_ =	sdelay $0x3  }
0x69: {  	s14 =	simm.s32 $0x6100;
	v3 =	vperm.xlane v3, v2  }
0x6a: {  	[tilespmem:s14], [sflag:$0x3] =	stream.indirect_vreg.gather [hbm4b:s3+s1], $0x80, v4, vm0, $0xb8;
	[tilespmem:$0x18100] =	vst v63  }
0x6b: {  	s10 =	simm.s32 $0x6900;
	v3 =	vadd.s32 v1, v3  }
0x6c: {  	[tilespmem:s10], [sflag:$0x3] =	stream.indirect_vreg.gather [hbm4b:s7+s1], $0x80, v4, vm0, $0xb8;
	[tilespmem:$0x18100] =	vst v63  }
0x6d: {  	s12 =	simm.s32 $0x7100  }
0x6e: {  	[tilespmem:s12], [sflag:$0x3] =	stream.indirect_vreg.gather [hbm4b:s8+s1], $0x80, v4, vm0, $0xb8;
	[tilespmem:$0x18100] =	vst v63  }
0x6f: {  	s13 =	simm.s32 $0x7900  }
0x70: {  	[tilespmem:s13], [sflag:$0x3] =	stream.indirect_vreg.gather [hbm4b:s3+s1], $0x80, v3, vm0, $0xb8;
	[tilespmem:$0x18100] =	vst v63  }
0x71: {  	s14 =	simm.s32 $0x8100  }
0x72: {  	[tilespmem:s14], [sflag:$0x3] =	stream.indirect_vreg.gather [hbm4b:s7+s1], $0x80, v3, vm0, $0xb8;
	[tilespmem:$0x18100] =	vst v63  }
0x73: {  	s10 =	simm.s32 $0x8900;
	s13 =	sand.u32 $0x70, s1;
	s14 =	sand.u32 $0x1C00, s1  }
0x74: {  	[tilespmem:s10], [sflag:$0x3] =	stream.indirect_vreg.gather [hbm4b:s8+s1], $0x80, v3, vm0, $0xb8;
	[tilespmem:$0x18100] =	vst v63  }
0x75: {  	s12 =	rddreg [dreg:$0x8];
	s0 =	sor.u32 s13, s14  }
0x76: {  	[tilespmem:s2], [sflag:$0x6] =	stream.linear.gather [hbm4b:s12+s1], $0x3000, $0x38;
	[tilespmem:$0x18100] =	vst v63  }
0x77: {  	v3 =	vld [tilespmem:s0+$0x100]  }
0x78: {  	v4 =	vld [tilespmem:s0+$0x180];
	_ =	sdelay $0x3  }
0x79: {  	[tilespmem:s0+$0x9100] =	vst.add.f32.msk $0xffff, v3  }
0x7a: {  	[tilespmem:s0+$0x9180] =	vst.add.f32.msk $0xffff, v4  }
0x7b: {  	v3 =	vld [tilespmem:s0+$0x200]  }
0x7c: {  	v4 =	vld [tilespmem:s0+$0x280]  }
0x7d: {  	s31 =	simm.s32 $0x10;
	s10 =	simm.s32 $0x0;
	s12 =	simm.s32 $0x0;
	v5 =	vld [tilespmem:s0+$0x300]  }
.LBB2_2:
0x7e: {  	p0 =	sne.s32 s31, $0x2F0;
	v6 =	vld [tilespmem:s0+$0x380]  }
0x7f: {  	v7 =	vld [tilespmem:s0+$0x400]  }
0x80: {  	[tilespmem:s0+$0x9200] =	vst.add.f32.msk $0xffff, v3  }
0x81: {  	[tilespmem:s0+$0x9280] =	vst.add.f32.msk $0xffff, v4  }
0x82: {  	[tilespmem:s0+$0x9300] =	vst.add.f32.msk $0xffff, v5  }
0x83: {  	s13 =	sor.u32 s12, s10;
	s10 =	smov.u32 s31;
	[tilespmem:s0+$0x9380] =	vst.add.f32.msk $0xffff, v6  }
0x84: {  	s13 =	sor.u32 $0x380, s13;
	[tilespmem:s0+$0x9400] =	vst.add.f32.msk $0xffff, v7  }
0x85: {  	v3 =	vld [tilespmem:s13+$0x100];
	_ =	sdelay $0x4  }
0x86: {  	[tilespmem:s13+$0x9100] =	vst.add.f32.msk $0xffff, v3  }
0x87: {  	v3 =	vld [tilespmem:s0+$0x1900]  }
0x88: {  	v4 =	vld [tilespmem:s0+$0x1980]  }
0x89: {  	v5 =	vld [tilespmem:s0+$0x1A00]  }
0x8a: {  	v6 =	vld [tilespmem:s0+$0x1A80]  }
0x8b: {  	v7 =	vld [tilespmem:s0+$0x1B00]  }
0x8c: {  	[tilespmem:s0+$0xA900] =	vst.add.f32.msk $0xffff, v3  }
0x8d: {  	[tilespmem:s0+$0xA980] =	vst.add.f32.msk $0xffff, v4  }
0x8e: {  	[tilespmem:s0+$0xAA00] =	vst.add.f32.msk $0xffff, v5  }
0x8f: {  	[tilespmem:s0+$0xAA80] =	vst.add.f32.msk $0xffff, v6  }
0x90: {  	[tilespmem:s0+$0xAB00] =	vst.add.f32.msk $0xffff, v7  }
0x91: {  	s12 =	sadd.s32 $0x80, s12;
	v3 =	vld [tilespmem:s0+$0x1B80]  }
0x92: {  	s14 =	sand.u32 $0x1C00, s12;
	s13 =	sand.u32 $0x70, s31;
	v4 =	vld [tilespmem:s0+$0x1C00]  }
0x93: {  	s13 =	sor.u32 s13, s14;
	v5 =	vld [tilespmem:s0+$0x1C80]  }
0x94: {  	v6 =	vld [tilespmem:s13+$0x100]  }
0x95: {  	v7 =	vld [tilespmem:s13+$0x180]  }
0x96: {  	[tilespmem:s0+$0xAB80] =	vst.add.f32.msk $0xffff, v3  }
0x97: {  	[tilespmem:s0+$0xAC00] =	vst.add.f32.msk $0xffff, v4  }
0x98: {  	[tilespmem:s0+$0xAC80] =	vst.add.f32.msk $0xffff, v5;
	s0 =	smov.u32 s13  }
.Ltmp0:
0x99: {  	[tilespmem:s0+$0x9100] =	vst.add.f32.msk $0xffff, v6;
	(pc) =	sbr.rel @p0 .LBB2_2-.Ltmp0, $4  }
0x9a: {  	[tilespmem:s0+$0x9180] =	vst.add.f32.msk $0xffff, v7  }
0x9b: {  	v3 =	vld [tilespmem:s0+$0x200]  }
0x9c: {  	v4 =	vld [tilespmem:s0+$0x280]  }
0x9d: {  	s31 =	sadd.s32 $0x10, s31;
	v5 =	vld [tilespmem:s0+$0x300]  }
0x9e: {  	v6 =	vld [tilespmem:s0+$0x380]  }
0x9f: {  	v7 =	vld [tilespmem:s0+$0x400]  }
0xa0: {  	[tilespmem:s0+$0x9200] =	vst.add.f32.msk $0xffff, v3  }
0xa1: {  	[tilespmem:s0+$0x9280] =	vst.add.f32.msk $0xffff, v4  }
0xa2: {  	[tilespmem:s0+$0x9300] =	vst.add.f32.msk $0xffff, v5  }
0xa3: {  	s10 =	sor.u32 s12, s10;
	[tilespmem:s0+$0x9380] =	vst.add.f32.msk $0xffff, v6  }
0xa4: {  	s10 =	sor.u32 $0x380, s10;
	[tilespmem:s0+$0x9400] =	vst.add.f32.msk $0xffff, v7  }
0xa5: {  	v3 =	vld [tilespmem:s10+$0x100];
	_ =	sdelay $0x4  }
0xa6: {  	[tilespmem:s10+$0x9100] =	vst.add.f32.msk $0xffff, v3  }
0xa7: {  	v3 =	vld [tilespmem:s0+$0x1900]  }
0xa8: {  	v4 =	vld [tilespmem:s0+$0x1980]  }
0xa9: {  	v5 =	vld [tilespmem:s0+$0x1A00]  }
0xaa: {  	v62 =	vld [tilespmem:s0+$0x1A80]  }
0xab: {  	v63 =	vld [tilespmem:s0+$0x1B00]  }
0xac: {  	[tilespmem:s0+$0xA900] =	vst.add.f32.msk $0xffff, v3  }
0xad: {  	[tilespmem:s0+$0xA980] =	vst.add.f32.msk $0xffff, v4  }
0xae: {  	[tilespmem:s0+$0xAA00] =	vst.add.f32.msk $0xffff, v5  }
0xaf: {  	v3 =	vld [tilespmem:s0+$0x1B80]  }
0xb0: {  	v4 =	vld [tilespmem:s0+$0x1C00]  }
0xb1: {  	v5 =	vld [tilespmem:s0+$0x1C80]  }
0xb2: {  	[tilespmem:s0+$0xAA80] =	vst.add.f32.msk $0xffff, v62  }
0xb3: {  	[tilespmem:s0+$0xAB00] =	vst.add.f32.msk $0xffff, v63  }
0xb4: {  	[tilespmem:s0+$0xAB80] =	vst.add.f32.msk $0xffff, v3  }
0xb5: {  	[tilespmem:s0+$0xAC00] =	vst.add.f32.msk $0xffff, v4  }
0xb6: {  	s31 =	simm.s32 $0x0;
	s12 =	rddreg [dreg:$0x9];
	[tilespmem:s0+$0xAC80] =	vst.add.f32.msk $0xffff, v5  }
0xb7: {  	[hbm4b:s12+s31] =	stream.linear.scatter [tilespmem:s9], [sflag:$0x9], $0x3000, $0x38;
	[tilespmem:$0x18100] =	vst v63  }
0xb8: {  	_ =	swait.ge [sflag:s4], $0x3000  }
0xb9: {  	[sflag:s4] =	ssyncset.done $0x0  }
0xba: {  	[sflag:s4] =	ssyncadd.s32 $0xFFFFD000  }
0xbb: {  	_ =	swait.ge [sflag:s5], $0x3000  }
0xbc: {  	[sflag:s5] =	ssyncset.done $0x0  }
0xbd: {  	[sflag:s5] =	ssyncadd.s32 $0xFFFFD000  }
0xbe: {  	v3 =	vld [tilespmem:$0x30];
	_ =	sdelay $0x4  }
0xbf: {  	v4 =	vshrl.u32 v3, $0x3  }
0xc0: {  	v4 =	vmul.u32 $0x30, v4  }
0xc1: {  	v3 =	vand.u32 $0x7, v3  }
0xc2: {  	v3 =	vor.u32 v3, v4  }
0xc3: {  	v4 =	vperm.xlane v3, v0;
	_ =	sdelay $0x1  }
0xc4: {  	v4 =	vadd.s32 v1, v4;
	_ =	sdelay $0x3  }
0xc5: {  	s13 =	simm.s32 $0x100;
	v3 =	vperm.xlane v3, v2  }
0xc6: {  	[tilespmem:s13], [sflag:$0x1] =	stream.indirect_vreg.gather [hbm4b:s3+s31], $0x80, v4, vm0, $0xb8;
	[tilespmem:$0x18100] =	vst v63  }
0xc7: {  	s14 =	simm.s32 $0x900;
	v3 =	vadd.s32 v1, v3  }
0xc8: {  	[tilespmem:s14], [sflag:$0x1] =	stream.indirect_vreg.gather [hbm4b:s7+s31], $0x80, v4, vm0, $0xb8;
	[tilespmem:$0x18100] =	vst v63  }
0xc9: {  	s10 =	simm.s32 $0x1100  }
0xca: {  	[tilespmem:s10], [sflag:$0x1] =	stream.indirect_vreg.gather [hbm4b:s8+s31], $0x80, v4, vm0, $0xb8;
	[tilespmem:$0x18100] =	vst v63  }
0xcb: {  	_ = 	snop  }
0xcc: {  	[tilespmem:s15], [sflag:$0x1] =	stream.indirect_vreg.gather [hbm4b:s3+s31], $0x80, v3, vm0, $0xb8;
	[tilespmem:$0x18100] =	vst v63  }
0xcd: {  	_ = 	snop  }
0xce: {  	[tilespmem:s16], [sflag:$0x1] =	stream.indirect_vreg.gather [hbm4b:s7+s31], $0x80, v3, vm0, $0xb8;
	[tilespmem:$0x18100] =	vst v63  }
0xcf: {  	s13 =	sand.u32 $0x70, s31;
	s14 =	sand.u32 $0x1C00, s31  }
0xd0: {  	[tilespmem:s17], [sflag:$0x1] =	stream.indirect_vreg.gather [hbm4b:s8+s31], $0x80, v3, vm0, $0xb8;
	[tilespmem:$0x18100] =	vst v63  }
0xd1: {  	s12 =	rddreg [dreg:$0xa];
	s0 =	sor.u32 s13, s14  }
0xd2: {  	[tilespmem:s6], [sflag:$0x7] =	stream.linear.gather [hbm4b:s12+s31], $0x3000, $0x38;
	[tilespmem:$0x18100] =	vst v63  }
0xd3: {  	v3 =	vld [tilespmem:s0+$0x3100];
	_ =	sdelay $0x3  }
0xd4: {  	s10 =	sor.u32 $0xC100, s0  }
0xd5: {  	[tilespmem:s10+$0x0] =	vst.add.f32.msk $0xffff, v3  }
0xd6: {  	v3 =	vld [tilespmem:s0+$0x3180];
	_ =	sdelay $0x3  }
0xd7: {  	s12 =	sor.u32 $0xC180, s0  }
0xd8: {  	[tilespmem:s12+$0x0] =	vst.add.f32.msk $0xffff, v3  }
0xd9: {  	v3 =	vld [tilespmem:s0+$0x3200];
	_ =	sdelay $0x3  }
0xda: {  	s13 =	sor.u32 $0xC200, s0  }
0xdb: {  	[tilespmem:s13+$0x0] =	vst.add.f32.msk $0xffff, v3  }
0xdc: {  	v3 =	vld [tilespmem:s0+$0x3280];
	_ =	sdelay $0x3  }
0xdd: {  	s14 =	sor.u32 $0xC280, s0  }
0xde: {  	[tilespmem:s14+$0x0] =	vst.add.f32.msk $0xffff, v3  }
0xdf: {  	v3 =	vld [tilespmem:s0+$0x3300];
	_ =	sdelay $0x3  }
0xe0: {  	s12 =	sor.u32 $0xC300, s0  }
0xe1: {  	[tilespmem:s12+$0x0] =	vst.add.f32.msk $0xffff, v3  }
0xe2: {  	v3 =	vld [tilespmem:s0+$0x3380];
	_ =	sdelay $0x3  }
0xe3: {  	s13 =	sor.u32 $0xC380, s0  }
0xe4: {  	[tilespmem:s13+$0x0] =	vst.add.f32.msk $0xffff, v3  }
0xe5: {  	v3 =	vld [tilespmem:s0+$0x3400];
	_ =	sdelay $0x3  }
0xe6: {  	s14 =	sor.u32 s31, s31  }
0xe7: {  	s13 =	sor.u32 $0x380, s14;
	[tilespmem:s0+$0xC400] =	vst.add.f32.msk $0xffff, v3  }
0xe8: {  	s10 =	simm.s32 $0x10;
	v3 =	vld [tilespmem:s13+$0x3100]  }
.LBB2_4:
0xe9: {  	p0 =	sne.s32 s10, $0x2F0  }
0xea: {  	s31 =	sadd.s32 $0x80, s31;
	s12 =	smov.u32 s10;
	s10 =	sadd.s32 $0x10, s10  }
0xeb: {  	_ =	sdelay $0x2  }
0xec: {  	[tilespmem:s13+$0xC100] =	vst.add.f32.msk $0xffff, v3  }
0xed: {  	s14 =	sand.u32 $0x1C00, s31;
	s13 =	sand.u32 $0x70, s12;
	v3 =	vld [tilespmem:s0+$0x4C80]  }
0xee: {  	s13 =	sor.u32 s13, s14;
	v4 =	vld [tilespmem:s0+$0x4B00]  }
0xef: {  	v5 =	vld [tilespmem:s0+$0x4C00]  }
0xf0: {  	v6 =	vld [tilespmem:s0+$0x4B80]  }
0xf1: {  	v7 =	vld [tilespmem:s0+$0x4A80]  }
0xf2: {  	v8 =	vld [tilespmem:s0+$0x4A00]  }
0xf3: {  	s14 =	sor.u32 $0xC100, s13;
	v9 =	vld [tilespmem:s0+$0x4980]  }
0xf4: {  	[tilespmem:s0+$0xDB00] =	vst.add.f32.msk $0xffff, v4  }
0xf5: {  	v4 =	vld [tilespmem:s13+$0x3100]  }
0xf6: {  	[tilespmem:s0+$0xDC80] =	vst.add.f32.msk $0xffff, v3  }
0xf7: {  	[tilespmem:s0+$0xDC00] =	vst.add.f32.msk $0xffff, v5  }
0xf8: {  	v3 =	vld [tilespmem:s0+$0x4900]  }
0xf9: {  	[tilespmem:s0+$0xD980] =	vst.add.f32.msk $0xffff, v9  }
0xfa: {  	[tilespmem:s0+$0xDB80] =	vst.add.f32.msk $0xffff, v6  }
0xfb: {  	[tilespmem:s0+$0xDA80] =	vst.add.f32.msk $0xffff, v7  }
0xfc: {  	[tilespmem:s0+$0xDA00] =	vst.add.f32.msk $0xffff, v8  }
0xfd: {  	[tilespmem:s0+$0xD900] =	vst.add.f32.msk $0xffff, v3;
	s0 =	smov.u32 s13  }
0xfe: {  	[tilespmem:s14+$0x0] =	vst.add.f32.msk $0xffff, v4  }
0xff: {  	v3 =	vld [tilespmem:s0+$0x3180];
	_ =	sdelay $0x3  }
0x100: {  	s13 =	sor.u32 $0xC180, s0  }
0x101: {  	[tilespmem:s13+$0x0] =	vst.add.f32.msk $0xffff, v3  }
0x102: {  	v3 =	vld [tilespmem:s0+$0x3200];
	_ =	sdelay $0x3  }
0x103: {  	s13 =	sor.u32 $0xC200, s0  }
0x104: {  	[tilespmem:s13+$0x0] =	vst.add.f32.msk $0xffff, v3  }
0x105: {  	v3 =	vld [tilespmem:s0+$0x3280];
	_ =	sdelay $0x3  }
0x106: {  	s13 =	sor.u32 $0xC280, s0  }
0x107: {  	[tilespmem:s13+$0x0] =	vst.add.f32.msk $0xffff, v3  }
0x108: {  	v3 =	vld [tilespmem:s0+$0x3300];
	_ =	sdelay $0x3  }
0x109: {  	s13 =	sor.u32 $0xC300, s0  }
0x10a: {  	[tilespmem:s13+$0x0] =	vst.add.f32.msk $0xffff, v3  }
0x10b: {  	v3 =	vld [tilespmem:s0+$0x3380];
	_ =	sdelay $0x3  }
0x10c: {  	s13 =	sor.u32 $0xC380, s0  }
0x10d: {  	[tilespmem:s13+$0x0] =	vst.add.f32.msk $0xffff, v3  }
0x10e: {  	v3 =	vld [tilespmem:s0+$0x3400];
	_ =	sdelay $0x1  }
.Ltmp1:
0x10f: {  	(pc) =	sbr.rel @p0 .LBB2_4-.Ltmp1, $4  }
0x110: {  	_ = 	snop  }
0x111: {  	s12 =	sor.u32 s31, s12  }
0x112: {  	s13 =	sor.u32 $0x380, s12;
	[tilespmem:s0+$0xC400] =	vst.add.f32.msk $0xffff, v3  }
0x113: {  	v3 =	vld [tilespmem:s13+$0x3100]  }
0x114: {  	_ =	sdelay $0x3  }
0x115: {  	[tilespmem:s13+$0xC100] =	vst.add.f32.msk $0xffff, v3  }
0x116: {  	v3 =	vld [tilespmem:s0+$0x4C80]  }
0x117: {  	v4 =	vld [tilespmem:s0+$0x4B00]  }
0x118: {  	v5 =	vld [tilespmem:s0+$0x4C00]  }
0x119: {  	v6 =	vld [tilespmem:s0+$0x4B80]  }
0x11a: {  	v7 =	vld [tilespmem:s0+$0x4A80]  }
0x11b: {  	v8 =	vld [tilespmem:s0+$0x4A00]  }
0x11c: {  	v9 =	vld [tilespmem:s0+$0x4980]  }
0x11d: {  	[tilespmem:s0+$0xDB00] =	vst.add.f32.msk $0xffff, v4  }
0x11e: {  	[tilespmem:s0+$0xDC80] =	vst.add.f32.msk $0xffff, v3  }
0x11f: {  	[tilespmem:s0+$0xDC00] =	vst.add.f32.msk $0xffff, v5  }
0x120: {  	v3 =	vld [tilespmem:s0+$0x4900]  }
0x121: {  	[tilespmem:s0+$0xD980] =	vst.add.f32.msk $0xffff, v9  }
0x122: {  	[tilespmem:s0+$0xDB80] =	vst.add.f32.msk $0xffff, v6  }
0x123: {  	[tilespmem:s0+$0xDA80] =	vst.add.f32.msk $0xffff, v7  }
0x124: {  	[tilespmem:s0+$0xDA00] =	vst.add.f32.msk $0xffff, v8  }
0x125: {  	s10 =	rddreg [dreg:$0xb];
	s12 =	simm.s32 $0xC100;
	[tilespmem:s0+$0xD900] =	vst.add.f32.msk $0xffff, v3;
	s0 =	simm.s32 $0x0  }
0x126: {  	[hbm4b:s10+s0] =	stream.linear.scatter [tilespmem:s12], [sflag:$0xA], $0x3000, $0x38;
	[tilespmem:$0x18100] =	vst v63  }
0x127: {  	_ =	swait.ge [sflag:s11], $0x3000  }
0x128: {  	[sflag:s11] =	ssyncset.done $0x0  }
0x129: {  	[sflag:s11] =	ssyncadd.s32 $0xFFFFD000  }
0x12a: {  	_ =	swait.ge [sflag:s18], $0x3000  }
0x12b: {  	[sflag:s18] =	ssyncset.done $0x0  }
0x12c: {  	[sflag:s18] =	ssyncadd.s32 $0xFFFFD000  }
0x12d: {  	v3 =	vld [tilespmem:$0x40];
	_ =	sdelay $0x4  }
0x12e: {  	v4 =	vshrl.u32 v3, $0x3  }
0x12f: {  	v4 =	vmul.u32 $0x30, v4  }
0x130: {  	v3 =	vand.u32 $0x7, v3  }
0x131: {  	v3 =	vor.u32 v3, v4  }
0x132: {  	v4 =	vperm.xlane v3, v0;
	_ =	sdelay $0x1  }
0x133: {  	v4 =	vadd.s32 v1, v4;
	_ =	sdelay $0x3  }
0x134: {  	s12 =	simm.s32 $0x3100;
	v3 =	vperm.xlane v3, v2  }
0x135: {  	[tilespmem:s12], [sflag:$0x2] =	stream.indirect_vreg.gather [hbm4b:s3+s0], $0x80, v4, vm0, $0xb8;
	[tilespmem:$0x18100] =	vst v63  }
0x136: {  	s13 =	simm.s32 $0x3900;
	v3 =	vadd.s32 v1, v3  }
0x137: {  	[tilespmem:s13], [sflag:$0x2] =	stream.indirect_vreg.gather [hbm4b:s7+s0], $0x80, v4, vm0, $0xb8;
	[tilespmem:$0x18100] =	vst v63  }
0x138: {  	s14 =	simm.s32 $0x4100  }
0x139: {  	[tilespmem:s14], [sflag:$0x2] =	stream.indirect_vreg.gather [hbm4b:s8+s0], $0x80, v4, vm0, $0xb8;
	[tilespmem:$0x18100] =	vst v63  }
0x13a: {  	s12 =	simm.s32 $0x4900  }
0x13b: {  	[tilespmem:s12], [sflag:$0x2] =	stream.indirect_vreg.gather [hbm4b:s3+s0], $0x80, v3, vm0, $0xb8;
	[tilespmem:$0x18100] =	vst v63  }
0x13c: {  	s13 =	simm.s32 $0x5100  }
0x13d: {  	[tilespmem:s13], [sflag:$0x2] =	stream.indirect_vreg.gather [hbm4b:s7+s0], $0x80, v3, vm0, $0xb8;
	[tilespmem:$0x18100] =	vst v63  }
0x13e: {  	s14 =	simm.s32 $0x5900  }
0x13f: {  	[tilespmem:s14], [sflag:$0x2] =	stream.indirect_vreg.gather [hbm4b:s8+s0], $0x80, v3, vm0, $0xb8;
	[tilespmem:$0x18100] =	vst v63  }
0x140: {  	s13 =	sand.u32 $0x70, s0;
	s14 =	sand.u32 $0x1C00, s0  }
0x141: {  	s12 =	rddreg [dreg:$0xc];
	s31 =	sor.u32 s13, s14  }
0x142: {  	[tilespmem:s19], [sflag:$0x8] =	stream.linear.gather [hbm4b:s12+s0], $0x3000, $0x38;
	[tilespmem:$0x18100] =	vst v63  }
0x143: {  	v3 =	vld [tilespmem:s31+$0x6100]  }
0x144: {  	v4 =	vld [tilespmem:s31+$0x6180];
	_ =	sdelay $0x3  }
0x145: {  	[tilespmem:s31+$0xF100] =	vst.add.f32.msk $0xffff, v3  }
0x146: {  	[tilespmem:s31+$0xF180] =	vst.add.f32.msk $0xffff, v4  }
0x147: {  	v3 =	vld [tilespmem:s31+$0x6200]  }
0x148: {  	v4 =	vld [tilespmem:s31+$0x6280]  }
0x149: {  	s10 =	simm.s32 $0x0;
	s12 =	simm.s32 $0x10;
	v5 =	vld [tilespmem:s31+$0x6300]  }
.LBB2_6:
0x14a: {  	p0 =	sne.s32 s12, $0x2F0;
	v6 =	vld [tilespmem:s31+$0x6380]  }
0x14b: {  	v7 =	vld [tilespmem:s31+$0x6400]  }
0x14c: {  	[tilespmem:s31+$0xF200] =	vst.add.f32.msk $0xffff, v3  }
0x14d: {  	[tilespmem:s31+$0xF280] =	vst.add.f32.msk $0xffff, v4  }
0x14e: {  	[tilespmem:s31+$0xF300] =	vst.add.f32.msk $0xffff, v5  }
0x14f: {  	s13 =	sor.u32 s10, s0;
	s0 =	smov.u32 s12;
	[tilespmem:s31+$0xF380] =	vst.add.f32.msk $0xffff, v6  }
0x150: {  	s13 =	sor.u32 $0x380, s13;
	[tilespmem:s31+$0xF400] =	vst.add.f32.msk $0xffff, v7  }
0x151: {  	v3 =	vld [tilespmem:s13+$0x6100];
	_ =	sdelay $0x4  }
0x152: {  	[tilespmem:s13+$0xF100] =	vst.add.f32.msk $0xffff, v3  }
0x153: {  	v3 =	vld [tilespmem:s31+$0x7900]  }
0x154: {  	v4 =	vld [tilespmem:s31+$0x7980]  }
0x155: {  	v5 =	vld [tilespmem:s31+$0x7A00]  }
0x156: {  	v6 =	vld [tilespmem:s31+$0x7A80]  }
0x157: {  	v7 =	vld [tilespmem:s31+$0x7B00]  }
0x158: {  	[tilespmem:s31+$0x10900] =	vst.add.f32.msk $0xffff, v3  }
0x159: {  	[tilespmem:s31+$0x10980] =	vst.add.f32.msk $0xffff, v4  }
0x15a: {  	[tilespmem:s31+$0x10A00] =	vst.add.f32.msk $0xffff, v5  }
0x15b: {  	[tilespmem:s31+$0x10A80] =	vst.add.f32.msk $0xffff, v6  }
0x15c: {  	[tilespmem:s31+$0x10B00] =	vst.add.f32.msk $0xffff, v7  }
0x15d: {  	s10 =	sadd.s32 $0x80, s10;
	v3 =	vld [tilespmem:s31+$0x7B80]  }
0x15e: {  	s14 =	sand.u32 $0x1C00, s10;
	s13 =	sand.u32 $0x70, s12;
	v4 =	vld [tilespmem:s31+$0x7C00]  }
0x15f: {  	s13 =	sor.u32 s13, s14;
	v5 =	vld [tilespmem:s31+$0x7C80]  }
0x160: {  	v6 =	vld [tilespmem:s13+$0x6100]  }
0x161: {  	v7 =	vld [tilespmem:s13+$0x6180]  }
0x162: {  	[tilespmem:s31+$0x10B80] =	vst.add.f32.msk $0xffff, v3  }
0x163: {  	[tilespmem:s31+$0x10C00] =	vst.add.f32.msk $0xffff, v4  }
0x164: {  	[tilespmem:s31+$0x10C80] =	vst.add.f32.msk $0xffff, v5;
	s31 =	smov.u32 s13  }
.Ltmp2:
0x165: {  	[tilespmem:s31+$0xF100] =	vst.add.f32.msk $0xffff, v6;
	(pc) =	sbr.rel @p0 .LBB2_6-.Ltmp2, $4  }
0x166: {  	[tilespmem:s31+$0xF180] =	vst.add.f32.msk $0xffff, v7  }
0x167: {  	v3 =	vld [tilespmem:s31+$0x6200]  }
0x168: {  	v4 =	vld [tilespmem:s31+$0x6280]  }
0x169: {  	s12 =	sadd.s32 $0x10, s12;
	v5 =	vld [tilespmem:s31+$0x6300]  }
0x16a: {  	v6 =	vld [tilespmem:s31+$0x6380]  }
0x16b: {  	v7 =	vld [tilespmem:s31+$0x6400]  }
0x16c: {  	[tilespmem:s31+$0xF200] =	vst.add.f32.msk $0xffff, v3  }
0x16d: {  	[tilespmem:s31+$0xF280] =	vst.add.f32.msk $0xffff, v4  }
0x16e: {  	[tilespmem:s31+$0xF300] =	vst.add.f32.msk $0xffff, v5  }
0x16f: {  	s0 =	sor.u32 s10, s0;
	[tilespmem:s31+$0xF380] =	vst.add.f32.msk $0xffff, v6  }
0x170: {  	s0 =	sor.u32 $0x380, s0;
	[tilespmem:s31+$0xF400] =	vst.add.f32.msk $0xffff, v7  }
0x171: {  	v3 =	vld [tilespmem:s0+$0x6100];
	_ =	sdelay $0x4  }
0x172: {  	[tilespmem:s0+$0xF100] =	vst.add.f32.msk $0xffff, v3  }
0x173: {  	v3 =	vld [tilespmem:s31+$0x7900]  }
0x174: {  	v4 =	vld [tilespmem:s31+$0x7980]  }
0x175: {  	v5 =	vld [tilespmem:s31+$0x7A00]  }
0x176: {  	v62 =	vld [tilespmem:s31+$0x7A80]  }
0x177: {  	v63 =	vld [tilespmem:s31+$0x7B00]  }
0x178: {  	[tilespmem:s31+$0x10900] =	vst.add.f32.msk $0xffff, v3  }
0x179: {  	[tilespmem:s31+$0x10980] =	vst.add.f32.msk $0xffff, v4  }
0x17a: {  	[tilespmem:s31+$0x10A00] =	vst.add.f32.msk $0xffff, v5  }
0x17b: {  	v3 =	vld [tilespmem:s31+$0x7B80]  }
0x17c: {  	v4 =	vld [tilespmem:s31+$0x7C00]  }
0x17d: {  	v5 =	vld [tilespmem:s31+$0x7C80]  }
0x17e: {  	[tilespmem:s31+$0x10A80] =	vst.add.f32.msk $0xffff, v62  }
0x17f: {  	[tilespmem:s31+$0x10B00] =	vst.add.f32.msk $0xffff, v63  }
0x180: {  	[tilespmem:s31+$0x10B80] =	vst.add.f32.msk $0xffff, v3  }
0x181: {  	[tilespmem:s31+$0x10C00] =	vst.add.f32.msk $0xffff, v4  }
0x182: {  	s13 =	rddreg [dreg:$0xd];
	[tilespmem:s31+$0x10C80] =	vst.add.f32.msk $0xffff, v5;
	s31 =	simm.s32 $0x0  }
0x183: {  	[hbm4b:s13+s31] =	stream.linear.scatter [tilespmem:s2], [sflag:$0xB], $0x3000, $0x38;
	[tilespmem:$0x18100] =	vst v63  }
0x184: {  	_ =	swait.ge [sflag:s24], $0x3000  }
0x185: {  	[sflag:s24] =	ssyncset.done $0x0  }
0x186: {  	[sflag:s24] =	ssyncadd.s32 $0xFFFFD000  }
0x187: {  	_ =	swait.ge [sflag:s20], $0x3000  }
0x188: {  	[sflag:s20] =	ssyncset.done $0x0  }
0x189: {  	[sflag:s20] =	ssyncadd.s32 $0xFFFFD000  }
0x18a: {  	v3 =	vld [tilespmem:$0x50];
	_ =	sdelay $0x4  }
0x18b: {  	v4 =	vshrl.u32 v3, $0x3  }
0x18c: {  	v4 =	vmul.u32 $0x30, v4  }
0x18d: {  	v3 =	vand.u32 $0x7, v3  }
0x18e: {  	v3 =	vor.u32 v3, v4  }
0x18f: {  	v4 =	vperm.xlane v3, v0;
	_ =	sdelay $0x1  }
0x190: {  	v4 =	vadd.s32 v1, v4;
	_ =	sdelay $0x3  }
0x191: {  	s14 =	simm.s32 $0x6100;
	v3 =	vperm.xlane v3, v2  }
0x192: {  	[tilespmem:s14], [sflag:$0x3] =	stream.indirect_vreg.gather [hbm4b:s3+s31], $0x80, v4, vm0, $0xb8;
	[tilespmem:$0x18100] =	vst v63  }
0x193: {  	s10 =	simm.s32 $0x6900;
	v3 =	vadd.s32 v1, v3  }
0x194: {  	[tilespmem:s10], [sflag:$0x3] =	stream.indirect_vreg.gather [hbm4b:s7+s31], $0x80, v4, vm0, $0xb8;
	[tilespmem:$0x18100] =	vst v63  }
0x195: {  	s12 =	simm.s32 $0x7100  }
0x196: {  	[tilespmem:s12], [sflag:$0x3] =	stream.indirect_vreg.gather [hbm4b:s8+s31], $0x80, v4, vm0, $0xb8;
	[tilespmem:$0x18100] =	vst v63  }
0x197: {  	s13 =	simm.s32 $0x7900  }
0x198: {  	[tilespmem:s13], [sflag:$0x3] =	stream.indirect_vreg.gather [hbm4b:s3+s31], $0x80, v3, vm0, $0xb8;
	[tilespmem:$0x18100] =	vst v63  }
0x199: {  	s14 =	simm.s32 $0x8100  }
0x19a: {  	[tilespmem:s14], [sflag:$0x3] =	stream.indirect_vreg.gather [hbm4b:s7+s31], $0x80, v3, vm0, $0xb8;
	[tilespmem:$0x18100] =	vst v63  }
0x19b: {  	s10 =	simm.s32 $0x8900  }
0x19c: {  	[tilespmem:s10], [sflag:$0x3] =	stream.indirect_vreg.gather [hbm4b:s8+s31], $0x80, v3, vm0, $0xb8;
	[tilespmem:$0x18100] =	vst v63  }
0x19d: {  	_ =	swait.ge [sflag:s21], $0x3000  }
0x19e: {  	s13 =	sand.u32 $0x70, s31;
	s14 =	sand.u32 $0x1C00, s31;
	[sflag:s21] =	ssyncset.done $0x0  }
0x19f: {  	s0 =	sor.u32 s13, s14;
	s12 =	rddreg [dreg:$0xe];
	[sflag:s21] =	ssyncadd.s32 $0xFFFFD000  }
0x1a0: {  	[tilespmem:s9], [sflag:$0x4] =	stream.linear.gather [hbm4b:s12+s31], $0x3000, $0x38;
	[tilespmem:$0x18100] =	vst v63  }
0x1a1: {  	v3 =	vld [tilespmem:s0+$0x100];
	_ =	sdelay $0x3  }
0x1a2: {  	s10 =	sor.u32 $0x12100, s0  }
0x1a3: {  	[tilespmem:s10+$0x0] =	vst.add.f32.msk $0xffff, v3  }
0x1a4: {  	v3 =	vld [tilespmem:s0+$0x180];
	_ =	sdelay $0x3  }
0x1a5: {  	s12 =	sor.u32 $0x12180, s0  }
0x1a6: {  	[tilespmem:s12+$0x0] =	vst.add.f32.msk $0xffff, v3  }
0x1a7: {  	v3 =	vld [tilespmem:s0+$0x200];
	_ =	sdelay $0x3  }
0x1a8: {  	s13 =	sor.u32 $0x12200, s0  }
0x1a9: {  	[tilespmem:s13+$0x0] =	vst.add.f32.msk $0xffff, v3  }
0x1aa: {  	v3 =	vld [tilespmem:s0+$0x280];
	_ =	sdelay $0x3  }
0x1ab: {  	s14 =	sor.u32 $0x12280, s0  }
0x1ac: {  	[tilespmem:s14+$0x0] =	vst.add.f32.msk $0xffff, v3  }
0x1ad: {  	v3 =	vld [tilespmem:s0+$0x300];
	_ =	sdelay $0x3  }
0x1ae: {  	s12 =	sor.u32 $0x12300, s0  }
0x1af: {  	[tilespmem:s12+$0x0] =	vst.add.f32.msk $0xffff, v3  }
0x1b0: {  	v3 =	vld [tilespmem:s0+$0x380];
	_ =	sdelay $0x3  }
0x1b1: {  	s13 =	sor.u32 $0x12380, s0  }
0x1b2: {  	[tilespmem:s13+$0x0] =	vst.add.f32.msk $0xffff, v3  }
0x1b3: {  	v3 =	vld [tilespmem:s0+$0x400];
	_ =	sdelay $0x3  }
0x1b4: {  	s14 =	sor.u32 s31, s31  }
0x1b5: {  	s13 =	sor.u32 $0x380, s14;
	[tilespmem:s0+$0x12400] =	vst.add.f32.msk $0xffff, v3  }
0x1b6: {  	s10 =	simm.s32 $0x10;
	v3 =	vld [tilespmem:s13+$0x100]  }
.LBB2_8:
0x1b7: {  	p0 =	sne.s32 s10, $0x2F0  }
0x1b8: {  	s31 =	sadd.s32 $0x80, s31;
	s12 =	smov.u32 s10;
	s10 =	sadd.s32 $0x10, s10  }
0x1b9: {  	_ =	sdelay $0x2  }
0x1ba: {  	[tilespmem:s13+$0x12100] =	vst.add.f32.msk $0xffff, v3  }
0x1bb: {  	s14 =	sand.u32 $0x1C00, s31;
	s13 =	sand.u32 $0x70, s12;
	v3 =	vld [tilespmem:s0+$0x1C80]  }
0x1bc: {  	s13 =	sor.u32 s13, s14;
	v4 =	vld [tilespmem:s0+$0x1B00]  }
0x1bd: {  	v5 =	vld [tilespmem:s0+$0x1C00]  }
0x1be: {  	v6 =	vld [tilespmem:s0+$0x1B80]  }
0x1bf: {  	v7 =	vld [tilespmem:s0+$0x1A80]  }
0x1c0: {  	v8 =	vld [tilespmem:s0+$0x1A00]  }
0x1c1: {  	s14 =	sor.u32 $0x12100, s13;
	v9 =	vld [tilespmem:s0+$0x1980]  }
0x1c2: {  	[tilespmem:s0+$0x13B00] =	vst.add.f32.msk $0xffff, v4  }
0x1c3: {  	v4 =	vld [tilespmem:s13+$0x100]  }
0x1c4: {  	[tilespmem:s0+$0x13C80] =	vst.add.f32.msk $0xffff, v3  }
0x1c5: {  	[tilespmem:s0+$0x13C00] =	vst.add.f32.msk $0xffff, v5  }
0x1c6: {  	v3 =	vld [tilespmem:s0+$0x1900]  }
0x1c7: {  	[tilespmem:s0+$0x13980] =	vst.add.f32.msk $0xffff, v9  }
0x1c8: {  	[tilespmem:s0+$0x13B80] =	vst.add.f32.msk $0xffff, v6  }
0x1c9: {  	[tilespmem:s0+$0x13A80] =	vst.add.f32.msk $0xffff, v7  }
0x1ca: {  	[tilespmem:s0+$0x13A00] =	vst.add.f32.msk $0xffff, v8  }
0x1cb: {  	[tilespmem:s0+$0x13900] =	vst.add.f32.msk $0xffff, v3;
	s0 =	smov.u32 s13  }
0x1cc: {  	[tilespmem:s14+$0x0] =	vst.add.f32.msk $0xffff, v4  }
0x1cd: {  	v3 =	vld [tilespmem:s0+$0x180];
	_ =	sdelay $0x3  }
0x1ce: {  	s13 =	sor.u32 $0x12180, s0  }
0x1cf: {  	[tilespmem:s13+$0x0] =	vst.add.f32.msk $0xffff, v3  }
0x1d0: {  	v3 =	vld [tilespmem:s0+$0x200];
	_ =	sdelay $0x3  }
0x1d1: {  	s13 =	sor.u32 $0x12200, s0  }
0x1d2: {  	[tilespmem:s13+$0x0] =	vst.add.f32.msk $0xffff, v3  }
0x1d3: {  	v3 =	vld [tilespmem:s0+$0x280];
	_ =	sdelay $0x3  }
0x1d4: {  	s13 =	sor.u32 $0x12280, s0  }
0x1d5: {  	[tilespmem:s13+$0x0] =	vst.add.f32.msk $0xffff, v3  }
0x1d6: {  	v3 =	vld [tilespmem:s0+$0x300];
	_ =	sdelay $0x3  }
0x1d7: {  	s13 =	sor.u32 $0x12300, s0  }
0x1d8: {  	[tilespmem:s13+$0x0] =	vst.add.f32.msk $0xffff, v3  }
0x1d9: {  	v3 =	vld [tilespmem:s0+$0x380];
	_ =	sdelay $0x3  }
0x1da: {  	s13 =	sor.u32 $0x12380, s0  }
0x1db: {  	[tilespmem:s13+$0x0] =	vst.add.f32.msk $0xffff, v3  }
0x1dc: {  	v3 =	vld [tilespmem:s0+$0x400];
	_ =	sdelay $0x1  }
.Ltmp3:
0x1dd: {  	(pc) =	sbr.rel @p0 .LBB2_8-.Ltmp3, $4  }
0x1de: {  	_ = 	snop  }
0x1df: {  	s12 =	sor.u32 s31, s12  }
0x1e0: {  	s13 =	sor.u32 $0x380, s12;
	[tilespmem:s0+$0x12400] =	vst.add.f32.msk $0xffff, v3  }
0x1e1: {  	v3 =	vld [tilespmem:s13+$0x100]  }
0x1e2: {  	_ =	sdelay $0x3  }
0x1e3: {  	[tilespmem:s13+$0x12100] =	vst.add.f32.msk $0xffff, v3  }
0x1e4: {  	v3 =	vld [tilespmem:s0+$0x1C80]  }
0x1e5: {  	v4 =	vld [tilespmem:s0+$0x1B00]  }
0x1e6: {  	v5 =	vld [tilespmem:s0+$0x1C00]  }
0x1e7: {  	v6 =	vld [tilespmem:s0+$0x1B80]  }
0x1e8: {  	v7 =	vld [tilespmem:s0+$0x1A80]  }
0x1e9: {  	v8 =	vld [tilespmem:s0+$0x1A00]  }
0x1ea: {  	v9 =	vld [tilespmem:s0+$0x1980]  }
0x1eb: {  	[tilespmem:s0+$0x13B00] =	vst.add.f32.msk $0xffff, v4  }
0x1ec: {  	[tilespmem:s0+$0x13C80] =	vst.add.f32.msk $0xffff, v3  }
0x1ed: {  	[tilespmem:s0+$0x13C00] =	vst.add.f32.msk $0xffff, v5  }
0x1ee: {  	v3 =	vld [tilespmem:s0+$0x1900]  }
0x1ef: {  	[tilespmem:s0+$0x13980] =	vst.add.f32.msk $0xffff, v9  }
0x1f0: {  	[tilespmem:s0+$0x13B80] =	vst.add.f32.msk $0xffff, v6  }
0x1f1: {  	[tilespmem:s0+$0x13A80] =	vst.add.f32.msk $0xffff, v7  }
0x1f2: {  	[tilespmem:s0+$0x13A00] =	vst.add.f32.msk $0xffff, v8  }
0x1f3: {  	s10 =	rddreg [dreg:$0xf];
	[tilespmem:s0+$0x13900] =	vst.add.f32.msk $0xffff, v3;
	s0 =	simm.s32 $0x0  }
0x1f4: {  	[hbm4b:s10+s0] =	stream.linear.scatter [tilespmem:s6], [sflag:$0xC], $0x3000, $0x38;
	[tilespmem:$0x18100] =	vst v63  }
0x1f5: {  	_ =	swait.ge [sflag:s4], $0x3000  }
0x1f6: {  	[sflag:s4] =	ssyncset.done $0x0  }
0x1f7: {  	[sflag:s4] =	ssyncadd.s32 $0xFFFFD000  }
0x1f8: {  	_ =	swait.ge [sflag:s22], $0x3000  }
0x1f9: {  	[sflag:s22] =	ssyncset.done $0x0  }
0x1fa: {  	[sflag:s22] =	ssyncadd.s32 $0xFFFFD000  }
0x1fb: {  	v3 =	vld [tilespmem:$0x60];
	_ =	sdelay $0x4  }
0x1fc: {  	v4 =	vshrl.u32 v3, $0x3  }
0x1fd: {  	v4 =	vmul.u32 $0x30, v4  }
0x1fe: {  	v3 =	vand.u32 $0x7, v3  }
0x1ff: {  	v3 =	vor.u32 v3, v4  }
0x200: {  	v4 =	vperm.xlane v3, v0;
	_ =	sdelay $0x1  }
0x201: {  	v4 =	vadd.s32 v1, v4;
	_ =	sdelay $0x3  }
0x202: {  	s14 =	simm.s32 $0x100;
	v3 =	vperm.xlane v3, v2  }
0x203: {  	[tilespmem:s14], [sflag:$0x1] =	stream.indirect_vreg.gather [hbm4b:s3+s0], $0x80, v4, vm0, $0xb8;
	[tilespmem:$0x18100] =	vst v63  }
0x204: {  	s12 =	simm.s32 $0x900;
	v3 =	vadd.s32 v1, v3  }
0x205: {  	[tilespmem:s12], [sflag:$0x1] =	stream.indirect_vreg.gather [hbm4b:s7+s0], $0x80, v4, vm0, $0xb8;
	[tilespmem:$0x18100] =	vst v63  }
0x206: {  	s13 =	simm.s32 $0x1100  }
0x207: {  	[tilespmem:s13], [sflag:$0x1] =	stream.indirect_vreg.gather [hbm4b:s8+s0], $0x80, v4, vm0, $0xb8;
	[tilespmem:$0x18100] =	vst v63  }
0x208: {  	_ = 	snop  }
0x209: {  	[tilespmem:s15], [sflag:$0x1] =	stream.indirect_vreg.gather [hbm4b:s3+s0], $0x80, v3, vm0, $0xb8;
	[tilespmem:$0x18100] =	vst v63  }
0x20a: {  	_ = 	snop  }
0x20b: {  	[tilespmem:s16], [sflag:$0x1] =	stream.indirect_vreg.gather [hbm4b:s7+s0], $0x80, v3, vm0, $0xb8;
	[tilespmem:$0x18100] =	vst v63  }
0x20c: {  	_ = 	snop  }
0x20d: {  	[tilespmem:s17], [sflag:$0x1] =	stream.indirect_vreg.gather [hbm4b:s8+s0], $0x80, v3, vm0, $0xb8;
	[tilespmem:$0x18100] =	vst v63  }
0x20e: {  	_ =	swait.ge [sflag:s23], $0x3000  }
0x20f: {  	[sflag:s23] =	ssyncset.done $0x0  }
0x210: {  	s12 =	simm.s32 $0xC100;
	s14 =	rddreg [dreg:$0x10];
	[sflag:s23] =	ssyncadd.s32 $0xFFFFD000  }
0x211: {  	[tilespmem:s12], [sflag:$0x5] =	stream.linear.gather [hbm4b:s14+s0], $0x3000, $0x38;
	[tilespmem:$0x18100] =	vst v63  }
0x212: {  	s13 =	sand.u32 $0x70, s0;
	s14 =	sand.u32 $0x1C00, s0  }
0x213: {  	s31 =	sor.u32 s13, s14  }
0x214: {  	v3 =	vld [tilespmem:s31+$0x3100]  }
0x215: {  	v4 =	vld [tilespmem:s31+$0x3180];
	_ =	sdelay $0x3  }
0x216: {  	[tilespmem:s31+$0x15100] =	vst.add.f32.msk $0xffff, v3  }
0x217: {  	[tilespmem:s31+$0x15180] =	vst.add.f32.msk $0xffff, v4  }
0x218: {  	v3 =	vld [tilespmem:s31+$0x3200]  }
0x219: {  	v4 =	vld [tilespmem:s31+$0x3280]  }
0x21a: {  	s10 =	simm.s32 $0x0;
	s12 =	simm.s32 $0x10;
	v5 =	vld [tilespmem:s31+$0x3300]  }
.LBB2_10:
0x21b: {  	p0 =	sne.s32 s12, $0x2F0;
	v6 =	vld [tilespmem:s31+$0x3380]  }
0x21c: {  	v7 =	vld [tilespmem:s31+$0x3400]  }
0x21d: {  	[tilespmem:s31+$0x15200] =	vst.add.f32.msk $0xffff, v3  }
0x21e: {  	[tilespmem:s31+$0x15280] =	vst.add.f32.msk $0xffff, v4  }
0x21f: {  	[tilespmem:s31+$0x15300] =	vst.add.f32.msk $0xffff, v5  }
0x220: {  	s13 =	sor.u32 s10, s0;
	s0 =	smov.u32 s12;
	[tilespmem:s31+$0x15380] =	vst.add.f32.msk $0xffff, v6  }
0x221: {  	s13 =	sor.u32 $0x380, s13;
	[tilespmem:s31+$0x15400] =	vst.add.f32.msk $0xffff, v7  }
0x222: {  	v3 =	vld [tilespmem:s13+$0x3100];
	_ =	sdelay $0x4  }
0x223: {  	[tilespmem:s13+$0x15100] =	vst.add.f32.msk $0xffff, v3  }
0x224: {  	v3 =	vld [tilespmem:s31+$0x4900]  }
0x225: {  	v4 =	vld [tilespmem:s31+$0x4980]  }
0x226: {  	v5 =	vld [tilespmem:s31+$0x4A00]  }
0x227: {  	v6 =	vld [tilespmem:s31+$0x4A80]  }
0x228: {  	v7 =	vld [tilespmem:s31+$0x4B00]  }
0x229: {  	[tilespmem:s31+$0x16900] =	vst.add.f32.msk $0xffff, v3  }
0x22a: {  	[tilespmem:s31+$0x16980] =	vst.add.f32.msk $0xffff, v4  }
0x22b: {  	[tilespmem:s31+$0x16A00] =	vst.add.f32.msk $0xffff, v5  }
0x22c: {  	[tilespmem:s31+$0x16A80] =	vst.add.f32.msk $0xffff, v6  }
0x22d: {  	[tilespmem:s31+$0x16B00] =	vst.add.f32.msk $0xffff, v7  }
0x22e: {  	s10 =	sadd.s32 $0x80, s10;
	v3 =	vld [tilespmem:s31+$0x4B80]  }
0x22f: {  	s14 =	sand.u32 $0x1C00, s10;
	s13 =	sand.u32 $0x70, s12;
	v4 =	vld [tilespmem:s31+$0x4C00]  }
0x230: {  	s13 =	sor.u32 s13, s14;
	v5 =	vld [tilespmem:s31+$0x4C80]  }
0x231: {  	v6 =	vld [tilespmem:s13+$0x3100]  }
0x232: {  	v7 =	vld [tilespmem:s13+$0x3180]  }
0x233: {  	[tilespmem:s31+$0x16B80] =	vst.add.f32.msk $0xffff, v3  }
0x234: {  	[tilespmem:s31+$0x16C00] =	vst.add.f32.msk $0xffff, v4  }
0x235: {  	[tilespmem:s31+$0x16C80] =	vst.add.f32.msk $0xffff, v5;
	s31 =	smov.u32 s13  }
.Ltmp4:
0x236: {  	[tilespmem:s31+$0x15100] =	vst.add.f32.msk $0xffff, v6;
	(pc) =	sbr.rel @p0 .LBB2_10-.Ltmp4, $4  }
0x237: {  	[tilespmem:s31+$0x15180] =	vst.add.f32.msk $0xffff, v7  }
0x238: {  	v3 =	vld [tilespmem:s31+$0x3200]  }
0x239: {  	v4 =	vld [tilespmem:s31+$0x3280]  }
0x23a: {  	s12 =	sadd.s32 $0x10, s12;
	v5 =	vld [tilespmem:s31+$0x3300]  }
0x23b: {  	v6 =	vld [tilespmem:s31+$0x3380]  }
0x23c: {  	v7 =	vld [tilespmem:s31+$0x3400]  }
0x23d: {  	[tilespmem:s31+$0x15200] =	vst.add.f32.msk $0xffff, v3  }
0x23e: {  	[tilespmem:s31+$0x15280] =	vst.add.f32.msk $0xffff, v4  }
0x23f: {  	[tilespmem:s31+$0x15300] =	vst.add.f32.msk $0xffff, v5  }
0x240: {  	s0 =	sor.u32 s10, s0;
	[tilespmem:s31+$0x15380] =	vst.add.f32.msk $0xffff, v6  }
0x241: {  	s0 =	sor.u32 $0x380, s0;
	[tilespmem:s31+$0x15400] =	vst.add.f32.msk $0xffff, v7  }
0x242: {  	v3 =	vld [tilespmem:s0+$0x3100];
	_ =	sdelay $0x4  }
0x243: {  	[tilespmem:s0+$0x15100] =	vst.add.f32.msk $0xffff, v3  }
0x244: {  	v3 =	vld [tilespmem:s31+$0x4900]  }
0x245: {  	v4 =	vld [tilespmem:s31+$0x4980]  }
0x246: {  	v5 =	vld [tilespmem:s31+$0x4A00]  }
0x247: {  	v6 =	vld [tilespmem:s31+$0x4A80]  }
0x248: {  	v7 =	vld [tilespmem:s31+$0x4B00]  }
0x249: {  	[tilespmem:s31+$0x16900] =	vst.add.f32.msk $0xffff, v3  }
0x24a: {  	[tilespmem:s31+$0x16980] =	vst.add.f32.msk $0xffff, v4  }
0x24b: {  	[tilespmem:s31+$0x16A00] =	vst.add.f32.msk $0xffff, v5  }
0x24c: {  	v3 =	vld [tilespmem:s31+$0x4B80]  }
0x24d: {  	v4 =	vld [tilespmem:s31+$0x4C00]  }
0x24e: {  	v5 =	vld [tilespmem:s31+$0x4C80]  }
0x24f: {  	[tilespmem:s31+$0x16A80] =	vst.add.f32.msk $0xffff, v6  }
0x250: {  	[tilespmem:s31+$0x16B00] =	vst.add.f32.msk $0xffff, v7  }
0x251: {  	[tilespmem:s31+$0x16B80] =	vst.add.f32.msk $0xffff, v3  }
0x252: {  	[tilespmem:s31+$0x16C00] =	vst.add.f32.msk $0xffff, v4  }
0x253: {  	s12 =	rddreg [dreg:$0x11];
	s0 =	simm.s32 $0x0;
	[tilespmem:s31+$0x16C80] =	vst.add.f32.msk $0xffff, v5  }
0x254: {  	[hbm4b:s12+s0] =	stream.linear.scatter [tilespmem:s19], [sflag:$0xD], $0x3000, $0x38;
	[tilespmem:$0x18100] =	vst v63  }
0x255: {  	_ =	swait.ge [sflag:s11], $0x3000  }
0x256: {  	[sflag:s11] =	ssyncset.done $0x0  }
0x257: {  	[sflag:s11] =	ssyncadd.s32 $0xFFFFD000  }
0x258: {  	_ =	swait.ge [sflag:s25], $0x3000  }
0x259: {  	[sflag:s25] =	ssyncset.done $0x0  }
0x25a: {  	[sflag:s25] =	ssyncadd.s32 $0xFFFFD000  }
0x25b: {  	v3 =	vld [tilespmem:$0x70];
	_ =	sdelay $0x4  }
0x25c: {  	v4 =	vshrl.u32 v3, $0x3  }
0x25d: {  	v4 =	vmul.u32 $0x30, v4  }
0x25e: {  	v3 =	vand.u32 $0x7, v3  }
0x25f: {  	v3 =	vor.u32 v3, v4  }
0x260: {  	v4 =	vperm.xlane v3, v0;
	_ =	sdelay $0x1  }
0x261: {  	v4 =	vadd.s32 v1, v4;
	_ =	sdelay $0x3  }
0x262: {  	s13 =	simm.s32 $0x3100;
	v3 =	vperm.xlane v3, v2  }
0x263: {  	[tilespmem:s13], [sflag:$0x2] =	stream.indirect_vreg.gather [hbm4b:s3+s0], $0x80, v4, vm0, $0xb8;
	[tilespmem:$0x18100] =	vst v63  }
0x264: {  	s14 =	simm.s32 $0x3900;
	v3 =	vadd.s32 v1, v3  }
0x265: {  	[tilespmem:s14], [sflag:$0x2] =	stream.indirect_vreg.gather [hbm4b:s7+s0], $0x80, v4, vm0, $0xb8;
	[tilespmem:$0x18100] =	vst v63  }
0x266: {  	s12 =	simm.s32 $0x4100  }
0x267: {  	[tilespmem:s12], [sflag:$0x2] =	stream.indirect_vreg.gather [hbm4b:s8+s0], $0x80, v4, vm0, $0xb8;
	[tilespmem:$0x18100] =	vst v63  }
0x268: {  	s13 =	simm.s32 $0x4900  }
0x269: {  	[tilespmem:s13], [sflag:$0x2] =	stream.indirect_vreg.gather [hbm4b:s3+s0], $0x80, v3, vm0, $0xb8;
	[tilespmem:$0x18100] =	vst v63  }
0x26a: {  	s14 =	simm.s32 $0x5100  }
0x26b: {  	[tilespmem:s14], [sflag:$0x2] =	stream.indirect_vreg.gather [hbm4b:s7+s0], $0x80, v3, vm0, $0xb8;
	[tilespmem:$0x18100] =	vst v63  }
0x26c: {  	s12 =	simm.s32 $0x5900  }
0x26d: {  	[tilespmem:s12], [sflag:$0x2] =	stream.indirect_vreg.gather [hbm4b:s8+s0], $0x80, v3, vm0, $0xb8;
	[tilespmem:$0x18100] =	vst v63  }
0x26e: {  	_ =	swait.ge [sflag:s26], $0x3000  }
0x26f: {  	s14 =	sand.u32 $0x70, s0;
	s12 =	sand.u32 $0x1C00, s0;
	[sflag:s26] =	ssyncset.done $0x0  }
0x270: {  	s31 =	sor.u32 s14, s12;
	s13 =	rddreg [dreg:$0x12];
	[sflag:s26] =	ssyncadd.s32 $0xFFFFD000  }
0x271: {  	[tilespmem:s2], [sflag:$0x6] =	stream.linear.gather [hbm4b:s13+s0], $0x3000, $0x38;
	[tilespmem:$0x18100] =	vst v63  }
0x272: {  	v3 =	vld [tilespmem:s31+$0x6100]  }
0x273: {  	v4 =	vld [tilespmem:s31+$0x6180];
	_ =	sdelay $0x3  }
0x274: {  	[tilespmem:s31+$0x9100] =	vst.add.f32.msk $0xffff, v3  }
0x275: {  	[tilespmem:s31+$0x9180] =	vst.add.f32.msk $0xffff, v4  }
0x276: {  	v3 =	vld [tilespmem:s31+$0x6200]  }
0x277: {  	v4 =	vld [tilespmem:s31+$0x6280]  }
0x278: {  	s10 =	simm.s32 $0x0;
	s12 =	simm.s32 $0x10;
	v5 =	vld [tilespmem:s31+$0x6300]  }
.LBB2_12:
0x279: {  	p0 =	sne.s32 s12, $0x2F0;
	v6 =	vld [tilespmem:s31+$0x6380]  }
0x27a: {  	v7 =	vld [tilespmem:s31+$0x6400]  }
0x27b: {  	[tilespmem:s31+$0x9200] =	vst.add.f32.msk $0xffff, v3  }
0x27c: {  	[tilespmem:s31+$0x9280] =	vst.add.f32.msk $0xffff, v4  }
0x27d: {  	[tilespmem:s31+$0x9300] =	vst.add.f32.msk $0xffff, v5  }
0x27e: {  	s13 =	sor.u32 s10, s0;
	s0 =	smov.u32 s12;
	[tilespmem:s31+$0x9380] =	vst.add.f32.msk $0xffff, v6  }
0x27f: {  	s13 =	sor.u32 $0x380, s13;
	[tilespmem:s31+$0x9400] =	vst.add.f32.msk $0xffff, v7  }
0x280: {  	v3 =	vld [tilespmem:s13+$0x6100];
	_ =	sdelay $0x4  }
0x281: {  	[tilespmem:s13+$0x9100] =	vst.add.f32.msk $0xffff, v3  }
0x282: {  	v3 =	vld [tilespmem:s31+$0x7900]  }
0x283: {  	v4 =	vld [tilespmem:s31+$0x7980]  }
0x284: {  	v5 =	vld [tilespmem:s31+$0x7A00]  }
0x285: {  	v6 =	vld [tilespmem:s31+$0x7A80]  }
0x286: {  	v7 =	vld [tilespmem:s31+$0x7B00]  }
0x287: {  	[tilespmem:s31+$0xA900] =	vst.add.f32.msk $0xffff, v3  }
0x288: {  	[tilespmem:s31+$0xA980] =	vst.add.f32.msk $0xffff, v4  }
0x289: {  	[tilespmem:s31+$0xAA00] =	vst.add.f32.msk $0xffff, v5  }
0x28a: {  	[tilespmem:s31+$0xAA80] =	vst.add.f32.msk $0xffff, v6  }
0x28b: {  	[tilespmem:s31+$0xAB00] =	vst.add.f32.msk $0xffff, v7  }
0x28c: {  	s10 =	sadd.s32 $0x80, s10;
	v3 =	vld [tilespmem:s31+$0x7B80]  }
0x28d: {  	s14 =	sand.u32 $0x1C00, s10;
	s13 =	sand.u32 $0x70, s12;
	v4 =	vld [tilespmem:s31+$0x7C00]  }
0x28e: {  	s13 =	sor.u32 s13, s14;
	v5 =	vld [tilespmem:s31+$0x7C80]  }
0x28f: {  	v6 =	vld [tilespmem:s13+$0x6100]  }
0x290: {  	v7 =	vld [tilespmem:s13+$0x6180]  }
0x291: {  	[tilespmem:s31+$0xAB80] =	vst.add.f32.msk $0xffff, v3  }
0x292: {  	[tilespmem:s31+$0xAC00] =	vst.add.f32.msk $0xffff, v4  }
0x293: {  	[tilespmem:s31+$0xAC80] =	vst.add.f32.msk $0xffff, v5;
	s31 =	smov.u32 s13  }
.Ltmp5:
0x294: {  	[tilespmem:s31+$0x9100] =	vst.add.f32.msk $0xffff, v6;
	(pc) =	sbr.rel @p0 .LBB2_12-.Ltmp5, $4  }
0x295: {  	[tilespmem:s31+$0x9180] =	vst.add.f32.msk $0xffff, v7  }
0x296: {  	v3 =	vld [tilespmem:s31+$0x6200]  }
0x297: {  	v4 =	vld [tilespmem:s31+$0x6280]  }
0x298: {  	s12 =	sadd.s32 $0x10, s12;
	v5 =	vld [tilespmem:s31+$0x6300]  }
0x299: {  	v6 =	vld [tilespmem:s31+$0x6380]  }
0x29a: {  	v7 =	vld [tilespmem:s31+$0x6400]  }
0x29b: {  	[tilespmem:s31+$0x9200] =	vst.add.f32.msk $0xffff, v3  }
0x29c: {  	[tilespmem:s31+$0x9280] =	vst.add.f32.msk $0xffff, v4  }
0x29d: {  	[tilespmem:s31+$0x9300] =	vst.add.f32.msk $0xffff, v5  }
0x29e: {  	s0 =	sor.u32 s10, s0;
	[tilespmem:s31+$0x9380] =	vst.add.f32.msk $0xffff, v6  }
0x29f: {  	s0 =	sor.u32 $0x380, s0;
	[tilespmem:s31+$0x9400] =	vst.add.f32.msk $0xffff, v7  }
0x2a0: {  	v3 =	vld [tilespmem:s0+$0x6100];
	_ =	sdelay $0x4  }
0x2a1: {  	[tilespmem:s0+$0x9100] =	vst.add.f32.msk $0xffff, v3  }
0x2a2: {  	v3 =	vld [tilespmem:s31+$0x7900]  }
0x2a3: {  	v4 =	vld [tilespmem:s31+$0x7980]  }
0x2a4: {  	v5 =	vld [tilespmem:s31+$0x7A00]  }
0x2a5: {  	v62 =	vld [tilespmem:s31+$0x7A80]  }
0x2a6: {  	v63 =	vld [tilespmem:s31+$0x7B00]  }
0x2a7: {  	[tilespmem:s31+$0xA900] =	vst.add.f32.msk $0xffff, v3  }
0x2a8: {  	[tilespmem:s31+$0xA980] =	vst.add.f32.msk $0xffff, v4  }
0x2a9: {  	[tilespmem:s31+$0xAA00] =	vst.add.f32.msk $0xffff, v5  }
0x2aa: {  	v3 =	vld [tilespmem:s31+$0x7B80]  }
0x2ab: {  	v4 =	vld [tilespmem:s31+$0x7C00]  }
0x2ac: {  	v5 =	vld [tilespmem:s31+$0x7C80]  }
0x2ad: {  	[tilespmem:s31+$0xAA80] =	vst.add.f32.msk $0xffff, v62  }
0x2ae: {  	[tilespmem:s31+$0xAB00] =	vst.add.f32.msk $0xffff, v63  }
0x2af: {  	[tilespmem:s31+$0xAB80] =	vst.add.f32.msk $0xffff, v3  }
0x2b0: {  	[tilespmem:s31+$0xAC00] =	vst.add.f32.msk $0xffff, v4  }
0x2b1: {  	s13 =	rddreg [dreg:$0x13];
	[tilespmem:s31+$0xAC80] =	vst.add.f32.msk $0xffff, v5;
	s31 =	simm.s32 $0x0  }
0x2b2: {  	[hbm4b:s13+s31] =	stream.linear.scatter [tilespmem:s9], [sflag:$0x9], $0x3000, $0x38;
	[tilespmem:$0x18100] =	vst v63  }
0x2b3: {  	_ =	swait.ge [sflag:s24], $0x3000  }
0x2b4: {  	[sflag:s24] =	ssyncset.done $0x0  }
0x2b5: {  	[sflag:s24] =	ssyncadd.s32 $0xFFFFD000  }
0x2b6: {  	_ =	swait.ge [sflag:s5], $0x3000  }
0x2b7: {  	[sflag:s5] =	ssyncset.done $0x0  }
0x2b8: {  	[sflag:s5] =	ssyncadd.s32 $0xFFFFD000  }
0x2b9: {  	v3 =	vld [tilespmem:$0x80];
	_ =	sdelay $0x4  }
0x2ba: {  	v4 =	vshrl.u32 v3, $0x3  }
0x2bb: {  	v4 =	vmul.u32 $0x30, v4  }
0x2bc: {  	v3 =	vand.u32 $0x7, v3  }
0x2bd: {  	v3 =	vor.u32 v3, v4  }
0x2be: {  	v4 =	vperm.xlane v3, v0;
	_ =	sdelay $0x1  }
0x2bf: {  	v4 =	vadd.s32 v1, v4;
	_ =	sdelay $0x3  }
0x2c0: {  	s14 =	simm.s32 $0x6100;
	v3 =	vperm.xlane v3, v2  }
0x2c1: {  	[tilespmem:s14], [sflag:$0x3] =	stream.indirect_vreg.gather [hbm4b:s3+s31], $0x80, v4, vm0, $0xb8;
	[tilespmem:$0x18100] =	vst v63  }
0x2c2: {  	s10 =	simm.s32 $0x6900;
	v3 =	vadd.s32 v1, v3  }
0x2c3: {  	[tilespmem:s10], [sflag:$0x3] =	stream.indirect_vreg.gather [hbm4b:s7+s31], $0x80, v4, vm0, $0xb8;
	[tilespmem:$0x18100] =	vst v63  }
0x2c4: {  	s12 =	simm.s32 $0x7100  }
0x2c5: {  	[tilespmem:s12], [sflag:$0x3] =	stream.indirect_vreg.gather [hbm4b:s8+s31], $0x80, v4, vm0, $0xb8;
	[tilespmem:$0x18100] =	vst v63  }
0x2c6: {  	s13 =	simm.s32 $0x7900  }
0x2c7: {  	[tilespmem:s13], [sflag:$0x3] =	stream.indirect_vreg.gather [hbm4b:s3+s31], $0x80, v3, vm0, $0xb8;
	[tilespmem:$0x18100] =	vst v63  }
0x2c8: {  	s14 =	simm.s32 $0x8100  }
0x2c9: {  	[tilespmem:s14], [sflag:$0x3] =	stream.indirect_vreg.gather [hbm4b:s7+s31], $0x80, v3, vm0, $0xb8;
	[tilespmem:$0x18100] =	vst v63  }
0x2ca: {  	s10 =	simm.s32 $0x8900  }
0x2cb: {  	[tilespmem:s10], [sflag:$0x3] =	stream.indirect_vreg.gather [hbm4b:s8+s31], $0x80, v3, vm0, $0xb8;
	[tilespmem:$0x18100] =	vst v63  }
0x2cc: {  	_ =	swait.ge [sflag:s28], $0x3000  }
0x2cd: {  	s13 =	sand.u32 $0x70, s31;
	s14 =	sand.u32 $0x1C00, s31;
	[sflag:s28] =	ssyncset.done $0x0  }
0x2ce: {  	s0 =	sor.u32 s13, s14;
	s12 =	rddreg [dreg:$0x14];
	[sflag:s28] =	ssyncadd.s32 $0xFFFFD000  }
0x2cf: {  	[tilespmem:s6], [sflag:$0x7] =	stream.linear.gather [hbm4b:s12+s31], $0x3000, $0x38;
	[tilespmem:$0x18100] =	vst v63  }
0x2d0: {  	v3 =	vld [tilespmem:s0+$0x100];
	_ =	sdelay $0x3  }
0x2d1: {  	s10 =	sor.u32 $0xC100, s0  }
0x2d2: {  	[tilespmem:s10+$0x0] =	vst.add.f32.msk $0xffff, v3  }
0x2d3: {  	v3 =	vld [tilespmem:s0+$0x180];
	_ =	sdelay $0x3  }
0x2d4: {  	s12 =	sor.u32 $0xC180, s0  }
0x2d5: {  	[tilespmem:s12+$0x0] =	vst.add.f32.msk $0xffff, v3  }
0x2d6: {  	v3 =	vld [tilespmem:s0+$0x200];
	_ =	sdelay $0x3  }
0x2d7: {  	s13 =	sor.u32 $0xC200, s0  }
0x2d8: {  	[tilespmem:s13+$0x0] =	vst.add.f32.msk $0xffff, v3  }
0x2d9: {  	v3 =	vld [tilespmem:s0+$0x280];
	_ =	sdelay $0x3  }
0x2da: {  	s14 =	sor.u32 $0xC280, s0  }
0x2db: {  	[tilespmem:s14+$0x0] =	vst.add.f32.msk $0xffff, v3  }
0x2dc: {  	v3 =	vld [tilespmem:s0+$0x300];
	_ =	sdelay $0x3  }
0x2dd: {  	s12 =	sor.u32 $0xC300, s0  }
0x2de: {  	[tilespmem:s12+$0x0] =	vst.add.f32.msk $0xffff, v3  }
0x2df: {  	v3 =	vld [tilespmem:s0+$0x380];
	_ =	sdelay $0x3  }
0x2e0: {  	s13 =	sor.u32 $0xC380, s0  }
0x2e1: {  	[tilespmem:s13+$0x0] =	vst.add.f32.msk $0xffff, v3  }
0x2e2: {  	v3 =	vld [tilespmem:s0+$0x400];
	_ =	sdelay $0x3  }
0x2e3: {  	s14 =	sor.u32 s31, s31  }
0x2e4: {  	s13 =	sor.u32 $0x380, s14;
	[tilespmem:s0+$0xC400] =	vst.add.f32.msk $0xffff, v3  }
0x2e5: {  	s10 =	simm.s32 $0x10;
	v3 =	vld [tilespmem:s13+$0x100]  }
.LBB2_14:
0x2e6: {  	p0 =	sne.s32 s10, $0x2F0  }
0x2e7: {  	s31 =	sadd.s32 $0x80, s31;
	s12 =	smov.u32 s10;
	s10 =	sadd.s32 $0x10, s10  }
0x2e8: {  	_ =	sdelay $0x2  }
0x2e9: {  	[tilespmem:s13+$0xC100] =	vst.add.f32.msk $0xffff, v3  }
0x2ea: {  	s14 =	sand.u32 $0x1C00, s31;
	s13 =	sand.u32 $0x70, s12;
	v3 =	vld [tilespmem:s0+$0x1C80]  }
0x2eb: {  	s13 =	sor.u32 s13, s14;
	v4 =	vld [tilespmem:s0+$0x1B00]  }
0x2ec: {  	v5 =	vld [tilespmem:s0+$0x1C00]  }
0x2ed: {  	v6 =	vld [tilespmem:s0+$0x1B80]  }
0x2ee: {  	v7 =	vld [tilespmem:s0+$0x1A80]  }
0x2ef: {  	v8 =	vld [tilespmem:s0+$0x1A00]  }
0x2f0: {  	s14 =	sor.u32 $0xC100, s13;
	v9 =	vld [tilespmem:s0+$0x1980]  }
0x2f1: {  	[tilespmem:s0+$0xDB00] =	vst.add.f32.msk $0xffff, v4  }
0x2f2: {  	v4 =	vld [tilespmem:s13+$0x100]  }
0x2f3: {  	[tilespmem:s0+$0xDC80] =	vst.add.f32.msk $0xffff, v3  }
0x2f4: {  	[tilespmem:s0+$0xDC00] =	vst.add.f32.msk $0xffff, v5  }
0x2f5: {  	v3 =	vld [tilespmem:s0+$0x1900]  }
0x2f6: {  	[tilespmem:s0+$0xD980] =	vst.add.f32.msk $0xffff, v9  }
0x2f7: {  	[tilespmem:s0+$0xDB80] =	vst.add.f32.msk $0xffff, v6  }
0x2f8: {  	[tilespmem:s0+$0xDA80] =	vst.add.f32.msk $0xffff, v7  }
0x2f9: {  	[tilespmem:s0+$0xDA00] =	vst.add.f32.msk $0xffff, v8  }
0x2fa: {  	[tilespmem:s0+$0xD900] =	vst.add.f32.msk $0xffff, v3;
	s0 =	smov.u32 s13  }
0x2fb: {  	[tilespmem:s14+$0x0] =	vst.add.f32.msk $0xffff, v4  }
0x2fc: {  	v3 =	vld [tilespmem:s0+$0x180];
	_ =	sdelay $0x3  }
0x2fd: {  	s13 =	sor.u32 $0xC180, s0  }
0x2fe: {  	[tilespmem:s13+$0x0] =	vst.add.f32.msk $0xffff, v3  }
0x2ff: {  	v3 =	vld [tilespmem:s0+$0x200];
	_ =	sdelay $0x3  }
0x300: {  	s13 =	sor.u32 $0xC200, s0  }
0x301: {  	[tilespmem:s13+$0x0] =	vst.add.f32.msk $0xffff, v3  }
0x302: {  	v3 =	vld [tilespmem:s0+$0x280];
	_ =	sdelay $0x3  }
0x303: {  	s13 =	sor.u32 $0xC280, s0  }
0x304: {  	[tilespmem:s13+$0x0] =	vst.add.f32.msk $0xffff, v3  }
0x305: {  	v3 =	vld [tilespmem:s0+$0x300];
	_ =	sdelay $0x3  }
0x306: {  	s13 =	sor.u32 $0xC300, s0  }
0x307: {  	[tilespmem:s13+$0x0] =	vst.add.f32.msk $0xffff, v3  }
0x308: {  	v3 =	vld [tilespmem:s0+$0x380];
	_ =	sdelay $0x3  }
0x309: {  	s13 =	sor.u32 $0xC380, s0  }
0x30a: {  	[tilespmem:s13+$0x0] =	vst.add.f32.msk $0xffff, v3  }
0x30b: {  	v3 =	vld [tilespmem:s0+$0x400];
	_ =	sdelay $0x1  }
.Ltmp6:
0x30c: {  	(pc) =	sbr.rel @p0 .LBB2_14-.Ltmp6, $4  }
0x30d: {  	_ = 	snop  }
0x30e: {  	s12 =	sor.u32 s31, s12  }
0x30f: {  	s13 =	sor.u32 $0x380, s12;
	[tilespmem:s0+$0xC400] =	vst.add.f32.msk $0xffff, v3  }
0x310: {  	v3 =	vld [tilespmem:s13+$0x100]  }
0x311: {  	_ =	sdelay $0x3  }
0x312: {  	[tilespmem:s13+$0xC100] =	vst.add.f32.msk $0xffff, v3  }
0x313: {  	v3 =	vld [tilespmem:s0+$0x1C80]  }
0x314: {  	v4 =	vld [tilespmem:s0+$0x1B00]  }
0x315: {  	v5 =	vld [tilespmem:s0+$0x1C00]  }
0x316: {  	v6 =	vld [tilespmem:s0+$0x1B80]  }
0x317: {  	v7 =	vld [tilespmem:s0+$0x1A80]  }
0x318: {  	v8 =	vld [tilespmem:s0+$0x1A00]  }
0x319: {  	v9 =	vld [tilespmem:s0+$0x1980]  }
0x31a: {  	[tilespmem:s0+$0xDB00] =	vst.add.f32.msk $0xffff, v4  }
0x31b: {  	[tilespmem:s0+$0xDC80] =	vst.add.f32.msk $0xffff, v3  }
0x31c: {  	[tilespmem:s0+$0xDC00] =	vst.add.f32.msk $0xffff, v5  }
0x31d: {  	v3 =	vld [tilespmem:s0+$0x1900]  }
0x31e: {  	[tilespmem:s0+$0xD980] =	vst.add.f32.msk $0xffff, v9  }
0x31f: {  	[tilespmem:s0+$0xDB80] =	vst.add.f32.msk $0xffff, v6  }
0x320: {  	[tilespmem:s0+$0xDA80] =	vst.add.f32.msk $0xffff, v7  }
0x321: {  	[tilespmem:s0+$0xDA00] =	vst.add.f32.msk $0xffff, v8  }
0x322: {  	s10 =	rddreg [dreg:$0x15];
	s12 =	simm.s32 $0xC100;
	[tilespmem:s0+$0xD900] =	vst.add.f32.msk $0xffff, v3;
	s0 =	simm.s32 $0x0  }
0x323: {  	[hbm4b:s10+s0] =	stream.linear.scatter [tilespmem:s12], [sflag:$0xA], $0x3000, $0x38;
	[tilespmem:$0x18100] =	vst v63  }
0x324: {  	_ =	swait.ge [sflag:s4], $0x3000  }
0x325: {  	[sflag:s4] =	ssyncset.done $0x0  }
0x326: {  	[sflag:s4] =	ssyncadd.s32 $0xFFFFD000  }
0x327: {  	_ =	swait.ge [sflag:s18], $0x3000  }
0x328: {  	[sflag:s18] =	ssyncset.done $0x0  }
0x329: {  	[sflag:s18] =	ssyncadd.s32 $0xFFFFD000  }
0x32a: {  	v3 =	vld [tilespmem:$0x90];
	_ =	sdelay $0x4  }
0x32b: {  	v4 =	vshrl.u32 v3, $0x3  }
0x32c: {  	v4 =	vmul.u32 $0x30, v4  }
0x32d: {  	v3 =	vand.u32 $0x7, v3  }
0x32e: {  	v3 =	vor.u32 v3, v4  }
0x32f: {  	v4 =	vperm.xlane v3, v0;
	_ =	sdelay $0x1  }
0x330: {  	v4 =	vadd.s32 v1, v4;
	_ =	sdelay $0x3  }
0x331: {  	s12 =	simm.s32 $0x100;
	v3 =	vperm.xlane v3, v2  }
0x332: {  	[tilespmem:s12], [sflag:$0x1] =	stream.indirect_vreg.gather [hbm4b:s3+s0], $0x80, v4, vm0, $0xb8;
	[tilespmem:$0x18100] =	vst v63  }
0x333: {  	s13 =	simm.s32 $0x900;
	v3 =	vadd.s32 v1, v3  }
0x334: {  	[tilespmem:s13], [sflag:$0x1] =	stream.indirect_vreg.gather [hbm4b:s7+s0], $0x80, v4, vm0, $0xb8;
	[tilespmem:$0x18100] =	vst v63  }
0x335: {  	s14 =	simm.s32 $0x1100  }
0x336: {  	[tilespmem:s14], [sflag:$0x1] =	stream.indirect_vreg.gather [hbm4b:s8+s0], $0x80, v4, vm0, $0xb8;
	[tilespmem:$0x18100] =	vst v63  }
0x337: {  	_ = 	snop  }
0x338: {  	[tilespmem:s15], [sflag:$0x1] =	stream.indirect_vreg.gather [hbm4b:s3+s0], $0x80, v3, vm0, $0xb8;
	[tilespmem:$0x18100] =	vst v63  }
0x339: {  	_ = 	snop  }
0x33a: {  	[tilespmem:s16], [sflag:$0x1] =	stream.indirect_vreg.gather [hbm4b:s7+s0], $0x80, v3, vm0, $0xb8;
	[tilespmem:$0x18100] =	vst v63  }
0x33b: {  	_ = 	snop  }
0x33c: {  	[tilespmem:s17], [sflag:$0x1] =	stream.indirect_vreg.gather [hbm4b:s8+s0], $0x80, v3, vm0, $0xb8;
	[tilespmem:$0x18100] =	vst v63  }
0x33d: {  	_ =	swait.ge [sflag:s29], $0x3000  }
0x33e: {  	s13 =	sand.u32 $0x70, s0;
	s14 =	sand.u32 $0x1C00, s0;
	[sflag:s29] =	ssyncset.done $0x0  }
0x33f: {  	s31 =	sor.u32 s13, s14;
	s12 =	rddreg [dreg:$0x18];
	[sflag:s29] =	ssyncadd.s32 $0xFFFFD000  }
0x340: {  	[tilespmem:s19], [sflag:$0x8] =	stream.linear.gather [hbm4b:s12+s0], $0x3000, $0x38;
	[tilespmem:$0x18100] =	vst v63  }
0x341: {  	v3 =	vld [tilespmem:s31+$0x3100]  }
0x342: {  	v4 =	vld [tilespmem:s31+$0x3180];
	_ =	sdelay $0x3  }
0x343: {  	[tilespmem:s31+$0xF100] =	vst.add.f32.msk $0xffff, v3  }
0x344: {  	[tilespmem:s31+$0xF180] =	vst.add.f32.msk $0xffff, v4  }
0x345: {  	v3 =	vld [tilespmem:s31+$0x3200]  }
0x346: {  	v4 =	vld [tilespmem:s31+$0x3280]  }
0x347: {  	s10 =	simm.s32 $0x0;
	s12 =	simm.s32 $0x10;
	v5 =	vld [tilespmem:s31+$0x3300]  }
.LBB2_16:
0x348: {  	p0 =	sne.s32 s12, $0x2F0;
	v6 =	vld [tilespmem:s31+$0x3380]  }
0x349: {  	v7 =	vld [tilespmem:s31+$0x3400]  }
0x34a: {  	[tilespmem:s31+$0xF200] =	vst.add.f32.msk $0xffff, v3  }
0x34b: {  	[tilespmem:s31+$0xF280] =	vst.add.f32.msk $0xffff, v4  }
0x34c: {  	[tilespmem:s31+$0xF300] =	vst.add.f32.msk $0xffff, v5  }
0x34d: {  	s13 =	sor.u32 s10, s0;
	s0 =	smov.u32 s12;
	[tilespmem:s31+$0xF380] =	vst.add.f32.msk $0xffff, v6  }
0x34e: {  	s13 =	sor.u32 $0x380, s13;
	[tilespmem:s31+$0xF400] =	vst.add.f32.msk $0xffff, v7  }
0x34f: {  	v3 =	vld [tilespmem:s13+$0x3100];
	_ =	sdelay $0x4  }
0x350: {  	[tilespmem:s13+$0xF100] =	vst.add.f32.msk $0xffff, v3  }
0x351: {  	v3 =	vld [tilespmem:s31+$0x4900]  }
0x352: {  	v4 =	vld [tilespmem:s31+$0x4980]  }
0x353: {  	v5 =	vld [tilespmem:s31+$0x4A00]  }
0x354: {  	v6 =	vld [tilespmem:s31+$0x4A80]  }
0x355: {  	v7 =	vld [tilespmem:s31+$0x4B00]  }
0x356: {  	[tilespmem:s31+$0x10900] =	vst.add.f32.msk $0xffff, v3  }
0x357: {  	[tilespmem:s31+$0x10980] =	vst.add.f32.msk $0xffff, v4  }
0x358: {  	[tilespmem:s31+$0x10A00] =	vst.add.f32.msk $0xffff, v5  }
0x359: {  	[tilespmem:s31+$0x10A80] =	vst.add.f32.msk $0xffff, v6  }
0x35a: {  	[tilespmem:s31+$0x10B00] =	vst.add.f32.msk $0xffff, v7  }
0x35b: {  	s10 =	sadd.s32 $0x80, s10;
	v3 =	vld [tilespmem:s31+$0x4B80]  }
0x35c: {  	s14 =	sand.u32 $0x1C00, s10;
	s13 =	sand.u32 $0x70, s12;
	v4 =	vld [tilespmem:s31+$0x4C00]  }
0x35d: {  	s13 =	sor.u32 s13, s14;
	v5 =	vld [tilespmem:s31+$0x4C80]  }
0x35e: {  	v6 =	vld [tilespmem:s13+$0x3100]  }
0x35f: {  	v7 =	vld [tilespmem:s13+$0x3180]  }
0x360: {  	[tilespmem:s31+$0x10B80] =	vst.add.f32.msk $0xffff, v3  }
0x361: {  	[tilespmem:s31+$0x10C00] =	vst.add.f32.msk $0xffff, v4  }
0x362: {  	[tilespmem:s31+$0x10C80] =	vst.add.f32.msk $0xffff, v5;
	s31 =	smov.u32 s13  }
.Ltmp7:
0x363: {  	[tilespmem:s31+$0xF100] =	vst.add.f32.msk $0xffff, v6;
	(pc) =	sbr.rel @p0 .LBB2_16-.Ltmp7, $4  }
0x364: {  	[tilespmem:s31+$0xF180] =	vst.add.f32.msk $0xffff, v7  }
0x365: {  	v3 =	vld [tilespmem:s31+$0x3200]  }
0x366: {  	v4 =	vld [tilespmem:s31+$0x3280]  }
0x367: {  	s12 =	sadd.s32 $0x10, s12;
	v5 =	vld [tilespmem:s31+$0x3300]  }
0x368: {  	v6 =	vld [tilespmem:s31+$0x3380]  }
0x369: {  	v7 =	vld [tilespmem:s31+$0x3400]  }
0x36a: {  	[tilespmem:s31+$0xF200] =	vst.add.f32.msk $0xffff, v3  }
0x36b: {  	[tilespmem:s31+$0xF280] =	vst.add.f32.msk $0xffff, v4  }
0x36c: {  	[tilespmem:s31+$0xF300] =	vst.add.f32.msk $0xffff, v5  }
0x36d: {  	s0 =	sor.u32 s10, s0;
	[tilespmem:s31+$0xF380] =	vst.add.f32.msk $0xffff, v6  }
0x36e: {  	s0 =	sor.u32 $0x380, s0;
	[tilespmem:s31+$0xF400] =	vst.add.f32.msk $0xffff, v7  }
0x36f: {  	v3 =	vld [tilespmem:s0+$0x3100];
	_ =	sdelay $0x4  }
0x370: {  	[tilespmem:s0+$0xF100] =	vst.add.f32.msk $0xffff, v3  }
0x371: {  	v3 =	vld [tilespmem:s31+$0x4900]  }
0x372: {  	v4 =	vld [tilespmem:s31+$0x4980]  }
0x373: {  	v5 =	vld [tilespmem:s31+$0x4A00]  }
0x374: {  	v62 =	vld [tilespmem:s31+$0x4A80]  }
0x375: {  	v63 =	vld [tilespmem:s31+$0x4B00]  }
0x376: {  	[tilespmem:s31+$0x10900] =	vst.add.f32.msk $0xffff, v3  }
0x377: {  	[tilespmem:s31+$0x10980] =	vst.add.f32.msk $0xffff, v4  }
0x378: {  	[tilespmem:s31+$0x10A00] =	vst.add.f32.msk $0xffff, v5  }
0x379: {  	v3 =	vld [tilespmem:s31+$0x4B80]  }
0x37a: {  	v4 =	vld [tilespmem:s31+$0x4C00]  }
0x37b: {  	v5 =	vld [tilespmem:s31+$0x4C80]  }
0x37c: {  	[tilespmem:s31+$0x10A80] =	vst.add.f32.msk $0xffff, v62  }
0x37d: {  	[tilespmem:s31+$0x10B00] =	vst.add.f32.msk $0xffff, v63  }
0x37e: {  	[tilespmem:s31+$0x10B80] =	vst.add.f32.msk $0xffff, v3  }
0x37f: {  	[tilespmem:s31+$0x10C00] =	vst.add.f32.msk $0xffff, v4  }
0x380: {  	s13 =	rddreg [dreg:$0x16];
	[tilespmem:s31+$0x10C80] =	vst.add.f32.msk $0xffff, v5;
	s31 =	simm.s32 $0x0  }
0x381: {  	[hbm4b:s13+s31] =	stream.linear.scatter [tilespmem:s2], [sflag:$0xB], $0x3000, $0x38;
	[tilespmem:$0x18100] =	vst v63  }
0x382: {  	_ =	swait.ge [sflag:s11], $0x3000  }
0x383: {  	[sflag:s11] =	ssyncset.done $0x0  }
0x384: {  	[sflag:s11] =	ssyncadd.s32 $0xFFFFD000  }
0x385: {  	_ =	swait.ge [sflag:s20], $0x3000  }
0x386: {  	[sflag:s20] =	ssyncset.done $0x0  }
0x387: {  	[sflag:s20] =	ssyncadd.s32 $0xFFFFD000  }
0x388: {  	v3 =	vld [tilespmem:$0xA0];
	_ =	sdelay $0x4  }
0x389: {  	v4 =	vshrl.u32 v3, $0x3  }
0x38a: {  	v4 =	vmul.u32 $0x30, v4  }
0x38b: {  	v3 =	vand.u32 $0x7, v3  }
0x38c: {  	v3 =	vor.u32 v3, v4  }
0x38d: {  	v4 =	vperm.xlane v3, v0;
	_ =	sdelay $0x1  }
0x38e: {  	v4 =	vadd.s32 v1, v4;
	_ =	sdelay $0x3  }
0x38f: {  	s14 =	simm.s32 $0x3100;
	v3 =	vperm.xlane v3, v2  }
0x390: {  	[tilespmem:s14], [sflag:$0x2] =	stream.indirect_vreg.gather [hbm4b:s3+s31], $0x80, v4, vm0, $0xb8;
	[tilespmem:$0x18100] =	vst v63  }
0x391: {  	s10 =	simm.s32 $0x3900;
	v3 =	vadd.s32 v1, v3  }
0x392: {  	[tilespmem:s10], [sflag:$0x2] =	stream.indirect_vreg.gather [hbm4b:s7+s31], $0x80, v4, vm0, $0xb8;
	[tilespmem:$0x18100] =	vst v63  }
0x393: {  	s12 =	simm.s32 $0x4100  }
0x394: {  	[tilespmem:s12], [sflag:$0x2] =	stream.indirect_vreg.gather [hbm4b:s8+s31], $0x80, v4, vm0, $0xb8;
	[tilespmem:$0x18100] =	vst v63  }
0x395: {  	s13 =	simm.s32 $0x4900  }
0x396: {  	[tilespmem:s13], [sflag:$0x2] =	stream.indirect_vreg.gather [hbm4b:s3+s31], $0x80, v3, vm0, $0xb8;
	[tilespmem:$0x18100] =	vst v63  }
0x397: {  	s14 =	simm.s32 $0x5100  }
0x398: {  	[tilespmem:s14], [sflag:$0x2] =	stream.indirect_vreg.gather [hbm4b:s7+s31], $0x80, v3, vm0, $0xb8;
	[tilespmem:$0x18100] =	vst v63  }
0x399: {  	s10 =	simm.s32 $0x5900  }
0x39a: {  	[tilespmem:s10], [sflag:$0x2] =	stream.indirect_vreg.gather [hbm4b:s8+s31], $0x80, v3, vm0, $0xb8;
	[tilespmem:$0x18100] =	vst v63  }
0x39b: {  	_ =	swait.ge [sflag:s21], $0x3000  }
0x39c: {  	s13 =	sand.u32 $0x70, s31;
	s14 =	sand.u32 $0x1C00, s31;
	[sflag:s21] =	ssyncset.done $0x0  }
0x39d: {  	s0 =	sor.u32 s13, s14;
	s12 =	rddreg [dreg:$0x1a];
	[sflag:s21] =	ssyncadd.s32 $0xFFFFD000  }
0x39e: {  	[tilespmem:s9], [sflag:$0x4] =	stream.linear.gather [hbm4b:s12+s31], $0x3000, $0x38;
	[tilespmem:$0x18100] =	vst v63  }
0x39f: {  	v3 =	vld [tilespmem:s0+$0x6100];
	_ =	sdelay $0x3  }
0x3a0: {  	s10 =	sor.u32 $0x12100, s0  }
0x3a1: {  	[tilespmem:s10+$0x0] =	vst.add.f32.msk $0xffff, v3  }
0x3a2: {  	v3 =	vld [tilespmem:s0+$0x6180];
	_ =	sdelay $0x3  }
0x3a3: {  	s12 =	sor.u32 $0x12180, s0  }
0x3a4: {  	[tilespmem:s12+$0x0] =	vst.add.f32.msk $0xffff, v3  }
0x3a5: {  	v3 =	vld [tilespmem:s0+$0x6200];
	_ =	sdelay $0x3  }
0x3a6: {  	s13 =	sor.u32 $0x12200, s0  }
0x3a7: {  	[tilespmem:s13+$0x0] =	vst.add.f32.msk $0xffff, v3  }
0x3a8: {  	v3 =	vld [tilespmem:s0+$0x6280];
	_ =	sdelay $0x3  }
0x3a9: {  	s14 =	sor.u32 $0x12280, s0  }
0x3aa: {  	[tilespmem:s14+$0x0] =	vst.add.f32.msk $0xffff, v3  }
0x3ab: {  	v3 =	vld [tilespmem:s0+$0x6300];
	_ =	sdelay $0x3  }
0x3ac: {  	s12 =	sor.u32 $0x12300, s0  }
0x3ad: {  	[tilespmem:s12+$0x0] =	vst.add.f32.msk $0xffff, v3  }
0x3ae: {  	v3 =	vld [tilespmem:s0+$0x6380];
	_ =	sdelay $0x3  }
0x3af: {  	s13 =	sor.u32 $0x12380, s0  }
0x3b0: {  	[tilespmem:s13+$0x0] =	vst.add.f32.msk $0xffff, v3  }
0x3b1: {  	v3 =	vld [tilespmem:s0+$0x6400];
	_ =	sdelay $0x3  }
0x3b2: {  	s14 =	sor.u32 s31, s31  }
0x3b3: {  	s13 =	sor.u32 $0x380, s14;
	[tilespmem:s0+$0x12400] =	vst.add.f32.msk $0xffff, v3  }
0x3b4: {  	s10 =	simm.s32 $0x10;
	v3 =	vld [tilespmem:s13+$0x6100]  }
.LBB2_18:
0x3b5: {  	p0 =	sne.s32 s10, $0x2F0  }
0x3b6: {  	s31 =	sadd.s32 $0x80, s31;
	s12 =	smov.u32 s10;
	s10 =	sadd.s32 $0x10, s10  }
0x3b7: {  	_ =	sdelay $0x2  }
0x3b8: {  	[tilespmem:s13+$0x12100] =	vst.add.f32.msk $0xffff, v3  }
0x3b9: {  	s14 =	sand.u32 $0x1C00, s31;
	s13 =	sand.u32 $0x70, s12;
	v3 =	vld [tilespmem:s0+$0x7C80]  }
0x3ba: {  	s13 =	sor.u32 s13, s14;
	v4 =	vld [tilespmem:s0+$0x7B00]  }
0x3bb: {  	v5 =	vld [tilespmem:s0+$0x7C00]  }
0x3bc: {  	v6 =	vld [tilespmem:s0+$0x7B80]  }
0x3bd: {  	v7 =	vld [tilespmem:s0+$0x7A80]  }
0x3be: {  	v8 =	vld [tilespmem:s0+$0x7A00]  }
0x3bf: {  	s14 =	sor.u32 $0x12100, s13;
	v9 =	vld [tilespmem:s0+$0x7980]  }
0x3c0: {  	[tilespmem:s0+$0x13B00] =	vst.add.f32.msk $0xffff, v4  }
0x3c1: {  	v4 =	vld [tilespmem:s13+$0x6100]  }
0x3c2: {  	[tilespmem:s0+$0x13C80] =	vst.add.f32.msk $0xffff, v3  }
0x3c3: {  	[tilespmem:s0+$0x13C00] =	vst.add.f32.msk $0xffff, v5  }
0x3c4: {  	v3 =	vld [tilespmem:s0+$0x7900]  }
0x3c5: {  	[tilespmem:s0+$0x13980] =	vst.add.f32.msk $0xffff, v9  }
0x3c6: {  	[tilespmem:s0+$0x13B80] =	vst.add.f32.msk $0xffff, v6  }
0x3c7: {  	[tilespmem:s0+$0x13A80] =	vst.add.f32.msk $0xffff, v7  }
0x3c8: {  	[tilespmem:s0+$0x13A00] =	vst.add.f32.msk $0xffff, v8  }
0x3c9: {  	[tilespmem:s0+$0x13900] =	vst.add.f32.msk $0xffff, v3;
	s0 =	smov.u32 s13  }
0x3ca: {  	[tilespmem:s14+$0x0] =	vst.add.f32.msk $0xffff, v4  }
0x3cb: {  	v3 =	vld [tilespmem:s0+$0x6180];
	_ =	sdelay $0x3  }
0x3cc: {  	s13 =	sor.u32 $0x12180, s0  }
0x3cd: {  	[tilespmem:s13+$0x0] =	vst.add.f32.msk $0xffff, v3  }
0x3ce: {  	v3 =	vld [tilespmem:s0+$0x6200];
	_ =	sdelay $0x3  }
0x3cf: {  	s13 =	sor.u32 $0x12200, s0  }
0x3d0: {  	[tilespmem:s13+$0x0] =	vst.add.f32.msk $0xffff, v3  }
0x3d1: {  	v3 =	vld [tilespmem:s0+$0x6280];
	_ =	sdelay $0x3  }
0x3d2: {  	s13 =	sor.u32 $0x12280, s0  }
0x3d3: {  	[tilespmem:s13+$0x0] =	vst.add.f32.msk $0xffff, v3  }
0x3d4: {  	v3 =	vld [tilespmem:s0+$0x6300];
	_ =	sdelay $0x3  }
0x3d5: {  	s13 =	sor.u32 $0x12300, s0  }
0x3d6: {  	[tilespmem:s13+$0x0] =	vst.add.f32.msk $0xffff, v3  }
0x3d7: {  	v3 =	vld [tilespmem:s0+$0x6380];
	_ =	sdelay $0x3  }
0x3d8: {  	s13 =	sor.u32 $0x12380, s0  }
0x3d9: {  	[tilespmem:s13+$0x0] =	vst.add.f32.msk $0xffff, v3  }
0x3da: {  	v3 =	vld [tilespmem:s0+$0x6400];
	_ =	sdelay $0x1  }
.Ltmp8:
0x3db: {  	(pc) =	sbr.rel @p0 .LBB2_18-.Ltmp8, $4  }
0x3dc: {  	_ = 	snop  }
0x3dd: {  	s12 =	sor.u32 s31, s12  }
0x3de: {  	s13 =	sor.u32 $0x380, s12;
	[tilespmem:s0+$0x12400] =	vst.add.f32.msk $0xffff, v3  }
0x3df: {  	v3 =	vld [tilespmem:s13+$0x6100]  }
0x3e0: {  	_ =	sdelay $0x3  }
0x3e1: {  	[tilespmem:s13+$0x12100] =	vst.add.f32.msk $0xffff, v3  }
0x3e2: {  	v3 =	vld [tilespmem:s0+$0x7C80]  }
0x3e3: {  	v4 =	vld [tilespmem:s0+$0x7B00]  }
0x3e4: {  	v5 =	vld [tilespmem:s0+$0x7C00]  }
0x3e5: {  	v6 =	vld [tilespmem:s0+$0x7B80]  }
0x3e6: {  	v7 =	vld [tilespmem:s0+$0x7A80]  }
0x3e7: {  	v8 =	vld [tilespmem:s0+$0x7A00]  }
0x3e8: {  	v9 =	vld [tilespmem:s0+$0x7980]  }
0x3e9: {  	[tilespmem:s0+$0x13B00] =	vst.add.f32.msk $0xffff, v4  }
0x3ea: {  	[tilespmem:s0+$0x13C80] =	vst.add.f32.msk $0xffff, v3  }
0x3eb: {  	[tilespmem:s0+$0x13C00] =	vst.add.f32.msk $0xffff, v5  }
0x3ec: {  	v3 =	vld [tilespmem:s0+$0x7900]  }
0x3ed: {  	[tilespmem:s0+$0x13980] =	vst.add.f32.msk $0xffff, v9  }
0x3ee: {  	[tilespmem:s0+$0x13B80] =	vst.add.f32.msk $0xffff, v6  }
0x3ef: {  	[tilespmem:s0+$0x13A80] =	vst.add.f32.msk $0xffff, v7  }
0x3f0: {  	[tilespmem:s0+$0x13A00] =	vst.add.f32.msk $0xffff, v8  }
0x3f1: {  	s10 =	rddreg [dreg:$0x17];
	[tilespmem:s0+$0x13900] =	vst.add.f32.msk $0xffff, v3;
	s0 =	simm.s32 $0x0  }
0x3f2: {  	[hbm4b:s10+s0] =	stream.linear.scatter [tilespmem:s6], [sflag:$0xC], $0x3000, $0x38;
	[tilespmem:$0x18100] =	vst v63  }
0x3f3: {  	_ =	swait.ge [sflag:s24], $0x3000  }
0x3f4: {  	[sflag:s24] =	ssyncset.done $0x0  }
0x3f5: {  	[sflag:s24] =	ssyncadd.s32 $0xFFFFD000  }
0x3f6: {  	_ =	swait.ge [sflag:s22], $0x3000  }
0x3f7: {  	[sflag:s22] =	ssyncset.done $0x0  }
0x3f8: {  	[sflag:s22] =	ssyncadd.s32 $0xFFFFD000  }
0x3f9: {  	v3 =	vld [tilespmem:$0xB0];
	_ =	sdelay $0x4  }
0x3fa: {  	v4 =	vshrl.u32 v3, $0x3  }
0x3fb: {  	v4 =	vmul.u32 $0x30, v4  }
0x3fc: {  	v3 =	vand.u32 $0x7, v3  }
0x3fd: {  	v3 =	vor.u32 v3, v4  }
0x3fe: {  	v4 =	vperm.xlane v3, v0;
	_ =	sdelay $0x1  }
0x3ff: {  	v4 =	vadd.s32 v1, v4;
	_ =	sdelay $0x3  }
0x400: {  	s14 =	simm.s32 $0x6100;
	v3 =	vperm.xlane v3, v2  }
0x401: {  	[tilespmem:s14], [sflag:$0x3] =	stream.indirect_vreg.gather [hbm4b:s3+s0], $0x80, v4, vm0, $0xb8;
	[tilespmem:$0x18100] =	vst v63  }
0x402: {  	s12 =	simm.s32 $0x6900;
	v3 =	vadd.s32 v1, v3  }
0x403: {  	[tilespmem:s12], [sflag:$0x3] =	stream.indirect_vreg.gather [hbm4b:s7+s0], $0x80, v4, vm0, $0xb8;
	[tilespmem:$0x18100] =	vst v63  }
0x404: {  	s13 =	simm.s32 $0x7100  }
0x405: {  	[tilespmem:s13], [sflag:$0x3] =	stream.indirect_vreg.gather [hbm4b:s8+s0], $0x80, v4, vm0, $0xb8;
	[tilespmem:$0x18100] =	vst v63  }
0x406: {  	s14 =	simm.s32 $0x7900  }
0x407: {  	[tilespmem:s14], [sflag:$0x3] =	stream.indirect_vreg.gather [hbm4b:s3+s0], $0x80, v3, vm0, $0xb8;
	[tilespmem:$0x18100] =	vst v63  }
0x408: {  	s12 =	simm.s32 $0x8100  }
0x409: {  	[tilespmem:s12], [sflag:$0x3] =	stream.indirect_vreg.gather [hbm4b:s7+s0], $0x80, v3, vm0, $0xb8;
	[tilespmem:$0x18100] =	vst v63  }
0x40a: {  	s13 =	simm.s32 $0x8900  }
0x40b: {  	[tilespmem:s13], [sflag:$0x3] =	stream.indirect_vreg.gather [hbm4b:s8+s0], $0x80, v3, vm0, $0xb8;
	[tilespmem:$0x18100] =	vst v63  }
0x40c: {  	_ =	swait.ge [sflag:s23], $0x3000  }
0x40d: {  	[sflag:s23] =	ssyncset.done $0x0  }
0x40e: {  	s12 =	simm.s32 $0xC100;
	s14 =	rddreg [dreg:$0x1c];
	[sflag:s23] =	ssyncadd.s32 $0xFFFFD000  }
0x40f: {  	[tilespmem:s12], [sflag:$0x5] =	stream.linear.gather [hbm4b:s14+s0], $0x3000, $0x38;
	[tilespmem:$0x18100] =	vst v63  }
0x410: {  	s13 =	sand.u32 $0x70, s0;
	s14 =	sand.u32 $0x1C00, s0  }
0x411: {  	s31 =	sor.u32 s13, s14  }
0x412: {  	v3 =	vld [tilespmem:s31+$0x100]  }
0x413: {  	v4 =	vld [tilespmem:s31+$0x180];
	_ =	sdelay $0x3  }
0x414: {  	[tilespmem:s31+$0x15100] =	vst.add.f32.msk $0xffff, v3  }
0x415: {  	[tilespmem:s31+$0x15180] =	vst.add.f32.msk $0xffff, v4  }
0x416: {  	v3 =	vld [tilespmem:s31+$0x200]  }
0x417: {  	v4 =	vld [tilespmem:s31+$0x280]  }
0x418: {  	s10 =	simm.s32 $0x0;
	s12 =	simm.s32 $0x10;
	v5 =	vld [tilespmem:s31+$0x300]  }
.LBB2_20:
0x419: {  	p0 =	sne.s32 s12, $0x2F0;
	v6 =	vld [tilespmem:s31+$0x380]  }
0x41a: {  	v7 =	vld [tilespmem:s31+$0x400]  }
0x41b: {  	[tilespmem:s31+$0x15200] =	vst.add.f32.msk $0xffff, v3  }
0x41c: {  	[tilespmem:s31+$0x15280] =	vst.add.f32.msk $0xffff, v4  }
0x41d: {  	[tilespmem:s31+$0x15300] =	vst.add.f32.msk $0xffff, v5  }
0x41e: {  	s13 =	sor.u32 s10, s0;
	s0 =	smov.u32 s12;
	[tilespmem:s31+$0x15380] =	vst.add.f32.msk $0xffff, v6  }
0x41f: {  	s13 =	sor.u32 $0x380, s13;
	[tilespmem:s31+$0x15400] =	vst.add.f32.msk $0xffff, v7  }
0x420: {  	v3 =	vld [tilespmem:s13+$0x100];
	_ =	sdelay $0x4  }
0x421: {  	[tilespmem:s13+$0x15100] =	vst.add.f32.msk $0xffff, v3  }
0x422: {  	v3 =	vld [tilespmem:s31+$0x1900]  }
0x423: {  	v4 =	vld [tilespmem:s31+$0x1980]  }
0x424: {  	v5 =	vld [tilespmem:s31+$0x1A00]  }
0x425: {  	v6 =	vld [tilespmem:s31+$0x1A80]  }
0x426: {  	v7 =	vld [tilespmem:s31+$0x1B00]  }
0x427: {  	[tilespmem:s31+$0x16900] =	vst.add.f32.msk $0xffff, v3  }
0x428: {  	[tilespmem:s31+$0x16980] =	vst.add.f32.msk $0xffff, v4  }
0x429: {  	[tilespmem:s31+$0x16A00] =	vst.add.f32.msk $0xffff, v5  }
0x42a: {  	[tilespmem:s31+$0x16A80] =	vst.add.f32.msk $0xffff, v6  }
0x42b: {  	[tilespmem:s31+$0x16B00] =	vst.add.f32.msk $0xffff, v7  }
0x42c: {  	s10 =	sadd.s32 $0x80, s10;
	v3 =	vld [tilespmem:s31+$0x1B80]  }
0x42d: {  	s14 =	sand.u32 $0x1C00, s10;
	s13 =	sand.u32 $0x70, s12;
	v4 =	vld [tilespmem:s31+$0x1C00]  }
0x42e: {  	s13 =	sor.u32 s13, s14;
	v5 =	vld [tilespmem:s31+$0x1C80]  }
0x42f: {  	v6 =	vld [tilespmem:s13+$0x100]  }
0x430: {  	v7 =	vld [tilespmem:s13+$0x180]  }
0x431: {  	[tilespmem:s31+$0x16B80] =	vst.add.f32.msk $0xffff, v3  }
0x432: {  	[tilespmem:s31+$0x16C00] =	vst.add.f32.msk $0xffff, v4  }
0x433: {  	[tilespmem:s31+$0x16C80] =	vst.add.f32.msk $0xffff, v5;
	s31 =	smov.u32 s13  }
.Ltmp9:
0x434: {  	[tilespmem:s31+$0x15100] =	vst.add.f32.msk $0xffff, v6;
	(pc) =	sbr.rel @p0 .LBB2_20-.Ltmp9, $4  }
0x435: {  	[tilespmem:s31+$0x15180] =	vst.add.f32.msk $0xffff, v7  }
0x436: {  	v3 =	vld [tilespmem:s31+$0x200]  }
0x437: {  	v4 =	vld [tilespmem:s31+$0x280]  }
0x438: {  	s12 =	sadd.s32 $0x10, s12;
	v5 =	vld [tilespmem:s31+$0x300]  }
0x439: {  	v6 =	vld [tilespmem:s31+$0x380]  }
0x43a: {  	v7 =	vld [tilespmem:s31+$0x400]  }
0x43b: {  	[tilespmem:s31+$0x15200] =	vst.add.f32.msk $0xffff, v3  }
0x43c: {  	[tilespmem:s31+$0x15280] =	vst.add.f32.msk $0xffff, v4  }
0x43d: {  	[tilespmem:s31+$0x15300] =	vst.add.f32.msk $0xffff, v5  }
0x43e: {  	s0 =	sor.u32 s10, s0;
	[tilespmem:s31+$0x15380] =	vst.add.f32.msk $0xffff, v6  }
0x43f: {  	s0 =	sor.u32 $0x380, s0;
	[tilespmem:s31+$0x15400] =	vst.add.f32.msk $0xffff, v7  }
0x440: {  	v3 =	vld [tilespmem:s0+$0x100];
	_ =	sdelay $0x4  }
0x441: {  	[tilespmem:s0+$0x15100] =	vst.add.f32.msk $0xffff, v3  }
0x442: {  	v3 =	vld [tilespmem:s31+$0x1900]  }
0x443: {  	v4 =	vld [tilespmem:s31+$0x1980]  }
0x444: {  	v5 =	vld [tilespmem:s31+$0x1A00]  }
0x445: {  	v6 =	vld [tilespmem:s31+$0x1A80]  }
0x446: {  	v7 =	vld [tilespmem:s31+$0x1B00]  }
0x447: {  	[tilespmem:s31+$0x16900] =	vst.add.f32.msk $0xffff, v3  }
0x448: {  	[tilespmem:s31+$0x16980] =	vst.add.f32.msk $0xffff, v4  }
0x449: {  	[tilespmem:s31+$0x16A00] =	vst.add.f32.msk $0xffff, v5  }
0x44a: {  	v3 =	vld [tilespmem:s31+$0x1B80]  }
0x44b: {  	v4 =	vld [tilespmem:s31+$0x1C00]  }
0x44c: {  	v5 =	vld [tilespmem:s31+$0x1C80]  }
0x44d: {  	[tilespmem:s31+$0x16A80] =	vst.add.f32.msk $0xffff, v6  }
0x44e: {  	[tilespmem:s31+$0x16B00] =	vst.add.f32.msk $0xffff, v7  }
0x44f: {  	[tilespmem:s31+$0x16B80] =	vst.add.f32.msk $0xffff, v3  }
0x450: {  	[tilespmem:s31+$0x16C00] =	vst.add.f32.msk $0xffff, v4  }
0x451: {  	s12 =	rddreg [dreg:$0x19];
	s0 =	simm.s32 $0x0;
	[tilespmem:s31+$0x16C80] =	vst.add.f32.msk $0xffff, v5  }
0x452: {  	[hbm4b:s12+s0] =	stream.linear.scatter [tilespmem:s19], [sflag:$0xD], $0x3000, $0x38;
	[tilespmem:$0x18100] =	vst v63  }
0x453: {  	_ =	swait.ge [sflag:s4], $0x3000  }
0x454: {  	[sflag:s4] =	ssyncset.done $0x0  }
0x455: {  	[sflag:s4] =	ssyncadd.s32 $0xFFFFD000  }
0x456: {  	_ =	swait.ge [sflag:s25], $0x3000  }
0x457: {  	[sflag:s25] =	ssyncset.done $0x0  }
0x458: {  	[sflag:s25] =	ssyncadd.s32 $0xFFFFD000  }
0x459: {  	v3 =	vld [tilespmem:$0xC0];
	_ =	sdelay $0x4  }
0x45a: {  	v4 =	vshrl.u32 v3, $0x3  }
0x45b: {  	v4 =	vmul.u32 $0x30, v4  }
0x45c: {  	v3 =	vand.u32 $0x7, v3  }
0x45d: {  	v3 =	vor.u32 v3, v4  }
0x45e: {  	v4 =	vperm.xlane v3, v0;
	_ =	sdelay $0x1  }
0x45f: {  	v4 =	vadd.s32 v1, v4;
	_ =	sdelay $0x3  }
0x460: {  	s13 =	simm.s32 $0x100;
	v3 =	vperm.xlane v3, v2  }
0x461: {  	[tilespmem:s13], [sflag:$0x1] =	stream.indirect_vreg.gather [hbm4b:s3+s0], $0x80, v4, vm0, $0xb8;
	[tilespmem:$0x18100] =	vst v63  }
0x462: {  	s14 =	simm.s32 $0x900;
	v3 =	vadd.s32 v1, v3  }
0x463: {  	[tilespmem:s14], [sflag:$0x1] =	stream.indirect_vreg.gather [hbm4b:s7+s0], $0x80, v4, vm0, $0xb8;
	[tilespmem:$0x18100] =	vst v63  }
0x464: {  	s12 =	simm.s32 $0x1100  }
0x465: {  	[tilespmem:s12], [sflag:$0x1] =	stream.indirect_vreg.gather [hbm4b:s8+s0], $0x80, v4, vm0, $0xb8;
	[tilespmem:$0x18100] =	vst v63  }
0x466: {  	_ = 	snop  }
0x467: {  	[tilespmem:s15], [sflag:$0x1] =	stream.indirect_vreg.gather [hbm4b:s3+s0], $0x80, v3, vm0, $0xb8;
	[tilespmem:$0x18100] =	vst v63  }
0x468: {  	_ = 	snop  }
0x469: {  	[tilespmem:s16], [sflag:$0x1] =	stream.indirect_vreg.gather [hbm4b:s7+s0], $0x80, v3, vm0, $0xb8;
	[tilespmem:$0x18100] =	vst v63  }
0x46a: {  	_ = 	snop  }
0x46b: {  	[tilespmem:s17], [sflag:$0x1] =	stream.indirect_vreg.gather [hbm4b:s8+s0], $0x80, v3, vm0, $0xb8;
	[tilespmem:$0x18100] =	vst v63  }
0x46c: {  	_ =	swait.ge [sflag:s26], $0x3000  }
0x46d: {  	s14 =	sand.u32 $0x70, s0;
	s12 =	sand.u32 $0x1C00, s0;
	[sflag:s26] =	ssyncset.done $0x0  }
0x46e: {  	s31 =	sor.u32 s14, s12;
	s13 =	rddreg [dreg:$0x1e];
	[sflag:s26] =	ssyncadd.s32 $0xFFFFD000  }
0x46f: {  	[tilespmem:s2], [sflag:$0x6] =	stream.linear.gather [hbm4b:s13+s0], $0x3000, $0x38;
	[tilespmem:$0x18100] =	vst v63  }
0x470: {  	v3 =	vld [tilespmem:s31+$0x3100]  }
0x471: {  	v4 =	vld [tilespmem:s31+$0x3180];
	_ =	sdelay $0x3  }
0x472: {  	[tilespmem:s31+$0x9100] =	vst.add.f32.msk $0xffff, v3  }
0x473: {  	[tilespmem:s31+$0x9180] =	vst.add.f32.msk $0xffff, v4  }
0x474: {  	v3 =	vld [tilespmem:s31+$0x3200]  }
0x475: {  	v4 =	vld [tilespmem:s31+$0x3280]  }
0x476: {  	s10 =	simm.s32 $0x0;
	s12 =	simm.s32 $0x10;
	v5 =	vld [tilespmem:s31+$0x3300]  }
.LBB2_22:
0x477: {  	p0 =	sne.s32 s12, $0x2F0;
	v6 =	vld [tilespmem:s31+$0x3380]  }
0x478: {  	v7 =	vld [tilespmem:s31+$0x3400]  }
0x479: {  	[tilespmem:s31+$0x9200] =	vst.add.f32.msk $0xffff, v3  }
0x47a: {  	[tilespmem:s31+$0x9280] =	vst.add.f32.msk $0xffff, v4  }
0x47b: {  	[tilespmem:s31+$0x9300] =	vst.add.f32.msk $0xffff, v5  }
0x47c: {  	s13 =	sor.u32 s10, s0;
	s0 =	smov.u32 s12;
	[tilespmem:s31+$0x9380] =	vst.add.f32.msk $0xffff, v6  }
0x47d: {  	s13 =	sor.u32 $0x380, s13;
	[tilespmem:s31+$0x9400] =	vst.add.f32.msk $0xffff, v7  }
0x47e: {  	v3 =	vld [tilespmem:s13+$0x3100];
	_ =	sdelay $0x4  }
0x47f: {  	[tilespmem:s13+$0x9100] =	vst.add.f32.msk $0xffff, v3  }
0x480: {  	v3 =	vld [tilespmem:s31+$0x4900]  }
0x481: {  	v4 =	vld [tilespmem:s31+$0x4980]  }
0x482: {  	v5 =	vld [tilespmem:s31+$0x4A00]  }
0x483: {  	v6 =	vld [tilespmem:s31+$0x4A80]  }
0x484: {  	v7 =	vld [tilespmem:s31+$0x4B00]  }
0x485: {  	[tilespmem:s31+$0xA900] =	vst.add.f32.msk $0xffff, v3  }
0x486: {  	[tilespmem:s31+$0xA980] =	vst.add.f32.msk $0xffff, v4  }
0x487: {  	[tilespmem:s31+$0xAA00] =	vst.add.f32.msk $0xffff, v5  }
0x488: {  	[tilespmem:s31+$0xAA80] =	vst.add.f32.msk $0xffff, v6  }
0x489: {  	[tilespmem:s31+$0xAB00] =	vst.add.f32.msk $0xffff, v7  }
0x48a: {  	s10 =	sadd.s32 $0x80, s10;
	v3 =	vld [tilespmem:s31+$0x4B80]  }
0x48b: {  	s14 =	sand.u32 $0x1C00, s10;
	s13 =	sand.u32 $0x70, s12;
	v4 =	vld [tilespmem:s31+$0x4C00]  }
0x48c: {  	s13 =	sor.u32 s13, s14;
	v5 =	vld [tilespmem:s31+$0x4C80]  }
0x48d: {  	v6 =	vld [tilespmem:s13+$0x3100]  }
0x48e: {  	v7 =	vld [tilespmem:s13+$0x3180]  }
0x48f: {  	[tilespmem:s31+$0xAB80] =	vst.add.f32.msk $0xffff, v3  }
0x490: {  	[tilespmem:s31+$0xAC00] =	vst.add.f32.msk $0xffff, v4  }
0x491: {  	[tilespmem:s31+$0xAC80] =	vst.add.f32.msk $0xffff, v5;
	s31 =	smov.u32 s13  }
.Ltmp10:
0x492: {  	[tilespmem:s31+$0x9100] =	vst.add.f32.msk $0xffff, v6;
	(pc) =	sbr.rel @p0 .LBB2_22-.Ltmp10, $4  }
0x493: {  	[tilespmem:s31+$0x9180] =	vst.add.f32.msk $0xffff, v7  }
0x494: {  	v3 =	vld [tilespmem:s31+$0x3200]  }
0x495: {  	v4 =	vld [tilespmem:s31+$0x3280]  }
0x496: {  	s12 =	sadd.s32 $0x10, s12;
	v5 =	vld [tilespmem:s31+$0x3300]  }
0x497: {  	v6 =	vld [tilespmem:s31+$0x3380]  }
0x498: {  	v7 =	vld [tilespmem:s31+$0x3400]  }
0x499: {  	[tilespmem:s31+$0x9200] =	vst.add.f32.msk $0xffff, v3  }
0x49a: {  	[tilespmem:s31+$0x9280] =	vst.add.f32.msk $0xffff, v4  }
0x49b: {  	[tilespmem:s31+$0x9300] =	vst.add.f32.msk $0xffff, v5  }
0x49c: {  	s0 =	sor.u32 s10, s0;
	[tilespmem:s31+$0x9380] =	vst.add.f32.msk $0xffff, v6  }
0x49d: {  	s0 =	sor.u32 $0x380, s0;
	[tilespmem:s31+$0x9400] =	vst.add.f32.msk $0xffff, v7  }
0x49e: {  	v3 =	vld [tilespmem:s0+$0x3100];
	_ =	sdelay $0x4  }
0x49f: {  	[tilespmem:s0+$0x9100] =	vst.add.f32.msk $0xffff, v3  }
0x4a0: {  	v3 =	vld [tilespmem:s31+$0x4900]  }
0x4a1: {  	v4 =	vld [tilespmem:s31+$0x4980]  }
0x4a2: {  	v5 =	vld [tilespmem:s31+$0x4A00]  }
0x4a3: {  	v62 =	vld [tilespmem:s31+$0x4A80]  }
0x4a4: {  	v63 =	vld [tilespmem:s31+$0x4B00]  }
0x4a5: {  	[tilespmem:s31+$0xA900] =	vst.add.f32.msk $0xffff, v3  }
0x4a6: {  	[tilespmem:s31+$0xA980] =	vst.add.f32.msk $0xffff, v4  }
0x4a7: {  	[tilespmem:s31+$0xAA00] =	vst.add.f32.msk $0xffff, v5  }
0x4a8: {  	v3 =	vld [tilespmem:s31+$0x4B80]  }
0x4a9: {  	v4 =	vld [tilespmem:s31+$0x4C00]  }
0x4aa: {  	v5 =	vld [tilespmem:s31+$0x4C80]  }
0x4ab: {  	[tilespmem:s31+$0xAA80] =	vst.add.f32.msk $0xffff, v62  }
0x4ac: {  	[tilespmem:s31+$0xAB00] =	vst.add.f32.msk $0xffff, v63  }
0x4ad: {  	[tilespmem:s31+$0xAB80] =	vst.add.f32.msk $0xffff, v3  }
0x4ae: {  	[tilespmem:s31+$0xAC00] =	vst.add.f32.msk $0xffff, v4  }
0x4af: {  	s13 =	rddreg [dreg:$0x1b];
	[tilespmem:s31+$0xAC80] =	vst.add.f32.msk $0xffff, v5;
	s31 =	simm.s32 $0x0  }
0x4b0: {  	[hbm4b:s13+s31] =	stream.linear.scatter [tilespmem:s9], [sflag:$0x9], $0x3000, $0x38;
	[tilespmem:$0x18100] =	vst v63  }
0x4b1: {  	_ =	swait.ge [sflag:s11], $0x3000  }
0x4b2: {  	[sflag:s11] =	ssyncset.done $0x0  }
0x4b3: {  	[sflag:s11] =	ssyncadd.s32 $0xFFFFD000  }
0x4b4: {  	_ =	swait.ge [sflag:s5], $0x3000  }
0x4b5: {  	[sflag:s5] =	ssyncset.done $0x0  }
0x4b6: {  	[sflag:s5] =	ssyncadd.s32 $0xFFFFD000  }
0x4b7: {  	v3 =	vld [tilespmem:$0xD0];
	_ =	sdelay $0x4  }
0x4b8: {  	v4 =	vshrl.u32 v3, $0x3  }
0x4b9: {  	v4 =	vmul.u32 $0x30, v4  }
0x4ba: {  	v3 =	vand.u32 $0x7, v3  }
0x4bb: {  	v3 =	vor.u32 v3, v4  }
0x4bc: {  	v4 =	vperm.xlane v3, v0;
	_ =	sdelay $0x1  }
0x4bd: {  	v4 =	vadd.s32 v1, v4;
	_ =	sdelay $0x3  }
0x4be: {  	s14 =	simm.s32 $0x3100;
	v3 =	vperm.xlane v3, v2  }
0x4bf: {  	[tilespmem:s14], [sflag:$0x2] =	stream.indirect_vreg.gather [hbm4b:s3+s31], $0x80, v4, vm0, $0xb8;
	[tilespmem:$0x18100] =	vst v63  }
0x4c0: {  	s10 =	simm.s32 $0x3900;
	v3 =	vadd.s32 v1, v3  }
0x4c1: {  	[tilespmem:s10], [sflag:$0x2] =	stream.indirect_vreg.gather [hbm4b:s7+s31], $0x80, v4, vm0, $0xb8;
	[tilespmem:$0x18100] =	vst v63  }
0x4c2: {  	s12 =	simm.s32 $0x4100  }
0x4c3: {  	[tilespmem:s12], [sflag:$0x2] =	stream.indirect_vreg.gather [hbm4b:s8+s31], $0x80, v4, vm0, $0xb8;
	[tilespmem:$0x18100] =	vst v63  }
0x4c4: {  	s13 =	simm.s32 $0x4900  }
0x4c5: {  	[tilespmem:s13], [sflag:$0x2] =	stream.indirect_vreg.gather [hbm4b:s3+s31], $0x80, v3, vm0, $0xb8;
	[tilespmem:$0x18100] =	vst v63  }
0x4c6: {  	s14 =	simm.s32 $0x5100  }
0x4c7: {  	[tilespmem:s14], [sflag:$0x2] =	stream.indirect_vreg.gather [hbm4b:s7+s31], $0x80, v3, vm0, $0xb8;
	[tilespmem:$0x18100] =	vst v63  }
0x4c8: {  	s10 =	simm.s32 $0x5900  }
0x4c9: {  	[tilespmem:s10], [sflag:$0x2] =	stream.indirect_vreg.gather [hbm4b:s8+s31], $0x80, v3, vm0, $0xb8;
	[tilespmem:$0x18100] =	vst v63  }
0x4ca: {  	_ =	swait.ge [sflag:s28], $0x3000  }
0x4cb: {  	s12 =	sld [smem:$0x7F7]  }
0x4cc: {  	s13 =	sand.u32 $0x70, s31;
	s14 =	sand.u32 $0x1C00, s31;
	[sflag:s28] =	ssyncset.done $0x0  }
0x4cd: {  	s0 =	sor.u32 s13, s14;
	[sflag:s28] =	ssyncadd.s32 $0xFFFFD000  }
0x4ce: {  	[tilespmem:s6], [sflag:$0x7] =	stream.linear.gather [hbm4b:s12+s31], $0x3000, $0x38;
	[tilespmem:$0x18100] =	vst v63  }
0x4cf: {  	v3 =	vld [tilespmem:s0+$0x6100];
	_ =	sdelay $0x3  }
0x4d0: {  	s10 =	sor.u32 $0xC100, s0  }
0x4d1: {  	[tilespmem:s10+$0x0] =	vst.add.f32.msk $0xffff, v3  }
0x4d2: {  	v3 =	vld [tilespmem:s0+$0x6180];
	_ =	sdelay $0x3  }
0x4d3: {  	s12 =	sor.u32 $0xC180, s0  }
0x4d4: {  	[tilespmem:s12+$0x0] =	vst.add.f32.msk $0xffff, v3  }
0x4d5: {  	v3 =	vld [tilespmem:s0+$0x6200];
	_ =	sdelay $0x3  }
0x4d6: {  	s13 =	sor.u32 $0xC200, s0  }
0x4d7: {  	[tilespmem:s13+$0x0] =	vst.add.f32.msk $0xffff, v3  }
0x4d8: {  	v3 =	vld [tilespmem:s0+$0x6280];
	_ =	sdelay $0x3  }
0x4d9: {  	s14 =	sor.u32 $0xC280, s0  }
0x4da: {  	[tilespmem:s14+$0x0] =	vst.add.f32.msk $0xffff, v3  }
0x4db: {  	v3 =	vld [tilespmem:s0+$0x6300];
	_ =	sdelay $0x3  }
0x4dc: {  	s12 =	sor.u32 $0xC300, s0  }
0x4dd: {  	[tilespmem:s12+$0x0] =	vst.add.f32.msk $0xffff, v3  }
0x4de: {  	v3 =	vld [tilespmem:s0+$0x6380];
	_ =	sdelay $0x3  }
0x4df: {  	s13 =	sor.u32 $0xC380, s0  }
0x4e0: {  	[tilespmem:s13+$0x0] =	vst.add.f32.msk $0xffff, v3  }
0x4e1: {  	v3 =	vld [tilespmem:s0+$0x6400];
	_ =	sdelay $0x3  }
0x4e2: {  	s14 =	sor.u32 s31, s31  }
0x4e3: {  	s13 =	sor.u32 $0x380, s14;
	[tilespmem:s0+$0xC400] =	vst.add.f32.msk $0xffff, v3  }
0x4e4: {  	s10 =	simm.s32 $0x10;
	v3 =	vld [tilespmem:s13+$0x6100]  }
.LBB2_24:
0x4e5: {  	p0 =	sne.s32 s10, $0x2F0  }
0x4e6: {  	s31 =	sadd.s32 $0x80, s31;
	s12 =	smov.u32 s10;
	s10 =	sadd.s32 $0x10, s10  }
0x4e7: {  	_ =	sdelay $0x2  }
0x4e8: {  	[tilespmem:s13+$0xC100] =	vst.add.f32.msk $0xffff, v3  }
0x4e9: {  	s14 =	sand.u32 $0x1C00, s31;
	s13 =	sand.u32 $0x70, s12;
	v3 =	vld [tilespmem:s0+$0x7C80]  }
0x4ea: {  	s13 =	sor.u32 s13, s14;
	v4 =	vld [tilespmem:s0+$0x7B00]  }
0x4eb: {  	v5 =	vld [tilespmem:s0+$0x7C00]  }
0x4ec: {  	v6 =	vld [tilespmem:s0+$0x7B80]  }
0x4ed: {  	v7 =	vld [tilespmem:s0+$0x7A80]  }
0x4ee: {  	v8 =	vld [tilespmem:s0+$0x7A00]  }
0x4ef: {  	s14 =	sor.u32 $0xC100, s13;
	v9 =	vld [tilespmem:s0+$0x7980]  }
0x4f0: {  	[tilespmem:s0+$0xDB00] =	vst.add.f32.msk $0xffff, v4  }
0x4f1: {  	v4 =	vld [tilespmem:s13+$0x6100]  }
0x4f2: {  	[tilespmem:s0+$0xDC80] =	vst.add.f32.msk $0xffff, v3  }
0x4f3: {  	[tilespmem:s0+$0xDC00] =	vst.add.f32.msk $0xffff, v5  }
0x4f4: {  	v3 =	vld [tilespmem:s0+$0x7900]  }
0x4f5: {  	[tilespmem:s0+$0xD980] =	vst.add.f32.msk $0xffff, v9  }
0x4f6: {  	[tilespmem:s0+$0xDB80] =	vst.add.f32.msk $0xffff, v6  }
0x4f7: {  	[tilespmem:s0+$0xDA80] =	vst.add.f32.msk $0xffff, v7  }
0x4f8: {  	[tilespmem:s0+$0xDA00] =	vst.add.f32.msk $0xffff, v8  }
0x4f9: {  	[tilespmem:s0+$0xD900] =	vst.add.f32.msk $0xffff, v3;
	s0 =	smov.u32 s13  }
0x4fa: {  	[tilespmem:s14+$0x0] =	vst.add.f32.msk $0xffff, v4  }
0x4fb: {  	v3 =	vld [tilespmem:s0+$0x6180];
	_ =	sdelay $0x3  }
0x4fc: {  	s13 =	sor.u32 $0xC180, s0  }
0x4fd: {  	[tilespmem:s13+$0x0] =	vst.add.f32.msk $0xffff, v3  }
0x4fe: {  	v3 =	vld [tilespmem:s0+$0x6200];
	_ =	sdelay $0x3  }
0x4ff: {  	s13 =	sor.u32 $0xC200, s0  }
0x500: {  	[tilespmem:s13+$0x0] =	vst.add.f32.msk $0xffff, v3  }
0x501: {  	v3 =	vld [tilespmem:s0+$0x6280];
	_ =	sdelay $0x3  }
0x502: {  	s13 =	sor.u32 $0xC280, s0  }
0x503: {  	[tilespmem:s13+$0x0] =	vst.add.f32.msk $0xffff, v3  }
0x504: {  	v3 =	vld [tilespmem:s0+$0x6300];
	_ =	sdelay $0x3  }
0x505: {  	s13 =	sor.u32 $0xC300, s0  }
0x506: {  	[tilespmem:s13+$0x0] =	vst.add.f32.msk $0xffff, v3  }
0x507: {  	v3 =	vld [tilespmem:s0+$0x6380];
	_ =	sdelay $0x3  }
0x508: {  	s13 =	sor.u32 $0xC380, s0  }
0x509: {  	[tilespmem:s13+$0x0] =	vst.add.f32.msk $0xffff, v3  }
0x50a: {  	v3 =	vld [tilespmem:s0+$0x6400];
	_ =	sdelay $0x1  }
.Ltmp11:
0x50b: {  	(pc) =	sbr.rel @p0 .LBB2_24-.Ltmp11, $4  }
0x50c: {  	_ = 	snop  }
0x50d: {  	s12 =	sor.u32 s31, s12  }
0x50e: {  	s13 =	sor.u32 $0x380, s12;
	[tilespmem:s0+$0xC400] =	vst.add.f32.msk $0xffff, v3  }
0x50f: {  	v3 =	vld [tilespmem:s13+$0x6100]  }
0x510: {  	_ =	sdelay $0x3  }
0x511: {  	[tilespmem:s13+$0xC100] =	vst.add.f32.msk $0xffff, v3  }
0x512: {  	v3 =	vld [tilespmem:s0+$0x7C80]  }
0x513: {  	v4 =	vld [tilespmem:s0+$0x7B00]  }
0x514: {  	v5 =	vld [tilespmem:s0+$0x7C00]  }
0x515: {  	v6 =	vld [tilespmem:s0+$0x7B80]  }
0x516: {  	v7 =	vld [tilespmem:s0+$0x7A80]  }
0x517: {  	v8 =	vld [tilespmem:s0+$0x7A00]  }
0x518: {  	v9 =	vld [tilespmem:s0+$0x7980]  }
0x519: {  	[tilespmem:s0+$0xDB00] =	vst.add.f32.msk $0xffff, v4  }
0x51a: {  	[tilespmem:s0+$0xDC80] =	vst.add.f32.msk $0xffff, v3  }
0x51b: {  	[tilespmem:s0+$0xDC00] =	vst.add.f32.msk $0xffff, v5  }
0x51c: {  	v3 =	vld [tilespmem:s0+$0x7900]  }
0x51d: {  	[tilespmem:s0+$0xD980] =	vst.add.f32.msk $0xffff, v9  }
0x51e: {  	[tilespmem:s0+$0xDB80] =	vst.add.f32.msk $0xffff, v6  }
0x51f: {  	[tilespmem:s0+$0xDA80] =	vst.add.f32.msk $0xffff, v7  }
0x520: {  	[tilespmem:s0+$0xDA00] =	vst.add.f32.msk $0xffff, v8  }
0x521: {  	s10 =	rddreg [dreg:$0x1d];
	s12 =	simm.s32 $0xC100;
	[tilespmem:s0+$0xD900] =	vst.add.f32.msk $0xffff, v3;
	s0 =	simm.s32 $0x0  }
0x522: {  	[hbm4b:s10+s0] =	stream.linear.scatter [tilespmem:s12], [sflag:$0xA], $0x3000, $0x38;
	[tilespmem:$0x18100] =	vst v63  }
0x523: {  	_ =	swait.ge [sflag:s24], $0x3000  }
0x524: {  	[sflag:s24] =	ssyncset.done $0x0  }
0x525: {  	[sflag:s24] =	ssyncadd.s32 $0xFFFFD000  }
0x526: {  	_ =	swait.ge [sflag:s18], $0x3000  }
0x527: {  	[sflag:s18] =	ssyncset.done $0x0  }
0x528: {  	[sflag:s18] =	ssyncadd.s32 $0xFFFFD000  }
0x529: {  	v3 =	vld [tilespmem:$0xE0];
	_ =	sdelay $0x4  }
0x52a: {  	v4 =	vshrl.u32 v3, $0x3  }
0x52b: {  	v4 =	vmul.u32 $0x30, v4  }
0x52c: {  	v3 =	vand.u32 $0x7, v3  }
0x52d: {  	v3 =	vor.u32 v3, v4  }
0x52e: {  	v4 =	vperm.xlane v3, v0;
	_ =	sdelay $0x1  }
0x52f: {  	v4 =	vadd.s32 v1, v4;
	_ =	sdelay $0x3  }
0x530: {  	s12 =	simm.s32 $0x6100;
	v3 =	vperm.xlane v3, v2  }
0x531: {  	[tilespmem:s12], [sflag:$0x3] =	stream.indirect_vreg.gather [hbm4b:s3+s0], $0x80, v4, vm0, $0xb8;
	[tilespmem:$0x18100] =	vst v63  }
0x532: {  	s13 =	simm.s32 $0x6900;
	v3 =	vadd.s32 v1, v3  }
0x533: {  	[tilespmem:s13], [sflag:$0x3] =	stream.indirect_vreg.gather [hbm4b:s7+s0], $0x80, v4, vm0, $0xb8;
	[tilespmem:$0x18100] =	vst v63  }
0x534: {  	s14 =	simm.s32 $0x7100  }
0x535: {  	[tilespmem:s14], [sflag:$0x3] =	stream.indirect_vreg.gather [hbm4b:s8+s0], $0x80, v4, vm0, $0xb8;
	[tilespmem:$0x18100] =	vst v63  }
0x536: {  	s12 =	simm.s32 $0x7900  }
0x537: {  	[tilespmem:s12], [sflag:$0x3] =	stream.indirect_vreg.gather [hbm4b:s3+s0], $0x80, v3, vm0, $0xb8;
	[tilespmem:$0x18100] =	vst v63  }
0x538: {  	s13 =	simm.s32 $0x8100  }
0x539: {  	[tilespmem:s13], [sflag:$0x3] =	stream.indirect_vreg.gather [hbm4b:s7+s0], $0x80, v3, vm0, $0xb8;
	[tilespmem:$0x18100] =	vst v63  }
0x53a: {  	s14 =	simm.s32 $0x8900  }
0x53b: {  	[tilespmem:s14], [sflag:$0x3] =	stream.indirect_vreg.gather [hbm4b:s8+s0], $0x80, v3, vm0, $0xb8;
	[tilespmem:$0x18100] =	vst v63  }
0x53c: {  	_ =	swait.ge [sflag:s29], $0x3000  }
0x53d: {  	s12 =	sld [smem:$0x7F8]  }
0x53e: {  	s13 =	sand.u32 $0x70, s0;
	s14 =	sand.u32 $0x1C00, s0;
	[sflag:s29] =	ssyncset.done $0x0  }
0x53f: {  	s31 =	sor.u32 s13, s14;
	[sflag:s29] =	ssyncadd.s32 $0xFFFFD000  }
0x540: {  	[tilespmem:s19], [sflag:$0x8] =	stream.linear.gather [hbm4b:s12+s0], $0x3000, $0x38;
	[tilespmem:$0x18100] =	vst v63  }
0x541: {  	v3 =	vld [tilespmem:s31+$0x100]  }
0x542: {  	v4 =	vld [tilespmem:s31+$0x180];
	_ =	sdelay $0x3  }
0x543: {  	[tilespmem:s31+$0xF100] =	vst.add.f32.msk $0xffff, v3  }
0x544: {  	[tilespmem:s31+$0xF180] =	vst.add.f32.msk $0xffff, v4  }
0x545: {  	v3 =	vld [tilespmem:s31+$0x200]  }
0x546: {  	v4 =	vld [tilespmem:s31+$0x280]  }
0x547: {  	s10 =	simm.s32 $0x0;
	s12 =	simm.s32 $0x10;
	v5 =	vld [tilespmem:s31+$0x300]  }
.LBB2_26:
0x548: {  	p0 =	sne.s32 s12, $0x2F0;
	v6 =	vld [tilespmem:s31+$0x380]  }
0x549: {  	v7 =	vld [tilespmem:s31+$0x400]  }
0x54a: {  	[tilespmem:s31+$0xF200] =	vst.add.f32.msk $0xffff, v3  }
0x54b: {  	[tilespmem:s31+$0xF280] =	vst.add.f32.msk $0xffff, v4  }
0x54c: {  	[tilespmem:s31+$0xF300] =	vst.add.f32.msk $0xffff, v5  }
0x54d: {  	s13 =	sor.u32 s10, s0;
	s0 =	smov.u32 s12;
	[tilespmem:s31+$0xF380] =	vst.add.f32.msk $0xffff, v6  }
0x54e: {  	s13 =	sor.u32 $0x380, s13;
	[tilespmem:s31+$0xF400] =	vst.add.f32.msk $0xffff, v7  }
0x54f: {  	v3 =	vld [tilespmem:s13+$0x100];
	_ =	sdelay $0x4  }
0x550: {  	[tilespmem:s13+$0xF100] =	vst.add.f32.msk $0xffff, v3  }
0x551: {  	v3 =	vld [tilespmem:s31+$0x1900]  }
0x552: {  	v4 =	vld [tilespmem:s31+$0x1980]  }
0x553: {  	v5 =	vld [tilespmem:s31+$0x1A00]  }
0x554: {  	v6 =	vld [tilespmem:s31+$0x1A80]  }
0x555: {  	v7 =	vld [tilespmem:s31+$0x1B00]  }
0x556: {  	[tilespmem:s31+$0x10900] =	vst.add.f32.msk $0xffff, v3  }
0x557: {  	[tilespmem:s31+$0x10980] =	vst.add.f32.msk $0xffff, v4  }
0x558: {  	[tilespmem:s31+$0x10A00] =	vst.add.f32.msk $0xffff, v5  }
0x559: {  	[tilespmem:s31+$0x10A80] =	vst.add.f32.msk $0xffff, v6  }
0x55a: {  	[tilespmem:s31+$0x10B00] =	vst.add.f32.msk $0xffff, v7  }
0x55b: {  	s10 =	sadd.s32 $0x80, s10;
	v3 =	vld [tilespmem:s31+$0x1B80]  }
0x55c: {  	s14 =	sand.u32 $0x1C00, s10;
	s13 =	sand.u32 $0x70, s12;
	v4 =	vld [tilespmem:s31+$0x1C00]  }
0x55d: {  	s13 =	sor.u32 s13, s14;
	v5 =	vld [tilespmem:s31+$0x1C80]  }
0x55e: {  	v6 =	vld [tilespmem:s13+$0x100]  }
0x55f: {  	v7 =	vld [tilespmem:s13+$0x180]  }
0x560: {  	[tilespmem:s31+$0x10B80] =	vst.add.f32.msk $0xffff, v3  }
0x561: {  	[tilespmem:s31+$0x10C00] =	vst.add.f32.msk $0xffff, v4  }
0x562: {  	[tilespmem:s31+$0x10C80] =	vst.add.f32.msk $0xffff, v5;
	s31 =	smov.u32 s13  }
.Ltmp12:
0x563: {  	[tilespmem:s31+$0xF100] =	vst.add.f32.msk $0xffff, v6;
	(pc) =	sbr.rel @p0 .LBB2_26-.Ltmp12, $4  }
0x564: {  	[tilespmem:s31+$0xF180] =	vst.add.f32.msk $0xffff, v7  }
0x565: {  	v3 =	vld [tilespmem:s31+$0x200]  }
0x566: {  	v4 =	vld [tilespmem:s31+$0x280]  }
0x567: {  	s12 =	sadd.s32 $0x10, s12;
	v5 =	vld [tilespmem:s31+$0x300]  }
0x568: {  	v6 =	vld [tilespmem:s31+$0x380]  }
0x569: {  	v7 =	vld [tilespmem:s31+$0x400]  }
0x56a: {  	[tilespmem:s31+$0xF200] =	vst.add.f32.msk $0xffff, v3  }
0x56b: {  	[tilespmem:s31+$0xF280] =	vst.add.f32.msk $0xffff, v4  }
0x56c: {  	[tilespmem:s31+$0xF300] =	vst.add.f32.msk $0xffff, v5  }
0x56d: {  	s0 =	sor.u32 s10, s0;
	[tilespmem:s31+$0xF380] =	vst.add.f32.msk $0xffff, v6  }
0x56e: {  	s0 =	sor.u32 $0x380, s0;
	[tilespmem:s31+$0xF400] =	vst.add.f32.msk $0xffff, v7  }
0x56f: {  	v3 =	vld [tilespmem:s0+$0x100];
	_ =	sdelay $0x4  }
0x570: {  	[tilespmem:s0+$0xF100] =	vst.add.f32.msk $0xffff, v3  }
0x571: {  	v3 =	vld [tilespmem:s31+$0x1900]  }
0x572: {  	v4 =	vld [tilespmem:s31+$0x1980]  }
0x573: {  	v5 =	vld [tilespmem:s31+$0x1A00]  }
0x574: {  	v62 =	vld [tilespmem:s31+$0x1A80]  }
0x575: {  	v63 =	vld [tilespmem:s31+$0x1B00]  }
0x576: {  	[tilespmem:s31+$0x10900] =	vst.add.f32.msk $0xffff, v3  }
0x577: {  	[tilespmem:s31+$0x10980] =	vst.add.f32.msk $0xffff, v4  }
0x578: {  	[tilespmem:s31+$0x10A00] =	vst.add.f32.msk $0xffff, v5  }
0x579: {  	v3 =	vld [tilespmem:s31+$0x1B80]  }
0x57a: {  	v4 =	vld [tilespmem:s31+$0x1C00]  }
0x57b: {  	v5 =	vld [tilespmem:s31+$0x1C80]  }
0x57c: {  	[tilespmem:s31+$0x10A80] =	vst.add.f32.msk $0xffff, v62  }
0x57d: {  	[tilespmem:s31+$0x10B00] =	vst.add.f32.msk $0xffff, v63  }
0x57e: {  	[tilespmem:s31+$0x10B80] =	vst.add.f32.msk $0xffff, v3  }
0x57f: {  	[tilespmem:s31+$0x10C00] =	vst.add.f32.msk $0xffff, v4  }
0x580: {  	s12 =	rddreg [dreg:$0x1f];
	[tilespmem:s31+$0x10C80] =	vst.add.f32.msk $0xffff, v5;
	s31 =	simm.s32 $0x0  }
0x581: {  	[hbm4b:s12+s31] =	stream.linear.scatter [tilespmem:s2], [sflag:$0xB], $0x3000, $0x38;
	[tilespmem:$0x18100] =	vst v63  }
0x582: {  	_ =	swait.ge [sflag:s4], $0x3000  }
0x583: {  	[sflag:s4] =	ssyncset.done $0x0  }
0x584: {  	[sflag:s4] =	ssyncadd.s32 $0xFFFFD000  }
0x585: {  	_ =	swait.ge [sflag:s20], $0x3000  }
0x586: {  	[sflag:s20] =	ssyncset.done $0x0  }
0x587: {  	[sflag:s20] =	ssyncadd.s32 $0xFFFFD000  }
0x588: {  	v3 =	vld [tilespmem:$0xF0];
	_ =	sdelay $0x4  }
0x589: {  	v4 =	vshrl.u32 v3, $0x3  }
0x58a: {  	v4 =	vmul.u32 $0x30, v4  }
0x58b: {  	v3 =	vand.u32 $0x7, v3  }
0x58c: {  	v3 =	vor.u32 v3, v4  }
0x58d: {  	v4 =	vperm.xlane v3, v0;
	_ =	sdelay $0x1  }
0x58e: {  	v4 =	vadd.s32 v1, v4;
	_ =	sdelay $0x3  }
0x58f: {  	s13 =	simm.s32 $0x100;
	v3 =	vperm.xlane v3, v2  }
0x590: {  	[tilespmem:s13], [sflag:$0x1] =	stream.indirect_vreg.gather [hbm4b:s3+s31], $0x80, v4, vm0, $0xb8;
	[tilespmem:$0x18100] =	vst v63  }
0x591: {  	s14 =	simm.s32 $0x900;
	v3 =	vadd.s32 v1, v3  }
0x592: {  	[tilespmem:s14], [sflag:$0x1] =	stream.indirect_vreg.gather [hbm4b:s7+s31], $0x80, v4, vm0, $0xb8;
	[tilespmem:$0x18100] =	vst v63  }
0x593: {  	s10 =	simm.s32 $0x1100  }
0x594: {  	[tilespmem:s10], [sflag:$0x1] =	stream.indirect_vreg.gather [hbm4b:s8+s31], $0x80, v4, vm0, $0xb8;
	[tilespmem:$0x18100] =	vst v63  }
0x595: {  	_ = 	snop  }
0x596: {  	[tilespmem:s15], [sflag:$0x1] =	stream.indirect_vreg.gather [hbm4b:s3+s31], $0x80, v3, vm0, $0xb8;
	[tilespmem:$0x18100] =	vst v63  }
0x597: {  	_ = 	snop  }
0x598: {  	[tilespmem:s16], [sflag:$0x1] =	stream.indirect_vreg.gather [hbm4b:s7+s31], $0x80, v3, vm0, $0xb8;
	[tilespmem:$0x18100] =	vst v63  }
0x599: {  	_ = 	snop  }
0x59a: {  	[tilespmem:s17], [sflag:$0x1] =	stream.indirect_vreg.gather [hbm4b:s8+s31], $0x80, v3, vm0, $0xb8;
	[tilespmem:$0x18100] =	vst v63  }
0x59b: {  	_ =	swait.ge [sflag:s21], $0x3000  }
0x59c: {  	s12 =	sld [smem:$0x7F9]  }
0x59d: {  	s13 =	sand.u32 $0x70, s31;
	s14 =	sand.u32 $0x1C00, s31;
	[sflag:s21] =	ssyncset.done $0x0  }
0x59e: {  	s0 =	sor.u32 s13, s14;
	[sflag:s21] =	ssyncadd.s32 $0xFFFFD000  }
0x59f: {  	[tilespmem:s9], [sflag:$0x4] =	stream.linear.gather [hbm4b:s12+s31], $0x3000, $0x38;
	[tilespmem:$0x18100] =	vst v63  }
0x5a0: {  	v3 =	vld [tilespmem:s0+$0x3100];
	_ =	sdelay $0x3  }
0x5a1: {  	s10 =	sor.u32 $0x12100, s0  }
0x5a2: {  	[tilespmem:s10+$0x0] =	vst.add.f32.msk $0xffff, v3  }
0x5a3: {  	v3 =	vld [tilespmem:s0+$0x3180];
	_ =	sdelay $0x3  }
0x5a4: {  	s12 =	sor.u32 $0x12180, s0  }
0x5a5: {  	[tilespmem:s12+$0x0] =	vst.add.f32.msk $0xffff, v3  }
0x5a6: {  	v3 =	vld [tilespmem:s0+$0x3200];
	_ =	sdelay $0x3  }
0x5a7: {  	s13 =	sor.u32 $0x12200, s0  }
0x5a8: {  	[tilespmem:s13+$0x0] =	vst.add.f32.msk $0xffff, v3  }
0x5a9: {  	v3 =	vld [tilespmem:s0+$0x3280];
	_ =	sdelay $0x3  }
0x5aa: {  	s14 =	sor.u32 $0x12280, s0  }
0x5ab: {  	[tilespmem:s14+$0x0] =	vst.add.f32.msk $0xffff, v3  }
0x5ac: {  	v3 =	vld [tilespmem:s0+$0x3300];
	_ =	sdelay $0x3  }
0x5ad: {  	s12 =	sor.u32 $0x12300, s0  }
0x5ae: {  	[tilespmem:s12+$0x0] =	vst.add.f32.msk $0xffff, v3  }
0x5af: {  	v3 =	vld [tilespmem:s0+$0x3380];
	_ =	sdelay $0x3  }
0x5b0: {  	s13 =	sor.u32 $0x12380, s0  }
0x5b1: {  	[tilespmem:s13+$0x0] =	vst.add.f32.msk $0xffff, v3  }
0x5b2: {  	v3 =	vld [tilespmem:s0+$0x3400];
	_ =	sdelay $0x3  }
0x5b3: {  	s14 =	sor.u32 s31, s31  }
0x5b4: {  	s13 =	sor.u32 $0x380, s14;
	[tilespmem:s0+$0x12400] =	vst.add.f32.msk $0xffff, v3  }
0x5b5: {  	s10 =	simm.s32 $0x10;
	v3 =	vld [tilespmem:s13+$0x3100]  }
.LBB2_28:
0x5b6: {  	p0 =	sne.s32 s10, $0x2F0  }
0x5b7: {  	s31 =	sadd.s32 $0x80, s31;
	s12 =	smov.u32 s10;
	s10 =	sadd.s32 $0x10, s10  }
0x5b8: {  	_ =	sdelay $0x2  }
0x5b9: {  	[tilespmem:s13+$0x12100] =	vst.add.f32.msk $0xffff, v3  }
0x5ba: {  	s14 =	sand.u32 $0x1C00, s31;
	s13 =	sand.u32 $0x70, s12;
	v3 =	vld [tilespmem:s0+$0x4C80]  }
0x5bb: {  	s13 =	sor.u32 s13, s14;
	v4 =	vld [tilespmem:s0+$0x4B00]  }
0x5bc: {  	v5 =	vld [tilespmem:s0+$0x4C00]  }
0x5bd: {  	v6 =	vld [tilespmem:s0+$0x4B80]  }
0x5be: {  	v7 =	vld [tilespmem:s0+$0x4A80]  }
0x5bf: {  	v8 =	vld [tilespmem:s0+$0x4A00]  }
0x5c0: {  	s14 =	sor.u32 $0x12100, s13;
	v9 =	vld [tilespmem:s0+$0x4980]  }
0x5c1: {  	[tilespmem:s0+$0x13B00] =	vst.add.f32.msk $0xffff, v4  }
0x5c2: {  	v4 =	vld [tilespmem:s13+$0x3100]  }
0x5c3: {  	[tilespmem:s0+$0x13C80] =	vst.add.f32.msk $0xffff, v3  }
0x5c4: {  	[tilespmem:s0+$0x13C00] =	vst.add.f32.msk $0xffff, v5  }
0x5c5: {  	v3 =	vld [tilespmem:s0+$0x4900]  }
0x5c6: {  	[tilespmem:s0+$0x13980] =	vst.add.f32.msk $0xffff, v9  }
0x5c7: {  	[tilespmem:s0+$0x13B80] =	vst.add.f32.msk $0xffff, v6  }
0x5c8: {  	[tilespmem:s0+$0x13A80] =	vst.add.f32.msk $0xffff, v7  }
0x5c9: {  	[tilespmem:s0+$0x13A00] =	vst.add.f32.msk $0xffff, v8  }
0x5ca: {  	[tilespmem:s0+$0x13900] =	vst.add.f32.msk $0xffff, v3;
	s0 =	smov.u32 s13  }
0x5cb: {  	[tilespmem:s14+$0x0] =	vst.add.f32.msk $0xffff, v4  }
0x5cc: {  	v3 =	vld [tilespmem:s0+$0x3180];
	_ =	sdelay $0x3  }
0x5cd: {  	s13 =	sor.u32 $0x12180, s0  }
0x5ce: {  	[tilespmem:s13+$0x0] =	vst.add.f32.msk $0xffff, v3  }
0x5cf: {  	v3 =	vld [tilespmem:s0+$0x3200];
	_ =	sdelay $0x3  }
0x5d0: {  	s13 =	sor.u32 $0x12200, s0  }
0x5d1: {  	[tilespmem:s13+$0x0] =	vst.add.f32.msk $0xffff, v3  }
0x5d2: {  	v3 =	vld [tilespmem:s0+$0x3280];
	_ =	sdelay $0x3  }
0x5d3: {  	s13 =	sor.u32 $0x12280, s0  }
0x5d4: {  	[tilespmem:s13+$0x0] =	vst.add.f32.msk $0xffff, v3  }
0x5d5: {  	v3 =	vld [tilespmem:s0+$0x3300];
	_ =	sdelay $0x3  }
0x5d6: {  	s13 =	sor.u32 $0x12300, s0  }
0x5d7: {  	[tilespmem:s13+$0x0] =	vst.add.f32.msk $0xffff, v3  }
0x5d8: {  	v3 =	vld [tilespmem:s0+$0x3380];
	_ =	sdelay $0x3  }
0x5d9: {  	s13 =	sor.u32 $0x12380, s0  }
0x5da: {  	[tilespmem:s13+$0x0] =	vst.add.f32.msk $0xffff, v3  }
0x5db: {  	v3 =	vld [tilespmem:s0+$0x3400];
	_ =	sdelay $0x1  }
.Ltmp13:
0x5dc: {  	(pc) =	sbr.rel @p0 .LBB2_28-.Ltmp13, $4  }
0x5dd: {  	_ = 	snop  }
0x5de: {  	s12 =	sor.u32 s31, s12  }
0x5df: {  	s13 =	sor.u32 $0x380, s12;
	[tilespmem:s0+$0x12400] =	vst.add.f32.msk $0xffff, v3  }
0x5e0: {  	v3 =	vld [tilespmem:s13+$0x3100]  }
0x5e1: {  	_ =	sdelay $0x3  }
0x5e2: {  	[tilespmem:s13+$0x12100] =	vst.add.f32.msk $0xffff, v3  }
0x5e3: {  	v3 =	vld [tilespmem:s0+$0x4C80]  }
0x5e4: {  	v4 =	vld [tilespmem:s0+$0x4B00]  }
0x5e5: {  	v5 =	vld [tilespmem:s0+$0x4C00]  }
0x5e6: {  	v6 =	vld [tilespmem:s0+$0x4B80]  }
0x5e7: {  	v7 =	vld [tilespmem:s0+$0x4A80]  }
0x5e8: {  	v8 =	vld [tilespmem:s0+$0x4A00]  }
0x5e9: {  	v9 =	vld [tilespmem:s0+$0x4980]  }
0x5ea: {  	[tilespmem:s0+$0x13B00] =	vst.add.f32.msk $0xffff, v4  }
0x5eb: {  	[tilespmem:s0+$0x13C80] =	vst.add.f32.msk $0xffff, v3  }
0x5ec: {  	[tilespmem:s0+$0x13C00] =	vst.add.f32.msk $0xffff, v5  }
0x5ed: {  	v3 =	vld [tilespmem:s0+$0x4900]  }
0x5ee: {  	[tilespmem:s0+$0x13980] =	vst.add.f32.msk $0xffff, v9  }
0x5ef: {  	[tilespmem:s0+$0x13B80] =	vst.add.f32.msk $0xffff, v6  }
0x5f0: {  	s13 =	sld [smem:$0x7FA];
	[tilespmem:s0+$0x13A80] =	vst.add.f32.msk $0xffff, v7  }
0x5f1: {  	[tilespmem:s0+$0x13A00] =	vst.add.f32.msk $0xffff, v8  }
0x5f2: {  	s10 =	simm.s32 $0x0;
	[tilespmem:s0+$0x13900] =	vst.add.f32.msk $0xffff, v3  }
0x5f3: {  	[hbm4b:s13+s10] =	stream.linear.scatter [tilespmem:s6], [sflag:$0xC], $0x3000, $0x38;
	[tilespmem:$0x18100] =	vst v63  }
0x5f4: {  	_ =	swait.ge [sflag:s11], $0x3000  }
0x5f5: {  	[sflag:s11] =	ssyncset.done $0x0  }
0x5f6: {  	[sflag:s11] =	ssyncadd.s32 $0xFFFFD000  }
0x5f7: {  	_ =	swait.ge [sflag:s22], $0x3000  }
0x5f8: {  	s14 =	sand.u32 $0x70, s10;
	s12 =	sand.u32 $0x1C00, s10;
	[sflag:s22] =	ssyncset.done $0x0  }
0x5f9: {  	s0 =	sor.u32 s14, s12;
	[sflag:s22] =	ssyncadd.s32 $0xFFFFD000  }
0x5fa: {  	v3 =	vld [tilespmem:s0+$0x6100]  }
0x5fb: {  	v4 =	vld [tilespmem:s0+$0x6180];
	_ =	sdelay $0x3  }
0x5fc: {  	[tilespmem:s0+$0x15100] =	vst.add.f32.msk $0xffff, v3  }
0x5fd: {  	[tilespmem:s0+$0x15180] =	vst.add.f32.msk $0xffff, v4  }
0x5fe: {  	v3 =	vld [tilespmem:s0+$0x6200]  }
0x5ff: {  	v4 =	vld [tilespmem:s0+$0x6280]  }
0x600: {  	s31 =	simm.s32 $0x10;
	s12 =	simm.s32 $0x0;
	v5 =	vld [tilespmem:s0+$0x6300]  }
.LBB2_30:
0x601: {  	p0 =	sne.s32 s31, $0x2F0;
	v6 =	vld [tilespmem:s0+$0x6380]  }
0x602: {  	v7 =	vld [tilespmem:s0+$0x6400]  }
0x603: {  	[tilespmem:s0+$0x15200] =	vst.add.f32.msk $0xffff, v3  }
0x604: {  	[tilespmem:s0+$0x15280] =	vst.add.f32.msk $0xffff, v4  }
0x605: {  	[tilespmem:s0+$0x15300] =	vst.add.f32.msk $0xffff, v5  }
0x606: {  	s13 =	sor.u32 s12, s10;
	s10 =	smov.u32 s31;
	[tilespmem:s0+$0x15380] =	vst.add.f32.msk $0xffff, v6  }
0x607: {  	s13 =	sor.u32 $0x380, s13;
	[tilespmem:s0+$0x15400] =	vst.add.f32.msk $0xffff, v7  }
0x608: {  	v3 =	vld [tilespmem:s13+$0x6100];
	_ =	sdelay $0x4  }
0x609: {  	[tilespmem:s13+$0x15100] =	vst.add.f32.msk $0xffff, v3  }
0x60a: {  	v3 =	vld [tilespmem:s0+$0x7900]  }
0x60b: {  	v4 =	vld [tilespmem:s0+$0x7980]  }
0x60c: {  	v5 =	vld [tilespmem:s0+$0x7A00]  }
0x60d: {  	v6 =	vld [tilespmem:s0+$0x7A80]  }
0x60e: {  	v7 =	vld [tilespmem:s0+$0x7B00]  }
0x60f: {  	[tilespmem:s0+$0x16900] =	vst.add.f32.msk $0xffff, v3  }
0x610: {  	[tilespmem:s0+$0x16980] =	vst.add.f32.msk $0xffff, v4  }
0x611: {  	[tilespmem:s0+$0x16A00] =	vst.add.f32.msk $0xffff, v5  }
0x612: {  	[tilespmem:s0+$0x16A80] =	vst.add.f32.msk $0xffff, v6  }
0x613: {  	[tilespmem:s0+$0x16B00] =	vst.add.f32.msk $0xffff, v7  }
0x614: {  	s12 =	sadd.s32 $0x80, s12;
	v3 =	vld [tilespmem:s0+$0x7B80]  }
0x615: {  	s14 =	sand.u32 $0x1C00, s12;
	s13 =	sand.u32 $0x70, s31;
	v4 =	vld [tilespmem:s0+$0x7C00]  }
0x616: {  	s13 =	sor.u32 s13, s14;
	v5 =	vld [tilespmem:s0+$0x7C80]  }
0x617: {  	v6 =	vld [tilespmem:s13+$0x6100]  }
0x618: {  	v7 =	vld [tilespmem:s13+$0x6180]  }
0x619: {  	[tilespmem:s0+$0x16B80] =	vst.add.f32.msk $0xffff, v3  }
0x61a: {  	[tilespmem:s0+$0x16C00] =	vst.add.f32.msk $0xffff, v4  }
0x61b: {  	[tilespmem:s0+$0x16C80] =	vst.add.f32.msk $0xffff, v5;
	s0 =	smov.u32 s13  }
.Ltmp14:
0x61c: {  	[tilespmem:s0+$0x15100] =	vst.add.f32.msk $0xffff, v6;
	(pc) =	sbr.rel @p0 .LBB2_30-.Ltmp14, $4  }
0x61d: {  	[tilespmem:s0+$0x15180] =	vst.add.f32.msk $0xffff, v7  }
0x61e: {  	v3 =	vld [tilespmem:s0+$0x6200]  }
0x61f: {  	v4 =	vld [tilespmem:s0+$0x6280]  }
0x620: {  	s31 =	sadd.s32 $0x10, s31;
	v5 =	vld [tilespmem:s0+$0x6300]  }
0x621: {  	v6 =	vld [tilespmem:s0+$0x6380]  }
0x622: {  	v7 =	vld [tilespmem:s0+$0x6400]  }
0x623: {  	[tilespmem:s0+$0x15200] =	vst.add.f32.msk $0xffff, v3  }
0x624: {  	[tilespmem:s0+$0x15280] =	vst.add.f32.msk $0xffff, v4  }
0x625: {  	[tilespmem:s0+$0x15300] =	vst.add.f32.msk $0xffff, v5  }
0x626: {  	s10 =	sor.u32 s12, s10;
	[tilespmem:s0+$0x15380] =	vst.add.f32.msk $0xffff, v6  }
0x627: {  	s10 =	sor.u32 $0x380, s10;
	[tilespmem:s0+$0x15400] =	vst.add.f32.msk $0xffff, v7  }
0x628: {  	v3 =	vld [tilespmem:s10+$0x6100];
	_ =	sdelay $0x4  }
0x629: {  	[tilespmem:s10+$0x15100] =	vst.add.f32.msk $0xffff, v3  }
0x62a: {  	v3 =	vld [tilespmem:s0+$0x7900]  }
0x62b: {  	v4 =	vld [tilespmem:s0+$0x7980]  }
0x62c: {  	v5 =	vld [tilespmem:s0+$0x7A00]  }
0x62d: {  	v6 =	vld [tilespmem:s0+$0x7A80]  }
0x62e: {  	v7 =	vld [tilespmem:s0+$0x7B00]  }
0x62f: {  	[tilespmem:s0+$0x16900] =	vst.add.f32.msk $0xffff, v3  }
0x630: {  	[tilespmem:s0+$0x16980] =	vst.add.f32.msk $0xffff, v4  }
0x631: {  	[tilespmem:s0+$0x16A00] =	vst.add.f32.msk $0xffff, v5  }
0x632: {  	v3 =	vld [tilespmem:s0+$0x7B80]  }
0x633: {  	v4 =	vld [tilespmem:s0+$0x7C00]  }
0x634: {  	v5 =	vld [tilespmem:s0+$0x7C80]  }
0x635: {  	[tilespmem:s0+$0x16A80] =	vst.add.f32.msk $0xffff, v6  }
0x636: {  	[tilespmem:s0+$0x16B00] =	vst.add.f32.msk $0xffff, v7  }
0x637: {  	s12 =	sld [smem:$0x7FB];
	[tilespmem:s0+$0x16B80] =	vst.add.f32.msk $0xffff, v3  }
0x638: {  	[tilespmem:s0+$0x16C00] =	vst.add.f32.msk $0xffff, v4  }
0x639: {  	s10 =	simm.s32 $0x0;
	[tilespmem:s0+$0x16C80] =	vst.add.f32.msk $0xffff, v5  }
0x63a: {  	[hbm4b:s12+s10] =	stream.linear.scatter [tilespmem:s19], [sflag:$0xD], $0x3000, $0x38;
	[tilespmem:$0x18100] =	vst v63  }
0x63b: {  	_ =	swait.ge [sflag:s24], $0x3000  }
0x63c: {  	[sflag:s24] =	ssyncset.done $0x0  }
0x63d: {  	[sflag:s24] =	ssyncadd.s32 $0xFFFFD000  }
0x63e: {  	_ =	swait.ge [sflag:s25], $0x3000  }
0x63f: {  	s13 =	sand.u32 $0x70, s10;
	s14 =	sand.u32 $0x1C00, s10;
	[sflag:s25] =	ssyncset.done $0x0  }
0x640: {  	s0 =	sor.u32 s13, s14;
	[sflag:s25] =	ssyncadd.s32 $0xFFFFD000  }
0x641: {  	v3 =	vld [tilespmem:s0+$0x100]  }
0x642: {  	v4 =	vld [tilespmem:s0+$0x180];
	_ =	sdelay $0x3  }
0x643: {  	[tilespmem:s0+$0x9100] =	vst.add.f32.msk $0xffff, v3  }
0x644: {  	[tilespmem:s0+$0x9180] =	vst.add.f32.msk $0xffff, v4  }
0x645: {  	v3 =	vld [tilespmem:s0+$0x200]  }
0x646: {  	v4 =	vld [tilespmem:s0+$0x280]  }
0x647: {  	s31 =	simm.s32 $0x10;
	s12 =	simm.s32 $0x0;
	v5 =	vld [tilespmem:s0+$0x300]  }
.LBB2_32:
0x648: {  	p0 =	sne.s32 s31, $0x2F0;
	v6 =	vld [tilespmem:s0+$0x380]  }
0x649: {  	v7 =	vld [tilespmem:s0+$0x400]  }
0x64a: {  	[tilespmem:s0+$0x9200] =	vst.add.f32.msk $0xffff, v3  }
0x64b: {  	[tilespmem:s0+$0x9280] =	vst.add.f32.msk $0xffff, v4  }
0x64c: {  	[tilespmem:s0+$0x9300] =	vst.add.f32.msk $0xffff, v5  }
0x64d: {  	s13 =	sor.u32 s12, s10;
	s10 =	smov.u32 s31;
	[tilespmem:s0+$0x9380] =	vst.add.f32.msk $0xffff, v6  }
0x64e: {  	s13 =	sor.u32 $0x380, s13;
	[tilespmem:s0+$0x9400] =	vst.add.f32.msk $0xffff, v7  }
0x64f: {  	v3 =	vld [tilespmem:s13+$0x100];
	_ =	sdelay $0x4  }
0x650: {  	[tilespmem:s13+$0x9100] =	vst.add.f32.msk $0xffff, v3  }
0x651: {  	v3 =	vld [tilespmem:s0+$0x1900]  }
0x652: {  	v4 =	vld [tilespmem:s0+$0x1980]  }
0x653: {  	v5 =	vld [tilespmem:s0+$0x1A00]  }
0x654: {  	v6 =	vld [tilespmem:s0+$0x1A80]  }
0x655: {  	v7 =	vld [tilespmem:s0+$0x1B00]  }
0x656: {  	[tilespmem:s0+$0xA900] =	vst.add.f32.msk $0xffff, v3  }
0x657: {  	[tilespmem:s0+$0xA980] =	vst.add.f32.msk $0xffff, v4  }
0x658: {  	[tilespmem:s0+$0xAA00] =	vst.add.f32.msk $0xffff, v5  }
0x659: {  	[tilespmem:s0+$0xAA80] =	vst.add.f32.msk $0xffff, v6  }
0x65a: {  	[tilespmem:s0+$0xAB00] =	vst.add.f32.msk $0xffff, v7  }
0x65b: {  	s12 =	sadd.s32 $0x80, s12;
	v3 =	vld [tilespmem:s0+$0x1B80]  }
0x65c: {  	s14 =	sand.u32 $0x1C00, s12;
	s13 =	sand.u32 $0x70, s31;
	v4 =	vld [tilespmem:s0+$0x1C00]  }
0x65d: {  	s13 =	sor.u32 s13, s14;
	v5 =	vld [tilespmem:s0+$0x1C80]  }
0x65e: {  	v6 =	vld [tilespmem:s13+$0x100]  }
0x65f: {  	v7 =	vld [tilespmem:s13+$0x180]  }
0x660: {  	[tilespmem:s0+$0xAB80] =	vst.add.f32.msk $0xffff, v3  }
0x661: {  	[tilespmem:s0+$0xAC00] =	vst.add.f32.msk $0xffff, v4  }
0x662: {  	[tilespmem:s0+$0xAC80] =	vst.add.f32.msk $0xffff, v5;
	s0 =	smov.u32 s13  }
.Ltmp15:
0x663: {  	[tilespmem:s0+$0x9100] =	vst.add.f32.msk $0xffff, v6;
	(pc) =	sbr.rel @p0 .LBB2_32-.Ltmp15, $4  }
0x664: {  	[tilespmem:s0+$0x9180] =	vst.add.f32.msk $0xffff, v7  }
0x665: {  	v3 =	vld [tilespmem:s0+$0x200]  }
0x666: {  	v4 =	vld [tilespmem:s0+$0x280]  }
0x667: {  	s31 =	sadd.s32 $0x10, s31;
	v5 =	vld [tilespmem:s0+$0x300]  }
0x668: {  	v6 =	vld [tilespmem:s0+$0x380]  }
0x669: {  	v7 =	vld [tilespmem:s0+$0x400]  }
0x66a: {  	[tilespmem:s0+$0x9200] =	vst.add.f32.msk $0xffff, v3  }
0x66b: {  	[tilespmem:s0+$0x9280] =	vst.add.f32.msk $0xffff, v4  }
0x66c: {  	[tilespmem:s0+$0x9300] =	vst.add.f32.msk $0xffff, v5  }
0x66d: {  	s10 =	sor.u32 s12, s10;
	[tilespmem:s0+$0x9380] =	vst.add.f32.msk $0xffff, v6  }
0x66e: {  	s10 =	sor.u32 $0x380, s10;
	[tilespmem:s0+$0x9400] =	vst.add.f32.msk $0xffff, v7  }
0x66f: {  	v3 =	vld [tilespmem:s10+$0x100];
	_ =	sdelay $0x4  }
0x670: {  	[tilespmem:s10+$0x9100] =	vst.add.f32.msk $0xffff, v3  }
0x671: {  	v3 =	vld [tilespmem:s0+$0x1900]  }
0x672: {  	v58 =	vld [tilespmem:s0+$0x1980]  }
0x673: {  	v59 =	vld [tilespmem:s0+$0x1A00]  }
0x674: {  	v60 =	vld [tilespmem:s0+$0x1A80]  }
0x675: {  	v61 =	vld [tilespmem:s0+$0x1B00]  }
0x676: {  	v62 =	vld [tilespmem:s0+$0x1C00]  }
0x677: {  	v63 =	vld [tilespmem:s0+$0x1C80]  }
0x678: {  	[tilespmem:s0+$0xA900] =	vst.add.f32.msk $0xffff, v3  }
0x679: {  	[tilespmem:s0+$0xA980] =	vst.add.f32.msk $0xffff, v58  }
0x67a: {  	[tilespmem:s0+$0xAA00] =	vst.add.f32.msk $0xffff, v59  }
0x67b: {  	v3 =	vld [tilespmem:s0+$0x1B80]  }
0x67c: {  	[tilespmem:s0+$0xAA80] =	vst.add.f32.msk $0xffff, v60  }
0x67d: {  	[tilespmem:s0+$0xAB00] =	vst.add.f32.msk $0xffff, v61  }
0x67e: {  	s14 =	sld [smem:$0x7FC];
	[tilespmem:s0+$0xAC00] =	vst.add.f32.msk $0xffff, v62  }
0x67f: {  	[tilespmem:s0+$0xAC80] =	vst.add.f32.msk $0xffff, v63  }
0x680: {  	[tilespmem:s0+$0xAB80] =	vst.add.f32.msk $0xffff, v3  }
0x681: {  	[hbm4b:s14+s1] =	stream.linear.scatter [tilespmem:s9], [sflag:$0x9], $0x3000, $0x38;
	[tilespmem:$0x18100] =	vst v63  }
0x682: {  	_ =	swait.ge [sflag:s23], $0x3000  }
0x683: {  	[sflag:s23] =	ssyncset.done $0x0  }
0x684: {  	[sflag:s23] =	ssyncadd.s32 $0xFFFFD000  }
0x685: {  	_ =	swait.ge [sflag:s26], $0x3000  }
0x686: {  	[sflag:s26] =	ssyncset.done $0x0  }
0x687: {  	[sflag:s26] =	ssyncadd.s32 $0xFFFFD000  }
0x688: {  	_ =	swait.ge [sflag:s28], $0x3000  }
0x689: {  	[sflag:s28] =	ssyncset.done $0x0  }
0x68a: {  	[sflag:s28] =	ssyncadd.s32 $0xFFFFD000  }
0x68b: {  	_ =	swait.ge [sflag:s29], $0x3000  }
0x68c: {  	[sflag:s29] =	ssyncset.done $0x0  }
0x68d: {  	[sflag:s29] =	ssyncadd.s32 $0xFFFFD000  }
0x68e: {  	_ =	swait.ge [sflag:s21], $0x3000  }
0x68f: {  	s31 =	sld [smem:$0x7FD];
	_ =	sdelay $0x1  }
0x690: {  	s30 =	sadd.s32 $0x1, s30  }
0x691: {  	p0 =	sne.s32 s30, s31  }
.Ltmp16:
0x692: {  	_ = 	snop;
	(pc) =	sbr.rel @p0 .LBB2_1-.Ltmp16, $3  }
0x693: {  	_ =	sdelay $0x1  }
0x694: {  	[sflag:s21] =	ssyncset.done $0x0  }
0x695: {  	[sflag:s21] =	ssyncadd.s32 $0xFFFFD000  }
0x696: {  	_ =	sfence.sel $0x180000  }
0x697: {  	[bflag:$0x0] =	sbarrier.arrive $0xFFFF  }
0x698: {  	_ =	strace $0x90000047  }
0x699: {  	s0 =	stileid.u32;
	[bflag:$0x2] =	sbarrier.arrive $0xFFFF  }
0x69a: {  	p0 =	sne.s32 s0, $0x0;
	s0 =	rddreg [dreg:$0x4]  }
0x69b: {  	s0 =	sadd.s32 @!p0 $0x100000, s0  }
0x69c: {  	[sflag:s0] =	ssyncadd.tile.s32 @!p0 $0x1;
	_ =	shalt  }
.Lfunc_end2:
_tile_overlayer_lowered:
.L_overlay_start_2:
0x69d: {  	(tag) =	ssettag $0x2  }
0x69e: {  	s0 =	rddreg [dreg:$0x0];
	s2 =	stileid.u32  }
0x69f: {  	s1 =	rddreg [dreg:$0x1];
	p0 =	sne.s32 s2, $0x0  }
0x6a0: {  	s3 =	rddreg [dreg:$0x2];
	[bflag:$0x3] =	sbarrier.arrive $0xFFFF;
	s2 =	simm.s32 @!p0 $0x1C0E  }
0x6a1: {  	[timem:s3], [sflag:s2] =	dma.local @!p0 [hbm:s0], s1  }
0x6a2: {  	s0 =	simm.s32 @!p0 $0xE  }
0x6a3: {  	_ =	swait.ge @!p0 [sflag:s0], s1  }
0x6a4: {  	s1 =	ssub.s32 @!p0 $0x0, s1;
	[sflag:s0] =	ssyncset.done @!p0 $0x0  }
0x6a5: {  	[sflag:s0] =	ssyncadd.s32 @!p0 s1  }
0x6a6: {  	[bflag:$0x3] =	sbarrier.arrive $0xFFFF  }
0x6a7: {  	_ =	shalt  }

</sc_bundles>
